<compile_context>
chip_gen: v7x
topology: tpu7x:2x2x1
jax: 0.10.2.dev20260603
libtpu: 0.0.44.dev20260713+nightly
codegen_flags: <defaults>
</compile_context>

<pallas_src>
import functools

import jax
import jax.numpy as jnp
from jax import lax
from jax.experimental import pallas as pl
from jax.experimental.pallas import tpu as pltpu
from jax.experimental.pallas import tpu_sc as plsc

R = 128
N = 32768
K = 64
L = 16
CH = 128
NCH = N // CH
NSUP = 16
BIG = 1 << 30
NEG = float("-inf")


def _permute(v, idx):
    dn = lax.GatherDimensionNumbers(
        offset_dims=(), collapsed_slice_dims=(0,), start_index_map=(0,))
    return lax.gather(v, idx[:, None], dn, slice_sizes=(1,),
                      mode=lax.GatherScatterMode.PROMISE_IN_BOUNDS)


def _bmax(v):
    iota = lax.iota(jnp.int32, L)
    for sh in (1, 2, 4, 8):
        v = jnp.maximum(v, _permute(v, jnp.bitwise_xor(iota, sh)))
    return v


def _bmin(v):
    iota = lax.iota(jnp.int32, L)
    for sh in (1, 2, 4, 8):
        v = jnp.minimum(v, _permute(v, jnp.bitwise_xor(iota, sh)))
    return v


def _row_topk(row_v, cmax_v, vals_v, poss_v, outb_v):
    iota = lax.iota(jnp.int32, L)
    neg_vec = jnp.full((L,), NEG, jnp.float32)

    def sup_body(s, U):
        def ch_body(j, accv):
            base = (s * L + j) * CH
            m = row_v[pl.ds(base, L)]
            for k in range(1, CH // L):
                m = jnp.maximum(m, row_v[pl.ds(base + k * L, L)])
            return jnp.where(iota == j, jnp.max(m), accv)

        accv = lax.fori_loop(0, L, ch_body, neg_vec, unroll=4)
        cmax_v[pl.ds(s * L, L)] = accv
        return jnp.where(iota == s, jnp.max(accv), U)

    U = lax.fori_loop(0, NSUP, sup_body, neg_vec)

    def ext_body(i, U):
        m = _bmax(U)
        s = _bmin(jnp.where(U == m, iota, BIG))
        t = plsc.load_gather(cmax_v, [s * L + iota])
        c = _bmin(jnp.where(t == m, s * L + iota, BIG))
        base = c * CH
        idxs = [base + iota + k * L for k in range(CH // L)]
        vs = [plsc.load_gather(row_v, [idxs[k]]) for k in range(CH // L)]
        pos = jnp.full((L,), BIG, jnp.int32)
        for k in range(CH // L):
            pos = jnp.minimum(pos, jnp.where(vs[k] == m, idxs[k], BIG))
        pos = _bmin(pos)
        nm = neg_vec
        for k in range(CH // L):
            w = jnp.where(idxs[k] == pos, NEG, vs[k])
            plsc.store_scatter(row_v, [idxs[k]], w)
            nm = jnp.maximum(nm, w)
        t2 = jnp.where(s * L + iota == c, _bmax(nm), t)
        plsc.store_scatter(cmax_v, [s * L + iota], t2)
        rec = jnp.broadcast_to(i, (L,))
        lane0 = iota == 0
        plsc.store_scatter(vals_v, [rec], m, mask=lane0)
        plsc.store_scatter(poss_v, [rec], pos, mask=lane0)
        return jnp.where(iota == s, _bmax(t2), U)

    U = lax.fori_loop(0, K, ext_body, U)

    pv = [poss_v[pl.ds(a * L, L)] for a in range(K // L)]
    maxp = pv[0][0]
    Rv = [jnp.bitwise_and(p - maxp, N - 1) for p in pv]
    Vv = [vals_v[pl.ds(a * L, L)] for a in range(K // L)]

    rot1 = jnp.bitwise_and(iota + 1, L - 1)

    def rank_body(_, carry):
        Ks, rbs = carry
        Ks = tuple(
            Ka + sum((rb < Ra).astype(jnp.int32) for rb in rbs)
            for Ka, Ra in zip(Ks, Rv))
        rbs = tuple(_permute(rb, rot1) for rb in rbs)
        return Ks, rbs

    Ks, _ = lax.fori_loop(
        0, L, rank_body,
        (tuple(jnp.zeros((L,), jnp.int32) for _ in range(K // L)), tuple(Rv)))
    for a in range(K // L):
        plsc.store_scatter(outb_v, [Ks[a]], Vv[a])
    return U


NUM_CORES = 2
NUM_SUBCORES = 16


def kernel(tens):
    nw = NUM_CORES * NUM_SUBCORES
    rows_per = R // nw
    mesh = plsc.VectorSubcoreMesh(
        core_axis_name="c", subcore_axis_name="s",
        num_cores=NUM_CORES, num_subcores=NUM_SUBCORES)

    @functools.partial(
        pl.kernel,
        mesh=mesh,
        out_type=jax.ShapeDtypeStruct((R, K), jnp.float32),
        scratch_types=[
            pltpu.VMEM((N,), jnp.float32),
            pltpu.VMEM((N,), jnp.float32),
            pltpu.VMEM((NCH,), jnp.float32),
            pltpu.VMEM((K,), jnp.float32),
            pltpu.VMEM((K,), jnp.int32),
            pltpu.VMEM((K,), jnp.float32),
            pltpu.SemaphoreType.DMA,
            pltpu.SemaphoreType.DMA,
        ],
        compiler_params=pltpu.CompilerParams(needs_layout_passes=False),
    )
    def run(tens_hbm, out_hbm, row_a, row_b, cmax_v, vals_v, poss_v, outb_v,
            sem_a, sem_b):
        wid = lax.axis_index("s") * NUM_CORES + lax.axis_index("c")
        base = wid * rows_per
        bufs = (row_a, row_b)
        sems = (sem_a, sem_b)

        cps = [None, None]
        cps[0] = pltpu.async_copy(tens_hbm.at[base], bufs[0], sems[0])
        for j in range(rows_per):
            if j + 1 < rows_per:
                nb = (j + 1) % 2
                cps[nb] = pltpu.async_copy(
                    tens_hbm.at[base + j + 1], bufs[nb], sems[nb])
            cb = j % 2
            cps[cb].wait()
            _row_topk(bufs[cb], cmax_v, vals_v, poss_v, outb_v)
            pltpu.sync_copy(outb_v, out_hbm.at[base + j])

    return run(tens)

# --- scband reference (transcript-rebuilt; emitter-appended) ---
"""Pipeline reference for scband-top-kpool-86904368267566 (READ-ONLY COPY).

The authoritative reference and input builder live on the scoring server;
editing this copy changes nothing except your own understanding.
"""

import jax, jax.numpy as jnp
import numpy as np

K = 64

def setup_inputs(seed: int = 0) -> dict:
    key = jax.random.key(seed)
    tens = jax.random.normal(key, (128, 32768), dtype=jnp.float32)
    return {"tens": tens}

def reference(tens):
    # order='max-aligned': roll each row so its max is first, then unsorted top-k
    n = tens.shape[-1]
    maxidx = jnp.argmax(tens, axis=-1)[:, None]
    idx = (jnp.arange(n)[None, :] + maxidx) % n
    t = jnp.take_along_axis(tens, idx, axis=-1)
    vals, i = jax.lax.top_k(t, K)
    # not 'sorted' order: sort indices to recover appearance order, then gather
    i = jnp.sort(i, axis=-1)
    topk = jnp.take_along_axis(t, i, axis=-1)
    return topk

if __name__ == "__main__":
    import jax
    _d = setup_inputs()
    print(jax.jit(kernel)(*tuple(_d.values())))

</pallas_src>

<mosaic_0001>
#map = affine_map<(d0, d1) -> (0, 0)>
module attributes {stable_mosaic.version = 14 : i64} {
  func.func @run(%arg0: i32, %arg1: i32, %arg2: memref<128x32768xf32, #tpu.memory_space<hbm>>, %arg3: memref<128x64xf32, #tpu.memory_space<hbm>>, %arg4: memref<32768xf32, #tpu.memory_space<vmem>>, %arg5: memref<32768xf32, #tpu.memory_space<vmem>>, %arg6: memref<256xf32, #tpu.memory_space<vmem>>, %arg7: memref<64xf32, #tpu.memory_space<vmem>>, %arg8: memref<64xi32, #tpu.memory_space<vmem>>, %arg9: memref<64xf32, #tpu.memory_space<vmem>>, %arg10: memref<!tpu.dma_semaphore, #tpu.memory_space<semaphore_mem>>, %arg11: memref<!tpu.dma_semaphore, #tpu.memory_space<semaphore_mem>>) attributes {dimension_semantics = [#tpu.dimension_semantics<core_parallel>, #tpu.dimension_semantics<subcore_parallel>], iteration_bounds = array<i64: 2, 16>, scalar_prefetch = 0 : i64, scratch_operands = 8 : i64, tpu.core_type = #tpu.core_type<sc_vector_subcore>, window_params = [{transform_indices = #map}, {transform_indices = #map}]} {
    %mul3A = arith.constant 2 : i32
    %mul3A_0 = arith.muli %arg1, %mul3A : i32
    %add3A = arith.addi %mul3A_0, %arg0 : i32
    %mul3A_1 = arith.constant 4 : i32
    %mul3A_2 = arith.muli %add3A, %mul3A_1 : i32
    %dma_start3A = arith.constant 0 : i32
    %dma_start3A_3 = tpu.memref_slice %arg2[%mul3A_2, %dma_start3A] : memref<128x32768xf32, #tpu.memory_space<hbm>> -> memref<1x32768xf32, #tpu.memory_space<hbm>>
    %dma_start3A_4 = tpu.memref_squeeze %dma_start3A_3 : memref<1x32768xf32, #tpu.memory_space<hbm>> -> memref<32768xf32, #tpu.memory_space<hbm>>
    %dma_start3A_5 = arith.constant 0 : i32
    %dma_start3A_6 = tpu.memref_slice %arg2[%mul3A_2, %dma_start3A_5] : memref<128x32768xf32, #tpu.memory_space<hbm>> -> memref<1x32768xf32, #tpu.memory_space<hbm>>
    %dma_start3A_7 = tpu.memref_squeeze %dma_start3A_6 : memref<1x32768xf32, #tpu.memory_space<hbm>> -> memref<32768xf32, #tpu.memory_space<hbm>>
    tpu.enqueue_dma source(%dma_start3A_7 : memref<32768xf32, #tpu.memory_space<hbm>>) target(%arg4 : memref<32768xf32, #tpu.memory_space<vmem>>) target_semaphore(%arg10 : memref<!tpu.dma_semaphore, #tpu.memory_space<semaphore_mem>>)
    %add3A_8 = arith.constant 0 : i32
    %add3A_9 = arith.addi %mul3A_2, %add3A_8 : i32
    %add3A_10 = arith.constant 1 : i32
    %add3A_11 = arith.addi %add3A_9, %add3A_10 : i32
    %dma_start3A_12 = arith.constant 0 : i32
    %dma_start3A_13 = tpu.memref_slice %arg2[%add3A_11, %dma_start3A_12] : memref<128x32768xf32, #tpu.memory_space<hbm>> -> memref<1x32768xf32, #tpu.memory_space<hbm>>
    %dma_start3A_14 = tpu.memref_squeeze %dma_start3A_13 : memref<1x32768xf32, #tpu.memory_space<hbm>> -> memref<32768xf32, #tpu.memory_space<hbm>>
    %dma_start3A_15 = arith.constant 0 : i32
    %dma_start3A_16 = tpu.memref_slice %arg2[%add3A_11, %dma_start3A_15] : memref<128x32768xf32, #tpu.memory_space<hbm>> -> memref<1x32768xf32, #tpu.memory_space<hbm>>
    %dma_start3A_17 = tpu.memref_squeeze %dma_start3A_16 : memref<1x32768xf32, #tpu.memory_space<hbm>> -> memref<32768xf32, #tpu.memory_space<hbm>>
    tpu.enqueue_dma source(%dma_start3A_17 : memref<32768xf32, #tpu.memory_space<hbm>>) target(%arg5 : memref<32768xf32, #tpu.memory_space<vmem>>) target_semaphore(%arg11 : memref<!tpu.dma_semaphore, #tpu.memory_space<semaphore_mem>>)
    %dma_wait3A = arith.constant 0 : i32
    %dma_wait3A_18 = tpu.memref_slice %arg2[%mul3A_2, %dma_wait3A] : memref<128x32768xf32, #tpu.memory_space<hbm>> -> memref<1x32768xf32, #tpu.memory_space<hbm>>
    %dma_wait3A_19 = tpu.memref_squeeze %dma_wait3A_18 : memref<1x32768xf32, #tpu.memory_space<hbm>> -> memref<32768xf32, #tpu.memory_space<hbm>>
    %dma_wait3A_20 = arith.constant 0 : i32
    %dma_wait3A_21 = tpu.memref_slice %arg2[%mul3A_2, %dma_wait3A_20] : memref<128x32768xf32, #tpu.memory_space<hbm>> -> memref<1x32768xf32, #tpu.memory_space<hbm>>
    %dma_wait3A_22 = tpu.memref_squeeze %dma_wait3A_21 : memref<1x32768xf32, #tpu.memory_space<hbm>> -> memref<32768xf32, #tpu.memory_space<hbm>>
    tpu.wait_dma2 semaphore(%arg10 : memref<!tpu.dma_semaphore, #tpu.memory_space<semaphore_mem>>) src(%dma_wait3A_22 : memref<32768xf32, #tpu.memory_space<hbm>>) dst(%arg4 : memref<32768xf32, #tpu.memory_space<vmem>>)
    %iota3A = tpu.iota {dimensions = array<i32: 0>} : vector<16xi32>
    %broadcast_in_dim3A = arith.constant 0xFF800000 : f32
    %broadcast_in_dim3A_23 = vector.broadcast %broadcast_in_dim3A : f32 to vector<16xf32>
    %scan3A = arith.constant 0 : i32
    %scan3A_24 = arith.constant 16 : i32
    %scan3A_25 = arith.addi %scan3A, %scan3A_24 : i32
    %scan3A_26 = arith.constant 1 : i32
    %scan3A_27 = scf.for %scan3A_353 = %scan3A to %scan3A_25 step %scan3A_26 iter_args(%scan3A_354 = %broadcast_in_dim3A_23) -> (vector<16xf32>)  : i32 {
      %scan3A_355 = arith.constant 0 : i32
      %scan3A_356 = arith.constant 16 : i32
      %scan3A_357 = arith.addi %scan3A_355, %scan3A_356 : i32
      %scan3A_358 = arith.constant 4 : i32
      %scan3A_359 = scf.for %scan3A_369 = %scan3A_355 to %scan3A_357 step %scan3A_358 iter_args(%scan3A_370 = %broadcast_in_dim3A_23) -> (vector<16xf32>)  : i32 {
        %mul3A_371 = arith.constant 16 : i32
        %mul3A_372 = arith.muli %scan3A_353, %mul3A_371 : i32
        %add3A_373 = arith.addi %mul3A_372, %scan3A_369 : i32
        %mul3A_374 = arith.constant 128 : i32
        %mul3A_375 = arith.muli %add3A_373, %mul3A_374 : i32
        %get3A_376 = arith.index_cast %mul3A_375 : i32 to index
        %get3A_377 = tpu.vector_load %arg4[%get3A_376] {strides = array<i32>} : memref<32768xf32, #tpu.memory_space<vmem>>, vector<16xf32>,
        %add3A_378 = arith.constant 16 : i32
        %add3A_379 = arith.addi %mul3A_375, %add3A_378 : i32
        %get3A_380 = arith.index_cast %add3A_379 : i32 to index
        %get3A_381 = tpu.vector_load %arg4[%get3A_380] {strides = array<i32>} : memref<32768xf32, #tpu.memory_space<vmem>>, vector<16xf32>,
        %max3A = arith.maximumf %get3A_377, %get3A_381 : vector<16xf32>
        %add3A_382 = arith.constant 32 : i32
        %add3A_383 = arith.addi %mul3A_375, %add3A_382 : i32
        %get3A_384 = arith.index_cast %add3A_383 : i32 to index
        %get3A_385 = tpu.vector_load %arg4[%get3A_384] {strides = array<i32>} : memref<32768xf32, #tpu.memory_space<vmem>>, vector<16xf32>,
        %max3A_386 = arith.maximumf %max3A, %get3A_385 : vector<16xf32>
        %add3A_387 = arith.constant 48 : i32
        %add3A_388 = arith.addi %mul3A_375, %add3A_387 : i32
        %get3A_389 = arith.index_cast %add3A_388 : i32 to index
        %get3A_390 = tpu.vector_load %arg4[%get3A_389] {strides = array<i32>} : memref<32768xf32, #tpu.memory_space<vmem>>, vector<16xf32>,
        %max3A_391 = arith.maximumf %max3A_386, %get3A_390 : vector<16xf32>
        %add3A_392 = arith.constant 64 : i32
        %add3A_393 = arith.addi %mul3A_375, %add3A_392 : i32
        %get3A_394 = arith.index_cast %add3A_393 : i32 to index
        %get3A_395 = tpu.vector_load %arg4[%get3A_394] {strides = array<i32>} : memref<32768xf32, #tpu.memory_space<vmem>>, vector<16xf32>,
        %max3A_396 = arith.maximumf %max3A_391, %get3A_395 : vector<16xf32>
        %add3A_397 = arith.constant 80 : i32
        %add3A_398 = arith.addi %mul3A_375, %add3A_397 : i32
        %get3A_399 = arith.index_cast %add3A_398 : i32 to index
        %get3A_400 = tpu.vector_load %arg4[%get3A_399] {strides = array<i32>} : memref<32768xf32, #tpu.memory_space<vmem>>, vector<16xf32>,
        %max3A_401 = arith.maximumf %max3A_396, %get3A_400 : vector<16xf32>
        %add3A_402 = arith.constant 96 : i32
        %add3A_403 = arith.addi %mul3A_375, %add3A_402 : i32
        %get3A_404 = arith.index_cast %add3A_403 : i32 to index
        %get3A_405 = tpu.vector_load %arg4[%get3A_404] {strides = array<i32>} : memref<32768xf32, #tpu.memory_space<vmem>>, vector<16xf32>,
        %max3A_406 = arith.maximumf %max3A_401, %get3A_405 : vector<16xf32>
        %add3A_407 = arith.constant 112 : i32
        %add3A_408 = arith.addi %mul3A_375, %add3A_407 : i32
        %get3A_409 = arith.index_cast %add3A_408 : i32 to index
        %get3A_410 = tpu.vector_load %arg4[%get3A_409] {strides = array<i32>} : memref<32768xf32, #tpu.memory_space<vmem>>, vector<16xf32>,
        %max3A_411 = arith.maximumf %max3A_406, %get3A_410 : vector<16xf32>
        %eq3A_412 = vector.broadcast %scan3A_369 : i32 to vector<16xi32>
        %eq3A_413 = arith.cmpi eq, %iota3A, %eq3A_412 : vector<16xi32>
        %reduce_max3A_414 = arith.constant true
        %reduce_max3A_415 = vector.broadcast %reduce_max3A_414 : i1 to vector<16xi1>
        %reduce_max3A_416 = tpu.scan <max>, %max3A_411 masked %reduce_max3A_415 : vector<16xf32>, vector<16xi1> -> vector<16xf32>
        %reduce_max3A_417 = vector.extract %reduce_max3A_416[15] : f32 from vector<16xf32>
        %broadcast_in_dim3A_418 = vector.broadcast %reduce_max3A_417 : f32 to vector<16xf32>
        %select_n3A_419 = arith.select %eq3A_413, %broadcast_in_dim3A_418, %scan3A_370 : vector<16xi1>, vector<16xf32>
        %scan3A_420 = arith.constant 1 : i32
        %scan3A_421 = arith.addi %scan3A_369, %scan3A_420 : i32
        %mul3A_422 = arith.constant 16 : i32
        %mul3A_423 = arith.muli %scan3A_353, %mul3A_422 : i32
        %add3A_424 = arith.addi %mul3A_423, %scan3A_421 : i32
        %mul3A_425 = arith.constant 128 : i32
        %mul3A_426 = arith.muli %add3A_424, %mul3A_425 : i32
        %get3A_427 = arith.index_cast %mul3A_426 : i32 to index
        %get3A_428 = tpu.vector_load %arg4[%get3A_427] {strides = array<i32>} : memref<32768xf32, #tpu.memory_space<vmem>>, vector<16xf32>,
        %add3A_429 = arith.constant 16 : i32
        %add3A_430 = arith.addi %mul3A_426, %add3A_429 : i32
        %get3A_431 = arith.index_cast %add3A_430 : i32 to index
        %get3A_432 = tpu.vector_load %arg4[%get3A_431] {strides = array<i32>} : memref<32768xf32, #tpu.memory_space<vmem>>, vector<16xf32>,
        %max3A_433 = arith.maximumf %get3A_428, %get3A_432 : vector<16xf32>
        %add3A_434 = arith.constant 32 : i32
        %add3A_435 = arith.addi %mul3A_426, %add3A_434 : i32
        %get3A_436 = arith.index_cast %add3A_435 : i32 to index
        %get3A_437 = tpu.vector_load %arg4[%get3A_436] {strides = array<i32>} : memref<32768xf32, #tpu.memory_space<vmem>>, vector<16xf32>,
        %max3A_438 = arith.maximumf %max3A_433, %get3A_437 : vector<16xf32>
        %add3A_439 = arith.constant 48 : i32
        %add3A_440 = arith.addi %mul3A_426, %add3A_439 : i32
        %get3A_441 = arith.index_cast %add3A_440 : i32 to index
        %get3A_442 = tpu.vector_load %arg4[%get3A_441] {strides = array<i32>} : memref<32768xf32, #tpu.memory_space<vmem>>, vector<16xf32>,
        %max3A_443 = arith.maximumf %max3A_438, %get3A_442 : vector<16xf32>
        %add3A_444 = arith.constant 64 : i32
        %add3A_445 = arith.addi %mul3A_426, %add3A_444 : i32
        %get3A_446 = arith.index_cast %add3A_445 : i32 to index
        %get3A_447 = tpu.vector_load %arg4[%get3A_446] {strides = array<i32>} : memref<32768xf32, #tpu.memory_space<vmem>>, vector<16xf32>,
        %max3A_448 = arith.maximumf %max3A_443, %get3A_447 : vector<16xf32>
        %add3A_449 = arith.constant 80 : i32
        %add3A_450 = arith.addi %mul3A_426, %add3A_449 : i32
        %get3A_451 = arith.index_cast %add3A_450 : i32 to index
        %get3A_452 = tpu.vector_load %arg4[%get3A_451] {strides = array<i32>} : memref<32768xf32, #tpu.memory_space<vmem>>, vector<16xf32>,
        %max3A_453 = arith.maximumf %max3A_448, %get3A_452 : vector<16xf32>
        %add3A_454 = arith.constant 96 : i32
        %add3A_455 = arith.addi %mul3A_426, %add3A_454 : i32
        %get3A_456 = arith.index_cast %add3A_455 : i32 to index
        %get3A_457 = tpu.vector_load %arg4[%get3A_456] {strides = array<i32>} : memref<32768xf32, #tpu.memory_space<vmem>>, vector<16xf32>,
        %max3A_458 = arith.maximumf %max3A_453, %get3A_457 : vector<16xf32>
        %add3A_459 = arith.constant 112 : i32
        %add3A_460 = arith.addi %mul3A_426, %add3A_459 : i32
        %get3A_461 = arith.index_cast %add3A_460 : i32 to index
        %get3A_462 = tpu.vector_load %arg4[%get3A_461] {strides = array<i32>} : memref<32768xf32, #tpu.memory_space<vmem>>, vector<16xf32>,
        %max3A_463 = arith.maximumf %max3A_458, %get3A_462 : vector<16xf32>
        %eq3A_464 = vector.broadcast %scan3A_421 : i32 to vector<16xi32>
        %eq3A_465 = arith.cmpi eq, %iota3A, %eq3A_464 : vector<16xi32>
        %reduce_max3A_466 = arith.constant true
        %reduce_max3A_467 = vector.broadcast %reduce_max3A_466 : i1 to vector<16xi1>
        %reduce_max3A_468 = tpu.scan <max>, %max3A_463 masked %reduce_max3A_467 : vector<16xf32>, vector<16xi1> -> vector<16xf32>
        %reduce_max3A_469 = vector.extract %reduce_max3A_468[15] : f32 from vector<16xf32>
        %broadcast_in_dim3A_470 = vector.broadcast %reduce_max3A_469 : f32 to vector<16xf32>
        %select_n3A_471 = arith.select %eq3A_465, %broadcast_in_dim3A_470, %select_n3A_419 : vector<16xi1>, vector<16xf32>
        %scan3A_472 = arith.constant 2 : i32
        %scan3A_473 = arith.addi %scan3A_369, %scan3A_472 : i32
        %mul3A_474 = arith.constant 16 : i32
        %mul3A_475 = arith.muli %scan3A_353, %mul3A_474 : i32
        %add3A_476 = arith.addi %mul3A_475, %scan3A_473 : i32
        %mul3A_477 = arith.constant 128 : i32
        %mul3A_478 = arith.muli %add3A_476, %mul3A_477 : i32
        %get3A_479 = arith.index_cast %mul3A_478 : i32 to index
        %get3A_480 = tpu.vector_load %arg4[%get3A_479] {strides = array<i32>} : memref<32768xf32, #tpu.memory_space<vmem>>, vector<16xf32>,
        %add3A_481 = arith.constant 16 : i32
        %add3A_482 = arith.addi %mul3A_478, %add3A_481 : i32
        %get3A_483 = arith.index_cast %add3A_482 : i32 to index
        %get3A_484 = tpu.vector_load %arg4[%get3A_483] {strides = array<i32>} : memref<32768xf32, #tpu.memory_space<vmem>>, vector<16xf32>,
        %max3A_485 = arith.maximumf %get3A_480, %get3A_484 : vector<16xf32>
        %add3A_486 = arith.constant 32 : i32
        %add3A_487 = arith.addi %mul3A_478, %add3A_486 : i32
        %get3A_488 = arith.index_cast %add3A_487 : i32 to index
        %get3A_489 = tpu.vector_load %arg4[%get3A_488] {strides = array<i32>} : memref<32768xf32, #tpu.memory_space<vmem>>, vector<16xf32>,
        %max3A_490 = arith.maximumf %max3A_485, %get3A_489 : vector<16xf32>
        %add3A_491 = arith.constant 48 : i32
        %add3A_492 = arith.addi %mul3A_478, %add3A_491 : i32
        %get3A_493 = arith.index_cast %add3A_492 : i32 to index
        %get3A_494 = tpu.vector_load %arg4[%get3A_493] {strides = array<i32>} : memref<32768xf32, #tpu.memory_space<vmem>>, vector<16xf32>,
        %max3A_495 = arith.maximumf %max3A_490, %get3A_494 : vector<16xf32>
        %add3A_496 = arith.constant 64 : i32
        %add3A_497 = arith.addi %mul3A_478, %add3A_496 : i32
        %get3A_498 = arith.index_cast %add3A_497 : i32 to index
        %get3A_499 = tpu.vector_load %arg4[%get3A_498] {strides = array<i32>} : memref<32768xf32, #tpu.memory_space<vmem>>, vector<16xf32>,
        %max3A_500 = arith.maximumf %max3A_495, %get3A_499 : vector<16xf32>
        %add3A_501 = arith.constant 80 : i32
        %add3A_502 = arith.addi %mul3A_478, %add3A_501 : i32
        %get3A_503 = arith.index_cast %add3A_502 : i32 to index
        %get3A_504 = tpu.vector_load %arg4[%get3A_503] {strides = array<i32>} : memref<32768xf32, #tpu.memory_space<vmem>>, vector<16xf32>,
        %max3A_505 = arith.maximumf %max3A_500, %get3A_504 : vector<16xf32>
        %add3A_506 = arith.constant 96 : i32
        %add3A_507 = arith.addi %mul3A_478, %add3A_506 : i32
        %get3A_508 = arith.index_cast %add3A_507 : i32 to index
        %get3A_509 = tpu.vector_load %arg4[%get3A_508] {strides = array<i32>} : memref<32768xf32, #tpu.memory_space<vmem>>, vector<16xf32>,
        %max3A_510 = arith.maximumf %max3A_505, %get3A_509 : vector<16xf32>
        %add3A_511 = arith.constant 112 : i32
        %add3A_512 = arith.addi %mul3A_478, %add3A_511 : i32
        %get3A_513 = arith.index_cast %add3A_512 : i32 to index
        %get3A_514 = tpu.vector_load %arg4[%get3A_513] {strides = array<i32>} : memref<32768xf32, #tpu.memory_space<vmem>>, vector<16xf32>,
        %max3A_515 = arith.maximumf %max3A_510, %get3A_514 : vector<16xf32>
        %eq3A_516 = vector.broadcast %scan3A_473 : i32 to vector<16xi32>
        %eq3A_517 = arith.cmpi eq, %iota3A, %eq3A_516 : vector<16xi32>
        %reduce_max3A_518 = arith.constant true
        %reduce_max3A_519 = vector.broadcast %reduce_max3A_518 : i1 to vector<16xi1>
        %reduce_max3A_520 = tpu.scan <max>, %max3A_515 masked %reduce_max3A_519 : vector<16xf32>, vector<16xi1> -> vector<16xf32>
        %reduce_max3A_521 = vector.extract %reduce_max3A_520[15] : f32 from vector<16xf32>
        %broadcast_in_dim3A_522 = vector.broadcast %reduce_max3A_521 : f32 to vector<16xf32>
        %select_n3A_523 = arith.select %eq3A_517, %broadcast_in_dim3A_522, %select_n3A_471 : vector<16xi1>, vector<16xf32>
        %scan3A_524 = arith.constant 3 : i32
        %scan3A_525 = arith.addi %scan3A_369, %scan3A_524 : i32
        %mul3A_526 = arith.constant 16 : i32
        %mul3A_527 = arith.muli %scan3A_353, %mul3A_526 : i32
        %add3A_528 = arith.addi %mul3A_527, %scan3A_525 : i32
        %mul3A_529 = arith.constant 128 : i32
        %mul3A_530 = arith.muli %add3A_528, %mul3A_529 : i32
        %get3A_531 = arith.index_cast %mul3A_530 : i32 to index
        %get3A_532 = tpu.vector_load %arg4[%get3A_531] {strides = array<i32>} : memref<32768xf32, #tpu.memory_space<vmem>>, vector<16xf32>,
        %add3A_533 = arith.constant 16 : i32
        %add3A_534 = arith.addi %mul3A_530, %add3A_533 : i32
        %get3A_535 = arith.index_cast %add3A_534 : i32 to index
        %get3A_536 = tpu.vector_load %arg4[%get3A_535] {strides = array<i32>} : memref<32768xf32, #tpu.memory_space<vmem>>, vector<16xf32>,
        %max3A_537 = arith.maximumf %get3A_532, %get3A_536 : vector<16xf32>
        %add3A_538 = arith.constant 32 : i32
        %add3A_539 = arith.addi %mul3A_530, %add3A_538 : i32
        %get3A_540 = arith.index_cast %add3A_539 : i32 to index
        %get3A_541 = tpu.vector_load %arg4[%get3A_540] {strides = array<i32>} : memref<32768xf32, #tpu.memory_space<vmem>>, vector<16xf32>,
        %max3A_542 = arith.maximumf %max3A_537, %get3A_541 : vector<16xf32>
        %add3A_543 = arith.constant 48 : i32
        %add3A_544 = arith.addi %mul3A_530, %add3A_543 : i32
        %get3A_545 = arith.index_cast %add3A_544 : i32 to index
        %get3A_546 = tpu.vector_load %arg4[%get3A_545] {strides = array<i32>} : memref<32768xf32, #tpu.memory_space<vmem>>, vector<16xf32>,
        %max3A_547 = arith.maximumf %max3A_542, %get3A_546 : vector<16xf32>
        %add3A_548 = arith.constant 64 : i32
        %add3A_549 = arith.addi %mul3A_530, %add3A_548 : i32
        %get3A_550 = arith.index_cast %add3A_549 : i32 to index
        %get3A_551 = tpu.vector_load %arg4[%get3A_550] {strides = array<i32>} : memref<32768xf32, #tpu.memory_space<vmem>>, vector<16xf32>,
        %max3A_552 = arith.maximumf %max3A_547, %get3A_551 : vector<16xf32>
        %add3A_553 = arith.constant 80 : i32
        %add3A_554 = arith.addi %mul3A_530, %add3A_553 : i32
        %get3A_555 = arith.index_cast %add3A_554 : i32 to index
        %get3A_556 = tpu.vector_load %arg4[%get3A_555] {strides = array<i32>} : memref<32768xf32, #tpu.memory_space<vmem>>, vector<16xf32>,
        %max3A_557 = arith.maximumf %max3A_552, %get3A_556 : vector<16xf32>
        %add3A_558 = arith.constant 96 : i32
        %add3A_559 = arith.addi %mul3A_530, %add3A_558 : i32
        %get3A_560 = arith.index_cast %add3A_559 : i32 to index
        %get3A_561 = tpu.vector_load %arg4[%get3A_560] {strides = array<i32>} : memref<32768xf32, #tpu.memory_space<vmem>>, vector<16xf32>,
        %max3A_562 = arith.maximumf %max3A_557, %get3A_561 : vector<16xf32>
        %add3A_563 = arith.constant 112 : i32
        %add3A_564 = arith.addi %mul3A_530, %add3A_563 : i32
        %get3A_565 = arith.index_cast %add3A_564 : i32 to index
        %get3A_566 = tpu.vector_load %arg4[%get3A_565] {strides = array<i32>} : memref<32768xf32, #tpu.memory_space<vmem>>, vector<16xf32>,
        %max3A_567 = arith.maximumf %max3A_562, %get3A_566 : vector<16xf32>
        %eq3A_568 = vector.broadcast %scan3A_525 : i32 to vector<16xi32>
        %eq3A_569 = arith.cmpi eq, %iota3A, %eq3A_568 : vector<16xi32>
        %reduce_max3A_570 = arith.constant true
        %reduce_max3A_571 = vector.broadcast %reduce_max3A_570 : i1 to vector<16xi1>
        %reduce_max3A_572 = tpu.scan <max>, %max3A_567 masked %reduce_max3A_571 : vector<16xf32>, vector<16xi1> -> vector<16xf32>
        %reduce_max3A_573 = vector.extract %reduce_max3A_572[15] : f32 from vector<16xf32>
        %broadcast_in_dim3A_574 = vector.broadcast %reduce_max3A_573 : f32 to vector<16xf32>
        %select_n3A_575 = arith.select %eq3A_569, %broadcast_in_dim3A_574, %select_n3A_523 : vector<16xi1>, vector<16xf32>
        scf.yield %select_n3A_575 : vector<16xf32>
      }
      %scan3A_360 = arith.constant 16 : i32
      %mul3A_361 = arith.constant 16 : i32
      %mul3A_362 = arith.muli %scan3A_353, %mul3A_361 : i32
      %swap3A = arith.index_cast %mul3A_362 : i32 to index
      %swap3A_363 = tpu.vector_load %arg6[%swap3A] {strides = array<i32>} : memref<256xf32, #tpu.memory_space<vmem>>, vector<16xf32>,
      tpu.vector_store %arg6[%swap3A], %scan3A_359 {strides = array<i32>} : memref<256xf32, #tpu.memory_space<vmem>>, vector<16xf32>,
      %eq3A = vector.broadcast %scan3A_353 : i32 to vector<16xi32>
      %eq3A_364 = arith.cmpi eq, %iota3A, %eq3A : vector<16xi32>
      %reduce_max3A = arith.constant true
      %reduce_max3A_365 = vector.broadcast %reduce_max3A : i1 to vector<16xi1>
      %reduce_max3A_366 = tpu.scan <max>, %scan3A_359 masked %reduce_max3A_365 : vector<16xf32>, vector<16xi1> -> vector<16xf32>
      %reduce_max3A_367 = vector.extract %reduce_max3A_366[15] : f32 from vector<16xf32>
      %broadcast_in_dim3A_368 = vector.broadcast %reduce_max3A_367 : f32 to vector<16xf32>
      %select_n3A = arith.select %eq3A_364, %broadcast_in_dim3A_368, %scan3A_354 : vector<16xi1>, vector<16xf32>
      scf.yield %select_n3A : vector<16xf32>
    }
    %scan3A_28 = arith.constant 16 : i32
    %scan3A_29 = arith.constant 0 : i32
    %scan3A_30 = arith.constant 64 : i32
    %scan3A_31 = arith.addi %scan3A_29, %scan3A_30 : i32
    %scan3A_32 = arith.constant 1 : i32
    %scan3A_33 = scf.for %scan3A_353 = %scan3A_29 to %scan3A_31 step %scan3A_32 iter_args(%scan3A_354 = %scan3A_27) -> (vector<16xf32>)  : i32 {
      %iota3A_355 = tpu.iota {dimensions = array<i32: 0>} : vector<16xi32>
      %xor3A = arith.constant 1 : i32
      %xor3A_356 = vector.broadcast %xor3A : i32 to vector<16xi32>
      %xor3A_357 = arith.xori %iota3A_355, %xor3A_356 : vector<16xi32>
      %broadcast_in_dim3A_358 = vector.shape_cast %xor3A_357 : vector<16xi32> to vector<16x1xi32>
      %gather3A = vector.shape_cast %broadcast_in_dim3A_358 : vector<16x1xi32> to vector<16xi32>
      %gather3A_359 = tpu.dynamic_gather %scan3A_354[%gather3A] in [0] : vector<16xf32>, vector<16xi32> -> vector<16xf32>
      %max3A = arith.maximumf %scan3A_354, %gather3A_359 : vector<16xf32>
      %xor3A_360 = arith.constant 2 : i32
      %xor3A_361 = vector.broadcast %xor3A_360 : i32 to vector<16xi32>
      %xor3A_362 = arith.xori %iota3A_355, %xor3A_361 : vector<16xi32>
      %broadcast_in_dim3A_363 = vector.shape_cast %xor3A_362 : vector<16xi32> to vector<16x1xi32>
      %gather3A_364 = vector.shape_cast %broadcast_in_dim3A_363 : vector<16x1xi32> to vector<16xi32>
      %gather3A_365 = tpu.dynamic_gather %max3A[%gather3A_364] in [0] : vector<16xf32>, vector<16xi32> -> vector<16xf32>
      %max3A_366 = arith.maximumf %max3A, %gather3A_365 : vector<16xf32>
      %xor3A_367 = arith.constant 4 : i32
      %xor3A_368 = vector.broadcast %xor3A_367 : i32 to vector<16xi32>
      %xor3A_369 = arith.xori %iota3A_355, %xor3A_368 : vector<16xi32>
      %broadcast_in_dim3A_370 = vector.shape_cast %xor3A_369 : vector<16xi32> to vector<16x1xi32>
      %gather3A_371 = vector.shape_cast %broadcast_in_dim3A_370 : vector<16x1xi32> to vector<16xi32>
      %gather3A_372 = tpu.dynamic_gather %max3A_366[%gather3A_371] in [0] : vector<16xf32>, vector<16xi32> -> vector<16xf32>
      %max3A_373 = arith.maximumf %max3A_366, %gather3A_372 : vector<16xf32>
      %xor3A_374 = arith.constant 8 : i32
      %xor3A_375 = vector.broadcast %xor3A_374 : i32 to vector<16xi32>
      %xor3A_376 = arith.xori %iota3A_355, %xor3A_375 : vector<16xi32>
      %broadcast_in_dim3A_377 = vector.shape_cast %xor3A_376 : vector<16xi32> to vector<16x1xi32>
      %gather3A_378 = vector.shape_cast %broadcast_in_dim3A_377 : vector<16x1xi32> to vector<16xi32>
      %gather3A_379 = tpu.dynamic_gather %max3A_373[%gather3A_378] in [0] : vector<16xf32>, vector<16xi32> -> vector<16xf32>
      %max3A_380 = arith.maximumf %max3A_373, %gather3A_379 : vector<16xf32>
      %eq3A = arith.cmpf oeq, %scan3A_354, %max3A_380 : vector<16xf32>
      %jit3A = arith.constant 1073741824 : i32
      %broadcast_in_dim3A_381 = vector.broadcast %jit3A : i32 to vector<16xi32>
      %select_n3A = arith.select %eq3A, %iota3A, %broadcast_in_dim3A_381 : vector<16xi1>, vector<16xi32>
      %iota3A_382 = tpu.iota {dimensions = array<i32: 0>} : vector<16xi32>
      %xor3A_383 = arith.constant 1 : i32
      %xor3A_384 = vector.broadcast %xor3A_383 : i32 to vector<16xi32>
      %xor3A_385 = arith.xori %iota3A_382, %xor3A_384 : vector<16xi32>
      %broadcast_in_dim3A_386 = vector.shape_cast %xor3A_385 : vector<16xi32> to vector<16x1xi32>
      %gather3A_387 = vector.shape_cast %broadcast_in_dim3A_386 : vector<16x1xi32> to vector<16xi32>
      %gather3A_388 = tpu.dynamic_gather %select_n3A[%gather3A_387] in [0] : vector<16xi32>, vector<16xi32> -> vector<16xi32>
      %min3A = arith.minsi %select_n3A, %gather3A_388 : vector<16xi32>
      %xor3A_389 = arith.constant 2 : i32
      %xor3A_390 = vector.broadcast %xor3A_389 : i32 to vector<16xi32>
      %xor3A_391 = arith.xori %iota3A_382, %xor3A_390 : vector<16xi32>
      %broadcast_in_dim3A_392 = vector.shape_cast %xor3A_391 : vector<16xi32> to vector<16x1xi32>
      %gather3A_393 = vector.shape_cast %broadcast_in_dim3A_392 : vector<16x1xi32> to vector<16xi32>
      %gather3A_394 = tpu.dynamic_gather %min3A[%gather3A_393] in [0] : vector<16xi32>, vector<16xi32> -> vector<16xi32>
      %min3A_395 = arith.minsi %min3A, %gather3A_394 : vector<16xi32>
      %xor3A_396 = arith.constant 4 : i32
      %xor3A_397 = vector.broadcast %xor3A_396 : i32 to vector<16xi32>
      %xor3A_398 = arith.xori %iota3A_382, %xor3A_397 : vector<16xi32>
      %broadcast_in_dim3A_399 = vector.shape_cast %xor3A_398 : vector<16xi32> to vector<16x1xi32>
      %gather3A_400 = vector.shape_cast %broadcast_in_dim3A_399 : vector<16x1xi32> to vector<16xi32>
      %gather3A_401 = tpu.dynamic_gather %min3A_395[%gather3A_400] in [0] : vector<16xi32>, vector<16xi32> -> vector<16xi32>
      %min3A_402 = arith.minsi %min3A_395, %gather3A_401 : vector<16xi32>
      %xor3A_403 = arith.constant 8 : i32
      %xor3A_404 = vector.broadcast %xor3A_403 : i32 to vector<16xi32>
      %xor3A_405 = arith.xori %iota3A_382, %xor3A_404 : vector<16xi32>
      %broadcast_in_dim3A_406 = vector.shape_cast %xor3A_405 : vector<16xi32> to vector<16x1xi32>
      %gather3A_407 = vector.shape_cast %broadcast_in_dim3A_406 : vector<16x1xi32> to vector<16xi32>
      %gather3A_408 = tpu.dynamic_gather %min3A_402[%gather3A_407] in [0] : vector<16xi32>, vector<16xi32> -> vector<16xi32>
      %min3A_409 = arith.minsi %min3A_402, %gather3A_408 : vector<16xi32>
      %mul3A_410 = arith.constant 16 : i32
      %mul3A_411 = vector.broadcast %mul3A_410 : i32 to vector<16xi32>
      %mul3A_412 = arith.muli %min3A_409, %mul3A_411 : vector<16xi32>
      %add3A_413 = arith.addi %mul3A_412, %iota3A : vector<16xi32>
      %gather3A_414 = tpu.vector_load_idx %arg6[%add3A_413] : memref<256xf32, #tpu.memory_space<vmem>>[vector<16xi32>], vector<16xf32>,
      %eq3A_415 = arith.cmpf oeq, %gather3A_414, %max3A_380 : vector<16xf32>
      %mul3A_416 = arith.constant 16 : i32
      %mul3A_417 = vector.broadcast %mul3A_416 : i32 to vector<16xi32>
      %mul3A_418 = arith.muli %min3A_409, %mul3A_417 : vector<16xi32>
      %add3A_419 = arith.addi %mul3A_418, %iota3A : vector<16xi32>
      %jit3A_420 = arith.constant 1073741824 : i32
      %broadcast_in_dim3A_421 = vector.broadcast %jit3A_420 : i32 to vector<16xi32>
      %select_n3A_422 = arith.select %eq3A_415, %add3A_419, %broadcast_in_dim3A_421 : vector<16xi1>, vector<16xi32>
      %iota3A_423 = tpu.iota {dimensions = array<i32: 0>} : vector<16xi32>
      %xor3A_424 = arith.constant 1 : i32
      %xor3A_425 = vector.broadcast %xor3A_424 : i32 to vector<16xi32>
      %xor3A_426 = arith.xori %iota3A_423, %xor3A_425 : vector<16xi32>
      %broadcast_in_dim3A_427 = vector.shape_cast %xor3A_426 : vector<16xi32> to vector<16x1xi32>
      %gather3A_428 = vector.shape_cast %broadcast_in_dim3A_427 : vector<16x1xi32> to vector<16xi32>
      %gather3A_429 = tpu.dynamic_gather %select_n3A_422[%gather3A_428] in [0] : vector<16xi32>, vector<16xi32> -> vector<16xi32>
      %min3A_430 = arith.minsi %select_n3A_422, %gather3A_429 : vector<16xi32>
      %xor3A_431 = arith.constant 2 : i32
      %xor3A_432 = vector.broadcast %xor3A_431 : i32 to vector<16xi32>
      %xor3A_433 = arith.xori %iota3A_423, %xor3A_432 : vector<16xi32>
      %broadcast_in_dim3A_434 = vector.shape_cast %xor3A_433 : vector<16xi32> to vector<16x1xi32>
      %gather3A_435 = vector.shape_cast %broadcast_in_dim3A_434 : vector<16x1xi32> to vector<16xi32>
      %gather3A_436 = tpu.dynamic_gather %min3A_430[%gather3A_435] in [0] : vector<16xi32>, vector<16xi32> -> vector<16xi32>
      %min3A_437 = arith.minsi %min3A_430, %gather3A_436 : vector<16xi32>
      %xor3A_438 = arith.constant 4 : i32
      %xor3A_439 = vector.broadcast %xor3A_438 : i32 to vector<16xi32>
      %xor3A_440 = arith.xori %iota3A_423, %xor3A_439 : vector<16xi32>
      %broadcast_in_dim3A_441 = vector.shape_cast %xor3A_440 : vector<16xi32> to vector<16x1xi32>
      %gather3A_442 = vector.shape_cast %broadcast_in_dim3A_441 : vector<16x1xi32> to vector<16xi32>
      %gather3A_443 = tpu.dynamic_gather %min3A_437[%gather3A_442] in [0] : vector<16xi32>, vector<16xi32> -> vector<16xi32>
      %min3A_444 = arith.minsi %min3A_437, %gather3A_443 : vector<16xi32>
      %xor3A_445 = arith.constant 8 : i32
      %xor3A_446 = vector.broadcast %xor3A_445 : i32 to vector<16xi32>
      %xor3A_447 = arith.xori %iota3A_423, %xor3A_446 : vector<16xi32>
      %broadcast_in_dim3A_448 = vector.shape_cast %xor3A_447 : vector<16xi32> to vector<16x1xi32>
      %gather3A_449 = vector.shape_cast %broadcast_in_dim3A_448 : vector<16x1xi32> to vector<16xi32>
      %gather3A_450 = tpu.dynamic_gather %min3A_444[%gather3A_449] in [0] : vector<16xi32>, vector<16xi32> -> vector<16xi32>
      %min3A_451 = arith.minsi %min3A_444, %gather3A_450 : vector<16xi32>
      %mul3A_452 = arith.constant 128 : i32
      %mul3A_453 = vector.broadcast %mul3A_452 : i32 to vector<16xi32>
      %mul3A_454 = arith.muli %min3A_451, %mul3A_453 : vector<16xi32>
      %add3A_455 = arith.addi %mul3A_454, %iota3A : vector<16xi32>
      %add3A_456 = arith.constant 0 : i32
      %add3A_457 = vector.broadcast %add3A_456 : i32 to vector<16xi32>
      %add3A_458 = arith.addi %add3A_455, %add3A_457 : vector<16xi32>
      %add3A_459 = arith.addi %mul3A_454, %iota3A : vector<16xi32>
      %add3A_460 = arith.constant 16 : i32
      %add3A_461 = vector.broadcast %add3A_460 : i32 to vector<16xi32>
      %add3A_462 = arith.addi %add3A_459, %add3A_461 : vector<16xi32>
      %add3A_463 = arith.addi %mul3A_454, %iota3A : vector<16xi32>
      %add3A_464 = arith.constant 32 : i32
      %add3A_465 = vector.broadcast %add3A_464 : i32 to vector<16xi32>
      %add3A_466 = arith.addi %add3A_463, %add3A_465 : vector<16xi32>
      %add3A_467 = arith.addi %mul3A_454, %iota3A : vector<16xi32>
      %add3A_468 = arith.constant 48 : i32
      %add3A_469 = vector.broadcast %add3A_468 : i32 to vector<16xi32>
      %add3A_470 = arith.addi %add3A_467, %add3A_469 : vector<16xi32>
      %add3A_471 = arith.addi %mul3A_454, %iota3A : vector<16xi32>
      %add3A_472 = arith.constant 64 : i32
      %add3A_473 = vector.broadcast %add3A_472 : i32 to vector<16xi32>
      %add3A_474 = arith.addi %add3A_471, %add3A_473 : vector<16xi32>
      %add3A_475 = arith.addi %mul3A_454, %iota3A : vector<16xi32>
      %add3A_476 = arith.constant 80 : i32
      %add3A_477 = vector.broadcast %add3A_476 : i32 to vector<16xi32>
      %add3A_478 = arith.addi %add3A_475, %add3A_477 : vector<16xi32>
      %add3A_479 = arith.addi %mul3A_454, %iota3A : vector<16xi32>
      %add3A_480 = arith.constant 96 : i32
      %add3A_481 = vector.broadcast %add3A_480 : i32 to vector<16xi32>
      %add3A_482 = arith.addi %add3A_479, %add3A_481 : vector<16xi32>
      %add3A_483 = arith.addi %mul3A_454, %iota3A : vector<16xi32>
      %add3A_484 = arith.constant 112 : i32
      %add3A_485 = vector.broadcast %add3A_484 : i32 to vector<16xi32>
      %add3A_486 = arith.addi %add3A_483, %add3A_485 : vector<16xi32>
      %gather3A_487 = tpu.vector_load_idx %arg4[%add3A_458] : memref<32768xf32, #tpu.memory_space<vmem>>[vector<16xi32>], vector<16xf32>,
      %gather3A_488 = tpu.vector_load_idx %arg4[%add3A_462] : memref<32768xf32, #tpu.memory_space<vmem>>[vector<16xi32>], vector<16xf32>,
      %gather3A_489 = tpu.vector_load_idx %arg4[%add3A_466] : memref<32768xf32, #tpu.memory_space<vmem>>[vector<16xi32>], vector<16xf32>,
      %gather3A_490 = tpu.vector_load_idx %arg4[%add3A_470] : memref<32768xf32, #tpu.memory_space<vmem>>[vector<16xi32>], vector<16xf32>,
      %gather3A_491 = tpu.vector_load_idx %arg4[%add3A_474] : memref<32768xf32, #tpu.memory_space<vmem>>[vector<16xi32>], vector<16xf32>,
      %gather3A_492 = tpu.vector_load_idx %arg4[%add3A_478] : memref<32768xf32, #tpu.memory_space<vmem>>[vector<16xi32>], vector<16xf32>,
      %gather3A_493 = tpu.vector_load_idx %arg4[%add3A_482] : memref<32768xf32, #tpu.memory_space<vmem>>[vector<16xi32>], vector<16xf32>,
      %gather3A_494 = tpu.vector_load_idx %arg4[%add3A_486] : memref<32768xf32, #tpu.memory_space<vmem>>[vector<16xi32>], vector<16xf32>,
      %broadcast_in_dim3A_495 = arith.constant 1073741824 : i32
      %broadcast_in_dim3A_496 = vector.broadcast %broadcast_in_dim3A_495 : i32 to vector<16xi32>
      %eq3A_497 = arith.cmpf oeq, %gather3A_487, %max3A_380 : vector<16xf32>
      %jit3A_498 = arith.constant 1073741824 : i32
      %broadcast_in_dim3A_499 = vector.broadcast %jit3A_498 : i32 to vector<16xi32>
      %select_n3A_500 = arith.select %eq3A_497, %add3A_458, %broadcast_in_dim3A_499 : vector<16xi1>, vector<16xi32>
      %min3A_501 = arith.minsi %broadcast_in_dim3A_496, %select_n3A_500 : vector<16xi32>
      %eq3A_502 = arith.cmpf oeq, %gather3A_488, %max3A_380 : vector<16xf32>
      %jit3A_503 = arith.constant 1073741824 : i32
      %broadcast_in_dim3A_504 = vector.broadcast %jit3A_503 : i32 to vector<16xi32>
      %select_n3A_505 = arith.select %eq3A_502, %add3A_462, %broadcast_in_dim3A_504 : vector<16xi1>, vector<16xi32>
      %min3A_506 = arith.minsi %min3A_501, %select_n3A_505 : vector<16xi32>
      %eq3A_507 = arith.cmpf oeq, %gather3A_489, %max3A_380 : vector<16xf32>
      %jit3A_508 = arith.constant 1073741824 : i32
      %broadcast_in_dim3A_509 = vector.broadcast %jit3A_508 : i32 to vector<16xi32>
      %select_n3A_510 = arith.select %eq3A_507, %add3A_466, %broadcast_in_dim3A_509 : vector<16xi1>, vector<16xi32>
      %min3A_511 = arith.minsi %min3A_506, %select_n3A_510 : vector<16xi32>
      %eq3A_512 = arith.cmpf oeq, %gather3A_490, %max3A_380 : vector<16xf32>
      %jit3A_513 = arith.constant 1073741824 : i32
      %broadcast_in_dim3A_514 = vector.broadcast %jit3A_513 : i32 to vector<16xi32>
      %select_n3A_515 = arith.select %eq3A_512, %add3A_470, %broadcast_in_dim3A_514 : vector<16xi1>, vector<16xi32>
      %min3A_516 = arith.minsi %min3A_511, %select_n3A_515 : vector<16xi32>
      %eq3A_517 = arith.cmpf oeq, %gather3A_491, %max3A_380 : vector<16xf32>
      %jit3A_518 = arith.constant 1073741824 : i32
      %broadcast_in_dim3A_519 = vector.broadcast %jit3A_518 : i32 to vector<16xi32>
      %select_n3A_520 = arith.select %eq3A_517, %add3A_474, %broadcast_in_dim3A_519 : vector<16xi1>, vector<16xi32>
      %min3A_521 = arith.minsi %min3A_516, %select_n3A_520 : vector<16xi32>
      %eq3A_522 = arith.cmpf oeq, %gather3A_492, %max3A_380 : vector<16xf32>
      %jit3A_523 = arith.constant 1073741824 : i32
      %broadcast_in_dim3A_524 = vector.broadcast %jit3A_523 : i32 to vector<16xi32>
      %select_n3A_525 = arith.select %eq3A_522, %add3A_478, %broadcast_in_dim3A_524 : vector<16xi1>, vector<16xi32>
      %min3A_526 = arith.minsi %min3A_521, %select_n3A_525 : vector<16xi32>
      %eq3A_527 = arith.cmpf oeq, %gather3A_493, %max3A_380 : vector<16xf32>
      %jit3A_528 = arith.constant 1073741824 : i32
      %broadcast_in_dim3A_529 = vector.broadcast %jit3A_528 : i32 to vector<16xi32>
      %select_n3A_530 = arith.select %eq3A_527, %add3A_482, %broadcast_in_dim3A_529 : vector<16xi1>, vector<16xi32>
      %min3A_531 = arith.minsi %min3A_526, %select_n3A_530 : vector<16xi32>
      %eq3A_532 = arith.cmpf oeq, %gather3A_494, %max3A_380 : vector<16xf32>
      %jit3A_533 = arith.constant 1073741824 : i32
      %broadcast_in_dim3A_534 = vector.broadcast %jit3A_533 : i32 to vector<16xi32>
      %select_n3A_535 = arith.select %eq3A_532, %add3A_486, %broadcast_in_dim3A_534 : vector<16xi1>, vector<16xi32>
      %min3A_536 = arith.minsi %min3A_531, %select_n3A_535 : vector<16xi32>
      %iota3A_537 = tpu.iota {dimensions = array<i32: 0>} : vector<16xi32>
      %xor3A_538 = arith.constant 1 : i32
      %xor3A_539 = vector.broadcast %xor3A_538 : i32 to vector<16xi32>
      %xor3A_540 = arith.xori %iota3A_537, %xor3A_539 : vector<16xi32>
      %broadcast_in_dim3A_541 = vector.shape_cast %xor3A_540 : vector<16xi32> to vector<16x1xi32>
      %gather3A_542 = vector.shape_cast %broadcast_in_dim3A_541 : vector<16x1xi32> to vector<16xi32>
      %gather3A_543 = tpu.dynamic_gather %min3A_536[%gather3A_542] in [0] : vector<16xi32>, vector<16xi32> -> vector<16xi32>
      %min3A_544 = arith.minsi %min3A_536, %gather3A_543 : vector<16xi32>
      %xor3A_545 = arith.constant 2 : i32
      %xor3A_546 = vector.broadcast %xor3A_545 : i32 to vector<16xi32>
      %xor3A_547 = arith.xori %iota3A_537, %xor3A_546 : vector<16xi32>
      %broadcast_in_dim3A_548 = vector.shape_cast %xor3A_547 : vector<16xi32> to vector<16x1xi32>
      %gather3A_549 = vector.shape_cast %broadcast_in_dim3A_548 : vector<16x1xi32> to vector<16xi32>
      %gather3A_550 = tpu.dynamic_gather %min3A_544[%gather3A_549] in [0] : vector<16xi32>, vector<16xi32> -> vector<16xi32>
      %min3A_551 = arith.minsi %min3A_544, %gather3A_550 : vector<16xi32>
      %xor3A_552 = arith.constant 4 : i32
      %xor3A_553 = vector.broadcast %xor3A_552 : i32 to vector<16xi32>
      %xor3A_554 = arith.xori %iota3A_537, %xor3A_553 : vector<16xi32>
      %broadcast_in_dim3A_555 = vector.shape_cast %xor3A_554 : vector<16xi32> to vector<16x1xi32>
      %gather3A_556 = vector.shape_cast %broadcast_in_dim3A_555 : vector<16x1xi32> to vector<16xi32>
      %gather3A_557 = tpu.dynamic_gather %min3A_551[%gather3A_556] in [0] : vector<16xi32>, vector<16xi32> -> vector<16xi32>
      %min3A_558 = arith.minsi %min3A_551, %gather3A_557 : vector<16xi32>
      %xor3A_559 = arith.constant 8 : i32
      %xor3A_560 = vector.broadcast %xor3A_559 : i32 to vector<16xi32>
      %xor3A_561 = arith.xori %iota3A_537, %xor3A_560 : vector<16xi32>
      %broadcast_in_dim3A_562 = vector.shape_cast %xor3A_561 : vector<16xi32> to vector<16x1xi32>
      %gather3A_563 = vector.shape_cast %broadcast_in_dim3A_562 : vector<16x1xi32> to vector<16xi32>
      %gather3A_564 = tpu.dynamic_gather %min3A_558[%gather3A_563] in [0] : vector<16xi32>, vector<16xi32> -> vector<16xi32>
      %min3A_565 = arith.minsi %min3A_558, %gather3A_564 : vector<16xi32>
      %eq3A_566 = arith.cmpi eq, %add3A_458, %min3A_565 : vector<16xi32>
      %jit3A_567 = arith.constant 0xFF800000 : f32
      %broadcast_in_dim3A_568 = vector.broadcast %jit3A_567 : f32 to vector<16xf32>
      %select_n3A_569 = arith.select %eq3A_566, %broadcast_in_dim3A_568, %gather3A_487 : vector<16xi1>, vector<16xf32>
      tpu.vector_store_idx %arg4[%add3A_458], %select_n3A_569 : memref<32768xf32, #tpu.memory_space<vmem>>[vector<16xi32>], vector<16xf32>,
      %max3A_570 = arith.maximumf %broadcast_in_dim3A_23, %select_n3A_569 : vector<16xf32>
      %eq3A_571 = arith.cmpi eq, %add3A_462, %min3A_565 : vector<16xi32>
      %jit3A_572 = arith.constant 0xFF800000 : f32
      %broadcast_in_dim3A_573 = vector.broadcast %jit3A_572 : f32 to vector<16xf32>
      %select_n3A_574 = arith.select %eq3A_571, %broadcast_in_dim3A_573, %gather3A_488 : vector<16xi1>, vector<16xf32>
      tpu.vector_store_idx %arg4[%add3A_462], %select_n3A_574 : memref<32768xf32, #tpu.memory_space<vmem>>[vector<16xi32>], vector<16xf32>,
      %max3A_575 = arith.maximumf %max3A_570, %select_n3A_574 : vector<16xf32>
      %eq3A_576 = arith.cmpi eq, %add3A_466, %min3A_565 : vector<16xi32>
      %jit3A_577 = arith.constant 0xFF800000 : f32
      %broadcast_in_dim3A_578 = vector.broadcast %jit3A_577 : f32 to vector<16xf32>
      %select_n3A_579 = arith.select %eq3A_576, %broadcast_in_dim3A_578, %gather3A_489 : vector<16xi1>, vector<16xf32>
      tpu.vector_store_idx %arg4[%add3A_466], %select_n3A_579 : memref<32768xf32, #tpu.memory_space<vmem>>[vector<16xi32>], vector<16xf32>,
      %max3A_580 = arith.maximumf %max3A_575, %select_n3A_579 : vector<16xf32>
      %eq3A_581 = arith.cmpi eq, %add3A_470, %min3A_565 : vector<16xi32>
      %jit3A_582 = arith.constant 0xFF800000 : f32
      %broadcast_in_dim3A_583 = vector.broadcast %jit3A_582 : f32 to vector<16xf32>
      %select_n3A_584 = arith.select %eq3A_581, %broadcast_in_dim3A_583, %gather3A_490 : vector<16xi1>, vector<16xf32>
      tpu.vector_store_idx %arg4[%add3A_470], %select_n3A_584 : memref<32768xf32, #tpu.memory_space<vmem>>[vector<16xi32>], vector<16xf32>,
      %max3A_585 = arith.maximumf %max3A_580, %select_n3A_584 : vector<16xf32>
      %eq3A_586 = arith.cmpi eq, %add3A_474, %min3A_565 : vector<16xi32>
      %jit3A_587 = arith.constant 0xFF800000 : f32
      %broadcast_in_dim3A_588 = vector.broadcast %jit3A_587 : f32 to vector<16xf32>
      %select_n3A_589 = arith.select %eq3A_586, %broadcast_in_dim3A_588, %gather3A_491 : vector<16xi1>, vector<16xf32>
      tpu.vector_store_idx %arg4[%add3A_474], %select_n3A_589 : memref<32768xf32, #tpu.memory_space<vmem>>[vector<16xi32>], vector<16xf32>,
      %max3A_590 = arith.maximumf %max3A_585, %select_n3A_589 : vector<16xf32>
      %eq3A_591 = arith.cmpi eq, %add3A_478, %min3A_565 : vector<16xi32>
      %jit3A_592 = arith.constant 0xFF800000 : f32
      %broadcast_in_dim3A_593 = vector.broadcast %jit3A_592 : f32 to vector<16xf32>
      %select_n3A_594 = arith.select %eq3A_591, %broadcast_in_dim3A_593, %gather3A_492 : vector<16xi1>, vector<16xf32>
      tpu.vector_store_idx %arg4[%add3A_478], %select_n3A_594 : memref<32768xf32, #tpu.memory_space<vmem>>[vector<16xi32>], vector<16xf32>,
      %max3A_595 = arith.maximumf %max3A_590, %select_n3A_594 : vector<16xf32>
      %eq3A_596 = arith.cmpi eq, %add3A_482, %min3A_565 : vector<16xi32>
      %jit3A_597 = arith.constant 0xFF800000 : f32
      %broadcast_in_dim3A_598 = vector.broadcast %jit3A_597 : f32 to vector<16xf32>
      %select_n3A_599 = arith.select %eq3A_596, %broadcast_in_dim3A_598, %gather3A_493 : vector<16xi1>, vector<16xf32>
      tpu.vector_store_idx %arg4[%add3A_482], %select_n3A_599 : memref<32768xf32, #tpu.memory_space<vmem>>[vector<16xi32>], vector<16xf32>,
      %max3A_600 = arith.maximumf %max3A_595, %select_n3A_599 : vector<16xf32>
      %eq3A_601 = arith.cmpi eq, %add3A_486, %min3A_565 : vector<16xi32>
      %jit3A_602 = arith.constant 0xFF800000 : f32
      %broadcast_in_dim3A_603 = vector.broadcast %jit3A_602 : f32 to vector<16xf32>
      %select_n3A_604 = arith.select %eq3A_601, %broadcast_in_dim3A_603, %gather3A_494 : vector<16xi1>, vector<16xf32>
      tpu.vector_store_idx %arg4[%add3A_486], %select_n3A_604 : memref<32768xf32, #tpu.memory_space<vmem>>[vector<16xi32>], vector<16xf32>,
      %max3A_605 = arith.maximumf %max3A_600, %select_n3A_604 : vector<16xf32>
      %mul3A_606 = arith.constant 16 : i32
      %mul3A_607 = vector.broadcast %mul3A_606 : i32 to vector<16xi32>
      %mul3A_608 = arith.muli %min3A_409, %mul3A_607 : vector<16xi32>
      %add3A_609 = arith.addi %mul3A_608, %iota3A : vector<16xi32>
      %eq3A_610 = arith.cmpi eq, %add3A_609, %min3A_451 : vector<16xi32>
      %iota3A_611 = tpu.iota {dimensions = array<i32: 0>} : vector<16xi32>
      %xor3A_612 = arith.constant 1 : i32
      %xor3A_613 = vector.broadcast %xor3A_612 : i32 to vector<16xi32>
      %xor3A_614 = arith.xori %iota3A_611, %xor3A_613 : vector<16xi32>
      %broadcast_in_dim3A_615 = vector.shape_cast %xor3A_614 : vector<16xi32> to vector<16x1xi32>
      %gather3A_616 = vector.shape_cast %broadcast_in_dim3A_615 : vector<16x1xi32> to vector<16xi32>
      %gather3A_617 = tpu.dynamic_gather %max3A_605[%gather3A_616] in [0] : vector<16xf32>, vector<16xi32> -> vector<16xf32>
      %max3A_618 = arith.maximumf %max3A_605, %gather3A_617 : vector<16xf32>
      %xor3A_619 = arith.constant 2 : i32
      %xor3A_620 = vector.broadcast %xor3A_619 : i32 to vector<16xi32>
      %xor3A_621 = arith.xori %iota3A_611, %xor3A_620 : vector<16xi32>
      %broadcast_in_dim3A_622 = vector.shape_cast %xor3A_621 : vector<16xi32> to vector<16x1xi32>
      %gather3A_623 = vector.shape_cast %broadcast_in_dim3A_622 : vector<16x1xi32> to vector<16xi32>
      %gather3A_624 = tpu.dynamic_gather %max3A_618[%gather3A_623] in [0] : vector<16xf32>, vector<16xi32> -> vector<16xf32>
      %max3A_625 = arith.maximumf %max3A_618, %gather3A_624 : vector<16xf32>
      %xor3A_626 = arith.constant 4 : i32
      %xor3A_627 = vector.broadcast %xor3A_626 : i32 to vector<16xi32>
      %xor3A_628 = arith.xori %iota3A_611, %xor3A_627 : vector<16xi32>
      %broadcast_in_dim3A_629 = vector.shape_cast %xor3A_628 : vector<16xi32> to vector<16x1xi32>
      %gather3A_630 = vector.shape_cast %broadcast_in_dim3A_629 : vector<16x1xi32> to vector<16xi32>
      %gather3A_631 = tpu.dynamic_gather %max3A_625[%gather3A_630] in [0] : vector<16xf32>, vector<16xi32> -> vector<16xf32>
      %max3A_632 = arith.maximumf %max3A_625, %gather3A_631 : vector<16xf32>
      %xor3A_633 = arith.constant 8 : i32
      %xor3A_634 = vector.broadcast %xor3A_633 : i32 to vector<16xi32>
      %xor3A_635 = arith.xori %iota3A_611, %xor3A_634 : vector<16xi32>
      %broadcast_in_dim3A_636 = vector.shape_cast %xor3A_635 : vector<16xi32> to vector<16x1xi32>
      %gather3A_637 = vector.shape_cast %broadcast_in_dim3A_636 : vector<16x1xi32> to vector<16xi32>
      %gather3A_638 = tpu.dynamic_gather %max3A_632[%gather3A_637] in [0] : vector<16xf32>, vector<16xi32> -> vector<16xf32>
      %max3A_639 = arith.maximumf %max3A_632, %gather3A_638 : vector<16xf32>
      %select_n3A_640 = arith.select %eq3A_610, %max3A_639, %gather3A_414 : vector<16xi1>, vector<16xf32>
      %mul3A_641 = arith.constant 16 : i32
      %mul3A_642 = vector.broadcast %mul3A_641 : i32 to vector<16xi32>
      %mul3A_643 = arith.muli %min3A_409, %mul3A_642 : vector<16xi32>
      %add3A_644 = arith.addi %mul3A_643, %iota3A : vector<16xi32>
      tpu.vector_store_idx %arg6[%add3A_644], %select_n3A_640 : memref<256xf32, #tpu.memory_space<vmem>>[vector<16xi32>], vector<16xf32>,
      %broadcast_in_dim3A_645 = vector.broadcast %scan3A_353 : i32 to vector<16xi32>
      %eq3A_646 = arith.constant 0 : i32
      %eq3A_647 = vector.broadcast %eq3A_646 : i32 to vector<16xi32>
      %eq3A_648 = arith.cmpi eq, %iota3A, %eq3A_647 : vector<16xi32>
      tpu.vector_store_idx %arg7[%broadcast_in_dim3A_645], %max3A_380 masked %eq3A_648 : memref<64xf32, #tpu.memory_space<vmem>>[vector<16xi32>], vector<16xf32>, vector<16xi1>
      tpu.vector_store_idx %arg8[%broadcast_in_dim3A_645], %min3A_565 masked %eq3A_648 : memref<64xi32, #tpu.memory_space<vmem>>[vector<16xi32>], vector<16xi32>, vector<16xi1>
      %eq3A_649 = arith.cmpi eq, %iota3A, %min3A_409 : vector<16xi32>
      %iota3A_650 = tpu.iota {dimensions = array<i32: 0>} : vector<16xi32>
      %xor3A_651 = arith.constant 1 : i32
      %xor3A_652 = vector.broadcast %xor3A_651 : i32 to vector<16xi32>
      %xor3A_653 = arith.xori %iota3A_650, %xor3A_652 : vector<16xi32>
      %broadcast_in_dim3A_654 = vector.shape_cast %xor3A_653 : vector<16xi32> to vector<16x1xi32>
      %gather3A_655 = vector.shape_cast %broadcast_in_dim3A_654 : vector<16x1xi32> to vector<16xi32>
      %gather3A_656 = tpu.dynamic_gather %select_n3A_640[%gather3A_655] in [0] : vector<16xf32>, vector<16xi32> -> vector<16xf32>
      %max3A_657 = arith.maximumf %select_n3A_640, %gather3A_656 : vector<16xf32>
      %xor3A_658 = arith.constant 2 : i32
      %xor3A_659 = vector.broadcast %xor3A_658 : i32 to vector<16xi32>
      %xor3A_660 = arith.xori %iota3A_650, %xor3A_659 : vector<16xi32>
      %broadcast_in_dim3A_661 = vector.shape_cast %xor3A_660 : vector<16xi32> to vector<16x1xi32>
      %gather3A_662 = vector.shape_cast %broadcast_in_dim3A_661 : vector<16x1xi32> to vector<16xi32>
      %gather3A_663 = tpu.dynamic_gather %max3A_657[%gather3A_662] in [0] : vector<16xf32>, vector<16xi32> -> vector<16xf32>
      %max3A_664 = arith.maximumf %max3A_657, %gather3A_663 : vector<16xf32>
      %xor3A_665 = arith.constant 4 : i32
      %xor3A_666 = vector.broadcast %xor3A_665 : i32 to vector<16xi32>
      %xor3A_667 = arith.xori %iota3A_650, %xor3A_666 : vector<16xi32>
      %broadcast_in_dim3A_668 = vector.shape_cast %xor3A_667 : vector<16xi32> to vector<16x1xi32>
      %gather3A_669 = vector.shape_cast %broadcast_in_dim3A_668 : vector<16x1xi32> to vector<16xi32>
      %gather3A_670 = tpu.dynamic_gather %max3A_664[%gather3A_669] in [0] : vector<16xf32>, vector<16xi32> -> vector<16xf32>
      %max3A_671 = arith.maximumf %max3A_664, %gather3A_670 : vector<16xf32>
      %xor3A_672 = arith.constant 8 : i32
      %xor3A_673 = vector.broadcast %xor3A_672 : i32 to vector<16xi32>
      %xor3A_674 = arith.xori %iota3A_650, %xor3A_673 : vector<16xi32>
      %broadcast_in_dim3A_675 = vector.shape_cast %xor3A_674 : vector<16xi32> to vector<16x1xi32>
      %gather3A_676 = vector.shape_cast %broadcast_in_dim3A_675 : vector<16x1xi32> to vector<16xi32>
      %gather3A_677 = tpu.dynamic_gather %max3A_671[%gather3A_676] in [0] : vector<16xf32>, vector<16xi32> -> vector<16xf32>
      %max3A_678 = arith.maximumf %max3A_671, %gather3A_677 : vector<16xf32>
      %select_n3A_679 = arith.select %eq3A_649, %max3A_678, %scan3A_354 : vector<16xi1>, vector<16xf32>
      scf.yield %select_n3A_679 : vector<16xf32>
    }
    %scan3A_34 = arith.constant 64 : i32
    %get3A = arith.constant 0 : index
    %get3A_35 = tpu.vector_load %arg8[%get3A] {strides = array<i32>} : memref<64xi32, #tpu.memory_space<vmem>>, vector<16xi32>,
    %get3A_36 = arith.constant 16 : index
    %get3A_37 = tpu.vector_load %arg8[%get3A_36] {strides = array<i32>} : memref<64xi32, #tpu.memory_space<vmem>>, vector<16xi32>,
    %get3A_38 = arith.constant 32 : index
    %get3A_39 = tpu.vector_load %arg8[%get3A_38] {strides = array<i32>} : memref<64xi32, #tpu.memory_space<vmem>>, vector<16xi32>,
    %get3A_40 = arith.constant 48 : index
    %get3A_41 = tpu.vector_load %arg8[%get3A_40] {strides = array<i32>} : memref<64xi32, #tpu.memory_space<vmem>>, vector<16xi32>,
    %slice3A = vector.extract_strided_slice %get3A_35 {offsets = [0], sizes = [1], strides = [1]} : vector<16xi32> to vector<1xi32>
    %squeeze3A = vector.extract %slice3A[0] : i32 from vector<1xi32>
    %sub3A = vector.broadcast %squeeze3A : i32 to vector<16xi32>
    %sub3A_42 = arith.subi %get3A_35, %sub3A : vector<16xi32>
    %and3A = arith.constant 32767 : i32
    %and3A_43 = vector.broadcast %and3A : i32 to vector<16xi32>
    %and3A_44 = arith.andi %sub3A_42, %and3A_43 : vector<16xi32>
    %sub3A_45 = vector.broadcast %squeeze3A : i32 to vector<16xi32>
    %sub3A_46 = arith.subi %get3A_37, %sub3A_45 : vector<16xi32>
    %and3A_47 = arith.constant 32767 : i32
    %and3A_48 = vector.broadcast %and3A_47 : i32 to vector<16xi32>
    %and3A_49 = arith.andi %sub3A_46, %and3A_48 : vector<16xi32>
    %sub3A_50 = vector.broadcast %squeeze3A : i32 to vector<16xi32>
    %sub3A_51 = arith.subi %get3A_39, %sub3A_50 : vector<16xi32>
    %and3A_52 = arith.constant 32767 : i32
    %and3A_53 = vector.broadcast %and3A_52 : i32 to vector<16xi32>
    %and3A_54 = arith.andi %sub3A_51, %and3A_53 : vector<16xi32>
    %sub3A_55 = vector.broadcast %squeeze3A : i32 to vector<16xi32>
    %sub3A_56 = arith.subi %get3A_41, %sub3A_55 : vector<16xi32>
    %and3A_57 = arith.constant 32767 : i32
    %and3A_58 = vector.broadcast %and3A_57 : i32 to vector<16xi32>
    %and3A_59 = arith.andi %sub3A_56, %and3A_58 : vector<16xi32>
    %get3A_60 = arith.constant 0 : index
    %get3A_61 = tpu.vector_load %arg7[%get3A_60] {strides = array<i32>} : memref<64xf32, #tpu.memory_space<vmem>>, vector<16xf32>,
    %get3A_62 = arith.constant 16 : index
    %get3A_63 = tpu.vector_load %arg7[%get3A_62] {strides = array<i32>} : memref<64xf32, #tpu.memory_space<vmem>>, vector<16xf32>,
    %get3A_64 = arith.constant 32 : index
    %get3A_65 = tpu.vector_load %arg7[%get3A_64] {strides = array<i32>} : memref<64xf32, #tpu.memory_space<vmem>>, vector<16xf32>,
    %get3A_66 = arith.constant 48 : index
    %get3A_67 = tpu.vector_load %arg7[%get3A_66] {strides = array<i32>} : memref<64xf32, #tpu.memory_space<vmem>>, vector<16xf32>,
    %add3A_68 = arith.constant 1 : i32
    %add3A_69 = vector.broadcast %add3A_68 : i32 to vector<16xi32>
    %add3A_70 = arith.addi %iota3A, %add3A_69 : vector<16xi32>
    %and3A_71 = arith.constant 15 : i32
    %and3A_72 = vector.broadcast %and3A_71 : i32 to vector<16xi32>
    %and3A_73 = arith.andi %add3A_70, %and3A_72 : vector<16xi32>
    %broadcast_in_dim3A_74 = arith.constant 0 : i32
    %broadcast_in_dim3A_75 = vector.broadcast %broadcast_in_dim3A_74 : i32 to vector<16xi32>
    %broadcast_in_dim3A_76 = arith.constant 0 : i32
    %broadcast_in_dim3A_77 = vector.broadcast %broadcast_in_dim3A_76 : i32 to vector<16xi32>
    %broadcast_in_dim3A_78 = arith.constant 0 : i32
    %broadcast_in_dim3A_79 = vector.broadcast %broadcast_in_dim3A_78 : i32 to vector<16xi32>
    %broadcast_in_dim3A_80 = arith.constant 0 : i32
    %broadcast_in_dim3A_81 = vector.broadcast %broadcast_in_dim3A_80 : i32 to vector<16xi32>
    %scan3A_82 = arith.constant 0 : i32
    %scan3A_83 = arith.constant 16 : i32
    %scan3A_84 = arith.addi %scan3A_82, %scan3A_83 : i32
    %scan3A_85 = arith.constant 1 : i32
    %scan3A_86:8 = scf.for %scan3A_353 = %scan3A_82 to %scan3A_84 step %scan3A_85 iter_args(%scan3A_354 = %broadcast_in_dim3A_75, %scan3A_355 = %broadcast_in_dim3A_77, %scan3A_356 = %broadcast_in_dim3A_79, %scan3A_357 = %broadcast_in_dim3A_81, %scan3A_358 = %and3A_44, %scan3A_359 = %and3A_49, %scan3A_360 = %and3A_54, %scan3A_361 = %and3A_59) -> (vector<16xi32>, vector<16xi32>, vector<16xi32>, vector<16xi32>, vector<16xi32>, vector<16xi32>, vector<16xi32>, vector<16xi32>)  : i32 {
      %lt3A = arith.cmpi slt, %scan3A_358, %and3A_44 : vector<16xi32>
      %convert_element_type3A = arith.extui %lt3A : vector<16xi1> to vector<16xi32>
      %add3A_362 = arith.constant 0 : i32
      %add3A_363 = vector.broadcast %add3A_362 : i32 to vector<16xi32>
      %add3A_364 = arith.addi %add3A_363, %convert_element_type3A : vector<16xi32>
      %lt3A_365 = arith.cmpi slt, %scan3A_359, %and3A_44 : vector<16xi32>
      %convert_element_type3A_366 = arith.extui %lt3A_365 : vector<16xi1> to vector<16xi32>
      %add3A_367 = arith.addi %add3A_364, %convert_element_type3A_366 : vector<16xi32>
      %lt3A_368 = arith.cmpi slt, %scan3A_360, %and3A_44 : vector<16xi32>
      %convert_element_type3A_369 = arith.extui %lt3A_368 : vector<16xi1> to vector<16xi32>
      %add3A_370 = arith.addi %add3A_367, %convert_element_type3A_369 : vector<16xi32>
      %lt3A_371 = arith.cmpi slt, %scan3A_361, %and3A_44 : vector<16xi32>
      %convert_element_type3A_372 = arith.extui %lt3A_371 : vector<16xi1> to vector<16xi32>
      %add3A_373 = arith.addi %add3A_370, %convert_element_type3A_372 : vector<16xi32>
      %add3A_374 = arith.addi %scan3A_354, %add3A_373 : vector<16xi32>
      %lt3A_375 = arith.cmpi slt, %scan3A_358, %and3A_49 : vector<16xi32>
      %convert_element_type3A_376 = arith.extui %lt3A_375 : vector<16xi1> to vector<16xi32>
      %add3A_377 = arith.constant 0 : i32
      %add3A_378 = vector.broadcast %add3A_377 : i32 to vector<16xi32>
      %add3A_379 = arith.addi %add3A_378, %convert_element_type3A_376 : vector<16xi32>
      %lt3A_380 = arith.cmpi slt, %scan3A_359, %and3A_49 : vector<16xi32>
      %convert_element_type3A_381 = arith.extui %lt3A_380 : vector<16xi1> to vector<16xi32>
      %add3A_382 = arith.addi %add3A_379, %convert_element_type3A_381 : vector<16xi32>
      %lt3A_383 = arith.cmpi slt, %scan3A_360, %and3A_49 : vector<16xi32>
      %convert_element_type3A_384 = arith.extui %lt3A_383 : vector<16xi1> to vector<16xi32>
      %add3A_385 = arith.addi %add3A_382, %convert_element_type3A_384 : vector<16xi32>
      %lt3A_386 = arith.cmpi slt, %scan3A_361, %and3A_49 : vector<16xi32>
      %convert_element_type3A_387 = arith.extui %lt3A_386 : vector<16xi1> to vector<16xi32>
      %add3A_388 = arith.addi %add3A_385, %convert_element_type3A_387 : vector<16xi32>
      %add3A_389 = arith.addi %scan3A_355, %add3A_388 : vector<16xi32>
      %lt3A_390 = arith.cmpi slt, %scan3A_358, %and3A_54 : vector<16xi32>
      %convert_element_type3A_391 = arith.extui %lt3A_390 : vector<16xi1> to vector<16xi32>
      %add3A_392 = arith.constant 0 : i32
      %add3A_393 = vector.broadcast %add3A_392 : i32 to vector<16xi32>
      %add3A_394 = arith.addi %add3A_393, %convert_element_type3A_391 : vector<16xi32>
      %lt3A_395 = arith.cmpi slt, %scan3A_359, %and3A_54 : vector<16xi32>
      %convert_element_type3A_396 = arith.extui %lt3A_395 : vector<16xi1> to vector<16xi32>
      %add3A_397 = arith.addi %add3A_394, %convert_element_type3A_396 : vector<16xi32>
      %lt3A_398 = arith.cmpi slt, %scan3A_360, %and3A_54 : vector<16xi32>
      %convert_element_type3A_399 = arith.extui %lt3A_398 : vector<16xi1> to vector<16xi32>
      %add3A_400 = arith.addi %add3A_397, %convert_element_type3A_399 : vector<16xi32>
      %lt3A_401 = arith.cmpi slt, %scan3A_361, %and3A_54 : vector<16xi32>
      %convert_element_type3A_402 = arith.extui %lt3A_401 : vector<16xi1> to vector<16xi32>
      %add3A_403 = arith.addi %add3A_400, %convert_element_type3A_402 : vector<16xi32>
      %add3A_404 = arith.addi %scan3A_356, %add3A_403 : vector<16xi32>
      %lt3A_405 = arith.cmpi slt, %scan3A_358, %and3A_59 : vector<16xi32>
      %convert_element_type3A_406 = arith.extui %lt3A_405 : vector<16xi1> to vector<16xi32>
      %add3A_407 = arith.constant 0 : i32
      %add3A_408 = vector.broadcast %add3A_407 : i32 to vector<16xi32>
      %add3A_409 = arith.addi %add3A_408, %convert_element_type3A_406 : vector<16xi32>
      %lt3A_410 = arith.cmpi slt, %scan3A_359, %and3A_59 : vector<16xi32>
      %convert_element_type3A_411 = arith.extui %lt3A_410 : vector<16xi1> to vector<16xi32>
      %add3A_412 = arith.addi %add3A_409, %convert_element_type3A_411 : vector<16xi32>
      %lt3A_413 = arith.cmpi slt, %scan3A_360, %and3A_59 : vector<16xi32>
      %convert_element_type3A_414 = arith.extui %lt3A_413 : vector<16xi1> to vector<16xi32>
      %add3A_415 = arith.addi %add3A_412, %convert_element_type3A_414 : vector<16xi32>
      %lt3A_416 = arith.cmpi slt, %scan3A_361, %and3A_59 : vector<16xi32>
      %convert_element_type3A_417 = arith.extui %lt3A_416 : vector<16xi1> to vector<16xi32>
      %add3A_418 = arith.addi %add3A_415, %convert_element_type3A_417 : vector<16xi32>
      %add3A_419 = arith.addi %scan3A_357, %add3A_418 : vector<16xi32>
      %broadcast_in_dim3A_420 = vector.shape_cast %and3A_73 : vector<16xi32> to vector<16x1xi32>
      %gather3A = vector.shape_cast %broadcast_in_dim3A_420 : vector<16x1xi32> to vector<16xi32>
      %gather3A_421 = tpu.dynamic_gather %scan3A_358[%gather3A] in [0] : vector<16xi32>, vector<16xi32> -> vector<16xi32>
      %broadcast_in_dim3A_422 = vector.shape_cast %and3A_73 : vector<16xi32> to vector<16x1xi32>
      %gather3A_423 = vector.shape_cast %broadcast_in_dim3A_422 : vector<16x1xi32> to vector<16xi32>
      %gather3A_424 = tpu.dynamic_gather %scan3A_359[%gather3A_423] in [0] : vector<16xi32>, vector<16xi32> -> vector<16xi32>
      %broadcast_in_dim3A_425 = vector.shape_cast %and3A_73 : vector<16xi32> to vector<16x1xi32>
      %gather3A_426 = vector.shape_cast %broadcast_in_dim3A_425 : vector<16x1xi32> to vector<16xi32>
      %gather3A_427 = tpu.dynamic_gather %scan3A_360[%gather3A_426] in [0] : vector<16xi32>, vector<16xi32> -> vector<16xi32>
      %broadcast_in_dim3A_428 = vector.shape_cast %and3A_73 : vector<16xi32> to vector<16x1xi32>
      %gather3A_429 = vector.shape_cast %broadcast_in_dim3A_428 : vector<16x1xi32> to vector<16xi32>
      %gather3A_430 = tpu.dynamic_gather %scan3A_361[%gather3A_429] in [0] : vector<16xi32>, vector<16xi32> -> vector<16xi32>
      scf.yield %add3A_374, %add3A_389, %add3A_404, %add3A_419, %gather3A_421, %gather3A_424, %gather3A_427, %gather3A_430 : vector<16xi32>, vector<16xi32>, vector<16xi32>, vector<16xi32>, vector<16xi32>, vector<16xi32>, vector<16xi32>, vector<16xi32>
    }
    %scan3A_87 = arith.constant 16 : i32
    tpu.vector_store_idx %arg9[%scan3A_86#0], %get3A_61 : memref<64xf32, #tpu.memory_space<vmem>>[vector<16xi32>], vector<16xf32>,
    tpu.vector_store_idx %arg9[%scan3A_86#1], %get3A_63 : memref<64xf32, #tpu.memory_space<vmem>>[vector<16xi32>], vector<16xf32>,
    tpu.vector_store_idx %arg9[%scan3A_86#2], %get3A_65 : memref<64xf32, #tpu.memory_space<vmem>>[vector<16xi32>], vector<16xf32>,
    tpu.vector_store_idx %arg9[%scan3A_86#3], %get3A_67 : memref<64xf32, #tpu.memory_space<vmem>>[vector<16xi32>], vector<16xf32>,
    %add3A_88 = arith.constant 0 : i32
    %add3A_89 = arith.addi %mul3A_2, %add3A_88 : i32
    "tpu.region"() ({
      %run_scoped3A = tpu.sem_alloc : memref<!tpu.dma_semaphore, #tpu.memory_space<semaphore_mem>>
      %dma_start3A_353 = arith.constant 0 : i32
      %dma_start3A_354 = tpu.memref_slice %arg3[%add3A_89, %dma_start3A_353] : memref<128x64xf32, #tpu.memory_space<hbm>> -> memref<1x64xf32, #tpu.memory_space<hbm>>
      %dma_start3A_355 = tpu.memref_squeeze %dma_start3A_354 : memref<1x64xf32, #tpu.memory_space<hbm>> -> memref<64xf32, #tpu.memory_space<hbm>>
      %dma_start3A_356 = arith.constant 0 : i32
      %dma_start3A_357 = tpu.memref_slice %arg3[%add3A_89, %dma_start3A_356] : memref<128x64xf32, #tpu.memory_space<hbm>> -> memref<1x64xf32, #tpu.memory_space<hbm>>
      %dma_start3A_358 = tpu.memref_squeeze %dma_start3A_357 : memref<1x64xf32, #tpu.memory_space<hbm>> -> memref<64xf32, #tpu.memory_space<hbm>>
      tpu.enqueue_dma source(%arg9 : memref<64xf32, #tpu.memory_space<vmem>>) target(%dma_start3A_358 : memref<64xf32, #tpu.memory_space<hbm>>) target_semaphore(%run_scoped3A : memref<!tpu.dma_semaphore, #tpu.memory_space<semaphore_mem>>)
      %dma_wait3A_359 = arith.constant 0 : i32
      %dma_wait3A_360 = tpu.memref_slice %arg3[%add3A_89, %dma_wait3A_359] : memref<128x64xf32, #tpu.memory_space<hbm>> -> memref<1x64xf32, #tpu.memory_space<hbm>>
      %dma_wait3A_361 = tpu.memref_squeeze %dma_wait3A_360 : memref<1x64xf32, #tpu.memory_space<hbm>> -> memref<64xf32, #tpu.memory_space<hbm>>
      %dma_wait3A_362 = arith.constant 0 : i32
      %dma_wait3A_363 = tpu.memref_slice %arg3[%add3A_89, %dma_wait3A_362] : memref<128x64xf32, #tpu.memory_space<hbm>> -> memref<1x64xf32, #tpu.memory_space<hbm>>
      %dma_wait3A_364 = tpu.memref_squeeze %dma_wait3A_363 : memref<1x64xf32, #tpu.memory_space<hbm>> -> memref<64xf32, #tpu.memory_space<hbm>>
      tpu.wait_dma2 semaphore(%run_scoped3A : memref<!tpu.dma_semaphore, #tpu.memory_space<semaphore_mem>>) src(%arg9 : memref<64xf32, #tpu.memory_space<vmem>>) dst(%dma_wait3A_364 : memref<64xf32, #tpu.memory_space<hbm>>)
      tpu.yield
    }) : () -> ()
    %add3A_90 = arith.constant 1 : i32
    %add3A_91 = arith.addi %mul3A_2, %add3A_90 : i32
    %add3A_92 = arith.constant 1 : i32
    %add3A_93 = arith.addi %add3A_91, %add3A_92 : i32
    %dma_start3A_94 = arith.constant 0 : i32
    %dma_start3A_95 = tpu.memref_slice %arg2[%add3A_93, %dma_start3A_94] : memref<128x32768xf32, #tpu.memory_space<hbm>> -> memref<1x32768xf32, #tpu.memory_space<hbm>>
    %dma_start3A_96 = tpu.memref_squeeze %dma_start3A_95 : memref<1x32768xf32, #tpu.memory_space<hbm>> -> memref<32768xf32, #tpu.memory_space<hbm>>
    %dma_start3A_97 = arith.constant 0 : i32
    %dma_start3A_98 = tpu.memref_slice %arg2[%add3A_93, %dma_start3A_97] : memref<128x32768xf32, #tpu.memory_space<hbm>> -> memref<1x32768xf32, #tpu.memory_space<hbm>>
    %dma_start3A_99 = tpu.memref_squeeze %dma_start3A_98 : memref<1x32768xf32, #tpu.memory_space<hbm>> -> memref<32768xf32, #tpu.memory_space<hbm>>
    tpu.enqueue_dma source(%dma_start3A_99 : memref<32768xf32, #tpu.memory_space<hbm>>) target(%arg4 : memref<32768xf32, #tpu.memory_space<vmem>>) target_semaphore(%arg10 : memref<!tpu.dma_semaphore, #tpu.memory_space<semaphore_mem>>)
    %dma_wait3A_100 = arith.constant 0 : i32
    %dma_wait3A_101 = tpu.memref_slice %arg2[%add3A_11, %dma_wait3A_100] : memref<128x32768xf32, #tpu.memory_space<hbm>> -> memref<1x32768xf32, #tpu.memory_space<hbm>>
    %dma_wait3A_102 = tpu.memref_squeeze %dma_wait3A_101 : memref<1x32768xf32, #tpu.memory_space<hbm>> -> memref<32768xf32, #tpu.memory_space<hbm>>
    %dma_wait3A_103 = arith.constant 0 : i32
    %dma_wait3A_104 = tpu.memref_slice %arg2[%add3A_11, %dma_wait3A_103] : memref<128x32768xf32, #tpu.memory_space<hbm>> -> memref<1x32768xf32, #tpu.memory_space<hbm>>
    %dma_wait3A_105 = tpu.memref_squeeze %dma_wait3A_104 : memref<1x32768xf32, #tpu.memory_space<hbm>> -> memref<32768xf32, #tpu.memory_space<hbm>>
    tpu.wait_dma2 semaphore(%arg11 : memref<!tpu.dma_semaphore, #tpu.memory_space<semaphore_mem>>) src(%dma_wait3A_105 : memref<32768xf32, #tpu.memory_space<hbm>>) dst(%arg5 : memref<32768xf32, #tpu.memory_space<vmem>>)
    %iota3A_106 = tpu.iota {dimensions = array<i32: 0>} : vector<16xi32>
    %broadcast_in_dim3A_107 = arith.constant 0xFF800000 : f32
    %broadcast_in_dim3A_108 = vector.broadcast %broadcast_in_dim3A_107 : f32 to vector<16xf32>
    %scan3A_109 = arith.constant 0 : i32
    %scan3A_110 = arith.constant 16 : i32
    %scan3A_111 = arith.addi %scan3A_109, %scan3A_110 : i32
    %scan3A_112 = arith.constant 1 : i32
    %scan3A_113 = scf.for %scan3A_353 = %scan3A_109 to %scan3A_111 step %scan3A_112 iter_args(%scan3A_354 = %broadcast_in_dim3A_108) -> (vector<16xf32>)  : i32 {
      %scan3A_355 = arith.constant 0 : i32
      %scan3A_356 = arith.constant 16 : i32
      %scan3A_357 = arith.addi %scan3A_355, %scan3A_356 : i32
      %scan3A_358 = arith.constant 4 : i32
      %scan3A_359 = scf.for %scan3A_369 = %scan3A_355 to %scan3A_357 step %scan3A_358 iter_args(%scan3A_370 = %broadcast_in_dim3A_108) -> (vector<16xf32>)  : i32 {
        %mul3A_371 = arith.constant 16 : i32
        %mul3A_372 = arith.muli %scan3A_353, %mul3A_371 : i32
        %add3A_373 = arith.addi %mul3A_372, %scan3A_369 : i32
        %mul3A_374 = arith.constant 128 : i32
        %mul3A_375 = arith.muli %add3A_373, %mul3A_374 : i32
        %get3A_376 = arith.index_cast %mul3A_375 : i32 to index
        %get3A_377 = tpu.vector_load %arg5[%get3A_376] {strides = array<i32>} : memref<32768xf32, #tpu.memory_space<vmem>>, vector<16xf32>,
        %add3A_378 = arith.constant 16 : i32
        %add3A_379 = arith.addi %mul3A_375, %add3A_378 : i32
        %get3A_380 = arith.index_cast %add3A_379 : i32 to index
        %get3A_381 = tpu.vector_load %arg5[%get3A_380] {strides = array<i32>} : memref<32768xf32, #tpu.memory_space<vmem>>, vector<16xf32>,
        %max3A = arith.maximumf %get3A_377, %get3A_381 : vector<16xf32>
        %add3A_382 = arith.constant 32 : i32
        %add3A_383 = arith.addi %mul3A_375, %add3A_382 : i32
        %get3A_384 = arith.index_cast %add3A_383 : i32 to index
        %get3A_385 = tpu.vector_load %arg5[%get3A_384] {strides = array<i32>} : memref<32768xf32, #tpu.memory_space<vmem>>, vector<16xf32>,
        %max3A_386 = arith.maximumf %max3A, %get3A_385 : vector<16xf32>
        %add3A_387 = arith.constant 48 : i32
        %add3A_388 = arith.addi %mul3A_375, %add3A_387 : i32
        %get3A_389 = arith.index_cast %add3A_388 : i32 to index
        %get3A_390 = tpu.vector_load %arg5[%get3A_389] {strides = array<i32>} : memref<32768xf32, #tpu.memory_space<vmem>>, vector<16xf32>,
        %max3A_391 = arith.maximumf %max3A_386, %get3A_390 : vector<16xf32>
        %add3A_392 = arith.constant 64 : i32
        %add3A_393 = arith.addi %mul3A_375, %add3A_392 : i32
        %get3A_394 = arith.index_cast %add3A_393 : i32 to index
        %get3A_395 = tpu.vector_load %arg5[%get3A_394] {strides = array<i32>} : memref<32768xf32, #tpu.memory_space<vmem>>, vector<16xf32>,
        %max3A_396 = arith.maximumf %max3A_391, %get3A_395 : vector<16xf32>
        %add3A_397 = arith.constant 80 : i32
        %add3A_398 = arith.addi %mul3A_375, %add3A_397 : i32
        %get3A_399 = arith.index_cast %add3A_398 : i32 to index
        %get3A_400 = tpu.vector_load %arg5[%get3A_399] {strides = array<i32>} : memref<32768xf32, #tpu.memory_space<vmem>>, vector<16xf32>,
        %max3A_401 = arith.maximumf %max3A_396, %get3A_400 : vector<16xf32>
        %add3A_402 = arith.constant 96 : i32
        %add3A_403 = arith.addi %mul3A_375, %add3A_402 : i32
        %get3A_404 = arith.index_cast %add3A_403 : i32 to index
        %get3A_405 = tpu.vector_load %arg5[%get3A_404] {strides = array<i32>} : memref<32768xf32, #tpu.memory_space<vmem>>, vector<16xf32>,
        %max3A_406 = arith.maximumf %max3A_401, %get3A_405 : vector<16xf32>
        %add3A_407 = arith.constant 112 : i32
        %add3A_408 = arith.addi %mul3A_375, %add3A_407 : i32
        %get3A_409 = arith.index_cast %add3A_408 : i32 to index
        %get3A_410 = tpu.vector_load %arg5[%get3A_409] {strides = array<i32>} : memref<32768xf32, #tpu.memory_space<vmem>>, vector<16xf32>,
        %max3A_411 = arith.maximumf %max3A_406, %get3A_410 : vector<16xf32>
        %eq3A_412 = vector.broadcast %scan3A_369 : i32 to vector<16xi32>
        %eq3A_413 = arith.cmpi eq, %iota3A_106, %eq3A_412 : vector<16xi32>
        %reduce_max3A_414 = arith.constant true
        %reduce_max3A_415 = vector.broadcast %reduce_max3A_414 : i1 to vector<16xi1>
        %reduce_max3A_416 = tpu.scan <max>, %max3A_411 masked %reduce_max3A_415 : vector<16xf32>, vector<16xi1> -> vector<16xf32>
        %reduce_max3A_417 = vector.extract %reduce_max3A_416[15] : f32 from vector<16xf32>
        %broadcast_in_dim3A_418 = vector.broadcast %reduce_max3A_417 : f32 to vector<16xf32>
        %select_n3A_419 = arith.select %eq3A_413, %broadcast_in_dim3A_418, %scan3A_370 : vector<16xi1>, vector<16xf32>
        %scan3A_420 = arith.constant 1 : i32
        %scan3A_421 = arith.addi %scan3A_369, %scan3A_420 : i32
        %mul3A_422 = arith.constant 16 : i32
        %mul3A_423 = arith.muli %scan3A_353, %mul3A_422 : i32
        %add3A_424 = arith.addi %mul3A_423, %scan3A_421 : i32
        %mul3A_425 = arith.constant 128 : i32
        %mul3A_426 = arith.muli %add3A_424, %mul3A_425 : i32
        %get3A_427 = arith.index_cast %mul3A_426 : i32 to index
        %get3A_428 = tpu.vector_load %arg5[%get3A_427] {strides = array<i32>} : memref<32768xf32, #tpu.memory_space<vmem>>, vector<16xf32>,
        %add3A_429 = arith.constant 16 : i32
        %add3A_430 = arith.addi %mul3A_426, %add3A_429 : i32
        %get3A_431 = arith.index_cast %add3A_430 : i32 to index
        %get3A_432 = tpu.vector_load %arg5[%get3A_431] {strides = array<i32>} : memref<32768xf32, #tpu.memory_space<vmem>>, vector<16xf32>,
        %max3A_433 = arith.maximumf %get3A_428, %get3A_432 : vector<16xf32>
        %add3A_434 = arith.constant 32 : i32
        %add3A_435 = arith.addi %mul3A_426, %add3A_434 : i32
        %get3A_436 = arith.index_cast %add3A_435 : i32 to index
        %get3A_437 = tpu.vector_load %arg5[%get3A_436] {strides = array<i32>} : memref<32768xf32, #tpu.memory_space<vmem>>, vector<16xf32>,
        %max3A_438 = arith.maximumf %max3A_433, %get3A_437 : vector<16xf32>
        %add3A_439 = arith.constant 48 : i32
        %add3A_440 = arith.addi %mul3A_426, %add3A_439 : i32
        %get3A_441 = arith.index_cast %add3A_440 : i32 to index
        %get3A_442 = tpu.vector_load %arg5[%get3A_441] {strides = array<i32>} : memref<32768xf32, #tpu.memory_space<vmem>>, vector<16xf32>,
        %max3A_443 = arith.maximumf %max3A_438, %get3A_442 : vector<16xf32>
        %add3A_444 = arith.constant 64 : i32
        %add3A_445 = arith.addi %mul3A_426, %add3A_444 : i32
        %get3A_446 = arith.index_cast %add3A_445 : i32 to index
        %get3A_447 = tpu.vector_load %arg5[%get3A_446] {strides = array<i32>} : memref<32768xf32, #tpu.memory_space<vmem>>, vector<16xf32>,
        %max3A_448 = arith.maximumf %max3A_443, %get3A_447 : vector<16xf32>
        %add3A_449 = arith.constant 80 : i32
        %add3A_450 = arith.addi %mul3A_426, %add3A_449 : i32
        %get3A_451 = arith.index_cast %add3A_450 : i32 to index
        %get3A_452 = tpu.vector_load %arg5[%get3A_451] {strides = array<i32>} : memref<32768xf32, #tpu.memory_space<vmem>>, vector<16xf32>,
        %max3A_453 = arith.maximumf %max3A_448, %get3A_452 : vector<16xf32>
        %add3A_454 = arith.constant 96 : i32
        %add3A_455 = arith.addi %mul3A_426, %add3A_454 : i32
        %get3A_456 = arith.index_cast %add3A_455 : i32 to index
        %get3A_457 = tpu.vector_load %arg5[%get3A_456] {strides = array<i32>} : memref<32768xf32, #tpu.memory_space<vmem>>, vector<16xf32>,
        %max3A_458 = arith.maximumf %max3A_453, %get3A_457 : vector<16xf32>
        %add3A_459 = arith.constant 112 : i32
        %add3A_460 = arith.addi %mul3A_426, %add3A_459 : i32
        %get3A_461 = arith.index_cast %add3A_460 : i32 to index
        %get3A_462 = tpu.vector_load %arg5[%get3A_461] {strides = array<i32>} : memref<32768xf32, #tpu.memory_space<vmem>>, vector<16xf32>,
        %max3A_463 = arith.maximumf %max3A_458, %get3A_462 : vector<16xf32>
        %eq3A_464 = vector.broadcast %scan3A_421 : i32 to vector<16xi32>
        %eq3A_465 = arith.cmpi eq, %iota3A_106, %eq3A_464 : vector<16xi32>
        %reduce_max3A_466 = arith.constant true
        %reduce_max3A_467 = vector.broadcast %reduce_max3A_466 : i1 to vector<16xi1>
        %reduce_max3A_468 = tpu.scan <max>, %max3A_463 masked %reduce_max3A_467 : vector<16xf32>, vector<16xi1> -> vector<16xf32>
        %reduce_max3A_469 = vector.extract %reduce_max3A_468[15] : f32 from vector<16xf32>
        %broadcast_in_dim3A_470 = vector.broadcast %reduce_max3A_469 : f32 to vector<16xf32>
        %select_n3A_471 = arith.select %eq3A_465, %broadcast_in_dim3A_470, %select_n3A_419 : vector<16xi1>, vector<16xf32>
        %scan3A_472 = arith.constant 2 : i32
        %scan3A_473 = arith.addi %scan3A_369, %scan3A_472 : i32
        %mul3A_474 = arith.constant 16 : i32
        %mul3A_475 = arith.muli %scan3A_353, %mul3A_474 : i32
        %add3A_476 = arith.addi %mul3A_475, %scan3A_473 : i32
        %mul3A_477 = arith.constant 128 : i32
        %mul3A_478 = arith.muli %add3A_476, %mul3A_477 : i32
        %get3A_479 = arith.index_cast %mul3A_478 : i32 to index
        %get3A_480 = tpu.vector_load %arg5[%get3A_479] {strides = array<i32>} : memref<32768xf32, #tpu.memory_space<vmem>>, vector<16xf32>,
        %add3A_481 = arith.constant 16 : i32
        %add3A_482 = arith.addi %mul3A_478, %add3A_481 : i32
        %get3A_483 = arith.index_cast %add3A_482 : i32 to index
        %get3A_484 = tpu.vector_load %arg5[%get3A_483] {strides = array<i32>} : memref<32768xf32, #tpu.memory_space<vmem>>, vector<16xf32>,
        %max3A_485 = arith.maximumf %get3A_480, %get3A_484 : vector<16xf32>
        %add3A_486 = arith.constant 32 : i32
        %add3A_487 = arith.addi %mul3A_478, %add3A_486 : i32
        %get3A_488 = arith.index_cast %add3A_487 : i32 to index
        %get3A_489 = tpu.vector_load %arg5[%get3A_488] {strides = array<i32>} : memref<32768xf32, #tpu.memory_space<vmem>>, vector<16xf32>,
        %max3A_490 = arith.maximumf %max3A_485, %get3A_489 : vector<16xf32>
        %add3A_491 = arith.constant 48 : i32
        %add3A_492 = arith.addi %mul3A_478, %add3A_491 : i32
        %get3A_493 = arith.index_cast %add3A_492 : i32 to index
        %get3A_494 = tpu.vector_load %arg5[%get3A_493] {strides = array<i32>} : memref<32768xf32, #tpu.memory_space<vmem>>, vector<16xf32>,
        %max3A_495 = arith.maximumf %max3A_490, %get3A_494 : vector<16xf32>
        %add3A_496 = arith.constant 64 : i32
        %add3A_497 = arith.addi %mul3A_478, %add3A_496 : i32
        %get3A_498 = arith.index_cast %add3A_497 : i32 to index
        %get3A_499 = tpu.vector_load %arg5[%get3A_498] {strides = array<i32>} : memref<32768xf32, #tpu.memory_space<vmem>>, vector<16xf32>,
        %max3A_500 = arith.maximumf %max3A_495, %get3A_499 : vector<16xf32>
        %add3A_501 = arith.constant 80 : i32
        %add3A_502 = arith.addi %mul3A_478, %add3A_501 : i32
        %get3A_503 = arith.index_cast %add3A_502 : i32 to index
        %get3A_504 = tpu.vector_load %arg5[%get3A_503] {strides = array<i32>} : memref<32768xf32, #tpu.memory_space<vmem>>, vector<16xf32>,
        %max3A_505 = arith.maximumf %max3A_500, %get3A_504 : vector<16xf32>
        %add3A_506 = arith.constant 96 : i32
        %add3A_507 = arith.addi %mul3A_478, %add3A_506 : i32
        %get3A_508 = arith.index_cast %add3A_507 : i32 to index
        %get3A_509 = tpu.vector_load %arg5[%get3A_508] {strides = array<i32>} : memref<32768xf32, #tpu.memory_space<vmem>>, vector<16xf32>,
        %max3A_510 = arith.maximumf %max3A_505, %get3A_509 : vector<16xf32>
        %add3A_511 = arith.constant 112 : i32
        %add3A_512 = arith.addi %mul3A_478, %add3A_511 : i32
        %get3A_513 = arith.index_cast %add3A_512 : i32 to index
        %get3A_514 = tpu.vector_load %arg5[%get3A_513] {strides = array<i32>} : memref<32768xf32, #tpu.memory_space<vmem>>, vector<16xf32>,
        %max3A_515 = arith.maximumf %max3A_510, %get3A_514 : vector<16xf32>
        %eq3A_516 = vector.broadcast %scan3A_473 : i32 to vector<16xi32>
        %eq3A_517 = arith.cmpi eq, %iota3A_106, %eq3A_516 : vector<16xi32>
        %reduce_max3A_518 = arith.constant true
        %reduce_max3A_519 = vector.broadcast %reduce_max3A_518 : i1 to vector<16xi1>
        %reduce_max3A_520 = tpu.scan <max>, %max3A_515 masked %reduce_max3A_519 : vector<16xf32>, vector<16xi1> -> vector<16xf32>
        %reduce_max3A_521 = vector.extract %reduce_max3A_520[15] : f32 from vector<16xf32>
        %broadcast_in_dim3A_522 = vector.broadcast %reduce_max3A_521 : f32 to vector<16xf32>
        %select_n3A_523 = arith.select %eq3A_517, %broadcast_in_dim3A_522, %select_n3A_471 : vector<16xi1>, vector<16xf32>
        %scan3A_524 = arith.constant 3 : i32
        %scan3A_525 = arith.addi %scan3A_369, %scan3A_524 : i32
        %mul3A_526 = arith.constant 16 : i32
        %mul3A_527 = arith.muli %scan3A_353, %mul3A_526 : i32
        %add3A_528 = arith.addi %mul3A_527, %scan3A_525 : i32
        %mul3A_529 = arith.constant 128 : i32
        %mul3A_530 = arith.muli %add3A_528, %mul3A_529 : i32
        %get3A_531 = arith.index_cast %mul3A_530 : i32 to index
        %get3A_532 = tpu.vector_load %arg5[%get3A_531] {strides = array<i32>} : memref<32768xf32, #tpu.memory_space<vmem>>, vector<16xf32>,
        %add3A_533 = arith.constant 16 : i32
        %add3A_534 = arith.addi %mul3A_530, %add3A_533 : i32
        %get3A_535 = arith.index_cast %add3A_534 : i32 to index
        %get3A_536 = tpu.vector_load %arg5[%get3A_535] {strides = array<i32>} : memref<32768xf32, #tpu.memory_space<vmem>>, vector<16xf32>,
        %max3A_537 = arith.maximumf %get3A_532, %get3A_536 : vector<16xf32>
        %add3A_538 = arith.constant 32 : i32
        %add3A_539 = arith.addi %mul3A_530, %add3A_538 : i32
        %get3A_540 = arith.index_cast %add3A_539 : i32 to index
        %get3A_541 = tpu.vector_load %arg5[%get3A_540] {strides = array<i32>} : memref<32768xf32, #tpu.memory_space<vmem>>, vector<16xf32>,
        %max3A_542 = arith.maximumf %max3A_537, %get3A_541 : vector<16xf32>
        %add3A_543 = arith.constant 48 : i32
        %add3A_544 = arith.addi %mul3A_530, %add3A_543 : i32
        %get3A_545 = arith.index_cast %add3A_544 : i32 to index
        %get3A_546 = tpu.vector_load %arg5[%get3A_545] {strides = array<i32>} : memref<32768xf32, #tpu.memory_space<vmem>>, vector<16xf32>,
        %max3A_547 = arith.maximumf %max3A_542, %get3A_546 : vector<16xf32>
        %add3A_548 = arith.constant 64 : i32
        %add3A_549 = arith.addi %mul3A_530, %add3A_548 : i32
        %get3A_550 = arith.index_cast %add3A_549 : i32 to index
        %get3A_551 = tpu.vector_load %arg5[%get3A_550] {strides = array<i32>} : memref<32768xf32, #tpu.memory_space<vmem>>, vector<16xf32>,
        %max3A_552 = arith.maximumf %max3A_547, %get3A_551 : vector<16xf32>
        %add3A_553 = arith.constant 80 : i32
        %add3A_554 = arith.addi %mul3A_530, %add3A_553 : i32
        %get3A_555 = arith.index_cast %add3A_554 : i32 to index
        %get3A_556 = tpu.vector_load %arg5[%get3A_555] {strides = array<i32>} : memref<32768xf32, #tpu.memory_space<vmem>>, vector<16xf32>,
        %max3A_557 = arith.maximumf %max3A_552, %get3A_556 : vector<16xf32>
        %add3A_558 = arith.constant 96 : i32
        %add3A_559 = arith.addi %mul3A_530, %add3A_558 : i32
        %get3A_560 = arith.index_cast %add3A_559 : i32 to index
        %get3A_561 = tpu.vector_load %arg5[%get3A_560] {strides = array<i32>} : memref<32768xf32, #tpu.memory_space<vmem>>, vector<16xf32>,
        %max3A_562 = arith.maximumf %max3A_557, %get3A_561 : vector<16xf32>
        %add3A_563 = arith.constant 112 : i32
        %add3A_564 = arith.addi %mul3A_530, %add3A_563 : i32
        %get3A_565 = arith.index_cast %add3A_564 : i32 to index
        %get3A_566 = tpu.vector_load %arg5[%get3A_565] {strides = array<i32>} : memref<32768xf32, #tpu.memory_space<vmem>>, vector<16xf32>,
        %max3A_567 = arith.maximumf %max3A_562, %get3A_566 : vector<16xf32>
        %eq3A_568 = vector.broadcast %scan3A_525 : i32 to vector<16xi32>
        %eq3A_569 = arith.cmpi eq, %iota3A_106, %eq3A_568 : vector<16xi32>
        %reduce_max3A_570 = arith.constant true
        %reduce_max3A_571 = vector.broadcast %reduce_max3A_570 : i1 to vector<16xi1>
        %reduce_max3A_572 = tpu.scan <max>, %max3A_567 masked %reduce_max3A_571 : vector<16xf32>, vector<16xi1> -> vector<16xf32>
        %reduce_max3A_573 = vector.extract %reduce_max3A_572[15] : f32 from vector<16xf32>
        %broadcast_in_dim3A_574 = vector.broadcast %reduce_max3A_573 : f32 to vector<16xf32>
        %select_n3A_575 = arith.select %eq3A_569, %broadcast_in_dim3A_574, %select_n3A_523 : vector<16xi1>, vector<16xf32>
        scf.yield %select_n3A_575 : vector<16xf32>
      }
      %scan3A_360 = arith.constant 16 : i32
      %mul3A_361 = arith.constant 16 : i32
      %mul3A_362 = arith.muli %scan3A_353, %mul3A_361 : i32
      %swap3A = arith.index_cast %mul3A_362 : i32 to index
      %swap3A_363 = tpu.vector_load %arg6[%swap3A] {strides = array<i32>} : memref<256xf32, #tpu.memory_space<vmem>>, vector<16xf32>,
      tpu.vector_store %arg6[%swap3A], %scan3A_359 {strides = array<i32>} : memref<256xf32, #tpu.memory_space<vmem>>, vector<16xf32>,
      %eq3A = vector.broadcast %scan3A_353 : i32 to vector<16xi32>
      %eq3A_364 = arith.cmpi eq, %iota3A_106, %eq3A : vector<16xi32>
      %reduce_max3A = arith.constant true
      %reduce_max3A_365 = vector.broadcast %reduce_max3A : i1 to vector<16xi1>
      %reduce_max3A_366 = tpu.scan <max>, %scan3A_359 masked %reduce_max3A_365 : vector<16xf32>, vector<16xi1> -> vector<16xf32>
      %reduce_max3A_367 = vector.extract %reduce_max3A_366[15] : f32 from vector<16xf32>
      %broadcast_in_dim3A_368 = vector.broadcast %reduce_max3A_367 : f32 to vector<16xf32>
      %select_n3A = arith.select %eq3A_364, %broadcast_in_dim3A_368, %scan3A_354 : vector<16xi1>, vector<16xf32>
      scf.yield %select_n3A : vector<16xf32>
    }
    %scan3A_114 = arith.constant 16 : i32
    %scan3A_115 = arith.constant 0 : i32
    %scan3A_116 = arith.constant 64 : i32
    %scan3A_117 = arith.addi %scan3A_115, %scan3A_116 : i32
    %scan3A_118 = arith.constant 1 : i32
    %scan3A_119 = scf.for %scan3A_353 = %scan3A_115 to %scan3A_117 step %scan3A_118 iter_args(%scan3A_354 = %scan3A_113) -> (vector<16xf32>)  : i32 {
      %iota3A_355 = tpu.iota {dimensions = array<i32: 0>} : vector<16xi32>
      %xor3A = arith.constant 1 : i32
      %xor3A_356 = vector.broadcast %xor3A : i32 to vector<16xi32>
      %xor3A_357 = arith.xori %iota3A_355, %xor3A_356 : vector<16xi32>
      %broadcast_in_dim3A_358 = vector.shape_cast %xor3A_357 : vector<16xi32> to vector<16x1xi32>
      %gather3A = vector.shape_cast %broadcast_in_dim3A_358 : vector<16x1xi32> to vector<16xi32>
      %gather3A_359 = tpu.dynamic_gather %scan3A_354[%gather3A] in [0] : vector<16xf32>, vector<16xi32> -> vector<16xf32>
      %max3A = arith.maximumf %scan3A_354, %gather3A_359 : vector<16xf32>
      %xor3A_360 = arith.constant 2 : i32
      %xor3A_361 = vector.broadcast %xor3A_360 : i32 to vector<16xi32>
      %xor3A_362 = arith.xori %iota3A_355, %xor3A_361 : vector<16xi32>
      %broadcast_in_dim3A_363 = vector.shape_cast %xor3A_362 : vector<16xi32> to vector<16x1xi32>
      %gather3A_364 = vector.shape_cast %broadcast_in_dim3A_363 : vector<16x1xi32> to vector<16xi32>
      %gather3A_365 = tpu.dynamic_gather %max3A[%gather3A_364] in [0] : vector<16xf32>, vector<16xi32> -> vector<16xf32>
      %max3A_366 = arith.maximumf %max3A, %gather3A_365 : vector<16xf32>
      %xor3A_367 = arith.constant 4 : i32
      %xor3A_368 = vector.broadcast %xor3A_367 : i32 to vector<16xi32>
      %xor3A_369 = arith.xori %iota3A_355, %xor3A_368 : vector<16xi32>
      %broadcast_in_dim3A_370 = vector.shape_cast %xor3A_369 : vector<16xi32> to vector<16x1xi32>
      %gather3A_371 = vector.shape_cast %broadcast_in_dim3A_370 : vector<16x1xi32> to vector<16xi32>
      %gather3A_372 = tpu.dynamic_gather %max3A_366[%gather3A_371] in [0] : vector<16xf32>, vector<16xi32> -> vector<16xf32>
      %max3A_373 = arith.maximumf %max3A_366, %gather3A_372 : vector<16xf32>
      %xor3A_374 = arith.constant 8 : i32
      %xor3A_375 = vector.broadcast %xor3A_374 : i32 to vector<16xi32>
      %xor3A_376 = arith.xori %iota3A_355, %xor3A_375 : vector<16xi32>
      %broadcast_in_dim3A_377 = vector.shape_cast %xor3A_376 : vector<16xi32> to vector<16x1xi32>
      %gather3A_378 = vector.shape_cast %broadcast_in_dim3A_377 : vector<16x1xi32> to vector<16xi32>
      %gather3A_379 = tpu.dynamic_gather %max3A_373[%gather3A_378] in [0] : vector<16xf32>, vector<16xi32> -> vector<16xf32>
      %max3A_380 = arith.maximumf %max3A_373, %gather3A_379 : vector<16xf32>
      %eq3A = arith.cmpf oeq, %scan3A_354, %max3A_380 : vector<16xf32>
      %jit3A = arith.constant 1073741824 : i32
      %broadcast_in_dim3A_381 = vector.broadcast %jit3A : i32 to vector<16xi32>
      %select_n3A = arith.select %eq3A, %iota3A_106, %broadcast_in_dim3A_381 : vector<16xi1>, vector<16xi32>
      %iota3A_382 = tpu.iota {dimensions = array<i32: 0>} : vector<16xi32>
      %xor3A_383 = arith.constant 1 : i32
      %xor3A_384 = vector.broadcast %xor3A_383 : i32 to vector<16xi32>
      %xor3A_385 = arith.xori %iota3A_382, %xor3A_384 : vector<16xi32>
      %broadcast_in_dim3A_386 = vector.shape_cast %xor3A_385 : vector<16xi32> to vector<16x1xi32>
      %gather3A_387 = vector.shape_cast %broadcast_in_dim3A_386 : vector<16x1xi32> to vector<16xi32>
      %gather3A_388 = tpu.dynamic_gather %select_n3A[%gather3A_387] in [0] : vector<16xi32>, vector<16xi32> -> vector<16xi32>
      %min3A = arith.minsi %select_n3A, %gather3A_388 : vector<16xi32>
      %xor3A_389 = arith.constant 2 : i32
      %xor3A_390 = vector.broadcast %xor3A_389 : i32 to vector<16xi32>
      %xor3A_391 = arith.xori %iota3A_382, %xor3A_390 : vector<16xi32>
      %broadcast_in_dim3A_392 = vector.shape_cast %xor3A_391 : vector<16xi32> to vector<16x1xi32>
      %gather3A_393 = vector.shape_cast %broadcast_in_dim3A_392 : vector<16x1xi32> to vector<16xi32>
      %gather3A_394 = tpu.dynamic_gather %min3A[%gather3A_393] in [0] : vector<16xi32>, vector<16xi32> -> vector<16xi32>
      %min3A_395 = arith.minsi %min3A, %gather3A_394 : vector<16xi32>
      %xor3A_396 = arith.constant 4 : i32
      %xor3A_397 = vector.broadcast %xor3A_396 : i32 to vector<16xi32>
      %xor3A_398 = arith.xori %iota3A_382, %xor3A_397 : vector<16xi32>
      %broadcast_in_dim3A_399 = vector.shape_cast %xor3A_398 : vector<16xi32> to vector<16x1xi32>
      %gather3A_400 = vector.shape_cast %broadcast_in_dim3A_399 : vector<16x1xi32> to vector<16xi32>
      %gather3A_401 = tpu.dynamic_gather %min3A_395[%gather3A_400] in [0] : vector<16xi32>, vector<16xi32> -> vector<16xi32>
      %min3A_402 = arith.minsi %min3A_395, %gather3A_401 : vector<16xi32>
      %xor3A_403 = arith.constant 8 : i32
      %xor3A_404 = vector.broadcast %xor3A_403 : i32 to vector<16xi32>
      %xor3A_405 = arith.xori %iota3A_382, %xor3A_404 : vector<16xi32>
      %broadcast_in_dim3A_406 = vector.shape_cast %xor3A_405 : vector<16xi32> to vector<16x1xi32>
      %gather3A_407 = vector.shape_cast %broadcast_in_dim3A_406 : vector<16x1xi32> to vector<16xi32>
      %gather3A_408 = tpu.dynamic_gather %min3A_402[%gather3A_407] in [0] : vector<16xi32>, vector<16xi32> -> vector<16xi32>
      %min3A_409 = arith.minsi %min3A_402, %gather3A_408 : vector<16xi32>
      %mul3A_410 = arith.constant 16 : i32
      %mul3A_411 = vector.broadcast %mul3A_410 : i32 to vector<16xi32>
      %mul3A_412 = arith.muli %min3A_409, %mul3A_411 : vector<16xi32>
      %add3A_413 = arith.addi %mul3A_412, %iota3A_106 : vector<16xi32>
      %gather3A_414 = tpu.vector_load_idx %arg6[%add3A_413] : memref<256xf32, #tpu.memory_space<vmem>>[vector<16xi32>], vector<16xf32>,
      %eq3A_415 = arith.cmpf oeq, %gather3A_414, %max3A_380 : vector<16xf32>
      %mul3A_416 = arith.constant 16 : i32
      %mul3A_417 = vector.broadcast %mul3A_416 : i32 to vector<16xi32>
      %mul3A_418 = arith.muli %min3A_409, %mul3A_417 : vector<16xi32>
      %add3A_419 = arith.addi %mul3A_418, %iota3A_106 : vector<16xi32>
      %jit3A_420 = arith.constant 1073741824 : i32
      %broadcast_in_dim3A_421 = vector.broadcast %jit3A_420 : i32 to vector<16xi32>
      %select_n3A_422 = arith.select %eq3A_415, %add3A_419, %broadcast_in_dim3A_421 : vector<16xi1>, vector<16xi32>
      %iota3A_423 = tpu.iota {dimensions = array<i32: 0>} : vector<16xi32>
      %xor3A_424 = arith.constant 1 : i32
      %xor3A_425 = vector.broadcast %xor3A_424 : i32 to vector<16xi32>
      %xor3A_426 = arith.xori %iota3A_423, %xor3A_425 : vector<16xi32>
      %broadcast_in_dim3A_427 = vector.shape_cast %xor3A_426 : vector<16xi32> to vector<16x1xi32>
      %gather3A_428 = vector.shape_cast %broadcast_in_dim3A_427 : vector<16x1xi32> to vector<16xi32>
      %gather3A_429 = tpu.dynamic_gather %select_n3A_422[%gather3A_428] in [0] : vector<16xi32>, vector<16xi32> -> vector<16xi32>
      %min3A_430 = arith.minsi %select_n3A_422, %gather3A_429 : vector<16xi32>
      %xor3A_431 = arith.constant 2 : i32
      %xor3A_432 = vector.broadcast %xor3A_431 : i32 to vector<16xi32>
      %xor3A_433 = arith.xori %iota3A_423, %xor3A_432 : vector<16xi32>
      %broadcast_in_dim3A_434 = vector.shape_cast %xor3A_433 : vector<16xi32> to vector<16x1xi32>
      %gather3A_435 = vector.shape_cast %broadcast_in_dim3A_434 : vector<16x1xi32> to vector<16xi32>
      %gather3A_436 = tpu.dynamic_gather %min3A_430[%gather3A_435] in [0] : vector<16xi32>, vector<16xi32> -> vector<16xi32>
      %min3A_437 = arith.minsi %min3A_430, %gather3A_436 : vector<16xi32>
      %xor3A_438 = arith.constant 4 : i32
      %xor3A_439 = vector.broadcast %xor3A_438 : i32 to vector<16xi32>
      %xor3A_440 = arith.xori %iota3A_423, %xor3A_439 : vector<16xi32>
      %broadcast_in_dim3A_441 = vector.shape_cast %xor3A_440 : vector<16xi32> to vector<16x1xi32>
      %gather3A_442 = vector.shape_cast %broadcast_in_dim3A_441 : vector<16x1xi32> to vector<16xi32>
      %gather3A_443 = tpu.dynamic_gather %min3A_437[%gather3A_442] in [0] : vector<16xi32>, vector<16xi32> -> vector<16xi32>
      %min3A_444 = arith.minsi %min3A_437, %gather3A_443 : vector<16xi32>
      %xor3A_445 = arith.constant 8 : i32
      %xor3A_446 = vector.broadcast %xor3A_445 : i32 to vector<16xi32>
      %xor3A_447 = arith.xori %iota3A_423, %xor3A_446 : vector<16xi32>
      %broadcast_in_dim3A_448 = vector.shape_cast %xor3A_447 : vector<16xi32> to vector<16x1xi32>
      %gather3A_449 = vector.shape_cast %broadcast_in_dim3A_448 : vector<16x1xi32> to vector<16xi32>
      %gather3A_450 = tpu.dynamic_gather %min3A_444[%gather3A_449] in [0] : vector<16xi32>, vector<16xi32> -> vector<16xi32>
      %min3A_451 = arith.minsi %min3A_444, %gather3A_450 : vector<16xi32>
      %mul3A_452 = arith.constant 128 : i32
      %mul3A_453 = vector.broadcast %mul3A_452 : i32 to vector<16xi32>
      %mul3A_454 = arith.muli %min3A_451, %mul3A_453 : vector<16xi32>
      %add3A_455 = arith.addi %mul3A_454, %iota3A_106 : vector<16xi32>
      %add3A_456 = arith.constant 0 : i32
      %add3A_457 = vector.broadcast %add3A_456 : i32 to vector<16xi32>
      %add3A_458 = arith.addi %add3A_455, %add3A_457 : vector<16xi32>
      %add3A_459 = arith.addi %mul3A_454, %iota3A_106 : vector<16xi32>
      %add3A_460 = arith.constant 16 : i32
      %add3A_461 = vector.broadcast %add3A_460 : i32 to vector<16xi32>
      %add3A_462 = arith.addi %add3A_459, %add3A_461 : vector<16xi32>
      %add3A_463 = arith.addi %mul3A_454, %iota3A_106 : vector<16xi32>
      %add3A_464 = arith.constant 32 : i32
      %add3A_465 = vector.broadcast %add3A_464 : i32 to vector<16xi32>
      %add3A_466 = arith.addi %add3A_463, %add3A_465 : vector<16xi32>
      %add3A_467 = arith.addi %mul3A_454, %iota3A_106 : vector<16xi32>
      %add3A_468 = arith.constant 48 : i32
      %add3A_469 = vector.broadcast %add3A_468 : i32 to vector<16xi32>
      %add3A_470 = arith.addi %add3A_467, %add3A_469 : vector<16xi32>
      %add3A_471 = arith.addi %mul3A_454, %iota3A_106 : vector<16xi32>
      %add3A_472 = arith.constant 64 : i32
      %add3A_473 = vector.broadcast %add3A_472 : i32 to vector<16xi32>
      %add3A_474 = arith.addi %add3A_471, %add3A_473 : vector<16xi32>
      %add3A_475 = arith.addi %mul3A_454, %iota3A_106 : vector<16xi32>
      %add3A_476 = arith.constant 80 : i32
      %add3A_477 = vector.broadcast %add3A_476 : i32 to vector<16xi32>
      %add3A_478 = arith.addi %add3A_475, %add3A_477 : vector<16xi32>
      %add3A_479 = arith.addi %mul3A_454, %iota3A_106 : vector<16xi32>
      %add3A_480 = arith.constant 96 : i32
      %add3A_481 = vector.broadcast %add3A_480 : i32 to vector<16xi32>
      %add3A_482 = arith.addi %add3A_479, %add3A_481 : vector<16xi32>
      %add3A_483 = arith.addi %mul3A_454, %iota3A_106 : vector<16xi32>
      %add3A_484 = arith.constant 112 : i32
      %add3A_485 = vector.broadcast %add3A_484 : i32 to vector<16xi32>
      %add3A_486 = arith.addi %add3A_483, %add3A_485 : vector<16xi32>
      %gather3A_487 = tpu.vector_load_idx %arg5[%add3A_458] : memref<32768xf32, #tpu.memory_space<vmem>>[vector<16xi32>], vector<16xf32>,
      %gather3A_488 = tpu.vector_load_idx %arg5[%add3A_462] : memref<32768xf32, #tpu.memory_space<vmem>>[vector<16xi32>], vector<16xf32>,
      %gather3A_489 = tpu.vector_load_idx %arg5[%add3A_466] : memref<32768xf32, #tpu.memory_space<vmem>>[vector<16xi32>], vector<16xf32>,
      %gather3A_490 = tpu.vector_load_idx %arg5[%add3A_470] : memref<32768xf32, #tpu.memory_space<vmem>>[vector<16xi32>], vector<16xf32>,
      %gather3A_491 = tpu.vector_load_idx %arg5[%add3A_474] : memref<32768xf32, #tpu.memory_space<vmem>>[vector<16xi32>], vector<16xf32>,
      %gather3A_492 = tpu.vector_load_idx %arg5[%add3A_478] : memref<32768xf32, #tpu.memory_space<vmem>>[vector<16xi32>], vector<16xf32>,
      %gather3A_493 = tpu.vector_load_idx %arg5[%add3A_482] : memref<32768xf32, #tpu.memory_space<vmem>>[vector<16xi32>], vector<16xf32>,
      %gather3A_494 = tpu.vector_load_idx %arg5[%add3A_486] : memref<32768xf32, #tpu.memory_space<vmem>>[vector<16xi32>], vector<16xf32>,
      %broadcast_in_dim3A_495 = arith.constant 1073741824 : i32
      %broadcast_in_dim3A_496 = vector.broadcast %broadcast_in_dim3A_495 : i32 to vector<16xi32>
      %eq3A_497 = arith.cmpf oeq, %gather3A_487, %max3A_380 : vector<16xf32>
      %jit3A_498 = arith.constant 1073741824 : i32
      %broadcast_in_dim3A_499 = vector.broadcast %jit3A_498 : i32 to vector<16xi32>
      %select_n3A_500 = arith.select %eq3A_497, %add3A_458, %broadcast_in_dim3A_499 : vector<16xi1>, vector<16xi32>
      %min3A_501 = arith.minsi %broadcast_in_dim3A_496, %select_n3A_500 : vector<16xi32>
      %eq3A_502 = arith.cmpf oeq, %gather3A_488, %max3A_380 : vector<16xf32>
      %jit3A_503 = arith.constant 1073741824 : i32
      %broadcast_in_dim3A_504 = vector.broadcast %jit3A_503 : i32 to vector<16xi32>
      %select_n3A_505 = arith.select %eq3A_502, %add3A_462, %broadcast_in_dim3A_504 : vector<16xi1>, vector<16xi32>
      %min3A_506 = arith.minsi %min3A_501, %select_n3A_505 : vector<16xi32>
      %eq3A_507 = arith.cmpf oeq, %gather3A_489, %max3A_380 : vector<16xf32>
      %jit3A_508 = arith.constant 1073741824 : i32
      %broadcast_in_dim3A_509 = vector.broadcast %jit3A_508 : i32 to vector<16xi32>
      %select_n3A_510 = arith.select %eq3A_507, %add3A_466, %broadcast_in_dim3A_509 : vector<16xi1>, vector<16xi32>
      %min3A_511 = arith.minsi %min3A_506, %select_n3A_510 : vector<16xi32>
      %eq3A_512 = arith.cmpf oeq, %gather3A_490, %max3A_380 : vector<16xf32>
      %jit3A_513 = arith.constant 1073741824 : i32
      %broadcast_in_dim3A_514 = vector.broadcast %jit3A_513 : i32 to vector<16xi32>
      %select_n3A_515 = arith.select %eq3A_512, %add3A_470, %broadcast_in_dim3A_514 : vector<16xi1>, vector<16xi32>
      %min3A_516 = arith.minsi %min3A_511, %select_n3A_515 : vector<16xi32>
      %eq3A_517 = arith.cmpf oeq, %gather3A_491, %max3A_380 : vector<16xf32>
      %jit3A_518 = arith.constant 1073741824 : i32
      %broadcast_in_dim3A_519 = vector.broadcast %jit3A_518 : i32 to vector<16xi32>
      %select_n3A_520 = arith.select %eq3A_517, %add3A_474, %broadcast_in_dim3A_519 : vector<16xi1>, vector<16xi32>
      %min3A_521 = arith.minsi %min3A_516, %select_n3A_520 : vector<16xi32>
      %eq3A_522 = arith.cmpf oeq, %gather3A_492, %max3A_380 : vector<16xf32>
      %jit3A_523 = arith.constant 1073741824 : i32
      %broadcast_in_dim3A_524 = vector.broadcast %jit3A_523 : i32 to vector<16xi32>
      %select_n3A_525 = arith.select %eq3A_522, %add3A_478, %broadcast_in_dim3A_524 : vector<16xi1>, vector<16xi32>
      %min3A_526 = arith.minsi %min3A_521, %select_n3A_525 : vector<16xi32>
      %eq3A_527 = arith.cmpf oeq, %gather3A_493, %max3A_380 : vector<16xf32>
      %jit3A_528 = arith.constant 1073741824 : i32
      %broadcast_in_dim3A_529 = vector.broadcast %jit3A_528 : i32 to vector<16xi32>
      %select_n3A_530 = arith.select %eq3A_527, %add3A_482, %broadcast_in_dim3A_529 : vector<16xi1>, vector<16xi32>
      %min3A_531 = arith.minsi %min3A_526, %select_n3A_530 : vector<16xi32>
      %eq3A_532 = arith.cmpf oeq, %gather3A_494, %max3A_380 : vector<16xf32>
      %jit3A_533 = arith.constant 1073741824 : i32
      %broadcast_in_dim3A_534 = vector.broadcast %jit3A_533 : i32 to vector<16xi32>
      %select_n3A_535 = arith.select %eq3A_532, %add3A_486, %broadcast_in_dim3A_534 : vector<16xi1>, vector<16xi32>
      %min3A_536 = arith.minsi %min3A_531, %select_n3A_535 : vector<16xi32>
      %iota3A_537 = tpu.iota {dimensions = array<i32: 0>} : vector<16xi32>
      %xor3A_538 = arith.constant 1 : i32
      %xor3A_539 = vector.broadcast %xor3A_538 : i32 to vector<16xi32>
      %xor3A_540 = arith.xori %iota3A_537, %xor3A_539 : vector<16xi32>
      %broadcast_in_dim3A_541 = vector.shape_cast %xor3A_540 : vector<16xi32> to vector<16x1xi32>
      %gather3A_542 = vector.shape_cast %broadcast_in_dim3A_541 : vector<16x1xi32> to vector<16xi32>
      %gather3A_543 = tpu.dynamic_gather %min3A_536[%gather3A_542] in [0] : vector<16xi32>, vector<16xi32> -> vector<16xi32>
      %min3A_544 = arith.minsi %min3A_536, %gather3A_543 : vector<16xi32>
      %xor3A_545 = arith.constant 2 : i32
      %xor3A_546 = vector.broadcast %xor3A_545 : i32 to vector<16xi32>
      %xor3A_547 = arith.xori %iota3A_537, %xor3A_546 : vector<16xi32>
      %broadcast_in_dim3A_548 = vector.shape_cast %xor3A_547 : vector<16xi32> to vector<16x1xi32>
      %gather3A_549 = vector.shape_cast %broadcast_in_dim3A_548 : vector<16x1xi32> to vector<16xi32>
      %gather3A_550 = tpu.dynamic_gather %min3A_544[%gather3A_549] in [0] : vector<16xi32>, vector<16xi32> -> vector<16xi32>
      %min3A_551 = arith.minsi %min3A_544, %gather3A_550 : vector<16xi32>
      %xor3A_552 = arith.constant 4 : i32
      %xor3A_553 = vector.broadcast %xor3A_552 : i32 to vector<16xi32>
      %xor3A_554 = arith.xori %iota3A_537, %xor3A_553 : vector<16xi32>
      %broadcast_in_dim3A_555 = vector.shape_cast %xor3A_554 : vector<16xi32> to vector<16x1xi32>
      %gather3A_556 = vector.shape_cast %broadcast_in_dim3A_555 : vector<16x1xi32> to vector<16xi32>
      %gather3A_557 = tpu.dynamic_gather %min3A_551[%gather3A_556] in [0] : vector<16xi32>, vector<16xi32> -> vector<16xi32>
      %min3A_558 = arith.minsi %min3A_551, %gather3A_557 : vector<16xi32>
      %xor3A_559 = arith.constant 8 : i32
      %xor3A_560 = vector.broadcast %xor3A_559 : i32 to vector<16xi32>
      %xor3A_561 = arith.xori %iota3A_537, %xor3A_560 : vector<16xi32>
      %broadcast_in_dim3A_562 = vector.shape_cast %xor3A_561 : vector<16xi32> to vector<16x1xi32>
      %gather3A_563 = vector.shape_cast %broadcast_in_dim3A_562 : vector<16x1xi32> to vector<16xi32>
      %gather3A_564 = tpu.dynamic_gather %min3A_558[%gather3A_563] in [0] : vector<16xi32>, vector<16xi32> -> vector<16xi32>
      %min3A_565 = arith.minsi %min3A_558, %gather3A_564 : vector<16xi32>
      %eq3A_566 = arith.cmpi eq, %add3A_458, %min3A_565 : vector<16xi32>
      %jit3A_567 = arith.constant 0xFF800000 : f32
      %broadcast_in_dim3A_568 = vector.broadcast %jit3A_567 : f32 to vector<16xf32>
      %select_n3A_569 = arith.select %eq3A_566, %broadcast_in_dim3A_568, %gather3A_487 : vector<16xi1>, vector<16xf32>
      tpu.vector_store_idx %arg5[%add3A_458], %select_n3A_569 : memref<32768xf32, #tpu.memory_space<vmem>>[vector<16xi32>], vector<16xf32>,
      %max3A_570 = arith.maximumf %broadcast_in_dim3A_108, %select_n3A_569 : vector<16xf32>
      %eq3A_571 = arith.cmpi eq, %add3A_462, %min3A_565 : vector<16xi32>
      %jit3A_572 = arith.constant 0xFF800000 : f32
      %broadcast_in_dim3A_573 = vector.broadcast %jit3A_572 : f32 to vector<16xf32>
      %select_n3A_574 = arith.select %eq3A_571, %broadcast_in_dim3A_573, %gather3A_488 : vector<16xi1>, vector<16xf32>
      tpu.vector_store_idx %arg5[%add3A_462], %select_n3A_574 : memref<32768xf32, #tpu.memory_space<vmem>>[vector<16xi32>], vector<16xf32>,
      %max3A_575 = arith.maximumf %max3A_570, %select_n3A_574 : vector<16xf32>
      %eq3A_576 = arith.cmpi eq, %add3A_466, %min3A_565 : vector<16xi32>
      %jit3A_577 = arith.constant 0xFF800000 : f32
      %broadcast_in_dim3A_578 = vector.broadcast %jit3A_577 : f32 to vector<16xf32>
      %select_n3A_579 = arith.select %eq3A_576, %broadcast_in_dim3A_578, %gather3A_489 : vector<16xi1>, vector<16xf32>
      tpu.vector_store_idx %arg5[%add3A_466], %select_n3A_579 : memref<32768xf32, #tpu.memory_space<vmem>>[vector<16xi32>], vector<16xf32>,
      %max3A_580 = arith.maximumf %max3A_575, %select_n3A_579 : vector<16xf32>
      %eq3A_581 = arith.cmpi eq, %add3A_470, %min3A_565 : vector<16xi32>
      %jit3A_582 = arith.constant 0xFF800000 : f32
      %broadcast_in_dim3A_583 = vector.broadcast %jit3A_582 : f32 to vector<16xf32>
      %select_n3A_584 = arith.select %eq3A_581, %broadcast_in_dim3A_583, %gather3A_490 : vector<16xi1>, vector<16xf32>
      tpu.vector_store_idx %arg5[%add3A_470], %select_n3A_584 : memref<32768xf32, #tpu.memory_space<vmem>>[vector<16xi32>], vector<16xf32>,
      %max3A_585 = arith.maximumf %max3A_580, %select_n3A_584 : vector<16xf32>
      %eq3A_586 = arith.cmpi eq, %add3A_474, %min3A_565 : vector<16xi32>
      %jit3A_587 = arith.constant 0xFF800000 : f32
      %broadcast_in_dim3A_588 = vector.broadcast %jit3A_587 : f32 to vector<16xf32>
      %select_n3A_589 = arith.select %eq3A_586, %broadcast_in_dim3A_588, %gather3A_491 : vector<16xi1>, vector<16xf32>
      tpu.vector_store_idx %arg5[%add3A_474], %select_n3A_589 : memref<32768xf32, #tpu.memory_space<vmem>>[vector<16xi32>], vector<16xf32>,
      %max3A_590 = arith.maximumf %max3A_585, %select_n3A_589 : vector<16xf32>
      %eq3A_591 = arith.cmpi eq, %add3A_478, %min3A_565 : vector<16xi32>
      %jit3A_592 = arith.constant 0xFF800000 : f32
      %broadcast_in_dim3A_593 = vector.broadcast %jit3A_592 : f32 to vector<16xf32>
      %select_n3A_594 = arith.select %eq3A_591, %broadcast_in_dim3A_593, %gather3A_492 : vector<16xi1>, vector<16xf32>
      tpu.vector_store_idx %arg5[%add3A_478], %select_n3A_594 : memref<32768xf32, #tpu.memory_space<vmem>>[vector<16xi32>], vector<16xf32>,
      %max3A_595 = arith.maximumf %max3A_590, %select_n3A_594 : vector<16xf32>
      %eq3A_596 = arith.cmpi eq, %add3A_482, %min3A_565 : vector<16xi32>
      %jit3A_597 = arith.constant 0xFF800000 : f32
      %broadcast_in_dim3A_598 = vector.broadcast %jit3A_597 : f32 to vector<16xf32>
      %select_n3A_599 = arith.select %eq3A_596, %broadcast_in_dim3A_598, %gather3A_493 : vector<16xi1>, vector<16xf32>
      tpu.vector_store_idx %arg5[%add3A_482], %select_n3A_599 : memref<32768xf32, #tpu.memory_space<vmem>>[vector<16xi32>], vector<16xf32>,
      %max3A_600 = arith.maximumf %max3A_595, %select_n3A_599 : vector<16xf32>
      %eq3A_601 = arith.cmpi eq, %add3A_486, %min3A_565 : vector<16xi32>
      %jit3A_602 = arith.constant 0xFF800000 : f32
      %broadcast_in_dim3A_603 = vector.broadcast %jit3A_602 : f32 to vector<16xf32>
      %select_n3A_604 = arith.select %eq3A_601, %broadcast_in_dim3A_603, %gather3A_494 : vector<16xi1>, vector<16xf32>
      tpu.vector_store_idx %arg5[%add3A_486], %select_n3A_604 : memref<32768xf32, #tpu.memory_space<vmem>>[vector<16xi32>], vector<16xf32>,
      %max3A_605 = arith.maximumf %max3A_600, %select_n3A_604 : vector<16xf32>
      %mul3A_606 = arith.constant 16 : i32
      %mul3A_607 = vector.broadcast %mul3A_606 : i32 to vector<16xi32>
      %mul3A_608 = arith.muli %min3A_409, %mul3A_607 : vector<16xi32>
      %add3A_609 = arith.addi %mul3A_608, %iota3A_106 : vector<16xi32>
      %eq3A_610 = arith.cmpi eq, %add3A_609, %min3A_451 : vector<16xi32>
      %iota3A_611 = tpu.iota {dimensions = array<i32: 0>} : vector<16xi32>
      %xor3A_612 = arith.constant 1 : i32
      %xor3A_613 = vector.broadcast %xor3A_612 : i32 to vector<16xi32>
      %xor3A_614 = arith.xori %iota3A_611, %xor3A_613 : vector<16xi32>
      %broadcast_in_dim3A_615 = vector.shape_cast %xor3A_614 : vector<16xi32> to vector<16x1xi32>
      %gather3A_616 = vector.shape_cast %broadcast_in_dim3A_615 : vector<16x1xi32> to vector<16xi32>
      %gather3A_617 = tpu.dynamic_gather %max3A_605[%gather3A_616] in [0] : vector<16xf32>, vector<16xi32> -> vector<16xf32>
      %max3A_618 = arith.maximumf %max3A_605, %gather3A_617 : vector<16xf32>
      %xor3A_619 = arith.constant 2 : i32
      %xor3A_620 = vector.broadcast %xor3A_619 : i32 to vector<16xi32>
      %xor3A_621 = arith.xori %iota3A_611, %xor3A_620 : vector<16xi32>
      %broadcast_in_dim3A_622 = vector.shape_cast %xor3A_621 : vector<16xi32> to vector<16x1xi32>
      %gather3A_623 = vector.shape_cast %broadcast_in_dim3A_622 : vector<16x1xi32> to vector<16xi32>
      %gather3A_624 = tpu.dynamic_gather %max3A_618[%gather3A_623] in [0] : vector<16xf32>, vector<16xi32> -> vector<16xf32>
      %max3A_625 = arith.maximumf %max3A_618, %gather3A_624 : vector<16xf32>
      %xor3A_626 = arith.constant 4 : i32
      %xor3A_627 = vector.broadcast %xor3A_626 : i32 to vector<16xi32>
      %xor3A_628 = arith.xori %iota3A_611, %xor3A_627 : vector<16xi32>
      %broadcast_in_dim3A_629 = vector.shape_cast %xor3A_628 : vector<16xi32> to vector<16x1xi32>
      %gather3A_630 = vector.shape_cast %broadcast_in_dim3A_629 : vector<16x1xi32> to vector<16xi32>
      %gather3A_631 = tpu.dynamic_gather %max3A_625[%gather3A_630] in [0] : vector<16xf32>, vector<16xi32> -> vector<16xf32>
      %max3A_632 = arith.maximumf %max3A_625, %gather3A_631 : vector<16xf32>
      %xor3A_633 = arith.constant 8 : i32
      %xor3A_634 = vector.broadcast %xor3A_633 : i32 to vector<16xi32>
      %xor3A_635 = arith.xori %iota3A_611, %xor3A_634 : vector<16xi32>
      %broadcast_in_dim3A_636 = vector.shape_cast %xor3A_635 : vector<16xi32> to vector<16x1xi32>
      %gather3A_637 = vector.shape_cast %broadcast_in_dim3A_636 : vector<16x1xi32> to vector<16xi32>
      %gather3A_638 = tpu.dynamic_gather %max3A_632[%gather3A_637] in [0] : vector<16xf32>, vector<16xi32> -> vector<16xf32>
      %max3A_639 = arith.maximumf %max3A_632, %gather3A_638 : vector<16xf32>
      %select_n3A_640 = arith.select %eq3A_610, %max3A_639, %gather3A_414 : vector<16xi1>, vector<16xf32>
      %mul3A_641 = arith.constant 16 : i32
      %mul3A_642 = vector.broadcast %mul3A_641 : i32 to vector<16xi32>
      %mul3A_643 = arith.muli %min3A_409, %mul3A_642 : vector<16xi32>
      %add3A_644 = arith.addi %mul3A_643, %iota3A_106 : vector<16xi32>
      tpu.vector_store_idx %arg6[%add3A_644], %select_n3A_640 : memref<256xf32, #tpu.memory_space<vmem>>[vector<16xi32>], vector<16xf32>,
      %broadcast_in_dim3A_645 = vector.broadcast %scan3A_353 : i32 to vector<16xi32>
      %eq3A_646 = arith.constant 0 : i32
      %eq3A_647 = vector.broadcast %eq3A_646 : i32 to vector<16xi32>
      %eq3A_648 = arith.cmpi eq, %iota3A_106, %eq3A_647 : vector<16xi32>
      tpu.vector_store_idx %arg7[%broadcast_in_dim3A_645], %max3A_380 masked %eq3A_648 : memref<64xf32, #tpu.memory_space<vmem>>[vector<16xi32>], vector<16xf32>, vector<16xi1>
      tpu.vector_store_idx %arg8[%broadcast_in_dim3A_645], %min3A_565 masked %eq3A_648 : memref<64xi32, #tpu.memory_space<vmem>>[vector<16xi32>], vector<16xi32>, vector<16xi1>
      %eq3A_649 = arith.cmpi eq, %iota3A_106, %min3A_409 : vector<16xi32>
      %iota3A_650 = tpu.iota {dimensions = array<i32: 0>} : vector<16xi32>
      %xor3A_651 = arith.constant 1 : i32
      %xor3A_652 = vector.broadcast %xor3A_651 : i32 to vector<16xi32>
      %xor3A_653 = arith.xori %iota3A_650, %xor3A_652 : vector<16xi32>
      %broadcast_in_dim3A_654 = vector.shape_cast %xor3A_653 : vector<16xi32> to vector<16x1xi32>
      %gather3A_655 = vector.shape_cast %broadcast_in_dim3A_654 : vector<16x1xi32> to vector<16xi32>
      %gather3A_656 = tpu.dynamic_gather %select_n3A_640[%gather3A_655] in [0] : vector<16xf32>, vector<16xi32> -> vector<16xf32>
      %max3A_657 = arith.maximumf %select_n3A_640, %gather3A_656 : vector<16xf32>
      %xor3A_658 = arith.constant 2 : i32
      %xor3A_659 = vector.broadcast %xor3A_658 : i32 to vector<16xi32>
      %xor3A_660 = arith.xori %iota3A_650, %xor3A_659 : vector<16xi32>
      %broadcast_in_dim3A_661 = vector.shape_cast %xor3A_660 : vector<16xi32> to vector<16x1xi32>
      %gather3A_662 = vector.shape_cast %broadcast_in_dim3A_661 : vector<16x1xi32> to vector<16xi32>
      %gather3A_663 = tpu.dynamic_gather %max3A_657[%gather3A_662] in [0] : vector<16xf32>, vector<16xi32> -> vector<16xf32>
      %max3A_664 = arith.maximumf %max3A_657, %gather3A_663 : vector<16xf32>
      %xor3A_665 = arith.constant 4 : i32
      %xor3A_666 = vector.broadcast %xor3A_665 : i32 to vector<16xi32>
      %xor3A_667 = arith.xori %iota3A_650, %xor3A_666 : vector<16xi32>
      %broadcast_in_dim3A_668 = vector.shape_cast %xor3A_667 : vector<16xi32> to vector<16x1xi32>
      %gather3A_669 = vector.shape_cast %broadcast_in_dim3A_668 : vector<16x1xi32> to vector<16xi32>
      %gather3A_670 = tpu.dynamic_gather %max3A_664[%gather3A_669] in [0] : vector<16xf32>, vector<16xi32> -> vector<16xf32>
      %max3A_671 = arith.maximumf %max3A_664, %gather3A_670 : vector<16xf32>
      %xor3A_672 = arith.constant 8 : i32
      %xor3A_673 = vector.broadcast %xor3A_672 : i32 to vector<16xi32>
      %xor3A_674 = arith.xori %iota3A_650, %xor3A_673 : vector<16xi32>
      %broadcast_in_dim3A_675 = vector.shape_cast %xor3A_674 : vector<16xi32> to vector<16x1xi32>
      %gather3A_676 = vector.shape_cast %broadcast_in_dim3A_675 : vector<16x1xi32> to vector<16xi32>
      %gather3A_677 = tpu.dynamic_gather %max3A_671[%gather3A_676] in [0] : vector<16xf32>, vector<16xi32> -> vector<16xf32>
      %max3A_678 = arith.maximumf %max3A_671, %gather3A_677 : vector<16xf32>
      %select_n3A_679 = arith.select %eq3A_649, %max3A_678, %scan3A_354 : vector<16xi1>, vector<16xf32>
      scf.yield %select_n3A_679 : vector<16xf32>
    }
    %scan3A_120 = arith.constant 64 : i32
    %get3A_121 = arith.constant 0 : index
    %get3A_122 = tpu.vector_load %arg8[%get3A_121] {strides = array<i32>} : memref<64xi32, #tpu.memory_space<vmem>>, vector<16xi32>,
    %get3A_123 = arith.constant 16 : index
    %get3A_124 = tpu.vector_load %arg8[%get3A_123] {strides = array<i32>} : memref<64xi32, #tpu.memory_space<vmem>>, vector<16xi32>,
    %get3A_125 = arith.constant 32 : index
    %get3A_126 = tpu.vector_load %arg8[%get3A_125] {strides = array<i32>} : memref<64xi32, #tpu.memory_space<vmem>>, vector<16xi32>,
    %get3A_127 = arith.constant 48 : index
    %get3A_128 = tpu.vector_load %arg8[%get3A_127] {strides = array<i32>} : memref<64xi32, #tpu.memory_space<vmem>>, vector<16xi32>,
    %slice3A_129 = vector.extract_strided_slice %get3A_122 {offsets = [0], sizes = [1], strides = [1]} : vector<16xi32> to vector<1xi32>
    %squeeze3A_130 = vector.extract %slice3A_129[0] : i32 from vector<1xi32>
    %sub3A_131 = vector.broadcast %squeeze3A_130 : i32 to vector<16xi32>
    %sub3A_132 = arith.subi %get3A_122, %sub3A_131 : vector<16xi32>
    %and3A_133 = arith.constant 32767 : i32
    %and3A_134 = vector.broadcast %and3A_133 : i32 to vector<16xi32>
    %and3A_135 = arith.andi %sub3A_132, %and3A_134 : vector<16xi32>
    %sub3A_136 = vector.broadcast %squeeze3A_130 : i32 to vector<16xi32>
    %sub3A_137 = arith.subi %get3A_124, %sub3A_136 : vector<16xi32>
    %and3A_138 = arith.constant 32767 : i32
    %and3A_139 = vector.broadcast %and3A_138 : i32 to vector<16xi32>
    %and3A_140 = arith.andi %sub3A_137, %and3A_139 : vector<16xi32>
    %sub3A_141 = vector.broadcast %squeeze3A_130 : i32 to vector<16xi32>
    %sub3A_142 = arith.subi %get3A_126, %sub3A_141 : vector<16xi32>
    %and3A_143 = arith.constant 32767 : i32
    %and3A_144 = vector.broadcast %and3A_143 : i32 to vector<16xi32>
    %and3A_145 = arith.andi %sub3A_142, %and3A_144 : vector<16xi32>
    %sub3A_146 = vector.broadcast %squeeze3A_130 : i32 to vector<16xi32>
    %sub3A_147 = arith.subi %get3A_128, %sub3A_146 : vector<16xi32>
    %and3A_148 = arith.constant 32767 : i32
    %and3A_149 = vector.broadcast %and3A_148 : i32 to vector<16xi32>
    %and3A_150 = arith.andi %sub3A_147, %and3A_149 : vector<16xi32>
    %get3A_151 = arith.constant 0 : index
    %get3A_152 = tpu.vector_load %arg7[%get3A_151] {strides = array<i32>} : memref<64xf32, #tpu.memory_space<vmem>>, vector<16xf32>,
    %get3A_153 = arith.constant 16 : index
    %get3A_154 = tpu.vector_load %arg7[%get3A_153] {strides = array<i32>} : memref<64xf32, #tpu.memory_space<vmem>>, vector<16xf32>,
    %get3A_155 = arith.constant 32 : index
    %get3A_156 = tpu.vector_load %arg7[%get3A_155] {strides = array<i32>} : memref<64xf32, #tpu.memory_space<vmem>>, vector<16xf32>,
    %get3A_157 = arith.constant 48 : index
    %get3A_158 = tpu.vector_load %arg7[%get3A_157] {strides = array<i32>} : memref<64xf32, #tpu.memory_space<vmem>>, vector<16xf32>,
    %add3A_159 = arith.constant 1 : i32
    %add3A_160 = vector.broadcast %add3A_159 : i32 to vector<16xi32>
    %add3A_161 = arith.addi %iota3A_106, %add3A_160 : vector<16xi32>
    %and3A_162 = arith.constant 15 : i32
    %and3A_163 = vector.broadcast %and3A_162 : i32 to vector<16xi32>
    %and3A_164 = arith.andi %add3A_161, %and3A_163 : vector<16xi32>
    %broadcast_in_dim3A_165 = arith.constant 0 : i32
    %broadcast_in_dim3A_166 = vector.broadcast %broadcast_in_dim3A_165 : i32 to vector<16xi32>
    %broadcast_in_dim3A_167 = arith.constant 0 : i32
    %broadcast_in_dim3A_168 = vector.broadcast %broadcast_in_dim3A_167 : i32 to vector<16xi32>
    %broadcast_in_dim3A_169 = arith.constant 0 : i32
    %broadcast_in_dim3A_170 = vector.broadcast %broadcast_in_dim3A_169 : i32 to vector<16xi32>
    %broadcast_in_dim3A_171 = arith.constant 0 : i32
    %broadcast_in_dim3A_172 = vector.broadcast %broadcast_in_dim3A_171 : i32 to vector<16xi32>
    %scan3A_173 = arith.constant 0 : i32
    %scan3A_174 = arith.constant 16 : i32
    %scan3A_175 = arith.addi %scan3A_173, %scan3A_174 : i32
    %scan3A_176 = arith.constant 1 : i32
    %scan3A_177:8 = scf.for %scan3A_353 = %scan3A_173 to %scan3A_175 step %scan3A_176 iter_args(%scan3A_354 = %broadcast_in_dim3A_166, %scan3A_355 = %broadcast_in_dim3A_168, %scan3A_356 = %broadcast_in_dim3A_170, %scan3A_357 = %broadcast_in_dim3A_172, %scan3A_358 = %and3A_135, %scan3A_359 = %and3A_140, %scan3A_360 = %and3A_145, %scan3A_361 = %and3A_150) -> (vector<16xi32>, vector<16xi32>, vector<16xi32>, vector<16xi32>, vector<16xi32>, vector<16xi32>, vector<16xi32>, vector<16xi32>)  : i32 {
      %lt3A = arith.cmpi slt, %scan3A_358, %and3A_135 : vector<16xi32>
      %convert_element_type3A = arith.extui %lt3A : vector<16xi1> to vector<16xi32>
      %add3A_362 = arith.constant 0 : i32
      %add3A_363 = vector.broadcast %add3A_362 : i32 to vector<16xi32>
      %add3A_364 = arith.addi %add3A_363, %convert_element_type3A : vector<16xi32>
      %lt3A_365 = arith.cmpi slt, %scan3A_359, %and3A_135 : vector<16xi32>
      %convert_element_type3A_366 = arith.extui %lt3A_365 : vector<16xi1> to vector<16xi32>
      %add3A_367 = arith.addi %add3A_364, %convert_element_type3A_366 : vector<16xi32>
      %lt3A_368 = arith.cmpi slt, %scan3A_360, %and3A_135 : vector<16xi32>
      %convert_element_type3A_369 = arith.extui %lt3A_368 : vector<16xi1> to vector<16xi32>
      %add3A_370 = arith.addi %add3A_367, %convert_element_type3A_369 : vector<16xi32>
      %lt3A_371 = arith.cmpi slt, %scan3A_361, %and3A_135 : vector<16xi32>
      %convert_element_type3A_372 = arith.extui %lt3A_371 : vector<16xi1> to vector<16xi32>
      %add3A_373 = arith.addi %add3A_370, %convert_element_type3A_372 : vector<16xi32>
      %add3A_374 = arith.addi %scan3A_354, %add3A_373 : vector<16xi32>
      %lt3A_375 = arith.cmpi slt, %scan3A_358, %and3A_140 : vector<16xi32>
      %convert_element_type3A_376 = arith.extui %lt3A_375 : vector<16xi1> to vector<16xi32>
      %add3A_377 = arith.constant 0 : i32
      %add3A_378 = vector.broadcast %add3A_377 : i32 to vector<16xi32>
      %add3A_379 = arith.addi %add3A_378, %convert_element_type3A_376 : vector<16xi32>
      %lt3A_380 = arith.cmpi slt, %scan3A_359, %and3A_140 : vector<16xi32>
      %convert_element_type3A_381 = arith.extui %lt3A_380 : vector<16xi1> to vector<16xi32>
      %add3A_382 = arith.addi %add3A_379, %convert_element_type3A_381 : vector<16xi32>
      %lt3A_383 = arith.cmpi slt, %scan3A_360, %and3A_140 : vector<16xi32>
      %convert_element_type3A_384 = arith.extui %lt3A_383 : vector<16xi1> to vector<16xi32>
      %add3A_385 = arith.addi %add3A_382, %convert_element_type3A_384 : vector<16xi32>
      %lt3A_386 = arith.cmpi slt, %scan3A_361, %and3A_140 : vector<16xi32>
      %convert_element_type3A_387 = arith.extui %lt3A_386 : vector<16xi1> to vector<16xi32>
      %add3A_388 = arith.addi %add3A_385, %convert_element_type3A_387 : vector<16xi32>
      %add3A_389 = arith.addi %scan3A_355, %add3A_388 : vector<16xi32>
      %lt3A_390 = arith.cmpi slt, %scan3A_358, %and3A_145 : vector<16xi32>
      %convert_element_type3A_391 = arith.extui %lt3A_390 : vector<16xi1> to vector<16xi32>
      %add3A_392 = arith.constant 0 : i32
      %add3A_393 = vector.broadcast %add3A_392 : i32 to vector<16xi32>
      %add3A_394 = arith.addi %add3A_393, %convert_element_type3A_391 : vector<16xi32>
      %lt3A_395 = arith.cmpi slt, %scan3A_359, %and3A_145 : vector<16xi32>
      %convert_element_type3A_396 = arith.extui %lt3A_395 : vector<16xi1> to vector<16xi32>
      %add3A_397 = arith.addi %add3A_394, %convert_element_type3A_396 : vector<16xi32>
      %lt3A_398 = arith.cmpi slt, %scan3A_360, %and3A_145 : vector<16xi32>
      %convert_element_type3A_399 = arith.extui %lt3A_398 : vector<16xi1> to vector<16xi32>
      %add3A_400 = arith.addi %add3A_397, %convert_element_type3A_399 : vector<16xi32>
      %lt3A_401 = arith.cmpi slt, %scan3A_361, %and3A_145 : vector<16xi32>
      %convert_element_type3A_402 = arith.extui %lt3A_401 : vector<16xi1> to vector<16xi32>
      %add3A_403 = arith.addi %add3A_400, %convert_element_type3A_402 : vector<16xi32>
      %add3A_404 = arith.addi %scan3A_356, %add3A_403 : vector<16xi32>
      %lt3A_405 = arith.cmpi slt, %scan3A_358, %and3A_150 : vector<16xi32>
      %convert_element_type3A_406 = arith.extui %lt3A_405 : vector<16xi1> to vector<16xi32>
      %add3A_407 = arith.constant 0 : i32
      %add3A_408 = vector.broadcast %add3A_407 : i32 to vector<16xi32>
      %add3A_409 = arith.addi %add3A_408, %convert_element_type3A_406 : vector<16xi32>
      %lt3A_410 = arith.cmpi slt, %scan3A_359, %and3A_150 : vector<16xi32>
      %convert_element_type3A_411 = arith.extui %lt3A_410 : vector<16xi1> to vector<16xi32>
      %add3A_412 = arith.addi %add3A_409, %convert_element_type3A_411 : vector<16xi32>
      %lt3A_413 = arith.cmpi slt, %scan3A_360, %and3A_150 : vector<16xi32>
      %convert_element_type3A_414 = arith.extui %lt3A_413 : vector<16xi1> to vector<16xi32>
      %add3A_415 = arith.addi %add3A_412, %convert_element_type3A_414 : vector<16xi32>
      %lt3A_416 = arith.cmpi slt, %scan3A_361, %and3A_150 : vector<16xi32>
      %convert_element_type3A_417 = arith.extui %lt3A_416 : vector<16xi1> to vector<16xi32>
      %add3A_418 = arith.addi %add3A_415, %convert_element_type3A_417 : vector<16xi32>
      %add3A_419 = arith.addi %scan3A_357, %add3A_418 : vector<16xi32>
      %broadcast_in_dim3A_420 = vector.shape_cast %and3A_164 : vector<16xi32> to vector<16x1xi32>
      %gather3A = vector.shape_cast %broadcast_in_dim3A_420 : vector<16x1xi32> to vector<16xi32>
      %gather3A_421 = tpu.dynamic_gather %scan3A_358[%gather3A] in [0] : vector<16xi32>, vector<16xi32> -> vector<16xi32>
      %broadcast_in_dim3A_422 = vector.shape_cast %and3A_164 : vector<16xi32> to vector<16x1xi32>
      %gather3A_423 = vector.shape_cast %broadcast_in_dim3A_422 : vector<16x1xi32> to vector<16xi32>
      %gather3A_424 = tpu.dynamic_gather %scan3A_359[%gather3A_423] in [0] : vector<16xi32>, vector<16xi32> -> vector<16xi32>
      %broadcast_in_dim3A_425 = vector.shape_cast %and3A_164 : vector<16xi32> to vector<16x1xi32>
      %gather3A_426 = vector.shape_cast %broadcast_in_dim3A_425 : vector<16x1xi32> to vector<16xi32>
      %gather3A_427 = tpu.dynamic_gather %scan3A_360[%gather3A_426] in [0] : vector<16xi32>, vector<16xi32> -> vector<16xi32>
      %broadcast_in_dim3A_428 = vector.shape_cast %and3A_164 : vector<16xi32> to vector<16x1xi32>
      %gather3A_429 = vector.shape_cast %broadcast_in_dim3A_428 : vector<16x1xi32> to vector<16xi32>
      %gather3A_430 = tpu.dynamic_gather %scan3A_361[%gather3A_429] in [0] : vector<16xi32>, vector<16xi32> -> vector<16xi32>
      scf.yield %add3A_374, %add3A_389, %add3A_404, %add3A_419, %gather3A_421, %gather3A_424, %gather3A_427, %gather3A_430 : vector<16xi32>, vector<16xi32>, vector<16xi32>, vector<16xi32>, vector<16xi32>, vector<16xi32>, vector<16xi32>, vector<16xi32>
    }
    %scan3A_178 = arith.constant 16 : i32
    tpu.vector_store_idx %arg9[%scan3A_177#0], %get3A_152 : memref<64xf32, #tpu.memory_space<vmem>>[vector<16xi32>], vector<16xf32>,
    tpu.vector_store_idx %arg9[%scan3A_177#1], %get3A_154 : memref<64xf32, #tpu.memory_space<vmem>>[vector<16xi32>], vector<16xf32>,
    tpu.vector_store_idx %arg9[%scan3A_177#2], %get3A_156 : memref<64xf32, #tpu.memory_space<vmem>>[vector<16xi32>], vector<16xf32>,
    tpu.vector_store_idx %arg9[%scan3A_177#3], %get3A_158 : memref<64xf32, #tpu.memory_space<vmem>>[vector<16xi32>], vector<16xf32>,
    %add3A_179 = arith.constant 1 : i32
    %add3A_180 = arith.addi %mul3A_2, %add3A_179 : i32
    "tpu.region"() ({
      %run_scoped3A = tpu.sem_alloc : memref<!tpu.dma_semaphore, #tpu.memory_space<semaphore_mem>>
      %dma_start3A_353 = arith.constant 0 : i32
      %dma_start3A_354 = tpu.memref_slice %arg3[%add3A_180, %dma_start3A_353] : memref<128x64xf32, #tpu.memory_space<hbm>> -> memref<1x64xf32, #tpu.memory_space<hbm>>
      %dma_start3A_355 = tpu.memref_squeeze %dma_start3A_354 : memref<1x64xf32, #tpu.memory_space<hbm>> -> memref<64xf32, #tpu.memory_space<hbm>>
      %dma_start3A_356 = arith.constant 0 : i32
      %dma_start3A_357 = tpu.memref_slice %arg3[%add3A_180, %dma_start3A_356] : memref<128x64xf32, #tpu.memory_space<hbm>> -> memref<1x64xf32, #tpu.memory_space<hbm>>
      %dma_start3A_358 = tpu.memref_squeeze %dma_start3A_357 : memref<1x64xf32, #tpu.memory_space<hbm>> -> memref<64xf32, #tpu.memory_space<hbm>>
      tpu.enqueue_dma source(%arg9 : memref<64xf32, #tpu.memory_space<vmem>>) target(%dma_start3A_358 : memref<64xf32, #tpu.memory_space<hbm>>) target_semaphore(%run_scoped3A : memref<!tpu.dma_semaphore, #tpu.memory_space<semaphore_mem>>)
      %dma_wait3A_359 = arith.constant 0 : i32
      %dma_wait3A_360 = tpu.memref_slice %arg3[%add3A_180, %dma_wait3A_359] : memref<128x64xf32, #tpu.memory_space<hbm>> -> memref<1x64xf32, #tpu.memory_space<hbm>>
      %dma_wait3A_361 = tpu.memref_squeeze %dma_wait3A_360 : memref<1x64xf32, #tpu.memory_space<hbm>> -> memref<64xf32, #tpu.memory_space<hbm>>
      %dma_wait3A_362 = arith.constant 0 : i32
      %dma_wait3A_363 = tpu.memref_slice %arg3[%add3A_180, %dma_wait3A_362] : memref<128x64xf32, #tpu.memory_space<hbm>> -> memref<1x64xf32, #tpu.memory_space<hbm>>
      %dma_wait3A_364 = tpu.memref_squeeze %dma_wait3A_363 : memref<1x64xf32, #tpu.memory_space<hbm>> -> memref<64xf32, #tpu.memory_space<hbm>>
      tpu.wait_dma2 semaphore(%run_scoped3A : memref<!tpu.dma_semaphore, #tpu.memory_space<semaphore_mem>>) src(%arg9 : memref<64xf32, #tpu.memory_space<vmem>>) dst(%dma_wait3A_364 : memref<64xf32, #tpu.memory_space<hbm>>)
      tpu.yield
    }) : () -> ()
    %add3A_181 = arith.constant 2 : i32
    %add3A_182 = arith.addi %mul3A_2, %add3A_181 : i32
    %add3A_183 = arith.constant 1 : i32
    %add3A_184 = arith.addi %add3A_182, %add3A_183 : i32
    %dma_start3A_185 = arith.constant 0 : i32
    %dma_start3A_186 = tpu.memref_slice %arg2[%add3A_184, %dma_start3A_185] : memref<128x32768xf32, #tpu.memory_space<hbm>> -> memref<1x32768xf32, #tpu.memory_space<hbm>>
    %dma_start3A_187 = tpu.memref_squeeze %dma_start3A_186 : memref<1x32768xf32, #tpu.memory_space<hbm>> -> memref<32768xf32, #tpu.memory_space<hbm>>
    %dma_start3A_188 = arith.constant 0 : i32
    %dma_start3A_189 = tpu.memref_slice %arg2[%add3A_184, %dma_start3A_188] : memref<128x32768xf32, #tpu.memory_space<hbm>> -> memref<1x32768xf32, #tpu.memory_space<hbm>>
    %dma_start3A_190 = tpu.memref_squeeze %dma_start3A_189 : memref<1x32768xf32, #tpu.memory_space<hbm>> -> memref<32768xf32, #tpu.memory_space<hbm>>
    tpu.enqueue_dma source(%dma_start3A_190 : memref<32768xf32, #tpu.memory_space<hbm>>) target(%arg5 : memref<32768xf32, #tpu.memory_space<vmem>>) target_semaphore(%arg11 : memref<!tpu.dma_semaphore, #tpu.memory_space<semaphore_mem>>)
    %dma_wait3A_191 = arith.constant 0 : i32
    %dma_wait3A_192 = tpu.memref_slice %arg2[%add3A_93, %dma_wait3A_191] : memref<128x32768xf32, #tpu.memory_space<hbm>> -> memref<1x32768xf32, #tpu.memory_space<hbm>>
    %dma_wait3A_193 = tpu.memref_squeeze %dma_wait3A_192 : memref<1x32768xf32, #tpu.memory_space<hbm>> -> memref<32768xf32, #tpu.memory_space<hbm>>
    %dma_wait3A_194 = arith.constant 0 : i32
    %dma_wait3A_195 = tpu.memref_slice %arg2[%add3A_93, %dma_wait3A_194] : memref<128x32768xf32, #tpu.memory_space<hbm>> -> memref<1x32768xf32, #tpu.memory_space<hbm>>
    %dma_wait3A_196 = tpu.memref_squeeze %dma_wait3A_195 : memref<1x32768xf32, #tpu.memory_space<hbm>> -> memref<32768xf32, #tpu.memory_space<hbm>>
    tpu.wait_dma2 semaphore(%arg10 : memref<!tpu.dma_semaphore, #tpu.memory_space<semaphore_mem>>) src(%dma_wait3A_196 : memref<32768xf32, #tpu.memory_space<hbm>>) dst(%arg4 : memref<32768xf32, #tpu.memory_space<vmem>>)
    %iota3A_197 = tpu.iota {dimensions = array<i32: 0>} : vector<16xi32>
    %broadcast_in_dim3A_198 = arith.constant 0xFF800000 : f32
    %broadcast_in_dim3A_199 = vector.broadcast %broadcast_in_dim3A_198 : f32 to vector<16xf32>
    %scan3A_200 = arith.constant 0 : i32
    %scan3A_201 = arith.constant 16 : i32
    %scan3A_202 = arith.addi %scan3A_200, %scan3A_201 : i32
    %scan3A_203 = arith.constant 1 : i32
    %scan3A_204 = scf.for %scan3A_353 = %scan3A_200 to %scan3A_202 step %scan3A_203 iter_args(%scan3A_354 = %broadcast_in_dim3A_199) -> (vector<16xf32>)  : i32 {
      %scan3A_355 = arith.constant 0 : i32
      %scan3A_356 = arith.constant 16 : i32
      %scan3A_357 = arith.addi %scan3A_355, %scan3A_356 : i32
      %scan3A_358 = arith.constant 4 : i32
      %scan3A_359 = scf.for %scan3A_369 = %scan3A_355 to %scan3A_357 step %scan3A_358 iter_args(%scan3A_370 = %broadcast_in_dim3A_199) -> (vector<16xf32>)  : i32 {
        %mul3A_371 = arith.constant 16 : i32
        %mul3A_372 = arith.muli %scan3A_353, %mul3A_371 : i32
        %add3A_373 = arith.addi %mul3A_372, %scan3A_369 : i32
        %mul3A_374 = arith.constant 128 : i32
        %mul3A_375 = arith.muli %add3A_373, %mul3A_374 : i32
        %get3A_376 = arith.index_cast %mul3A_375 : i32 to index
        %get3A_377 = tpu.vector_load %arg4[%get3A_376] {strides = array<i32>} : memref<32768xf32, #tpu.memory_space<vmem>>, vector<16xf32>,
        %add3A_378 = arith.constant 16 : i32
        %add3A_379 = arith.addi %mul3A_375, %add3A_378 : i32
        %get3A_380 = arith.index_cast %add3A_379 : i32 to index
        %get3A_381 = tpu.vector_load %arg4[%get3A_380] {strides = array<i32>} : memref<32768xf32, #tpu.memory_space<vmem>>, vector<16xf32>,
        %max3A = arith.maximumf %get3A_377, %get3A_381 : vector<16xf32>
        %add3A_382 = arith.constant 32 : i32
        %add3A_383 = arith.addi %mul3A_375, %add3A_382 : i32
        %get3A_384 = arith.index_cast %add3A_383 : i32 to index
        %get3A_385 = tpu.vector_load %arg4[%get3A_384] {strides = array<i32>} : memref<32768xf32, #tpu.memory_space<vmem>>, vector<16xf32>,
        %max3A_386 = arith.maximumf %max3A, %get3A_385 : vector<16xf32>
        %add3A_387 = arith.constant 48 : i32
        %add3A_388 = arith.addi %mul3A_375, %add3A_387 : i32
        %get3A_389 = arith.index_cast %add3A_388 : i32 to index
        %get3A_390 = tpu.vector_load %arg4[%get3A_389] {strides = array<i32>} : memref<32768xf32, #tpu.memory_space<vmem>>, vector<16xf32>,
        %max3A_391 = arith.maximumf %max3A_386, %get3A_390 : vector<16xf32>
        %add3A_392 = arith.constant 64 : i32
        %add3A_393 = arith.addi %mul3A_375, %add3A_392 : i32
        %get3A_394 = arith.index_cast %add3A_393 : i32 to index
        %get3A_395 = tpu.vector_load %arg4[%get3A_394] {strides = array<i32>} : memref<32768xf32, #tpu.memory_space<vmem>>, vector<16xf32>,
        %max3A_396 = arith.maximumf %max3A_391, %get3A_395 : vector<16xf32>
        %add3A_397 = arith.constant 80 : i32
        %add3A_398 = arith.addi %mul3A_375, %add3A_397 : i32
        %get3A_399 = arith.index_cast %add3A_398 : i32 to index
        %get3A_400 = tpu.vector_load %arg4[%get3A_399] {strides = array<i32>} : memref<32768xf32, #tpu.memory_space<vmem>>, vector<16xf32>,
        %max3A_401 = arith.maximumf %max3A_396, %get3A_400 : vector<16xf32>
        %add3A_402 = arith.constant 96 : i32
        %add3A_403 = arith.addi %mul3A_375, %add3A_402 : i32
        %get3A_404 = arith.index_cast %add3A_403 : i32 to index
        %get3A_405 = tpu.vector_load %arg4[%get3A_404] {strides = array<i32>} : memref<32768xf32, #tpu.memory_space<vmem>>, vector<16xf32>,
        %max3A_406 = arith.maximumf %max3A_401, %get3A_405 : vector<16xf32>
        %add3A_407 = arith.constant 112 : i32
        %add3A_408 = arith.addi %mul3A_375, %add3A_407 : i32
        %get3A_409 = arith.index_cast %add3A_408 : i32 to index
        %get3A_410 = tpu.vector_load %arg4[%get3A_409] {strides = array<i32>} : memref<32768xf32, #tpu.memory_space<vmem>>, vector<16xf32>,
        %max3A_411 = arith.maximumf %max3A_406, %get3A_410 : vector<16xf32>
        %eq3A_412 = vector.broadcast %scan3A_369 : i32 to vector<16xi32>
        %eq3A_413 = arith.cmpi eq, %iota3A_197, %eq3A_412 : vector<16xi32>
        %reduce_max3A_414 = arith.constant true
        %reduce_max3A_415 = vector.broadcast %reduce_max3A_414 : i1 to vector<16xi1>
        %reduce_max3A_416 = tpu.scan <max>, %max3A_411 masked %reduce_max3A_415 : vector<16xf32>, vector<16xi1> -> vector<16xf32>
        %reduce_max3A_417 = vector.extract %reduce_max3A_416[15] : f32 from vector<16xf32>
        %broadcast_in_dim3A_418 = vector.broadcast %reduce_max3A_417 : f32 to vector<16xf32>
        %select_n3A_419 = arith.select %eq3A_413, %broadcast_in_dim3A_418, %scan3A_370 : vector<16xi1>, vector<16xf32>
        %scan3A_420 = arith.constant 1 : i32
        %scan3A_421 = arith.addi %scan3A_369, %scan3A_420 : i32
        %mul3A_422 = arith.constant 16 : i32
        %mul3A_423 = arith.muli %scan3A_353, %mul3A_422 : i32
        %add3A_424 = arith.addi %mul3A_423, %scan3A_421 : i32
        %mul3A_425 = arith.constant 128 : i32
        %mul3A_426 = arith.muli %add3A_424, %mul3A_425 : i32
        %get3A_427 = arith.index_cast %mul3A_426 : i32 to index
        %get3A_428 = tpu.vector_load %arg4[%get3A_427] {strides = array<i32>} : memref<32768xf32, #tpu.memory_space<vmem>>, vector<16xf32>,
        %add3A_429 = arith.constant 16 : i32
        %add3A_430 = arith.addi %mul3A_426, %add3A_429 : i32
        %get3A_431 = arith.index_cast %add3A_430 : i32 to index
        %get3A_432 = tpu.vector_load %arg4[%get3A_431] {strides = array<i32>} : memref<32768xf32, #tpu.memory_space<vmem>>, vector<16xf32>,
        %max3A_433 = arith.maximumf %get3A_428, %get3A_432 : vector<16xf32>
        %add3A_434 = arith.constant 32 : i32
        %add3A_435 = arith.addi %mul3A_426, %add3A_434 : i32
        %get3A_436 = arith.index_cast %add3A_435 : i32 to index
        %get3A_437 = tpu.vector_load %arg4[%get3A_436] {strides = array<i32>} : memref<32768xf32, #tpu.memory_space<vmem>>, vector<16xf32>,
        %max3A_438 = arith.maximumf %max3A_433, %get3A_437 : vector<16xf32>
        %add3A_439 = arith.constant 48 : i32
        %add3A_440 = arith.addi %mul3A_426, %add3A_439 : i32
        %get3A_441 = arith.index_cast %add3A_440 : i32 to index
        %get3A_442 = tpu.vector_load %arg4[%get3A_441] {strides = array<i32>} : memref<32768xf32, #tpu.memory_space<vmem>>, vector<16xf32>,
        %max3A_443 = arith.maximumf %max3A_438, %get3A_442 : vector<16xf32>
        %add3A_444 = arith.constant 64 : i32
        %add3A_445 = arith.addi %mul3A_426, %add3A_444 : i32
        %get3A_446 = arith.index_cast %add3A_445 : i32 to index
        %get3A_447 = tpu.vector_load %arg4[%get3A_446] {strides = array<i32>} : memref<32768xf32, #tpu.memory_space<vmem>>, vector<16xf32>,
        %max3A_448 = arith.maximumf %max3A_443, %get3A_447 : vector<16xf32>
        %add3A_449 = arith.constant 80 : i32
        %add3A_450 = arith.addi %mul3A_426, %add3A_449 : i32
        %get3A_451 = arith.index_cast %add3A_450 : i32 to index
        %get3A_452 = tpu.vector_load %arg4[%get3A_451] {strides = array<i32>} : memref<32768xf32, #tpu.memory_space<vmem>>, vector<16xf32>,
        %max3A_453 = arith.maximumf %max3A_448, %get3A_452 : vector<16xf32>
        %add3A_454 = arith.constant 96 : i32
        %add3A_455 = arith.addi %mul3A_426, %add3A_454 : i32
        %get3A_456 = arith.index_cast %add3A_455 : i32 to index
        %get3A_457 = tpu.vector_load %arg4[%get3A_456] {strides = array<i32>} : memref<32768xf32, #tpu.memory_space<vmem>>, vector<16xf32>,
        %max3A_458 = arith.maximumf %max3A_453, %get3A_457 : vector<16xf32>
        %add3A_459 = arith.constant 112 : i32
        %add3A_460 = arith.addi %mul3A_426, %add3A_459 : i32
        %get3A_461 = arith.index_cast %add3A_460 : i32 to index
        %get3A_462 = tpu.vector_load %arg4[%get3A_461] {strides = array<i32>} : memref<32768xf32, #tpu.memory_space<vmem>>, vector<16xf32>,
        %max3A_463 = arith.maximumf %max3A_458, %get3A_462 : vector<16xf32>
        %eq3A_464 = vector.broadcast %scan3A_421 : i32 to vector<16xi32>
        %eq3A_465 = arith.cmpi eq, %iota3A_197, %eq3A_464 : vector<16xi32>
        %reduce_max3A_466 = arith.constant true
        %reduce_max3A_467 = vector.broadcast %reduce_max3A_466 : i1 to vector<16xi1>
        %reduce_max3A_468 = tpu.scan <max>, %max3A_463 masked %reduce_max3A_467 : vector<16xf32>, vector<16xi1> -> vector<16xf32>
        %reduce_max3A_469 = vector.extract %reduce_max3A_468[15] : f32 from vector<16xf32>
        %broadcast_in_dim3A_470 = vector.broadcast %reduce_max3A_469 : f32 to vector<16xf32>
        %select_n3A_471 = arith.select %eq3A_465, %broadcast_in_dim3A_470, %select_n3A_419 : vector<16xi1>, vector<16xf32>
        %scan3A_472 = arith.constant 2 : i32
        %scan3A_473 = arith.addi %scan3A_369, %scan3A_472 : i32
        %mul3A_474 = arith.constant 16 : i32
        %mul3A_475 = arith.muli %scan3A_353, %mul3A_474 : i32
        %add3A_476 = arith.addi %mul3A_475, %scan3A_473 : i32
        %mul3A_477 = arith.constant 128 : i32
        %mul3A_478 = arith.muli %add3A_476, %mul3A_477 : i32
        %get3A_479 = arith.index_cast %mul3A_478 : i32 to index
        %get3A_480 = tpu.vector_load %arg4[%get3A_479] {strides = array<i32>} : memref<32768xf32, #tpu.memory_space<vmem>>, vector<16xf32>,
        %add3A_481 = arith.constant 16 : i32
        %add3A_482 = arith.addi %mul3A_478, %add3A_481 : i32
        %get3A_483 = arith.index_cast %add3A_482 : i32 to index
        %get3A_484 = tpu.vector_load %arg4[%get3A_483] {strides = array<i32>} : memref<32768xf32, #tpu.memory_space<vmem>>, vector<16xf32>,
        %max3A_485 = arith.maximumf %get3A_480, %get3A_484 : vector<16xf32>
        %add3A_486 = arith.constant 32 : i32
        %add3A_487 = arith.addi %mul3A_478, %add3A_486 : i32
        %get3A_488 = arith.index_cast %add3A_487 : i32 to index
        %get3A_489 = tpu.vector_load %arg4[%get3A_488] {strides = array<i32>} : memref<32768xf32, #tpu.memory_space<vmem>>, vector<16xf32>,
        %max3A_490 = arith.maximumf %max3A_485, %get3A_489 : vector<16xf32>
        %add3A_491 = arith.constant 48 : i32
        %add3A_492 = arith.addi %mul3A_478, %add3A_491 : i32
        %get3A_493 = arith.index_cast %add3A_492 : i32 to index
        %get3A_494 = tpu.vector_load %arg4[%get3A_493] {strides = array<i32>} : memref<32768xf32, #tpu.memory_space<vmem>>, vector<16xf32>,
        %max3A_495 = arith.maximumf %max3A_490, %get3A_494 : vector<16xf32>
        %add3A_496 = arith.constant 64 : i32
        %add3A_497 = arith.addi %mul3A_478, %add3A_496 : i32
        %get3A_498 = arith.index_cast %add3A_497 : i32 to index
        %get3A_499 = tpu.vector_load %arg4[%get3A_498] {strides = array<i32>} : memref<32768xf32, #tpu.memory_space<vmem>>, vector<16xf32>,
        %max3A_500 = arith.maximumf %max3A_495, %get3A_499 : vector<16xf32>
        %add3A_501 = arith.constant 80 : i32
        %add3A_502 = arith.addi %mul3A_478, %add3A_501 : i32
        %get3A_503 = arith.index_cast %add3A_502 : i32 to index
        %get3A_504 = tpu.vector_load %arg4[%get3A_503] {strides = array<i32>} : memref<32768xf32, #tpu.memory_space<vmem>>, vector<16xf32>,
        %max3A_505 = arith.maximumf %max3A_500, %get3A_504 : vector<16xf32>
        %add3A_506 = arith.constant 96 : i32
        %add3A_507 = arith.addi %mul3A_478, %add3A_506 : i32
        %get3A_508 = arith.index_cast %add3A_507 : i32 to index
        %get3A_509 = tpu.vector_load %arg4[%get3A_508] {strides = array<i32>} : memref<32768xf32, #tpu.memory_space<vmem>>, vector<16xf32>,
        %max3A_510 = arith.maximumf %max3A_505, %get3A_509 : vector<16xf32>
        %add3A_511 = arith.constant 112 : i32
        %add3A_512 = arith.addi %mul3A_478, %add3A_511 : i32
        %get3A_513 = arith.index_cast %add3A_512 : i32 to index
        %get3A_514 = tpu.vector_load %arg4[%get3A_513] {strides = array<i32>} : memref<32768xf32, #tpu.memory_space<vmem>>, vector<16xf32>,
        %max3A_515 = arith.maximumf %max3A_510, %get3A_514 : vector<16xf32>
        %eq3A_516 = vector.broadcast %scan3A_473 : i32 to vector<16xi32>
        %eq3A_517 = arith.cmpi eq, %iota3A_197, %eq3A_516 : vector<16xi32>
        %reduce_max3A_518 = arith.constant true
        %reduce_max3A_519 = vector.broadcast %reduce_max3A_518 : i1 to vector<16xi1>
        %reduce_max3A_520 = tpu.scan <max>, %max3A_515 masked %reduce_max3A_519 : vector<16xf32>, vector<16xi1> -> vector<16xf32>
        %reduce_max3A_521 = vector.extract %reduce_max3A_520[15] : f32 from vector<16xf32>
        %broadcast_in_dim3A_522 = vector.broadcast %reduce_max3A_521 : f32 to vector<16xf32>
        %select_n3A_523 = arith.select %eq3A_517, %broadcast_in_dim3A_522, %select_n3A_471 : vector<16xi1>, vector<16xf32>
        %scan3A_524 = arith.constant 3 : i32
        %scan3A_525 = arith.addi %scan3A_369, %scan3A_524 : i32
        %mul3A_526 = arith.constant 16 : i32
        %mul3A_527 = arith.muli %scan3A_353, %mul3A_526 : i32
        %add3A_528 = arith.addi %mul3A_527, %scan3A_525 : i32
        %mul3A_529 = arith.constant 128 : i32
        %mul3A_530 = arith.muli %add3A_528, %mul3A_529 : i32
        %get3A_531 = arith.index_cast %mul3A_530 : i32 to index
        %get3A_532 = tpu.vector_load %arg4[%get3A_531] {strides = array<i32>} : memref<32768xf32, #tpu.memory_space<vmem>>, vector<16xf32>,
        %add3A_533 = arith.constant 16 : i32
        %add3A_534 = arith.addi %mul3A_530, %add3A_533 : i32
        %get3A_535 = arith.index_cast %add3A_534 : i32 to index
        %get3A_536 = tpu.vector_load %arg4[%get3A_535] {strides = array<i32>} : memref<32768xf32, #tpu.memory_space<vmem>>, vector<16xf32>,
        %max3A_537 = arith.maximumf %get3A_532, %get3A_536 : vector<16xf32>
        %add3A_538 = arith.constant 32 : i32
        %add3A_539 = arith.addi %mul3A_530, %add3A_538 : i32
        %get3A_540 = arith.index_cast %add3A_539 : i32 to index
        %get3A_541 = tpu.vector_load %arg4[%get3A_540] {strides = array<i32>} : memref<32768xf32, #tpu.memory_space<vmem>>, vector<16xf32>,
        %max3A_542 = arith.maximumf %max3A_537, %get3A_541 : vector<16xf32>
        %add3A_543 = arith.constant 48 : i32
        %add3A_544 = arith.addi %mul3A_530, %add3A_543 : i32
        %get3A_545 = arith.index_cast %add3A_544 : i32 to index
        %get3A_546 = tpu.vector_load %arg4[%get3A_545] {strides = array<i32>} : memref<32768xf32, #tpu.memory_space<vmem>>, vector<16xf32>,
        %max3A_547 = arith.maximumf %max3A_542, %get3A_546 : vector<16xf32>
        %add3A_548 = arith.constant 64 : i32
        %add3A_549 = arith.addi %mul3A_530, %add3A_548 : i32
        %get3A_550 = arith.index_cast %add3A_549 : i32 to index
        %get3A_551 = tpu.vector_load %arg4[%get3A_550] {strides = array<i32>} : memref<32768xf32, #tpu.memory_space<vmem>>, vector<16xf32>,
        %max3A_552 = arith.maximumf %max3A_547, %get3A_551 : vector<16xf32>
        %add3A_553 = arith.constant 80 : i32
        %add3A_554 = arith.addi %mul3A_530, %add3A_553 : i32
        %get3A_555 = arith.index_cast %add3A_554 : i32 to index
        %get3A_556 = tpu.vector_load %arg4[%get3A_555] {strides = array<i32>} : memref<32768xf32, #tpu.memory_space<vmem>>, vector<16xf32>,
        %max3A_557 = arith.maximumf %max3A_552, %get3A_556 : vector<16xf32>
        %add3A_558 = arith.constant 96 : i32
        %add3A_559 = arith.addi %mul3A_530, %add3A_558 : i32
        %get3A_560 = arith.index_cast %add3A_559 : i32 to index
        %get3A_561 = tpu.vector_load %arg4[%get3A_560] {strides = array<i32>} : memref<32768xf32, #tpu.memory_space<vmem>>, vector<16xf32>,
        %max3A_562 = arith.maximumf %max3A_557, %get3A_561 : vector<16xf32>
        %add3A_563 = arith.constant 112 : i32
        %add3A_564 = arith.addi %mul3A_530, %add3A_563 : i32
        %get3A_565 = arith.index_cast %add3A_564 : i32 to index
        %get3A_566 = tpu.vector_load %arg4[%get3A_565] {strides = array<i32>} : memref<32768xf32, #tpu.memory_space<vmem>>, vector<16xf32>,
        %max3A_567 = arith.maximumf %max3A_562, %get3A_566 : vector<16xf32>
        %eq3A_568 = vector.broadcast %scan3A_525 : i32 to vector<16xi32>
        %eq3A_569 = arith.cmpi eq, %iota3A_197, %eq3A_568 : vector<16xi32>
        %reduce_max3A_570 = arith.constant true
        %reduce_max3A_571 = vector.broadcast %reduce_max3A_570 : i1 to vector<16xi1>
        %reduce_max3A_572 = tpu.scan <max>, %max3A_567 masked %reduce_max3A_571 : vector<16xf32>, vector<16xi1> -> vector<16xf32>
        %reduce_max3A_573 = vector.extract %reduce_max3A_572[15] : f32 from vector<16xf32>
        %broadcast_in_dim3A_574 = vector.broadcast %reduce_max3A_573 : f32 to vector<16xf32>
        %select_n3A_575 = arith.select %eq3A_569, %broadcast_in_dim3A_574, %select_n3A_523 : vector<16xi1>, vector<16xf32>
        scf.yield %select_n3A_575 : vector<16xf32>
      }
      %scan3A_360 = arith.constant 16 : i32
      %mul3A_361 = arith.constant 16 : i32
      %mul3A_362 = arith.muli %scan3A_353, %mul3A_361 : i32
      %swap3A = arith.index_cast %mul3A_362 : i32 to index
      %swap3A_363 = tpu.vector_load %arg6[%swap3A] {strides = array<i32>} : memref<256xf32, #tpu.memory_space<vmem>>, vector<16xf32>,
      tpu.vector_store %arg6[%swap3A], %scan3A_359 {strides = array<i32>} : memref<256xf32, #tpu.memory_space<vmem>>, vector<16xf32>,
      %eq3A = vector.broadcast %scan3A_353 : i32 to vector<16xi32>
      %eq3A_364 = arith.cmpi eq, %iota3A_197, %eq3A : vector<16xi32>
      %reduce_max3A = arith.constant true
      %reduce_max3A_365 = vector.broadcast %reduce_max3A : i1 to vector<16xi1>
      %reduce_max3A_366 = tpu.scan <max>, %scan3A_359 masked %reduce_max3A_365 : vector<16xf32>, vector<16xi1> -> vector<16xf32>
      %reduce_max3A_367 = vector.extract %reduce_max3A_366[15] : f32 from vector<16xf32>
      %broadcast_in_dim3A_368 = vector.broadcast %reduce_max3A_367 : f32 to vector<16xf32>
      %select_n3A = arith.select %eq3A_364, %broadcast_in_dim3A_368, %scan3A_354 : vector<16xi1>, vector<16xf32>
      scf.yield %select_n3A : vector<16xf32>
    }
    %scan3A_205 = arith.constant 16 : i32
    %scan3A_206 = arith.constant 0 : i32
    %scan3A_207 = arith.constant 64 : i32
    %scan3A_208 = arith.addi %scan3A_206, %scan3A_207 : i32
    %scan3A_209 = arith.constant 1 : i32
    %scan3A_210 = scf.for %scan3A_353 = %scan3A_206 to %scan3A_208 step %scan3A_209 iter_args(%scan3A_354 = %scan3A_204) -> (vector<16xf32>)  : i32 {
      %iota3A_355 = tpu.iota {dimensions = array<i32: 0>} : vector<16xi32>
      %xor3A = arith.constant 1 : i32
      %xor3A_356 = vector.broadcast %xor3A : i32 to vector<16xi32>
      %xor3A_357 = arith.xori %iota3A_355, %xor3A_356 : vector<16xi32>
      %broadcast_in_dim3A_358 = vector.shape_cast %xor3A_357 : vector<16xi32> to vector<16x1xi32>
      %gather3A = vector.shape_cast %broadcast_in_dim3A_358 : vector<16x1xi32> to vector<16xi32>
      %gather3A_359 = tpu.dynamic_gather %scan3A_354[%gather3A] in [0] : vector<16xf32>, vector<16xi32> -> vector<16xf32>
      %max3A = arith.maximumf %scan3A_354, %gather3A_359 : vector<16xf32>
      %xor3A_360 = arith.constant 2 : i32
      %xor3A_361 = vector.broadcast %xor3A_360 : i32 to vector<16xi32>
      %xor3A_362 = arith.xori %iota3A_355, %xor3A_361 : vector<16xi32>
      %broadcast_in_dim3A_363 = vector.shape_cast %xor3A_362 : vector<16xi32> to vector<16x1xi32>
      %gather3A_364 = vector.shape_cast %broadcast_in_dim3A_363 : vector<16x1xi32> to vector<16xi32>
      %gather3A_365 = tpu.dynamic_gather %max3A[%gather3A_364] in [0] : vector<16xf32>, vector<16xi32> -> vector<16xf32>
      %max3A_366 = arith.maximumf %max3A, %gather3A_365 : vector<16xf32>
      %xor3A_367 = arith.constant 4 : i32
      %xor3A_368 = vector.broadcast %xor3A_367 : i32 to vector<16xi32>
      %xor3A_369 = arith.xori %iota3A_355, %xor3A_368 : vector<16xi32>
      %broadcast_in_dim3A_370 = vector.shape_cast %xor3A_369 : vector<16xi32> to vector<16x1xi32>
      %gather3A_371 = vector.shape_cast %broadcast_in_dim3A_370 : vector<16x1xi32> to vector<16xi32>
      %gather3A_372 = tpu.dynamic_gather %max3A_366[%gather3A_371] in [0] : vector<16xf32>, vector<16xi32> -> vector<16xf32>
      %max3A_373 = arith.maximumf %max3A_366, %gather3A_372 : vector<16xf32>
      %xor3A_374 = arith.constant 8 : i32
      %xor3A_375 = vector.broadcast %xor3A_374 : i32 to vector<16xi32>
      %xor3A_376 = arith.xori %iota3A_355, %xor3A_375 : vector<16xi32>
      %broadcast_in_dim3A_377 = vector.shape_cast %xor3A_376 : vector<16xi32> to vector<16x1xi32>
      %gather3A_378 = vector.shape_cast %broadcast_in_dim3A_377 : vector<16x1xi32> to vector<16xi32>
      %gather3A_379 = tpu.dynamic_gather %max3A_373[%gather3A_378] in [0] : vector<16xf32>, vector<16xi32> -> vector<16xf32>
      %max3A_380 = arith.maximumf %max3A_373, %gather3A_379 : vector<16xf32>
      %eq3A = arith.cmpf oeq, %scan3A_354, %max3A_380 : vector<16xf32>
      %jit3A = arith.constant 1073741824 : i32
      %broadcast_in_dim3A_381 = vector.broadcast %jit3A : i32 to vector<16xi32>
      %select_n3A = arith.select %eq3A, %iota3A_197, %broadcast_in_dim3A_381 : vector<16xi1>, vector<16xi32>
      %iota3A_382 = tpu.iota {dimensions = array<i32: 0>} : vector<16xi32>
      %xor3A_383 = arith.constant 1 : i32
      %xor3A_384 = vector.broadcast %xor3A_383 : i32 to vector<16xi32>
      %xor3A_385 = arith.xori %iota3A_382, %xor3A_384 : vector<16xi32>
      %broadcast_in_dim3A_386 = vector.shape_cast %xor3A_385 : vector<16xi32> to vector<16x1xi32>
      %gather3A_387 = vector.shape_cast %broadcast_in_dim3A_386 : vector<16x1xi32> to vector<16xi32>
      %gather3A_388 = tpu.dynamic_gather %select_n3A[%gather3A_387] in [0] : vector<16xi32>, vector<16xi32> -> vector<16xi32>
      %min3A = arith.minsi %select_n3A, %gather3A_388 : vector<16xi32>
      %xor3A_389 = arith.constant 2 : i32
      %xor3A_390 = vector.broadcast %xor3A_389 : i32 to vector<16xi32>
      %xor3A_391 = arith.xori %iota3A_382, %xor3A_390 : vector<16xi32>
      %broadcast_in_dim3A_392 = vector.shape_cast %xor3A_391 : vector<16xi32> to vector<16x1xi32>
      %gather3A_393 = vector.shape_cast %broadcast_in_dim3A_392 : vector<16x1xi32> to vector<16xi32>
      %gather3A_394 = tpu.dynamic_gather %min3A[%gather3A_393] in [0] : vector<16xi32>, vector<16xi32> -> vector<16xi32>
      %min3A_395 = arith.minsi %min3A, %gather3A_394 : vector<16xi32>
      %xor3A_396 = arith.constant 4 : i32
      %xor3A_397 = vector.broadcast %xor3A_396 : i32 to vector<16xi32>
      %xor3A_398 = arith.xori %iota3A_382, %xor3A_397 : vector<16xi32>
      %broadcast_in_dim3A_399 = vector.shape_cast %xor3A_398 : vector<16xi32> to vector<16x1xi32>
      %gather3A_400 = vector.shape_cast %broadcast_in_dim3A_399 : vector<16x1xi32> to vector<16xi32>
      %gather3A_401 = tpu.dynamic_gather %min3A_395[%gather3A_400] in [0] : vector<16xi32>, vector<16xi32> -> vector<16xi32>
      %min3A_402 = arith.minsi %min3A_395, %gather3A_401 : vector<16xi32>
      %xor3A_403 = arith.constant 8 : i32
      %xor3A_404 = vector.broadcast %xor3A_403 : i32 to vector<16xi32>
      %xor3A_405 = arith.xori %iota3A_382, %xor3A_404 : vector<16xi32>
      %broadcast_in_dim3A_406 = vector.shape_cast %xor3A_405 : vector<16xi32> to vector<16x1xi32>
      %gather3A_407 = vector.shape_cast %broadcast_in_dim3A_406 : vector<16x1xi32> to vector<16xi32>
      %gather3A_408 = tpu.dynamic_gather %min3A_402[%gather3A_407] in [0] : vector<16xi32>, vector<16xi32> -> vector<16xi32>
      %min3A_409 = arith.minsi %min3A_402, %gather3A_408 : vector<16xi32>
      %mul3A_410 = arith.constant 16 : i32
      %mul3A_411 = vector.broadcast %mul3A_410 : i32 to vector<16xi32>
      %mul3A_412 = arith.muli %min3A_409, %mul3A_411 : vector<16xi32>
      %add3A_413 = arith.addi %mul3A_412, %iota3A_197 : vector<16xi32>
      %gather3A_414 = tpu.vector_load_idx %arg6[%add3A_413] : memref<256xf32, #tpu.memory_space<vmem>>[vector<16xi32>], vector<16xf32>,
      %eq3A_415 = arith.cmpf oeq, %gather3A_414, %max3A_380 : vector<16xf32>
      %mul3A_416 = arith.constant 16 : i32
      %mul3A_417 = vector.broadcast %mul3A_416 : i32 to vector<16xi32>
      %mul3A_418 = arith.muli %min3A_409, %mul3A_417 : vector<16xi32>
      %add3A_419 = arith.addi %mul3A_418, %iota3A_197 : vector<16xi32>
      %jit3A_420 = arith.constant 1073741824 : i32
      %broadcast_in_dim3A_421 = vector.broadcast %jit3A_420 : i32 to vector<16xi32>
      %select_n3A_422 = arith.select %eq3A_415, %add3A_419, %broadcast_in_dim3A_421 : vector<16xi1>, vector<16xi32>
      %iota3A_423 = tpu.iota {dimensions = array<i32: 0>} : vector<16xi32>
      %xor3A_424 = arith.constant 1 : i32
      %xor3A_425 = vector.broadcast %xor3A_424 : i32 to vector<16xi32>
      %xor3A_426 = arith.xori %iota3A_423, %xor3A_425 : vector<16xi32>
      %broadcast_in_dim3A_427 = vector.shape_cast %xor3A_426 : vector<16xi32> to vector<16x1xi32>
      %gather3A_428 = vector.shape_cast %broadcast_in_dim3A_427 : vector<16x1xi32> to vector<16xi32>
      %gather3A_429 = tpu.dynamic_gather %select_n3A_422[%gather3A_428] in [0] : vector<16xi32>, vector<16xi32> -> vector<16xi32>
      %min3A_430 = arith.minsi %select_n3A_422, %gather3A_429 : vector<16xi32>
      %xor3A_431 = arith.constant 2 : i32
      %xor3A_432 = vector.broadcast %xor3A_431 : i32 to vector<16xi32>
      %xor3A_433 = arith.xori %iota3A_423, %xor3A_432 : vector<16xi32>
      %broadcast_in_dim3A_434 = vector.shape_cast %xor3A_433 : vector<16xi32> to vector<16x1xi32>
      %gather3A_435 = vector.shape_cast %broadcast_in_dim3A_434 : vector<16x1xi32> to vector<16xi32>
      %gather3A_436 = tpu.dynamic_gather %min3A_430[%gather3A_435] in [0] : vector<16xi32>, vector<16xi32> -> vector<16xi32>
      %min3A_437 = arith.minsi %min3A_430, %gather3A_436 : vector<16xi32>
      %xor3A_438 = arith.constant 4 : i32
      %xor3A_439 = vector.broadcast %xor3A_438 : i32 to vector<16xi32>
      %xor3A_440 = arith.xori %iota3A_423, %xor3A_439 : vector<16xi32>
      %broadcast_in_dim3A_441 = vector.shape_cast %xor3A_440 : vector<16xi32> to vector<16x1xi32>
      %gather3A_442 = vector.shape_cast %broadcast_in_dim3A_441 : vector<16x1xi32> to vector<16xi32>
      %gather3A_443 = tpu.dynamic_gather %min3A_437[%gather3A_442] in [0] : vector<16xi32>, vector<16xi32> -> vector<16xi32>
      %min3A_444 = arith.minsi %min3A_437, %gather3A_443 : vector<16xi32>
      %xor3A_445 = arith.constant 8 : i32
      %xor3A_446 = vector.broadcast %xor3A_445 : i32 to vector<16xi32>
      %xor3A_447 = arith.xori %iota3A_423, %xor3A_446 : vector<16xi32>
      %broadcast_in_dim3A_448 = vector.shape_cast %xor3A_447 : vector<16xi32> to vector<16x1xi32>
      %gather3A_449 = vector.shape_cast %broadcast_in_dim3A_448 : vector<16x1xi32> to vector<16xi32>
      %gather3A_450 = tpu.dynamic_gather %min3A_444[%gather3A_449] in [0] : vector<16xi32>, vector<16xi32> -> vector<16xi32>
      %min3A_451 = arith.minsi %min3A_444, %gather3A_450 : vector<16xi32>
      %mul3A_452 = arith.constant 128 : i32
      %mul3A_453 = vector.broadcast %mul3A_452 : i32 to vector<16xi32>
      %mul3A_454 = arith.muli %min3A_451, %mul3A_453 : vector<16xi32>
      %add3A_455 = arith.addi %mul3A_454, %iota3A_197 : vector<16xi32>
      %add3A_456 = arith.constant 0 : i32
      %add3A_457 = vector.broadcast %add3A_456 : i32 to vector<16xi32>
      %add3A_458 = arith.addi %add3A_455, %add3A_457 : vector<16xi32>
      %add3A_459 = arith.addi %mul3A_454, %iota3A_197 : vector<16xi32>
      %add3A_460 = arith.constant 16 : i32
      %add3A_461 = vector.broadcast %add3A_460 : i32 to vector<16xi32>
      %add3A_462 = arith.addi %add3A_459, %add3A_461 : vector<16xi32>
      %add3A_463 = arith.addi %mul3A_454, %iota3A_197 : vector<16xi32>
      %add3A_464 = arith.constant 32 : i32
      %add3A_465 = vector.broadcast %add3A_464 : i32 to vector<16xi32>
      %add3A_466 = arith.addi %add3A_463, %add3A_465 : vector<16xi32>
      %add3A_467 = arith.addi %mul3A_454, %iota3A_197 : vector<16xi32>
      %add3A_468 = arith.constant 48 : i32
      %add3A_469 = vector.broadcast %add3A_468 : i32 to vector<16xi32>
      %add3A_470 = arith.addi %add3A_467, %add3A_469 : vector<16xi32>
      %add3A_471 = arith.addi %mul3A_454, %iota3A_197 : vector<16xi32>
      %add3A_472 = arith.constant 64 : i32
      %add3A_473 = vector.broadcast %add3A_472 : i32 to vector<16xi32>
      %add3A_474 = arith.addi %add3A_471, %add3A_473 : vector<16xi32>
      %add3A_475 = arith.addi %mul3A_454, %iota3A_197 : vector<16xi32>
      %add3A_476 = arith.constant 80 : i32
      %add3A_477 = vector.broadcast %add3A_476 : i32 to vector<16xi32>
      %add3A_478 = arith.addi %add3A_475, %add3A_477 : vector<16xi32>
      %add3A_479 = arith.addi %mul3A_454, %iota3A_197 : vector<16xi32>
      %add3A_480 = arith.constant 96 : i32
      %add3A_481 = vector.broadcast %add3A_480 : i32 to vector<16xi32>
      %add3A_482 = arith.addi %add3A_479, %add3A_481 : vector<16xi32>
      %add3A_483 = arith.addi %mul3A_454, %iota3A_197 : vector<16xi32>
      %add3A_484 = arith.constant 112 : i32
      %add3A_485 = vector.broadcast %add3A_484 : i32 to vector<16xi32>
      %add3A_486 = arith.addi %add3A_483, %add3A_485 : vector<16xi32>
      %gather3A_487 = tpu.vector_load_idx %arg4[%add3A_458] : memref<32768xf32, #tpu.memory_space<vmem>>[vector<16xi32>], vector<16xf32>,
      %gather3A_488 = tpu.vector_load_idx %arg4[%add3A_462] : memref<32768xf32, #tpu.memory_space<vmem>>[vector<16xi32>], vector<16xf32>,
      %gather3A_489 = tpu.vector_load_idx %arg4[%add3A_466] : memref<32768xf32, #tpu.memory_space<vmem>>[vector<16xi32>], vector<16xf32>,
      %gather3A_490 = tpu.vector_load_idx %arg4[%add3A_470] : memref<32768xf32, #tpu.memory_space<vmem>>[vector<16xi32>], vector<16xf32>,
      %gather3A_491 = tpu.vector_load_idx %arg4[%add3A_474] : memref<32768xf32, #tpu.memory_space<vmem>>[vector<16xi32>], vector<16xf32>,
      %gather3A_492 = tpu.vector_load_idx %arg4[%add3A_478] : memref<32768xf32, #tpu.memory_space<vmem>>[vector<16xi32>], vector<16xf32>,
      %gather3A_493 = tpu.vector_load_idx %arg4[%add3A_482] : memref<32768xf32, #tpu.memory_space<vmem>>[vector<16xi32>], vector<16xf32>,
      %gather3A_494 = tpu.vector_load_idx %arg4[%add3A_486] : memref<32768xf32, #tpu.memory_space<vmem>>[vector<16xi32>], vector<16xf32>,
      %broadcast_in_dim3A_495 = arith.constant 1073741824 : i32
      %broadcast_in_dim3A_496 = vector.broadcast %broadcast_in_dim3A_495 : i32 to vector<16xi32>
      %eq3A_497 = arith.cmpf oeq, %gather3A_487, %max3A_380 : vector<16xf32>
      %jit3A_498 = arith.constant 1073741824 : i32
      %broadcast_in_dim3A_499 = vector.broadcast %jit3A_498 : i32 to vector<16xi32>
      %select_n3A_500 = arith.select %eq3A_497, %add3A_458, %broadcast_in_dim3A_499 : vector<16xi1>, vector<16xi32>
      %min3A_501 = arith.minsi %broadcast_in_dim3A_496, %select_n3A_500 : vector<16xi32>
      %eq3A_502 = arith.cmpf oeq, %gather3A_488, %max3A_380 : vector<16xf32>
      %jit3A_503 = arith.constant 1073741824 : i32
      %broadcast_in_dim3A_504 = vector.broadcast %jit3A_503 : i32 to vector<16xi32>
      %select_n3A_505 = arith.select %eq3A_502, %add3A_462, %broadcast_in_dim3A_504 : vector<16xi1>, vector<16xi32>
      %min3A_506 = arith.minsi %min3A_501, %select_n3A_505 : vector<16xi32>
      %eq3A_507 = arith.cmpf oeq, %gather3A_489, %max3A_380 : vector<16xf32>
      %jit3A_508 = arith.constant 1073741824 : i32
      %broadcast_in_dim3A_509 = vector.broadcast %jit3A_508 : i32 to vector<16xi32>
      %select_n3A_510 = arith.select %eq3A_507, %add3A_466, %broadcast_in_dim3A_509 : vector<16xi1>, vector<16xi32>
      %min3A_511 = arith.minsi %min3A_506, %select_n3A_510 : vector<16xi32>
      %eq3A_512 = arith.cmpf oeq, %gather3A_490, %max3A_380 : vector<16xf32>
      %jit3A_513 = arith.constant 1073741824 : i32
      %broadcast_in_dim3A_514 = vector.broadcast %jit3A_513 : i32 to vector<16xi32>
      %select_n3A_515 = arith.select %eq3A_512, %add3A_470, %broadcast_in_dim3A_514 : vector<16xi1>, vector<16xi32>
      %min3A_516 = arith.minsi %min3A_511, %select_n3A_515 : vector<16xi32>
      %eq3A_517 = arith.cmpf oeq, %gather3A_491, %max3A_380 : vector<16xf32>
      %jit3A_518 = arith.constant 1073741824 : i32
      %broadcast_in_dim3A_519 = vector.broadcast %jit3A_518 : i32 to vector<16xi32>
      %select_n3A_520 = arith.select %eq3A_517, %add3A_474, %broadcast_in_dim3A_519 : vector<16xi1>, vector<16xi32>
      %min3A_521 = arith.minsi %min3A_516, %select_n3A_520 : vector<16xi32>
      %eq3A_522 = arith.cmpf oeq, %gather3A_492, %max3A_380 : vector<16xf32>
      %jit3A_523 = arith.constant 1073741824 : i32
      %broadcast_in_dim3A_524 = vector.broadcast %jit3A_523 : i32 to vector<16xi32>
      %select_n3A_525 = arith.select %eq3A_522, %add3A_478, %broadcast_in_dim3A_524 : vector<16xi1>, vector<16xi32>
      %min3A_526 = arith.minsi %min3A_521, %select_n3A_525 : vector<16xi32>
      %eq3A_527 = arith.cmpf oeq, %gather3A_493, %max3A_380 : vector<16xf32>
      %jit3A_528 = arith.constant 1073741824 : i32
      %broadcast_in_dim3A_529 = vector.broadcast %jit3A_528 : i32 to vector<16xi32>
      %select_n3A_530 = arith.select %eq3A_527, %add3A_482, %broadcast_in_dim3A_529 : vector<16xi1>, vector<16xi32>
      %min3A_531 = arith.minsi %min3A_526, %select_n3A_530 : vector<16xi32>
      %eq3A_532 = arith.cmpf oeq, %gather3A_494, %max3A_380 : vector<16xf32>
      %jit3A_533 = arith.constant 1073741824 : i32
      %broadcast_in_dim3A_534 = vector.broadcast %jit3A_533 : i32 to vector<16xi32>
      %select_n3A_535 = arith.select %eq3A_532, %add3A_486, %broadcast_in_dim3A_534 : vector<16xi1>, vector<16xi32>
      %min3A_536 = arith.minsi %min3A_531, %select_n3A_535 : vector<16xi32>
      %iota3A_537 = tpu.iota {dimensions = array<i32: 0>} : vector<16xi32>
      %xor3A_538 = arith.constant 1 : i32
      %xor3A_539 = vector.broadcast %xor3A_538 : i32 to vector<16xi32>
      %xor3A_540 = arith.xori %iota3A_537, %xor3A_539 : vector<16xi32>
      %broadcast_in_dim3A_541 = vector.shape_cast %xor3A_540 : vector<16xi32> to vector<16x1xi32>
      %gather3A_542 = vector.shape_cast %broadcast_in_dim3A_541 : vector<16x1xi32> to vector<16xi32>
      %gather3A_543 = tpu.dynamic_gather %min3A_536[%gather3A_542] in [0] : vector<16xi32>, vector<16xi32> -> vector<16xi32>
      %min3A_544 = arith.minsi %min3A_536, %gather3A_543 : vector<16xi32>
      %xor3A_545 = arith.constant 2 : i32
      %xor3A_546 = vector.broadcast %xor3A_545 : i32 to vector<16xi32>
      %xor3A_547 = arith.xori %iota3A_537, %xor3A_546 : vector<16xi32>
      %broadcast_in_dim3A_548 = vector.shape_cast %xor3A_547 : vector<16xi32> to vector<16x1xi32>
      %gather3A_549 = vector.shape_cast %broadcast_in_dim3A_548 : vector<16x1xi32> to vector<16xi32>
      %gather3A_550 = tpu.dynamic_gather %min3A_544[%gather3A_549] in [0] : vector<16xi32>, vector<16xi32> -> vector<16xi32>
      %min3A_551 = arith.minsi %min3A_544, %gather3A_550 : vector<16xi32>
      %xor3A_552 = arith.constant 4 : i32
      %xor3A_553 = vector.broadcast %xor3A_552 : i32 to vector<16xi32>
      %xor3A_554 = arith.xori %iota3A_537, %xor3A_553 : vector<16xi32>
      %broadcast_in_dim3A_555 = vector.shape_cast %xor3A_554 : vector<16xi32> to vector<16x1xi32>
      %gather3A_556 = vector.shape_cast %broadcast_in_dim3A_555 : vector<16x1xi32> to vector<16xi32>
      %gather3A_557 = tpu.dynamic_gather %min3A_551[%gather3A_556] in [0] : vector<16xi32>, vector<16xi32> -> vector<16xi32>
      %min3A_558 = arith.minsi %min3A_551, %gather3A_557 : vector<16xi32>
      %xor3A_559 = arith.constant 8 : i32
      %xor3A_560 = vector.broadcast %xor3A_559 : i32 to vector<16xi32>
      %xor3A_561 = arith.xori %iota3A_537, %xor3A_560 : vector<16xi32>
      %broadcast_in_dim3A_562 = vector.shape_cast %xor3A_561 : vector<16xi32> to vector<16x1xi32>
      %gather3A_563 = vector.shape_cast %broadcast_in_dim3A_562 : vector<16x1xi32> to vector<16xi32>
      %gather3A_564 = tpu.dynamic_gather %min3A_558[%gather3A_563] in [0] : vector<16xi32>, vector<16xi32> -> vector<16xi32>
      %min3A_565 = arith.minsi %min3A_558, %gather3A_564 : vector<16xi32>
      %eq3A_566 = arith.cmpi eq, %add3A_458, %min3A_565 : vector<16xi32>
      %jit3A_567 = arith.constant 0xFF800000 : f32
      %broadcast_in_dim3A_568 = vector.broadcast %jit3A_567 : f32 to vector<16xf32>
      %select_n3A_569 = arith.select %eq3A_566, %broadcast_in_dim3A_568, %gather3A_487 : vector<16xi1>, vector<16xf32>
      tpu.vector_store_idx %arg4[%add3A_458], %select_n3A_569 : memref<32768xf32, #tpu.memory_space<vmem>>[vector<16xi32>], vector<16xf32>,
      %max3A_570 = arith.maximumf %broadcast_in_dim3A_199, %select_n3A_569 : vector<16xf32>
      %eq3A_571 = arith.cmpi eq, %add3A_462, %min3A_565 : vector<16xi32>
      %jit3A_572 = arith.constant 0xFF800000 : f32
      %broadcast_in_dim3A_573 = vector.broadcast %jit3A_572 : f32 to vector<16xf32>
      %select_n3A_574 = arith.select %eq3A_571, %broadcast_in_dim3A_573, %gather3A_488 : vector<16xi1>, vector<16xf32>
      tpu.vector_store_idx %arg4[%add3A_462], %select_n3A_574 : memref<32768xf32, #tpu.memory_space<vmem>>[vector<16xi32>], vector<16xf32>,
      %max3A_575 = arith.maximumf %max3A_570, %select_n3A_574 : vector<16xf32>
      %eq3A_576 = arith.cmpi eq, %add3A_466, %min3A_565 : vector<16xi32>
      %jit3A_577 = arith.constant 0xFF800000 : f32
      %broadcast_in_dim3A_578 = vector.broadcast %jit3A_577 : f32 to vector<16xf32>
      %select_n3A_579 = arith.select %eq3A_576, %broadcast_in_dim3A_578, %gather3A_489 : vector<16xi1>, vector<16xf32>
      tpu.vector_store_idx %arg4[%add3A_466], %select_n3A_579 : memref<32768xf32, #tpu.memory_space<vmem>>[vector<16xi32>], vector<16xf32>,
      %max3A_580 = arith.maximumf %max3A_575, %select_n3A_579 : vector<16xf32>
      %eq3A_581 = arith.cmpi eq, %add3A_470, %min3A_565 : vector<16xi32>
      %jit3A_582 = arith.constant 0xFF800000 : f32
      %broadcast_in_dim3A_583 = vector.broadcast %jit3A_582 : f32 to vector<16xf32>
      %select_n3A_584 = arith.select %eq3A_581, %broadcast_in_dim3A_583, %gather3A_490 : vector<16xi1>, vector<16xf32>
      tpu.vector_store_idx %arg4[%add3A_470], %select_n3A_584 : memref<32768xf32, #tpu.memory_space<vmem>>[vector<16xi32>], vector<16xf32>,
      %max3A_585 = arith.maximumf %max3A_580, %select_n3A_584 : vector<16xf32>
      %eq3A_586 = arith.cmpi eq, %add3A_474, %min3A_565 : vector<16xi32>
      %jit3A_587 = arith.constant 0xFF800000 : f32
      %broadcast_in_dim3A_588 = vector.broadcast %jit3A_587 : f32 to vector<16xf32>
      %select_n3A_589 = arith.select %eq3A_586, %broadcast_in_dim3A_588, %gather3A_491 : vector<16xi1>, vector<16xf32>
      tpu.vector_store_idx %arg4[%add3A_474], %select_n3A_589 : memref<32768xf32, #tpu.memory_space<vmem>>[vector<16xi32>], vector<16xf32>,
      %max3A_590 = arith.maximumf %max3A_585, %select_n3A_589 : vector<16xf32>
      %eq3A_591 = arith.cmpi eq, %add3A_478, %min3A_565 : vector<16xi32>
      %jit3A_592 = arith.constant 0xFF800000 : f32
      %broadcast_in_dim3A_593 = vector.broadcast %jit3A_592 : f32 to vector<16xf32>
      %select_n3A_594 = arith.select %eq3A_591, %broadcast_in_dim3A_593, %gather3A_492 : vector<16xi1>, vector<16xf32>
      tpu.vector_store_idx %arg4[%add3A_478], %select_n3A_594 : memref<32768xf32, #tpu.memory_space<vmem>>[vector<16xi32>], vector<16xf32>,
      %max3A_595 = arith.maximumf %max3A_590, %select_n3A_594 : vector<16xf32>
      %eq3A_596 = arith.cmpi eq, %add3A_482, %min3A_565 : vector<16xi32>
      %jit3A_597 = arith.constant 0xFF800000 : f32
      %broadcast_in_dim3A_598 = vector.broadcast %jit3A_597 : f32 to vector<16xf32>
      %select_n3A_599 = arith.select %eq3A_596, %broadcast_in_dim3A_598, %gather3A_493 : vector<16xi1>, vector<16xf32>
      tpu.vector_store_idx %arg4[%add3A_482], %select_n3A_599 : memref<32768xf32, #tpu.memory_space<vmem>>[vector<16xi32>], vector<16xf32>,
      %max3A_600 = arith.maximumf %max3A_595, %select_n3A_599 : vector<16xf32>
      %eq3A_601 = arith.cmpi eq, %add3A_486, %min3A_565 : vector<16xi32>
      %jit3A_602 = arith.constant 0xFF800000 : f32
      %broadcast_in_dim3A_603 = vector.broadcast %jit3A_602 : f32 to vector<16xf32>
      %select_n3A_604 = arith.select %eq3A_601, %broadcast_in_dim3A_603, %gather3A_494 : vector<16xi1>, vector<16xf32>
      tpu.vector_store_idx %arg4[%add3A_486], %select_n3A_604 : memref<32768xf32, #tpu.memory_space<vmem>>[vector<16xi32>], vector<16xf32>,
      %max3A_605 = arith.maximumf %max3A_600, %select_n3A_604 : vector<16xf32>
      %mul3A_606 = arith.constant 16 : i32
      %mul3A_607 = vector.broadcast %mul3A_606 : i32 to vector<16xi32>
      %mul3A_608 = arith.muli %min3A_409, %mul3A_607 : vector<16xi32>
      %add3A_609 = arith.addi %mul3A_608, %iota3A_197 : vector<16xi32>
      %eq3A_610 = arith.cmpi eq, %add3A_609, %min3A_451 : vector<16xi32>
      %iota3A_611 = tpu.iota {dimensions = array<i32: 0>} : vector<16xi32>
      %xor3A_612 = arith.constant 1 : i32
      %xor3A_613 = vector.broadcast %xor3A_612 : i32 to vector<16xi32>
      %xor3A_614 = arith.xori %iota3A_611, %xor3A_613 : vector<16xi32>
      %broadcast_in_dim3A_615 = vector.shape_cast %xor3A_614 : vector<16xi32> to vector<16x1xi32>
      %gather3A_616 = vector.shape_cast %broadcast_in_dim3A_615 : vector<16x1xi32> to vector<16xi32>
      %gather3A_617 = tpu.dynamic_gather %max3A_605[%gather3A_616] in [0] : vector<16xf32>, vector<16xi32> -> vector<16xf32>
      %max3A_618 = arith.maximumf %max3A_605, %gather3A_617 : vector<16xf32>
      %xor3A_619 = arith.constant 2 : i32
      %xor3A_620 = vector.broadcast %xor3A_619 : i32 to vector<16xi32>
      %xor3A_621 = arith.xori %iota3A_611, %xor3A_620 : vector<16xi32>
      %broadcast_in_dim3A_622 = vector.shape_cast %xor3A_621 : vector<16xi32> to vector<16x1xi32>
      %gather3A_623 = vector.shape_cast %broadcast_in_dim3A_622 : vector<16x1xi32> to vector<16xi32>
      %gather3A_624 = tpu.dynamic_gather %max3A_618[%gather3A_623] in [0] : vector<16xf32>, vector<16xi32> -> vector<16xf32>
      %max3A_625 = arith.maximumf %max3A_618, %gather3A_624 : vector<16xf32>
      %xor3A_626 = arith.constant 4 : i32
      %xor3A_627 = vector.broadcast %xor3A_626 : i32 to vector<16xi32>
      %xor3A_628 = arith.xori %iota3A_611, %xor3A_627 : vector<16xi32>
      %broadcast_in_dim3A_629 = vector.shape_cast %xor3A_628 : vector<16xi32> to vector<16x1xi32>
      %gather3A_630 = vector.shape_cast %broadcast_in_dim3A_629 : vector<16x1xi32> to vector<16xi32>
      %gather3A_631 = tpu.dynamic_gather %max3A_625[%gather3A_630] in [0] : vector<16xf32>, vector<16xi32> -> vector<16xf32>
      %max3A_632 = arith.maximumf %max3A_625, %gather3A_631 : vector<16xf32>
      %xor3A_633 = arith.constant 8 : i32
      %xor3A_634 = vector.broadcast %xor3A_633 : i32 to vector<16xi32>
      %xor3A_635 = arith.xori %iota3A_611, %xor3A_634 : vector<16xi32>
      %broadcast_in_dim3A_636 = vector.shape_cast %xor3A_635 : vector<16xi32> to vector<16x1xi32>
      %gather3A_637 = vector.shape_cast %broadcast_in_dim3A_636 : vector<16x1xi32> to vector<16xi32>
      %gather3A_638 = tpu.dynamic_gather %max3A_632[%gather3A_637] in [0] : vector<16xf32>, vector<16xi32> -> vector<16xf32>
      %max3A_639 = arith.maximumf %max3A_632, %gather3A_638 : vector<16xf32>
      %select_n3A_640 = arith.select %eq3A_610, %max3A_639, %gather3A_414 : vector<16xi1>, vector<16xf32>
      %mul3A_641 = arith.constant 16 : i32
      %mul3A_642 = vector.broadcast %mul3A_641 : i32 to vector<16xi32>
      %mul3A_643 = arith.muli %min3A_409, %mul3A_642 : vector<16xi32>
      %add3A_644 = arith.addi %mul3A_643, %iota3A_197 : vector<16xi32>
      tpu.vector_store_idx %arg6[%add3A_644], %select_n3A_640 : memref<256xf32, #tpu.memory_space<vmem>>[vector<16xi32>], vector<16xf32>,
      %broadcast_in_dim3A_645 = vector.broadcast %scan3A_353 : i32 to vector<16xi32>
      %eq3A_646 = arith.constant 0 : i32
      %eq3A_647 = vector.broadcast %eq3A_646 : i32 to vector<16xi32>
      %eq3A_648 = arith.cmpi eq, %iota3A_197, %eq3A_647 : vector<16xi32>
      tpu.vector_store_idx %arg7[%broadcast_in_dim3A_645], %max3A_380 masked %eq3A_648 : memref<64xf32, #tpu.memory_space<vmem>>[vector<16xi32>], vector<16xf32>, vector<16xi1>
      tpu.vector_store_idx %arg8[%broadcast_in_dim3A_645], %min3A_565 masked %eq3A_648 : memref<64xi32, #tpu.memory_space<vmem>>[vector<16xi32>], vector<16xi32>, vector<16xi1>
      %eq3A_649 = arith.cmpi eq, %iota3A_197, %min3A_409 : vector<16xi32>
      %iota3A_650 = tpu.iota {dimensions = array<i32: 0>} : vector<16xi32>
      %xor3A_651 = arith.constant 1 : i32
      %xor3A_652 = vector.broadcast %xor3A_651 : i32 to vector<16xi32>
      %xor3A_653 = arith.xori %iota3A_650, %xor3A_652 : vector<16xi32>
      %broadcast_in_dim3A_654 = vector.shape_cast %xor3A_653 : vector<16xi32> to vector<16x1xi32>
      %gather3A_655 = vector.shape_cast %broadcast_in_dim3A_654 : vector<16x1xi32> to vector<16xi32>
      %gather3A_656 = tpu.dynamic_gather %select_n3A_640[%gather3A_655] in [0] : vector<16xf32>, vector<16xi32> -> vector<16xf32>
      %max3A_657 = arith.maximumf %select_n3A_640, %gather3A_656 : vector<16xf32>
      %xor3A_658 = arith.constant 2 : i32
      %xor3A_659 = vector.broadcast %xor3A_658 : i32 to vector<16xi32>
      %xor3A_660 = arith.xori %iota3A_650, %xor3A_659 : vector<16xi32>
      %broadcast_in_dim3A_661 = vector.shape_cast %xor3A_660 : vector<16xi32> to vector<16x1xi32>
      %gather3A_662 = vector.shape_cast %broadcast_in_dim3A_661 : vector<16x1xi32> to vector<16xi32>
      %gather3A_663 = tpu.dynamic_gather %max3A_657[%gather3A_662] in [0] : vector<16xf32>, vector<16xi32> -> vector<16xf32>
      %max3A_664 = arith.maximumf %max3A_657, %gather3A_663 : vector<16xf32>
      %xor3A_665 = arith.constant 4 : i32
      %xor3A_666 = vector.broadcast %xor3A_665 : i32 to vector<16xi32>
      %xor3A_667 = arith.xori %iota3A_650, %xor3A_666 : vector<16xi32>
      %broadcast_in_dim3A_668 = vector.shape_cast %xor3A_667 : vector<16xi32> to vector<16x1xi32>
      %gather3A_669 = vector.shape_cast %broadcast_in_dim3A_668 : vector<16x1xi32> to vector<16xi32>
      %gather3A_670 = tpu.dynamic_gather %max3A_664[%gather3A_669] in [0] : vector<16xf32>, vector<16xi32> -> vector<16xf32>
      %max3A_671 = arith.maximumf %max3A_664, %gather3A_670 : vector<16xf32>
      %xor3A_672 = arith.constant 8 : i32
      %xor3A_673 = vector.broadcast %xor3A_672 : i32 to vector<16xi32>
      %xor3A_674 = arith.xori %iota3A_650, %xor3A_673 : vector<16xi32>
      %broadcast_in_dim3A_675 = vector.shape_cast %xor3A_674 : vector<16xi32> to vector<16x1xi32>
      %gather3A_676 = vector.shape_cast %broadcast_in_dim3A_675 : vector<16x1xi32> to vector<16xi32>
      %gather3A_677 = tpu.dynamic_gather %max3A_671[%gather3A_676] in [0] : vector<16xf32>, vector<16xi32> -> vector<16xf32>
      %max3A_678 = arith.maximumf %max3A_671, %gather3A_677 : vector<16xf32>
      %select_n3A_679 = arith.select %eq3A_649, %max3A_678, %scan3A_354 : vector<16xi1>, vector<16xf32>
      scf.yield %select_n3A_679 : vector<16xf32>
    }
    %scan3A_211 = arith.constant 64 : i32
    %get3A_212 = arith.constant 0 : index
    %get3A_213 = tpu.vector_load %arg8[%get3A_212] {strides = array<i32>} : memref<64xi32, #tpu.memory_space<vmem>>, vector<16xi32>,
    %get3A_214 = arith.constant 16 : index
    %get3A_215 = tpu.vector_load %arg8[%get3A_214] {strides = array<i32>} : memref<64xi32, #tpu.memory_space<vmem>>, vector<16xi32>,
    %get3A_216 = arith.constant 32 : index
    %get3A_217 = tpu.vector_load %arg8[%get3A_216] {strides = array<i32>} : memref<64xi32, #tpu.memory_space<vmem>>, vector<16xi32>,
    %get3A_218 = arith.constant 48 : index
    %get3A_219 = tpu.vector_load %arg8[%get3A_218] {strides = array<i32>} : memref<64xi32, #tpu.memory_space<vmem>>, vector<16xi32>,
    %slice3A_220 = vector.extract_strided_slice %get3A_213 {offsets = [0], sizes = [1], strides = [1]} : vector<16xi32> to vector<1xi32>
    %squeeze3A_221 = vector.extract %slice3A_220[0] : i32 from vector<1xi32>
    %sub3A_222 = vector.broadcast %squeeze3A_221 : i32 to vector<16xi32>
    %sub3A_223 = arith.subi %get3A_213, %sub3A_222 : vector<16xi32>
    %and3A_224 = arith.constant 32767 : i32
    %and3A_225 = vector.broadcast %and3A_224 : i32 to vector<16xi32>
    %and3A_226 = arith.andi %sub3A_223, %and3A_225 : vector<16xi32>
    %sub3A_227 = vector.broadcast %squeeze3A_221 : i32 to vector<16xi32>
    %sub3A_228 = arith.subi %get3A_215, %sub3A_227 : vector<16xi32>
    %and3A_229 = arith.constant 32767 : i32
    %and3A_230 = vector.broadcast %and3A_229 : i32 to vector<16xi32>
    %and3A_231 = arith.andi %sub3A_228, %and3A_230 : vector<16xi32>
    %sub3A_232 = vector.broadcast %squeeze3A_221 : i32 to vector<16xi32>
    %sub3A_233 = arith.subi %get3A_217, %sub3A_232 : vector<16xi32>
    %and3A_234 = arith.constant 32767 : i32
    %and3A_235 = vector.broadcast %and3A_234 : i32 to vector<16xi32>
    %and3A_236 = arith.andi %sub3A_233, %and3A_235 : vector<16xi32>
    %sub3A_237 = vector.broadcast %squeeze3A_221 : i32 to vector<16xi32>
    %sub3A_238 = arith.subi %get3A_219, %sub3A_237 : vector<16xi32>
    %and3A_239 = arith.constant 32767 : i32
    %and3A_240 = vector.broadcast %and3A_239 : i32 to vector<16xi32>
    %and3A_241 = arith.andi %sub3A_238, %and3A_240 : vector<16xi32>
    %get3A_242 = arith.constant 0 : index
    %get3A_243 = tpu.vector_load %arg7[%get3A_242] {strides = array<i32>} : memref<64xf32, #tpu.memory_space<vmem>>, vector<16xf32>,
    %get3A_244 = arith.constant 16 : index
    %get3A_245 = tpu.vector_load %arg7[%get3A_244] {strides = array<i32>} : memref<64xf32, #tpu.memory_space<vmem>>, vector<16xf32>,
    %get3A_246 = arith.constant 32 : index
    %get3A_247 = tpu.vector_load %arg7[%get3A_246] {strides = array<i32>} : memref<64xf32, #tpu.memory_space<vmem>>, vector<16xf32>,
    %get3A_248 = arith.constant 48 : index
    %get3A_249 = tpu.vector_load %arg7[%get3A_248] {strides = array<i32>} : memref<64xf32, #tpu.memory_space<vmem>>, vector<16xf32>,
    %add3A_250 = arith.constant 1 : i32
    %add3A_251 = vector.broadcast %add3A_250 : i32 to vector<16xi32>
    %add3A_252 = arith.addi %iota3A_197, %add3A_251 : vector<16xi32>
    %and3A_253 = arith.constant 15 : i32
    %and3A_254 = vector.broadcast %and3A_253 : i32 to vector<16xi32>
    %and3A_255 = arith.andi %add3A_252, %and3A_254 : vector<16xi32>
    %broadcast_in_dim3A_256 = arith.constant 0 : i32
    %broadcast_in_dim3A_257 = vector.broadcast %broadcast_in_dim3A_256 : i32 to vector<16xi32>
    %broadcast_in_dim3A_258 = arith.constant 0 : i32
    %broadcast_in_dim3A_259 = vector.broadcast %broadcast_in_dim3A_258 : i32 to vector<16xi32>
    %broadcast_in_dim3A_260 = arith.constant 0 : i32
    %broadcast_in_dim3A_261 = vector.broadcast %broadcast_in_dim3A_260 : i32 to vector<16xi32>
    %broadcast_in_dim3A_262 = arith.constant 0 : i32
    %broadcast_in_dim3A_263 = vector.broadcast %broadcast_in_dim3A_262 : i32 to vector<16xi32>
    %scan3A_264 = arith.constant 0 : i32
    %scan3A_265 = arith.constant 16 : i32
    %scan3A_266 = arith.addi %scan3A_264, %scan3A_265 : i32
    %scan3A_267 = arith.constant 1 : i32
    %scan3A_268:8 = scf.for %scan3A_353 = %scan3A_264 to %scan3A_266 step %scan3A_267 iter_args(%scan3A_354 = %broadcast_in_dim3A_257, %scan3A_355 = %broadcast_in_dim3A_259, %scan3A_356 = %broadcast_in_dim3A_261, %scan3A_357 = %broadcast_in_dim3A_263, %scan3A_358 = %and3A_226, %scan3A_359 = %and3A_231, %scan3A_360 = %and3A_236, %scan3A_361 = %and3A_241) -> (vector<16xi32>, vector<16xi32>, vector<16xi32>, vector<16xi32>, vector<16xi32>, vector<16xi32>, vector<16xi32>, vector<16xi32>)  : i32 {
      %lt3A = arith.cmpi slt, %scan3A_358, %and3A_226 : vector<16xi32>
      %convert_element_type3A = arith.extui %lt3A : vector<16xi1> to vector<16xi32>
      %add3A_362 = arith.constant 0 : i32
      %add3A_363 = vector.broadcast %add3A_362 : i32 to vector<16xi32>
      %add3A_364 = arith.addi %add3A_363, %convert_element_type3A : vector<16xi32>
      %lt3A_365 = arith.cmpi slt, %scan3A_359, %and3A_226 : vector<16xi32>
      %convert_element_type3A_366 = arith.extui %lt3A_365 : vector<16xi1> to vector<16xi32>
      %add3A_367 = arith.addi %add3A_364, %convert_element_type3A_366 : vector<16xi32>
      %lt3A_368 = arith.cmpi slt, %scan3A_360, %and3A_226 : vector<16xi32>
      %convert_element_type3A_369 = arith.extui %lt3A_368 : vector<16xi1> to vector<16xi32>
      %add3A_370 = arith.addi %add3A_367, %convert_element_type3A_369 : vector<16xi32>
      %lt3A_371 = arith.cmpi slt, %scan3A_361, %and3A_226 : vector<16xi32>
      %convert_element_type3A_372 = arith.extui %lt3A_371 : vector<16xi1> to vector<16xi32>
      %add3A_373 = arith.addi %add3A_370, %convert_element_type3A_372 : vector<16xi32>
      %add3A_374 = arith.addi %scan3A_354, %add3A_373 : vector<16xi32>
      %lt3A_375 = arith.cmpi slt, %scan3A_358, %and3A_231 : vector<16xi32>
      %convert_element_type3A_376 = arith.extui %lt3A_375 : vector<16xi1> to vector<16xi32>
      %add3A_377 = arith.constant 0 : i32
      %add3A_378 = vector.broadcast %add3A_377 : i32 to vector<16xi32>
      %add3A_379 = arith.addi %add3A_378, %convert_element_type3A_376 : vector<16xi32>
      %lt3A_380 = arith.cmpi slt, %scan3A_359, %and3A_231 : vector<16xi32>
      %convert_element_type3A_381 = arith.extui %lt3A_380 : vector<16xi1> to vector<16xi32>
      %add3A_382 = arith.addi %add3A_379, %convert_element_type3A_381 : vector<16xi32>
      %lt3A_383 = arith.cmpi slt, %scan3A_360, %and3A_231 : vector<16xi32>
      %convert_element_type3A_384 = arith.extui %lt3A_383 : vector<16xi1> to vector<16xi32>
      %add3A_385 = arith.addi %add3A_382, %convert_element_type3A_384 : vector<16xi32>
      %lt3A_386 = arith.cmpi slt, %scan3A_361, %and3A_231 : vector<16xi32>
      %convert_element_type3A_387 = arith.extui %lt3A_386 : vector<16xi1> to vector<16xi32>
      %add3A_388 = arith.addi %add3A_385, %convert_element_type3A_387 : vector<16xi32>
      %add3A_389 = arith.addi %scan3A_355, %add3A_388 : vector<16xi32>
      %lt3A_390 = arith.cmpi slt, %scan3A_358, %and3A_236 : vector<16xi32>
      %convert_element_type3A_391 = arith.extui %lt3A_390 : vector<16xi1> to vector<16xi32>
      %add3A_392 = arith.constant 0 : i32
      %add3A_393 = vector.broadcast %add3A_392 : i32 to vector<16xi32>
      %add3A_394 = arith.addi %add3A_393, %convert_element_type3A_391 : vector<16xi32>
      %lt3A_395 = arith.cmpi slt, %scan3A_359, %and3A_236 : vector<16xi32>
      %convert_element_type3A_396 = arith.extui %lt3A_395 : vector<16xi1> to vector<16xi32>
      %add3A_397 = arith.addi %add3A_394, %convert_element_type3A_396 : vector<16xi32>
      %lt3A_398 = arith.cmpi slt, %scan3A_360, %and3A_236 : vector<16xi32>
      %convert_element_type3A_399 = arith.extui %lt3A_398 : vector<16xi1> to vector<16xi32>
      %add3A_400 = arith.addi %add3A_397, %convert_element_type3A_399 : vector<16xi32>
      %lt3A_401 = arith.cmpi slt, %scan3A_361, %and3A_236 : vector<16xi32>
      %convert_element_type3A_402 = arith.extui %lt3A_401 : vector<16xi1> to vector<16xi32>
      %add3A_403 = arith.addi %add3A_400, %convert_element_type3A_402 : vector<16xi32>
      %add3A_404 = arith.addi %scan3A_356, %add3A_403 : vector<16xi32>
      %lt3A_405 = arith.cmpi slt, %scan3A_358, %and3A_241 : vector<16xi32>
      %convert_element_type3A_406 = arith.extui %lt3A_405 : vector<16xi1> to vector<16xi32>
      %add3A_407 = arith.constant 0 : i32
      %add3A_408 = vector.broadcast %add3A_407 : i32 to vector<16xi32>
      %add3A_409 = arith.addi %add3A_408, %convert_element_type3A_406 : vector<16xi32>
      %lt3A_410 = arith.cmpi slt, %scan3A_359, %and3A_241 : vector<16xi32>
      %convert_element_type3A_411 = arith.extui %lt3A_410 : vector<16xi1> to vector<16xi32>
      %add3A_412 = arith.addi %add3A_409, %convert_element_type3A_411 : vector<16xi32>
      %lt3A_413 = arith.cmpi slt, %scan3A_360, %and3A_241 : vector<16xi32>
      %convert_element_type3A_414 = arith.extui %lt3A_413 : vector<16xi1> to vector<16xi32>
      %add3A_415 = arith.addi %add3A_412, %convert_element_type3A_414 : vector<16xi32>
      %lt3A_416 = arith.cmpi slt, %scan3A_361, %and3A_241 : vector<16xi32>
      %convert_element_type3A_417 = arith.extui %lt3A_416 : vector<16xi1> to vector<16xi32>
      %add3A_418 = arith.addi %add3A_415, %convert_element_type3A_417 : vector<16xi32>
      %add3A_419 = arith.addi %scan3A_357, %add3A_418 : vector<16xi32>
      %broadcast_in_dim3A_420 = vector.shape_cast %and3A_255 : vector<16xi32> to vector<16x1xi32>
      %gather3A = vector.shape_cast %broadcast_in_dim3A_420 : vector<16x1xi32> to vector<16xi32>
      %gather3A_421 = tpu.dynamic_gather %scan3A_358[%gather3A] in [0] : vector<16xi32>, vector<16xi32> -> vector<16xi32>
      %broadcast_in_dim3A_422 = vector.shape_cast %and3A_255 : vector<16xi32> to vector<16x1xi32>
      %gather3A_423 = vector.shape_cast %broadcast_in_dim3A_422 : vector<16x1xi32> to vector<16xi32>
      %gather3A_424 = tpu.dynamic_gather %scan3A_359[%gather3A_423] in [0] : vector<16xi32>, vector<16xi32> -> vector<16xi32>
      %broadcast_in_dim3A_425 = vector.shape_cast %and3A_255 : vector<16xi32> to vector<16x1xi32>
      %gather3A_426 = vector.shape_cast %broadcast_in_dim3A_425 : vector<16x1xi32> to vector<16xi32>
      %gather3A_427 = tpu.dynamic_gather %scan3A_360[%gather3A_426] in [0] : vector<16xi32>, vector<16xi32> -> vector<16xi32>
      %broadcast_in_dim3A_428 = vector.shape_cast %and3A_255 : vector<16xi32> to vector<16x1xi32>
      %gather3A_429 = vector.shape_cast %broadcast_in_dim3A_428 : vector<16x1xi32> to vector<16xi32>
      %gather3A_430 = tpu.dynamic_gather %scan3A_361[%gather3A_429] in [0] : vector<16xi32>, vector<16xi32> -> vector<16xi32>
      scf.yield %add3A_374, %add3A_389, %add3A_404, %add3A_419, %gather3A_421, %gather3A_424, %gather3A_427, %gather3A_430 : vector<16xi32>, vector<16xi32>, vector<16xi32>, vector<16xi32>, vector<16xi32>, vector<16xi32>, vector<16xi32>, vector<16xi32>
    }
    %scan3A_269 = arith.constant 16 : i32
    tpu.vector_store_idx %arg9[%scan3A_268#0], %get3A_243 : memref<64xf32, #tpu.memory_space<vmem>>[vector<16xi32>], vector<16xf32>,
    tpu.vector_store_idx %arg9[%scan3A_268#1], %get3A_245 : memref<64xf32, #tpu.memory_space<vmem>>[vector<16xi32>], vector<16xf32>,
    tpu.vector_store_idx %arg9[%scan3A_268#2], %get3A_247 : memref<64xf32, #tpu.memory_space<vmem>>[vector<16xi32>], vector<16xf32>,
    tpu.vector_store_idx %arg9[%scan3A_268#3], %get3A_249 : memref<64xf32, #tpu.memory_space<vmem>>[vector<16xi32>], vector<16xf32>,
    %add3A_270 = arith.constant 2 : i32
    %add3A_271 = arith.addi %mul3A_2, %add3A_270 : i32
    "tpu.region"() ({
      %run_scoped3A = tpu.sem_alloc : memref<!tpu.dma_semaphore, #tpu.memory_space<semaphore_mem>>
      %dma_start3A_353 = arith.constant 0 : i32
      %dma_start3A_354 = tpu.memref_slice %arg3[%add3A_271, %dma_start3A_353] : memref<128x64xf32, #tpu.memory_space<hbm>> -> memref<1x64xf32, #tpu.memory_space<hbm>>
      %dma_start3A_355 = tpu.memref_squeeze %dma_start3A_354 : memref<1x64xf32, #tpu.memory_space<hbm>> -> memref<64xf32, #tpu.memory_space<hbm>>
      %dma_start3A_356 = arith.constant 0 : i32
      %dma_start3A_357 = tpu.memref_slice %arg3[%add3A_271, %dma_start3A_356] : memref<128x64xf32, #tpu.memory_space<hbm>> -> memref<1x64xf32, #tpu.memory_space<hbm>>
      %dma_start3A_358 = tpu.memref_squeeze %dma_start3A_357 : memref<1x64xf32, #tpu.memory_space<hbm>> -> memref<64xf32, #tpu.memory_space<hbm>>
      tpu.enqueue_dma source(%arg9 : memref<64xf32, #tpu.memory_space<vmem>>) target(%dma_start3A_358 : memref<64xf32, #tpu.memory_space<hbm>>) target_semaphore(%run_scoped3A : memref<!tpu.dma_semaphore, #tpu.memory_space<semaphore_mem>>)
      %dma_wait3A_359 = arith.constant 0 : i32
      %dma_wait3A_360 = tpu.memref_slice %arg3[%add3A_271, %dma_wait3A_359] : memref<128x64xf32, #tpu.memory_space<hbm>> -> memref<1x64xf32, #tpu.memory_space<hbm>>
      %dma_wait3A_361 = tpu.memref_squeeze %dma_wait3A_360 : memref<1x64xf32, #tpu.memory_space<hbm>> -> memref<64xf32, #tpu.memory_space<hbm>>
      %dma_wait3A_362 = arith.constant 0 : i32
      %dma_wait3A_363 = tpu.memref_slice %arg3[%add3A_271, %dma_wait3A_362] : memref<128x64xf32, #tpu.memory_space<hbm>> -> memref<1x64xf32, #tpu.memory_space<hbm>>
      %dma_wait3A_364 = tpu.memref_squeeze %dma_wait3A_363 : memref<1x64xf32, #tpu.memory_space<hbm>> -> memref<64xf32, #tpu.memory_space<hbm>>
      tpu.wait_dma2 semaphore(%run_scoped3A : memref<!tpu.dma_semaphore, #tpu.memory_space<semaphore_mem>>) src(%arg9 : memref<64xf32, #tpu.memory_space<vmem>>) dst(%dma_wait3A_364 : memref<64xf32, #tpu.memory_space<hbm>>)
      tpu.yield
    }) : () -> ()
    %dma_wait3A_272 = arith.constant 0 : i32
    %dma_wait3A_273 = tpu.memref_slice %arg2[%add3A_184, %dma_wait3A_272] : memref<128x32768xf32, #tpu.memory_space<hbm>> -> memref<1x32768xf32, #tpu.memory_space<hbm>>
    %dma_wait3A_274 = tpu.memref_squeeze %dma_wait3A_273 : memref<1x32768xf32, #tpu.memory_space<hbm>> -> memref<32768xf32, #tpu.memory_space<hbm>>
    %dma_wait3A_275 = arith.constant 0 : i32
    %dma_wait3A_276 = tpu.memref_slice %arg2[%add3A_184, %dma_wait3A_275] : memref<128x32768xf32, #tpu.memory_space<hbm>> -> memref<1x32768xf32, #tpu.memory_space<hbm>>
    %dma_wait3A_277 = tpu.memref_squeeze %dma_wait3A_276 : memref<1x32768xf32, #tpu.memory_space<hbm>> -> memref<32768xf32, #tpu.memory_space<hbm>>
    tpu.wait_dma2 semaphore(%arg11 : memref<!tpu.dma_semaphore, #tpu.memory_space<semaphore_mem>>) src(%dma_wait3A_277 : memref<32768xf32, #tpu.memory_space<hbm>>) dst(%arg5 : memref<32768xf32, #tpu.memory_space<vmem>>)
    %iota3A_278 = tpu.iota {dimensions = array<i32: 0>} : vector<16xi32>
    %broadcast_in_dim3A_279 = arith.constant 0xFF800000 : f32
    %broadcast_in_dim3A_280 = vector.broadcast %broadcast_in_dim3A_279 : f32 to vector<16xf32>
    %scan3A_281 = arith.constant 0 : i32
    %scan3A_282 = arith.constant 16 : i32
    %scan3A_283 = arith.addi %scan3A_281, %scan3A_282 : i32
    %scan3A_284 = arith.constant 1 : i32
    %scan3A_285 = scf.for %scan3A_353 = %scan3A_281 to %scan3A_283 step %scan3A_284 iter_args(%scan3A_354 = %broadcast_in_dim3A_280) -> (vector<16xf32>)  : i32 {
      %scan3A_355 = arith.constant 0 : i32
      %scan3A_356 = arith.constant 16 : i32
      %scan3A_357 = arith.addi %scan3A_355, %scan3A_356 : i32
      %scan3A_358 = arith.constant 4 : i32
      %scan3A_359 = scf.for %scan3A_369 = %scan3A_355 to %scan3A_357 step %scan3A_358 iter_args(%scan3A_370 = %broadcast_in_dim3A_280) -> (vector<16xf32>)  : i32 {
        %mul3A_371 = arith.constant 16 : i32
        %mul3A_372 = arith.muli %scan3A_353, %mul3A_371 : i32
        %add3A_373 = arith.addi %mul3A_372, %scan3A_369 : i32
        %mul3A_374 = arith.constant 128 : i32
        %mul3A_375 = arith.muli %add3A_373, %mul3A_374 : i32
        %get3A_376 = arith.index_cast %mul3A_375 : i32 to index
        %get3A_377 = tpu.vector_load %arg5[%get3A_376] {strides = array<i32>} : memref<32768xf32, #tpu.memory_space<vmem>>, vector<16xf32>,
        %add3A_378 = arith.constant 16 : i32
        %add3A_379 = arith.addi %mul3A_375, %add3A_378 : i32
        %get3A_380 = arith.index_cast %add3A_379 : i32 to index
        %get3A_381 = tpu.vector_load %arg5[%get3A_380] {strides = array<i32>} : memref<32768xf32, #tpu.memory_space<vmem>>, vector<16xf32>,
        %max3A = arith.maximumf %get3A_377, %get3A_381 : vector<16xf32>
        %add3A_382 = arith.constant 32 : i32
        %add3A_383 = arith.addi %mul3A_375, %add3A_382 : i32
        %get3A_384 = arith.index_cast %add3A_383 : i32 to index
        %get3A_385 = tpu.vector_load %arg5[%get3A_384] {strides = array<i32>} : memref<32768xf32, #tpu.memory_space<vmem>>, vector<16xf32>,
        %max3A_386 = arith.maximumf %max3A, %get3A_385 : vector<16xf32>
        %add3A_387 = arith.constant 48 : i32
        %add3A_388 = arith.addi %mul3A_375, %add3A_387 : i32
        %get3A_389 = arith.index_cast %add3A_388 : i32 to index
        %get3A_390 = tpu.vector_load %arg5[%get3A_389] {strides = array<i32>} : memref<32768xf32, #tpu.memory_space<vmem>>, vector<16xf32>,
        %max3A_391 = arith.maximumf %max3A_386, %get3A_390 : vector<16xf32>
        %add3A_392 = arith.constant 64 : i32
        %add3A_393 = arith.addi %mul3A_375, %add3A_392 : i32
        %get3A_394 = arith.index_cast %add3A_393 : i32 to index
        %get3A_395 = tpu.vector_load %arg5[%get3A_394] {strides = array<i32>} : memref<32768xf32, #tpu.memory_space<vmem>>, vector<16xf32>,
        %max3A_396 = arith.maximumf %max3A_391, %get3A_395 : vector<16xf32>
        %add3A_397 = arith.constant 80 : i32
        %add3A_398 = arith.addi %mul3A_375, %add3A_397 : i32
        %get3A_399 = arith.index_cast %add3A_398 : i32 to index
        %get3A_400 = tpu.vector_load %arg5[%get3A_399] {strides = array<i32>} : memref<32768xf32, #tpu.memory_space<vmem>>, vector<16xf32>,
        %max3A_401 = arith.maximumf %max3A_396, %get3A_400 : vector<16xf32>
        %add3A_402 = arith.constant 96 : i32
        %add3A_403 = arith.addi %mul3A_375, %add3A_402 : i32
        %get3A_404 = arith.index_cast %add3A_403 : i32 to index
        %get3A_405 = tpu.vector_load %arg5[%get3A_404] {strides = array<i32>} : memref<32768xf32, #tpu.memory_space<vmem>>, vector<16xf32>,
        %max3A_406 = arith.maximumf %max3A_401, %get3A_405 : vector<16xf32>
        %add3A_407 = arith.constant 112 : i32
        %add3A_408 = arith.addi %mul3A_375, %add3A_407 : i32
        %get3A_409 = arith.index_cast %add3A_408 : i32 to index
        %get3A_410 = tpu.vector_load %arg5[%get3A_409] {strides = array<i32>} : memref<32768xf32, #tpu.memory_space<vmem>>, vector<16xf32>,
        %max3A_411 = arith.maximumf %max3A_406, %get3A_410 : vector<16xf32>
        %eq3A_412 = vector.broadcast %scan3A_369 : i32 to vector<16xi32>
        %eq3A_413 = arith.cmpi eq, %iota3A_278, %eq3A_412 : vector<16xi32>
        %reduce_max3A_414 = arith.constant true
        %reduce_max3A_415 = vector.broadcast %reduce_max3A_414 : i1 to vector<16xi1>
        %reduce_max3A_416 = tpu.scan <max>, %max3A_411 masked %reduce_max3A_415 : vector<16xf32>, vector<16xi1> -> vector<16xf32>
        %reduce_max3A_417 = vector.extract %reduce_max3A_416[15] : f32 from vector<16xf32>
        %broadcast_in_dim3A_418 = vector.broadcast %reduce_max3A_417 : f32 to vector<16xf32>
        %select_n3A_419 = arith.select %eq3A_413, %broadcast_in_dim3A_418, %scan3A_370 : vector<16xi1>, vector<16xf32>
        %scan3A_420 = arith.constant 1 : i32
        %scan3A_421 = arith.addi %scan3A_369, %scan3A_420 : i32
        %mul3A_422 = arith.constant 16 : i32
        %mul3A_423 = arith.muli %scan3A_353, %mul3A_422 : i32
        %add3A_424 = arith.addi %mul3A_423, %scan3A_421 : i32
        %mul3A_425 = arith.constant 128 : i32
        %mul3A_426 = arith.muli %add3A_424, %mul3A_425 : i32
        %get3A_427 = arith.index_cast %mul3A_426 : i32 to index
        %get3A_428 = tpu.vector_load %arg5[%get3A_427] {strides = array<i32>} : memref<32768xf32, #tpu.memory_space<vmem>>, vector<16xf32>,
        %add3A_429 = arith.constant 16 : i32
        %add3A_430 = arith.addi %mul3A_426, %add3A_429 : i32
        %get3A_431 = arith.index_cast %add3A_430 : i32 to index
        %get3A_432 = tpu.vector_load %arg5[%get3A_431] {strides = array<i32>} : memref<32768xf32, #tpu.memory_space<vmem>>, vector<16xf32>,
        %max3A_433 = arith.maximumf %get3A_428, %get3A_432 : vector<16xf32>
        %add3A_434 = arith.constant 32 : i32
        %add3A_435 = arith.addi %mul3A_426, %add3A_434 : i32
        %get3A_436 = arith.index_cast %add3A_435 : i32 to index
        %get3A_437 = tpu.vector_load %arg5[%get3A_436] {strides = array<i32>} : memref<32768xf32, #tpu.memory_space<vmem>>, vector<16xf32>,
        %max3A_438 = arith.maximumf %max3A_433, %get3A_437 : vector<16xf32>
        %add3A_439 = arith.constant 48 : i32
        %add3A_440 = arith.addi %mul3A_426, %add3A_439 : i32
        %get3A_441 = arith.index_cast %add3A_440 : i32 to index
        %get3A_442 = tpu.vector_load %arg5[%get3A_441] {strides = array<i32>} : memref<32768xf32, #tpu.memory_space<vmem>>, vector<16xf32>,
        %max3A_443 = arith.maximumf %max3A_438, %get3A_442 : vector<16xf32>
        %add3A_444 = arith.constant 64 : i32
        %add3A_445 = arith.addi %mul3A_426, %add3A_444 : i32
        %get3A_446 = arith.index_cast %add3A_445 : i32 to index
        %get3A_447 = tpu.vector_load %arg5[%get3A_446] {strides = array<i32>} : memref<32768xf32, #tpu.memory_space<vmem>>, vector<16xf32>,
        %max3A_448 = arith.maximumf %max3A_443, %get3A_447 : vector<16xf32>
        %add3A_449 = arith.constant 80 : i32
        %add3A_450 = arith.addi %mul3A_426, %add3A_449 : i32
        %get3A_451 = arith.index_cast %add3A_450 : i32 to index
        %get3A_452 = tpu.vector_load %arg5[%get3A_451] {strides = array<i32>} : memref<32768xf32, #tpu.memory_space<vmem>>, vector<16xf32>,
        %max3A_453 = arith.maximumf %max3A_448, %get3A_452 : vector<16xf32>
        %add3A_454 = arith.constant 96 : i32
        %add3A_455 = arith.addi %mul3A_426, %add3A_454 : i32
        %get3A_456 = arith.index_cast %add3A_455 : i32 to index
        %get3A_457 = tpu.vector_load %arg5[%get3A_456] {strides = array<i32>} : memref<32768xf32, #tpu.memory_space<vmem>>, vector<16xf32>,
        %max3A_458 = arith.maximumf %max3A_453, %get3A_457 : vector<16xf32>
        %add3A_459 = arith.constant 112 : i32
        %add3A_460 = arith.addi %mul3A_426, %add3A_459 : i32
        %get3A_461 = arith.index_cast %add3A_460 : i32 to index
        %get3A_462 = tpu.vector_load %arg5[%get3A_461] {strides = array<i32>} : memref<32768xf32, #tpu.memory_space<vmem>>, vector<16xf32>,
        %max3A_463 = arith.maximumf %max3A_458, %get3A_462 : vector<16xf32>
        %eq3A_464 = vector.broadcast %scan3A_421 : i32 to vector<16xi32>
        %eq3A_465 = arith.cmpi eq, %iota3A_278, %eq3A_464 : vector<16xi32>
        %reduce_max3A_466 = arith.constant true
        %reduce_max3A_467 = vector.broadcast %reduce_max3A_466 : i1 to vector<16xi1>
        %reduce_max3A_468 = tpu.scan <max>, %max3A_463 masked %reduce_max3A_467 : vector<16xf32>, vector<16xi1> -> vector<16xf32>
        %reduce_max3A_469 = vector.extract %reduce_max3A_468[15] : f32 from vector<16xf32>
        %broadcast_in_dim3A_470 = vector.broadcast %reduce_max3A_469 : f32 to vector<16xf32>
        %select_n3A_471 = arith.select %eq3A_465, %broadcast_in_dim3A_470, %select_n3A_419 : vector<16xi1>, vector<16xf32>
        %scan3A_472 = arith.constant 2 : i32
        %scan3A_473 = arith.addi %scan3A_369, %scan3A_472 : i32
        %mul3A_474 = arith.constant 16 : i32
        %mul3A_475 = arith.muli %scan3A_353, %mul3A_474 : i32
        %add3A_476 = arith.addi %mul3A_475, %scan3A_473 : i32
        %mul3A_477 = arith.constant 128 : i32
        %mul3A_478 = arith.muli %add3A_476, %mul3A_477 : i32
        %get3A_479 = arith.index_cast %mul3A_478 : i32 to index
        %get3A_480 = tpu.vector_load %arg5[%get3A_479] {strides = array<i32>} : memref<32768xf32, #tpu.memory_space<vmem>>, vector<16xf32>,
        %add3A_481 = arith.constant 16 : i32
        %add3A_482 = arith.addi %mul3A_478, %add3A_481 : i32
        %get3A_483 = arith.index_cast %add3A_482 : i32 to index
        %get3A_484 = tpu.vector_load %arg5[%get3A_483] {strides = array<i32>} : memref<32768xf32, #tpu.memory_space<vmem>>, vector<16xf32>,
        %max3A_485 = arith.maximumf %get3A_480, %get3A_484 : vector<16xf32>
        %add3A_486 = arith.constant 32 : i32
        %add3A_487 = arith.addi %mul3A_478, %add3A_486 : i32
        %get3A_488 = arith.index_cast %add3A_487 : i32 to index
        %get3A_489 = tpu.vector_load %arg5[%get3A_488] {strides = array<i32>} : memref<32768xf32, #tpu.memory_space<vmem>>, vector<16xf32>,
        %max3A_490 = arith.maximumf %max3A_485, %get3A_489 : vector<16xf32>
        %add3A_491 = arith.constant 48 : i32
        %add3A_492 = arith.addi %mul3A_478, %add3A_491 : i32
        %get3A_493 = arith.index_cast %add3A_492 : i32 to index
        %get3A_494 = tpu.vector_load %arg5[%get3A_493] {strides = array<i32>} : memref<32768xf32, #tpu.memory_space<vmem>>, vector<16xf32>,
        %max3A_495 = arith.maximumf %max3A_490, %get3A_494 : vector<16xf32>
        %add3A_496 = arith.constant 64 : i32
        %add3A_497 = arith.addi %mul3A_478, %add3A_496 : i32
        %get3A_498 = arith.index_cast %add3A_497 : i32 to index
        %get3A_499 = tpu.vector_load %arg5[%get3A_498] {strides = array<i32>} : memref<32768xf32, #tpu.memory_space<vmem>>, vector<16xf32>,
        %max3A_500 = arith.maximumf %max3A_495, %get3A_499 : vector<16xf32>
        %add3A_501 = arith.constant 80 : i32
        %add3A_502 = arith.addi %mul3A_478, %add3A_501 : i32
        %get3A_503 = arith.index_cast %add3A_502 : i32 to index
        %get3A_504 = tpu.vector_load %arg5[%get3A_503] {strides = array<i32>} : memref<32768xf32, #tpu.memory_space<vmem>>, vector<16xf32>,
        %max3A_505 = arith.maximumf %max3A_500, %get3A_504 : vector<16xf32>
        %add3A_506 = arith.constant 96 : i32
        %add3A_507 = arith.addi %mul3A_478, %add3A_506 : i32
        %get3A_508 = arith.index_cast %add3A_507 : i32 to index
        %get3A_509 = tpu.vector_load %arg5[%get3A_508] {strides = array<i32>} : memref<32768xf32, #tpu.memory_space<vmem>>, vector<16xf32>,
        %max3A_510 = arith.maximumf %max3A_505, %get3A_509 : vector<16xf32>
        %add3A_511 = arith.constant 112 : i32
        %add3A_512 = arith.addi %mul3A_478, %add3A_511 : i32
        %get3A_513 = arith.index_cast %add3A_512 : i32 to index
        %get3A_514 = tpu.vector_load %arg5[%get3A_513] {strides = array<i32>} : memref<32768xf32, #tpu.memory_space<vmem>>, vector<16xf32>,
        %max3A_515 = arith.maximumf %max3A_510, %get3A_514 : vector<16xf32>
        %eq3A_516 = vector.broadcast %scan3A_473 : i32 to vector<16xi32>
        %eq3A_517 = arith.cmpi eq, %iota3A_278, %eq3A_516 : vector<16xi32>
        %reduce_max3A_518 = arith.constant true
        %reduce_max3A_519 = vector.broadcast %reduce_max3A_518 : i1 to vector<16xi1>
        %reduce_max3A_520 = tpu.scan <max>, %max3A_515 masked %reduce_max3A_519 : vector<16xf32>, vector<16xi1> -> vector<16xf32>
        %reduce_max3A_521 = vector.extract %reduce_max3A_520[15] : f32 from vector<16xf32>
        %broadcast_in_dim3A_522 = vector.broadcast %reduce_max3A_521 : f32 to vector<16xf32>
        %select_n3A_523 = arith.select %eq3A_517, %broadcast_in_dim3A_522, %select_n3A_471 : vector<16xi1>, vector<16xf32>
        %scan3A_524 = arith.constant 3 : i32
        %scan3A_525 = arith.addi %scan3A_369, %scan3A_524 : i32
        %mul3A_526 = arith.constant 16 : i32
        %mul3A_527 = arith.muli %scan3A_353, %mul3A_526 : i32
        %add3A_528 = arith.addi %mul3A_527, %scan3A_525 : i32
        %mul3A_529 = arith.constant 128 : i32
        %mul3A_530 = arith.muli %add3A_528, %mul3A_529 : i32
        %get3A_531 = arith.index_cast %mul3A_530 : i32 to index
        %get3A_532 = tpu.vector_load %arg5[%get3A_531] {strides = array<i32>} : memref<32768xf32, #tpu.memory_space<vmem>>, vector<16xf32>,
        %add3A_533 = arith.constant 16 : i32
        %add3A_534 = arith.addi %mul3A_530, %add3A_533 : i32
        %get3A_535 = arith.index_cast %add3A_534 : i32 to index
        %get3A_536 = tpu.vector_load %arg5[%get3A_535] {strides = array<i32>} : memref<32768xf32, #tpu.memory_space<vmem>>, vector<16xf32>,
        %max3A_537 = arith.maximumf %get3A_532, %get3A_536 : vector<16xf32>
        %add3A_538 = arith.constant 32 : i32
        %add3A_539 = arith.addi %mul3A_530, %add3A_538 : i32
        %get3A_540 = arith.index_cast %add3A_539 : i32 to index
        %get3A_541 = tpu.vector_load %arg5[%get3A_540] {strides = array<i32>} : memref<32768xf32, #tpu.memory_space<vmem>>, vector<16xf32>,
        %max3A_542 = arith.maximumf %max3A_537, %get3A_541 : vector<16xf32>
        %add3A_543 = arith.constant 48 : i32
        %add3A_544 = arith.addi %mul3A_530, %add3A_543 : i32
        %get3A_545 = arith.index_cast %add3A_544 : i32 to index
        %get3A_546 = tpu.vector_load %arg5[%get3A_545] {strides = array<i32>} : memref<32768xf32, #tpu.memory_space<vmem>>, vector<16xf32>,
        %max3A_547 = arith.maximumf %max3A_542, %get3A_546 : vector<16xf32>
        %add3A_548 = arith.constant 64 : i32
        %add3A_549 = arith.addi %mul3A_530, %add3A_548 : i32
        %get3A_550 = arith.index_cast %add3A_549 : i32 to index
        %get3A_551 = tpu.vector_load %arg5[%get3A_550] {strides = array<i32>} : memref<32768xf32, #tpu.memory_space<vmem>>, vector<16xf32>,
        %max3A_552 = arith.maximumf %max3A_547, %get3A_551 : vector<16xf32>
        %add3A_553 = arith.constant 80 : i32
        %add3A_554 = arith.addi %mul3A_530, %add3A_553 : i32
        %get3A_555 = arith.index_cast %add3A_554 : i32 to index
        %get3A_556 = tpu.vector_load %arg5[%get3A_555] {strides = array<i32>} : memref<32768xf32, #tpu.memory_space<vmem>>, vector<16xf32>,
        %max3A_557 = arith.maximumf %max3A_552, %get3A_556 : vector<16xf32>
        %add3A_558 = arith.constant 96 : i32
        %add3A_559 = arith.addi %mul3A_530, %add3A_558 : i32
        %get3A_560 = arith.index_cast %add3A_559 : i32 to index
        %get3A_561 = tpu.vector_load %arg5[%get3A_560] {strides = array<i32>} : memref<32768xf32, #tpu.memory_space<vmem>>, vector<16xf32>,
        %max3A_562 = arith.maximumf %max3A_557, %get3A_561 : vector<16xf32>
        %add3A_563 = arith.constant 112 : i32
        %add3A_564 = arith.addi %mul3A_530, %add3A_563 : i32
        %get3A_565 = arith.index_cast %add3A_564 : i32 to index
        %get3A_566 = tpu.vector_load %arg5[%get3A_565] {strides = array<i32>} : memref<32768xf32, #tpu.memory_space<vmem>>, vector<16xf32>,
        %max3A_567 = arith.maximumf %max3A_562, %get3A_566 : vector<16xf32>
        %eq3A_568 = vector.broadcast %scan3A_525 : i32 to vector<16xi32>
        %eq3A_569 = arith.cmpi eq, %iota3A_278, %eq3A_568 : vector<16xi32>
        %reduce_max3A_570 = arith.constant true
        %reduce_max3A_571 = vector.broadcast %reduce_max3A_570 : i1 to vector<16xi1>
        %reduce_max3A_572 = tpu.scan <max>, %max3A_567 masked %reduce_max3A_571 : vector<16xf32>, vector<16xi1> -> vector<16xf32>
        %reduce_max3A_573 = vector.extract %reduce_max3A_572[15] : f32 from vector<16xf32>
        %broadcast_in_dim3A_574 = vector.broadcast %reduce_max3A_573 : f32 to vector<16xf32>
        %select_n3A_575 = arith.select %eq3A_569, %broadcast_in_dim3A_574, %select_n3A_523 : vector<16xi1>, vector<16xf32>
        scf.yield %select_n3A_575 : vector<16xf32>
      }
      %scan3A_360 = arith.constant 16 : i32
      %mul3A_361 = arith.constant 16 : i32
      %mul3A_362 = arith.muli %scan3A_353, %mul3A_361 : i32
      %swap3A = arith.index_cast %mul3A_362 : i32 to index
      %swap3A_363 = tpu.vector_load %arg6[%swap3A] {strides = array<i32>} : memref<256xf32, #tpu.memory_space<vmem>>, vector<16xf32>,
      tpu.vector_store %arg6[%swap3A], %scan3A_359 {strides = array<i32>} : memref<256xf32, #tpu.memory_space<vmem>>, vector<16xf32>,
      %eq3A = vector.broadcast %scan3A_353 : i32 to vector<16xi32>
      %eq3A_364 = arith.cmpi eq, %iota3A_278, %eq3A : vector<16xi32>
      %reduce_max3A = arith.constant true
      %reduce_max3A_365 = vector.broadcast %reduce_max3A : i1 to vector<16xi1>
      %reduce_max3A_366 = tpu.scan <max>, %scan3A_359 masked %reduce_max3A_365 : vector<16xf32>, vector<16xi1> -> vector<16xf32>
      %reduce_max3A_367 = vector.extract %reduce_max3A_366[15] : f32 from vector<16xf32>
      %broadcast_in_dim3A_368 = vector.broadcast %reduce_max3A_367 : f32 to vector<16xf32>
      %select_n3A = arith.select %eq3A_364, %broadcast_in_dim3A_368, %scan3A_354 : vector<16xi1>, vector<16xf32>
      scf.yield %select_n3A : vector<16xf32>
    }
    %scan3A_286 = arith.constant 16 : i32
    %scan3A_287 = arith.constant 0 : i32
    %scan3A_288 = arith.constant 64 : i32
    %scan3A_289 = arith.addi %scan3A_287, %scan3A_288 : i32
    %scan3A_290 = arith.constant 1 : i32
    %scan3A_291 = scf.for %scan3A_353 = %scan3A_287 to %scan3A_289 step %scan3A_290 iter_args(%scan3A_354 = %scan3A_285) -> (vector<16xf32>)  : i32 {
      %iota3A_355 = tpu.iota {dimensions = array<i32: 0>} : vector<16xi32>
      %xor3A = arith.constant 1 : i32
      %xor3A_356 = vector.broadcast %xor3A : i32 to vector<16xi32>
      %xor3A_357 = arith.xori %iota3A_355, %xor3A_356 : vector<16xi32>
      %broadcast_in_dim3A_358 = vector.shape_cast %xor3A_357 : vector<16xi32> to vector<16x1xi32>
      %gather3A = vector.shape_cast %broadcast_in_dim3A_358 : vector<16x1xi32> to vector<16xi32>
      %gather3A_359 = tpu.dynamic_gather %scan3A_354[%gather3A] in [0] : vector<16xf32>, vector<16xi32> -> vector<16xf32>
      %max3A = arith.maximumf %scan3A_354, %gather3A_359 : vector<16xf32>
      %xor3A_360 = arith.constant 2 : i32
      %xor3A_361 = vector.broadcast %xor3A_360 : i32 to vector<16xi32>
      %xor3A_362 = arith.xori %iota3A_355, %xor3A_361 : vector<16xi32>
      %broadcast_in_dim3A_363 = vector.shape_cast %xor3A_362 : vector<16xi32> to vector<16x1xi32>
      %gather3A_364 = vector.shape_cast %broadcast_in_dim3A_363 : vector<16x1xi32> to vector<16xi32>
      %gather3A_365 = tpu.dynamic_gather %max3A[%gather3A_364] in [0] : vector<16xf32>, vector<16xi32> -> vector<16xf32>
      %max3A_366 = arith.maximumf %max3A, %gather3A_365 : vector<16xf32>
      %xor3A_367 = arith.constant 4 : i32
      %xor3A_368 = vector.broadcast %xor3A_367 : i32 to vector<16xi32>
      %xor3A_369 = arith.xori %iota3A_355, %xor3A_368 : vector<16xi32>
      %broadcast_in_dim3A_370 = vector.shape_cast %xor3A_369 : vector<16xi32> to vector<16x1xi32>
      %gather3A_371 = vector.shape_cast %broadcast_in_dim3A_370 : vector<16x1xi32> to vector<16xi32>
      %gather3A_372 = tpu.dynamic_gather %max3A_366[%gather3A_371] in [0] : vector<16xf32>, vector<16xi32> -> vector<16xf32>
      %max3A_373 = arith.maximumf %max3A_366, %gather3A_372 : vector<16xf32>
      %xor3A_374 = arith.constant 8 : i32
      %xor3A_375 = vector.broadcast %xor3A_374 : i32 to vector<16xi32>
      %xor3A_376 = arith.xori %iota3A_355, %xor3A_375 : vector<16xi32>
      %broadcast_in_dim3A_377 = vector.shape_cast %xor3A_376 : vector<16xi32> to vector<16x1xi32>
      %gather3A_378 = vector.shape_cast %broadcast_in_dim3A_377 : vector<16x1xi32> to vector<16xi32>
      %gather3A_379 = tpu.dynamic_gather %max3A_373[%gather3A_378] in [0] : vector<16xf32>, vector<16xi32> -> vector<16xf32>
      %max3A_380 = arith.maximumf %max3A_373, %gather3A_379 : vector<16xf32>
      %eq3A = arith.cmpf oeq, %scan3A_354, %max3A_380 : vector<16xf32>
      %jit3A = arith.constant 1073741824 : i32
      %broadcast_in_dim3A_381 = vector.broadcast %jit3A : i32 to vector<16xi32>
      %select_n3A = arith.select %eq3A, %iota3A_278, %broadcast_in_dim3A_381 : vector<16xi1>, vector<16xi32>
      %iota3A_382 = tpu.iota {dimensions = array<i32: 0>} : vector<16xi32>
      %xor3A_383 = arith.constant 1 : i32
      %xor3A_384 = vector.broadcast %xor3A_383 : i32 to vector<16xi32>
      %xor3A_385 = arith.xori %iota3A_382, %xor3A_384 : vector<16xi32>
      %broadcast_in_dim3A_386 = vector.shape_cast %xor3A_385 : vector<16xi32> to vector<16x1xi32>
      %gather3A_387 = vector.shape_cast %broadcast_in_dim3A_386 : vector<16x1xi32> to vector<16xi32>
      %gather3A_388 = tpu.dynamic_gather %select_n3A[%gather3A_387] in [0] : vector<16xi32>, vector<16xi32> -> vector<16xi32>
      %min3A = arith.minsi %select_n3A, %gather3A_388 : vector<16xi32>
      %xor3A_389 = arith.constant 2 : i32
      %xor3A_390 = vector.broadcast %xor3A_389 : i32 to vector<16xi32>
      %xor3A_391 = arith.xori %iota3A_382, %xor3A_390 : vector<16xi32>
      %broadcast_in_dim3A_392 = vector.shape_cast %xor3A_391 : vector<16xi32> to vector<16x1xi32>
      %gather3A_393 = vector.shape_cast %broadcast_in_dim3A_392 : vector<16x1xi32> to vector<16xi32>
      %gather3A_394 = tpu.dynamic_gather %min3A[%gather3A_393] in [0] : vector<16xi32>, vector<16xi32> -> vector<16xi32>
      %min3A_395 = arith.minsi %min3A, %gather3A_394 : vector<16xi32>
      %xor3A_396 = arith.constant 4 : i32
      %xor3A_397 = vector.broadcast %xor3A_396 : i32 to vector<16xi32>
      %xor3A_398 = arith.xori %iota3A_382, %xor3A_397 : vector<16xi32>
      %broadcast_in_dim3A_399 = vector.shape_cast %xor3A_398 : vector<16xi32> to vector<16x1xi32>
      %gather3A_400 = vector.shape_cast %broadcast_in_dim3A_399 : vector<16x1xi32> to vector<16xi32>
      %gather3A_401 = tpu.dynamic_gather %min3A_395[%gather3A_400] in [0] : vector<16xi32>, vector<16xi32> -> vector<16xi32>
      %min3A_402 = arith.minsi %min3A_395, %gather3A_401 : vector<16xi32>
      %xor3A_403 = arith.constant 8 : i32
      %xor3A_404 = vector.broadcast %xor3A_403 : i32 to vector<16xi32>
      %xor3A_405 = arith.xori %iota3A_382, %xor3A_404 : vector<16xi32>
      %broadcast_in_dim3A_406 = vector.shape_cast %xor3A_405 : vector<16xi32> to vector<16x1xi32>
      %gather3A_407 = vector.shape_cast %broadcast_in_dim3A_406 : vector<16x1xi32> to vector<16xi32>
      %gather3A_408 = tpu.dynamic_gather %min3A_402[%gather3A_407] in [0] : vector<16xi32>, vector<16xi32> -> vector<16xi32>
      %min3A_409 = arith.minsi %min3A_402, %gather3A_408 : vector<16xi32>
      %mul3A_410 = arith.constant 16 : i32
      %mul3A_411 = vector.broadcast %mul3A_410 : i32 to vector<16xi32>
      %mul3A_412 = arith.muli %min3A_409, %mul3A_411 : vector<16xi32>
      %add3A_413 = arith.addi %mul3A_412, %iota3A_278 : vector<16xi32>
      %gather3A_414 = tpu.vector_load_idx %arg6[%add3A_413] : memref<256xf32, #tpu.memory_space<vmem>>[vector<16xi32>], vector<16xf32>,
      %eq3A_415 = arith.cmpf oeq, %gather3A_414, %max3A_380 : vector<16xf32>
      %mul3A_416 = arith.constant 16 : i32
      %mul3A_417 = vector.broadcast %mul3A_416 : i32 to vector<16xi32>
      %mul3A_418 = arith.muli %min3A_409, %mul3A_417 : vector<16xi32>
      %add3A_419 = arith.addi %mul3A_418, %iota3A_278 : vector<16xi32>
      %jit3A_420 = arith.constant 1073741824 : i32
      %broadcast_in_dim3A_421 = vector.broadcast %jit3A_420 : i32 to vector<16xi32>
      %select_n3A_422 = arith.select %eq3A_415, %add3A_419, %broadcast_in_dim3A_421 : vector<16xi1>, vector<16xi32>
      %iota3A_423 = tpu.iota {dimensions = array<i32: 0>} : vector<16xi32>
      %xor3A_424 = arith.constant 1 : i32
      %xor3A_425 = vector.broadcast %xor3A_424 : i32 to vector<16xi32>
      %xor3A_426 = arith.xori %iota3A_423, %xor3A_425 : vector<16xi32>
      %broadcast_in_dim3A_427 = vector.shape_cast %xor3A_426 : vector<16xi32> to vector<16x1xi32>
      %gather3A_428 = vector.shape_cast %broadcast_in_dim3A_427 : vector<16x1xi32> to vector<16xi32>
      %gather3A_429 = tpu.dynamic_gather %select_n3A_422[%gather3A_428] in [0] : vector<16xi32>, vector<16xi32> -> vector<16xi32>
      %min3A_430 = arith.minsi %select_n3A_422, %gather3A_429 : vector<16xi32>
      %xor3A_431 = arith.constant 2 : i32
      %xor3A_432 = vector.broadcast %xor3A_431 : i32 to vector<16xi32>
      %xor3A_433 = arith.xori %iota3A_423, %xor3A_432 : vector<16xi32>
      %broadcast_in_dim3A_434 = vector.shape_cast %xor3A_433 : vector<16xi32> to vector<16x1xi32>
      %gather3A_435 = vector.shape_cast %broadcast_in_dim3A_434 : vector<16x1xi32> to vector<16xi32>
      %gather3A_436 = tpu.dynamic_gather %min3A_430[%gather3A_435] in [0] : vector<16xi32>, vector<16xi32> -> vector<16xi32>
      %min3A_437 = arith.minsi %min3A_430, %gather3A_436 : vector<16xi32>
      %xor3A_438 = arith.constant 4 : i32
      %xor3A_439 = vector.broadcast %xor3A_438 : i32 to vector<16xi32>
      %xor3A_440 = arith.xori %iota3A_423, %xor3A_439 : vector<16xi32>
      %broadcast_in_dim3A_441 = vector.shape_cast %xor3A_440 : vector<16xi32> to vector<16x1xi32>
      %gather3A_442 = vector.shape_cast %broadcast_in_dim3A_441 : vector<16x1xi32> to vector<16xi32>
      %gather3A_443 = tpu.dynamic_gather %min3A_437[%gather3A_442] in [0] : vector<16xi32>, vector<16xi32> -> vector<16xi32>
      %min3A_444 = arith.minsi %min3A_437, %gather3A_443 : vector<16xi32>
      %xor3A_445 = arith.constant 8 : i32
      %xor3A_446 = vector.broadcast %xor3A_445 : i32 to vector<16xi32>
      %xor3A_447 = arith.xori %iota3A_423, %xor3A_446 : vector<16xi32>
      %broadcast_in_dim3A_448 = vector.shape_cast %xor3A_447 : vector<16xi32> to vector<16x1xi32>
      %gather3A_449 = vector.shape_cast %broadcast_in_dim3A_448 : vector<16x1xi32> to vector<16xi32>
      %gather3A_450 = tpu.dynamic_gather %min3A_444[%gather3A_449] in [0] : vector<16xi32>, vector<16xi32> -> vector<16xi32>
      %min3A_451 = arith.minsi %min3A_444, %gather3A_450 : vector<16xi32>
      %mul3A_452 = arith.constant 128 : i32
      %mul3A_453 = vector.broadcast %mul3A_452 : i32 to vector<16xi32>
      %mul3A_454 = arith.muli %min3A_451, %mul3A_453 : vector<16xi32>
      %add3A_455 = arith.addi %mul3A_454, %iota3A_278 : vector<16xi32>
      %add3A_456 = arith.constant 0 : i32
      %add3A_457 = vector.broadcast %add3A_456 : i32 to vector<16xi32>
      %add3A_458 = arith.addi %add3A_455, %add3A_457 : vector<16xi32>
      %add3A_459 = arith.addi %mul3A_454, %iota3A_278 : vector<16xi32>
      %add3A_460 = arith.constant 16 : i32
      %add3A_461 = vector.broadcast %add3A_460 : i32 to vector<16xi32>
      %add3A_462 = arith.addi %add3A_459, %add3A_461 : vector<16xi32>
      %add3A_463 = arith.addi %mul3A_454, %iota3A_278 : vector<16xi32>
      %add3A_464 = arith.constant 32 : i32
      %add3A_465 = vector.broadcast %add3A_464 : i32 to vector<16xi32>
      %add3A_466 = arith.addi %add3A_463, %add3A_465 : vector<16xi32>
      %add3A_467 = arith.addi %mul3A_454, %iota3A_278 : vector<16xi32>
      %add3A_468 = arith.constant 48 : i32
      %add3A_469 = vector.broadcast %add3A_468 : i32 to vector<16xi32>
      %add3A_470 = arith.addi %add3A_467, %add3A_469 : vector<16xi32>
      %add3A_471 = arith.addi %mul3A_454, %iota3A_278 : vector<16xi32>
      %add3A_472 = arith.constant 64 : i32
      %add3A_473 = vector.broadcast %add3A_472 : i32 to vector<16xi32>
      %add3A_474 = arith.addi %add3A_471, %add3A_473 : vector<16xi32>
      %add3A_475 = arith.addi %mul3A_454, %iota3A_278 : vector<16xi32>
      %add3A_476 = arith.constant 80 : i32
      %add3A_477 = vector.broadcast %add3A_476 : i32 to vector<16xi32>
      %add3A_478 = arith.addi %add3A_475, %add3A_477 : vector<16xi32>
      %add3A_479 = arith.addi %mul3A_454, %iota3A_278 : vector<16xi32>
      %add3A_480 = arith.constant 96 : i32
      %add3A_481 = vector.broadcast %add3A_480 : i32 to vector<16xi32>
      %add3A_482 = arith.addi %add3A_479, %add3A_481 : vector<16xi32>
      %add3A_483 = arith.addi %mul3A_454, %iota3A_278 : vector<16xi32>
      %add3A_484 = arith.constant 112 : i32
      %add3A_485 = vector.broadcast %add3A_484 : i32 to vector<16xi32>
      %add3A_486 = arith.addi %add3A_483, %add3A_485 : vector<16xi32>
      %gather3A_487 = tpu.vector_load_idx %arg5[%add3A_458] : memref<32768xf32, #tpu.memory_space<vmem>>[vector<16xi32>], vector<16xf32>,
      %gather3A_488 = tpu.vector_load_idx %arg5[%add3A_462] : memref<32768xf32, #tpu.memory_space<vmem>>[vector<16xi32>], vector<16xf32>,
      %gather3A_489 = tpu.vector_load_idx %arg5[%add3A_466] : memref<32768xf32, #tpu.memory_space<vmem>>[vector<16xi32>], vector<16xf32>,
      %gather3A_490 = tpu.vector_load_idx %arg5[%add3A_470] : memref<32768xf32, #tpu.memory_space<vmem>>[vector<16xi32>], vector<16xf32>,
      %gather3A_491 = tpu.vector_load_idx %arg5[%add3A_474] : memref<32768xf32, #tpu.memory_space<vmem>>[vector<16xi32>], vector<16xf32>,
      %gather3A_492 = tpu.vector_load_idx %arg5[%add3A_478] : memref<32768xf32, #tpu.memory_space<vmem>>[vector<16xi32>], vector<16xf32>,
      %gather3A_493 = tpu.vector_load_idx %arg5[%add3A_482] : memref<32768xf32, #tpu.memory_space<vmem>>[vector<16xi32>], vector<16xf32>,
      %gather3A_494 = tpu.vector_load_idx %arg5[%add3A_486] : memref<32768xf32, #tpu.memory_space<vmem>>[vector<16xi32>], vector<16xf32>,
      %broadcast_in_dim3A_495 = arith.constant 1073741824 : i32
      %broadcast_in_dim3A_496 = vector.broadcast %broadcast_in_dim3A_495 : i32 to vector<16xi32>
      %eq3A_497 = arith.cmpf oeq, %gather3A_487, %max3A_380 : vector<16xf32>
      %jit3A_498 = arith.constant 1073741824 : i32
      %broadcast_in_dim3A_499 = vector.broadcast %jit3A_498 : i32 to vector<16xi32>
      %select_n3A_500 = arith.select %eq3A_497, %add3A_458, %broadcast_in_dim3A_499 : vector<16xi1>, vector<16xi32>
      %min3A_501 = arith.minsi %broadcast_in_dim3A_496, %select_n3A_500 : vector<16xi32>
      %eq3A_502 = arith.cmpf oeq, %gather3A_488, %max3A_380 : vector<16xf32>
      %jit3A_503 = arith.constant 1073741824 : i32
      %broadcast_in_dim3A_504 = vector.broadcast %jit3A_503 : i32 to vector<16xi32>
      %select_n3A_505 = arith.select %eq3A_502, %add3A_462, %broadcast_in_dim3A_504 : vector<16xi1>, vector<16xi32>
      %min3A_506 = arith.minsi %min3A_501, %select_n3A_505 : vector<16xi32>
      %eq3A_507 = arith.cmpf oeq, %gather3A_489, %max3A_380 : vector<16xf32>
      %jit3A_508 = arith.constant 1073741824 : i32
      %broadcast_in_dim3A_509 = vector.broadcast %jit3A_508 : i32 to vector<16xi32>
      %select_n3A_510 = arith.select %eq3A_507, %add3A_466, %broadcast_in_dim3A_509 : vector<16xi1>, vector<16xi32>
      %min3A_511 = arith.minsi %min3A_506, %select_n3A_510 : vector<16xi32>
      %eq3A_512 = arith.cmpf oeq, %gather3A_490, %max3A_380 : vector<16xf32>
      %jit3A_513 = arith.constant 1073741824 : i32
      %broadcast_in_dim3A_514 = vector.broadcast %jit3A_513 : i32 to vector<16xi32>
      %select_n3A_515 = arith.select %eq3A_512, %add3A_470, %broadcast_in_dim3A_514 : vector<16xi1>, vector<16xi32>
      %min3A_516 = arith.minsi %min3A_511, %select_n3A_515 : vector<16xi32>
      %eq3A_517 = arith.cmpf oeq, %gather3A_491, %max3A_380 : vector<16xf32>
      %jit3A_518 = arith.constant 1073741824 : i32
      %broadcast_in_dim3A_519 = vector.broadcast %jit3A_518 : i32 to vector<16xi32>
      %select_n3A_520 = arith.select %eq3A_517, %add3A_474, %broadcast_in_dim3A_519 : vector<16xi1>, vector<16xi32>
      %min3A_521 = arith.minsi %min3A_516, %select_n3A_520 : vector<16xi32>
      %eq3A_522 = arith.cmpf oeq, %gather3A_492, %max3A_380 : vector<16xf32>
      %jit3A_523 = arith.constant 1073741824 : i32
      %broadcast_in_dim3A_524 = vector.broadcast %jit3A_523 : i32 to vector<16xi32>
      %select_n3A_525 = arith.select %eq3A_522, %add3A_478, %broadcast_in_dim3A_524 : vector<16xi1>, vector<16xi32>
      %min3A_526 = arith.minsi %min3A_521, %select_n3A_525 : vector<16xi32>
      %eq3A_527 = arith.cmpf oeq, %gather3A_493, %max3A_380 : vector<16xf32>
      %jit3A_528 = arith.constant 1073741824 : i32
      %broadcast_in_dim3A_529 = vector.broadcast %jit3A_528 : i32 to vector<16xi32>
      %select_n3A_530 = arith.select %eq3A_527, %add3A_482, %broadcast_in_dim3A_529 : vector<16xi1>, vector<16xi32>
      %min3A_531 = arith.minsi %min3A_526, %select_n3A_530 : vector<16xi32>
      %eq3A_532 = arith.cmpf oeq, %gather3A_494, %max3A_380 : vector<16xf32>
      %jit3A_533 = arith.constant 1073741824 : i32
      %broadcast_in_dim3A_534 = vector.broadcast %jit3A_533 : i32 to vector<16xi32>
      %select_n3A_535 = arith.select %eq3A_532, %add3A_486, %broadcast_in_dim3A_534 : vector<16xi1>, vector<16xi32>
      %min3A_536 = arith.minsi %min3A_531, %select_n3A_535 : vector<16xi32>
      %iota3A_537 = tpu.iota {dimensions = array<i32: 0>} : vector<16xi32>
      %xor3A_538 = arith.constant 1 : i32
      %xor3A_539 = vector.broadcast %xor3A_538 : i32 to vector<16xi32>
      %xor3A_540 = arith.xori %iota3A_537, %xor3A_539 : vector<16xi32>
      %broadcast_in_dim3A_541 = vector.shape_cast %xor3A_540 : vector<16xi32> to vector<16x1xi32>
      %gather3A_542 = vector.shape_cast %broadcast_in_dim3A_541 : vector<16x1xi32> to vector<16xi32>
      %gather3A_543 = tpu.dynamic_gather %min3A_536[%gather3A_542] in [0] : vector<16xi32>, vector<16xi32> -> vector<16xi32>
      %min3A_544 = arith.minsi %min3A_536, %gather3A_543 : vector<16xi32>
      %xor3A_545 = arith.constant 2 : i32
      %xor3A_546 = vector.broadcast %xor3A_545 : i32 to vector<16xi32>
      %xor3A_547 = arith.xori %iota3A_537, %xor3A_546 : vector<16xi32>
      %broadcast_in_dim3A_548 = vector.shape_cast %xor3A_547 : vector<16xi32> to vector<16x1xi32>
      %gather3A_549 = vector.shape_cast %broadcast_in_dim3A_548 : vector<16x1xi32> to vector<16xi32>
      %gather3A_550 = tpu.dynamic_gather %min3A_544[%gather3A_549] in [0] : vector<16xi32>, vector<16xi32> -> vector<16xi32>
      %min3A_551 = arith.minsi %min3A_544, %gather3A_550 : vector<16xi32>
      %xor3A_552 = arith.constant 4 : i32
      %xor3A_553 = vector.broadcast %xor3A_552 : i32 to vector<16xi32>
      %xor3A_554 = arith.xori %iota3A_537, %xor3A_553 : vector<16xi32>
      %broadcast_in_dim3A_555 = vector.shape_cast %xor3A_554 : vector<16xi32> to vector<16x1xi32>
      %gather3A_556 = vector.shape_cast %broadcast_in_dim3A_555 : vector<16x1xi32> to vector<16xi32>
      %gather3A_557 = tpu.dynamic_gather %min3A_551[%gather3A_556] in [0] : vector<16xi32>, vector<16xi32> -> vector<16xi32>
      %min3A_558 = arith.minsi %min3A_551, %gather3A_557 : vector<16xi32>
      %xor3A_559 = arith.constant 8 : i32
      %xor3A_560 = vector.broadcast %xor3A_559 : i32 to vector<16xi32>
      %xor3A_561 = arith.xori %iota3A_537, %xor3A_560 : vector<16xi32>
      %broadcast_in_dim3A_562 = vector.shape_cast %xor3A_561 : vector<16xi32> to vector<16x1xi32>
      %gather3A_563 = vector.shape_cast %broadcast_in_dim3A_562 : vector<16x1xi32> to vector<16xi32>
      %gather3A_564 = tpu.dynamic_gather %min3A_558[%gather3A_563] in [0] : vector<16xi32>, vector<16xi32> -> vector<16xi32>
      %min3A_565 = arith.minsi %min3A_558, %gather3A_564 : vector<16xi32>
      %eq3A_566 = arith.cmpi eq, %add3A_458, %min3A_565 : vector<16xi32>
      %jit3A_567 = arith.constant 0xFF800000 : f32
      %broadcast_in_dim3A_568 = vector.broadcast %jit3A_567 : f32 to vector<16xf32>
      %select_n3A_569 = arith.select %eq3A_566, %broadcast_in_dim3A_568, %gather3A_487 : vector<16xi1>, vector<16xf32>
      tpu.vector_store_idx %arg5[%add3A_458], %select_n3A_569 : memref<32768xf32, #tpu.memory_space<vmem>>[vector<16xi32>], vector<16xf32>,
      %max3A_570 = arith.maximumf %broadcast_in_dim3A_280, %select_n3A_569 : vector<16xf32>
      %eq3A_571 = arith.cmpi eq, %add3A_462, %min3A_565 : vector<16xi32>
      %jit3A_572 = arith.constant 0xFF800000 : f32
      %broadcast_in_dim3A_573 = vector.broadcast %jit3A_572 : f32 to vector<16xf32>
      %select_n3A_574 = arith.select %eq3A_571, %broadcast_in_dim3A_573, %gather3A_488 : vector<16xi1>, vector<16xf32>
      tpu.vector_store_idx %arg5[%add3A_462], %select_n3A_574 : memref<32768xf32, #tpu.memory_space<vmem>>[vector<16xi32>], vector<16xf32>,
      %max3A_575 = arith.maximumf %max3A_570, %select_n3A_574 : vector<16xf32>
      %eq3A_576 = arith.cmpi eq, %add3A_466, %min3A_565 : vector<16xi32>
      %jit3A_577 = arith.constant 0xFF800000 : f32
      %broadcast_in_dim3A_578 = vector.broadcast %jit3A_577 : f32 to vector<16xf32>
      %select_n3A_579 = arith.select %eq3A_576, %broadcast_in_dim3A_578, %gather3A_489 : vector<16xi1>, vector<16xf32>
      tpu.vector_store_idx %arg5[%add3A_466], %select_n3A_579 : memref<32768xf32, #tpu.memory_space<vmem>>[vector<16xi32>], vector<16xf32>,
      %max3A_580 = arith.maximumf %max3A_575, %select_n3A_579 : vector<16xf32>
      %eq3A_581 = arith.cmpi eq, %add3A_470, %min3A_565 : vector<16xi32>
      %jit3A_582 = arith.constant 0xFF800000 : f32
      %broadcast_in_dim3A_583 = vector.broadcast %jit3A_582 : f32 to vector<16xf32>
      %select_n3A_584 = arith.select %eq3A_581, %broadcast_in_dim3A_583, %gather3A_490 : vector<16xi1>, vector<16xf32>
      tpu.vector_store_idx %arg5[%add3A_470], %select_n3A_584 : memref<32768xf32, #tpu.memory_space<vmem>>[vector<16xi32>], vector<16xf32>,
      %max3A_585 = arith.maximumf %max3A_580, %select_n3A_584 : vector<16xf32>
      %eq3A_586 = arith.cmpi eq, %add3A_474, %min3A_565 : vector<16xi32>
      %jit3A_587 = arith.constant 0xFF800000 : f32
      %broadcast_in_dim3A_588 = vector.broadcast %jit3A_587 : f32 to vector<16xf32>
      %select_n3A_589 = arith.select %eq3A_586, %broadcast_in_dim3A_588, %gather3A_491 : vector<16xi1>, vector<16xf32>
      tpu.vector_store_idx %arg5[%add3A_474], %select_n3A_589 : memref<32768xf32, #tpu.memory_space<vmem>>[vector<16xi32>], vector<16xf32>,
      %max3A_590 = arith.maximumf %max3A_585, %select_n3A_589 : vector<16xf32>
      %eq3A_591 = arith.cmpi eq, %add3A_478, %min3A_565 : vector<16xi32>
      %jit3A_592 = arith.constant 0xFF800000 : f32
      %broadcast_in_dim3A_593 = vector.broadcast %jit3A_592 : f32 to vector<16xf32>
      %select_n3A_594 = arith.select %eq3A_591, %broadcast_in_dim3A_593, %gather3A_492 : vector<16xi1>, vector<16xf32>
      tpu.vector_store_idx %arg5[%add3A_478], %select_n3A_594 : memref<32768xf32, #tpu.memory_space<vmem>>[vector<16xi32>], vector<16xf32>,
      %max3A_595 = arith.maximumf %max3A_590, %select_n3A_594 : vector<16xf32>
      %eq3A_596 = arith.cmpi eq, %add3A_482, %min3A_565 : vector<16xi32>
      %jit3A_597 = arith.constant 0xFF800000 : f32
      %broadcast_in_dim3A_598 = vector.broadcast %jit3A_597 : f32 to vector<16xf32>
      %select_n3A_599 = arith.select %eq3A_596, %broadcast_in_dim3A_598, %gather3A_493 : vector<16xi1>, vector<16xf32>
      tpu.vector_store_idx %arg5[%add3A_482], %select_n3A_599 : memref<32768xf32, #tpu.memory_space<vmem>>[vector<16xi32>], vector<16xf32>,
      %max3A_600 = arith.maximumf %max3A_595, %select_n3A_599 : vector<16xf32>
      %eq3A_601 = arith.cmpi eq, %add3A_486, %min3A_565 : vector<16xi32>
      %jit3A_602 = arith.constant 0xFF800000 : f32
      %broadcast_in_dim3A_603 = vector.broadcast %jit3A_602 : f32 to vector<16xf32>
      %select_n3A_604 = arith.select %eq3A_601, %broadcast_in_dim3A_603, %gather3A_494 : vector<16xi1>, vector<16xf32>
      tpu.vector_store_idx %arg5[%add3A_486], %select_n3A_604 : memref<32768xf32, #tpu.memory_space<vmem>>[vector<16xi32>], vector<16xf32>,
      %max3A_605 = arith.maximumf %max3A_600, %select_n3A_604 : vector<16xf32>
      %mul3A_606 = arith.constant 16 : i32
      %mul3A_607 = vector.broadcast %mul3A_606 : i32 to vector<16xi32>
      %mul3A_608 = arith.muli %min3A_409, %mul3A_607 : vector<16xi32>
      %add3A_609 = arith.addi %mul3A_608, %iota3A_278 : vector<16xi32>
      %eq3A_610 = arith.cmpi eq, %add3A_609, %min3A_451 : vector<16xi32>
      %iota3A_611 = tpu.iota {dimensions = array<i32: 0>} : vector<16xi32>
      %xor3A_612 = arith.constant 1 : i32
      %xor3A_613 = vector.broadcast %xor3A_612 : i32 to vector<16xi32>
      %xor3A_614 = arith.xori %iota3A_611, %xor3A_613 : vector<16xi32>
      %broadcast_in_dim3A_615 = vector.shape_cast %xor3A_614 : vector<16xi32> to vector<16x1xi32>
      %gather3A_616 = vector.shape_cast %broadcast_in_dim3A_615 : vector<16x1xi32> to vector<16xi32>
      %gather3A_617 = tpu.dynamic_gather %max3A_605[%gather3A_616] in [0] : vector<16xf32>, vector<16xi32> -> vector<16xf32>
      %max3A_618 = arith.maximumf %max3A_605, %gather3A_617 : vector<16xf32>
      %xor3A_619 = arith.constant 2 : i32
      %xor3A_620 = vector.broadcast %xor3A_619 : i32 to vector<16xi32>
      %xor3A_621 = arith.xori %iota3A_611, %xor3A_620 : vector<16xi32>
      %broadcast_in_dim3A_622 = vector.shape_cast %xor3A_621 : vector<16xi32> to vector<16x1xi32>
      %gather3A_623 = vector.shape_cast %broadcast_in_dim3A_622 : vector<16x1xi32> to vector<16xi32>
      %gather3A_624 = tpu.dynamic_gather %max3A_618[%gather3A_623] in [0] : vector<16xf32>, vector<16xi32> -> vector<16xf32>
      %max3A_625 = arith.maximumf %max3A_618, %gather3A_624 : vector<16xf32>
      %xor3A_626 = arith.constant 4 : i32
      %xor3A_627 = vector.broadcast %xor3A_626 : i32 to vector<16xi32>
      %xor3A_628 = arith.xori %iota3A_611, %xor3A_627 : vector<16xi32>
      %broadcast_in_dim3A_629 = vector.shape_cast %xor3A_628 : vector<16xi32> to vector<16x1xi32>
      %gather3A_630 = vector.shape_cast %broadcast_in_dim3A_629 : vector<16x1xi32> to vector<16xi32>
      %gather3A_631 = tpu.dynamic_gather %max3A_625[%gather3A_630] in [0] : vector<16xf32>, vector<16xi32> -> vector<16xf32>
      %max3A_632 = arith.maximumf %max3A_625, %gather3A_631 : vector<16xf32>
      %xor3A_633 = arith.constant 8 : i32
      %xor3A_634 = vector.broadcast %xor3A_633 : i32 to vector<16xi32>
      %xor3A_635 = arith.xori %iota3A_611, %xor3A_634 : vector<16xi32>
      %broadcast_in_dim3A_636 = vector.shape_cast %xor3A_635 : vector<16xi32> to vector<16x1xi32>
      %gather3A_637 = vector.shape_cast %broadcast_in_dim3A_636 : vector<16x1xi32> to vector<16xi32>
      %gather3A_638 = tpu.dynamic_gather %max3A_632[%gather3A_637] in [0] : vector<16xf32>, vector<16xi32> -> vector<16xf32>
      %max3A_639 = arith.maximumf %max3A_632, %gather3A_638 : vector<16xf32>
      %select_n3A_640 = arith.select %eq3A_610, %max3A_639, %gather3A_414 : vector<16xi1>, vector<16xf32>
      %mul3A_641 = arith.constant 16 : i32
      %mul3A_642 = vector.broadcast %mul3A_641 : i32 to vector<16xi32>
      %mul3A_643 = arith.muli %min3A_409, %mul3A_642 : vector<16xi32>
      %add3A_644 = arith.addi %mul3A_643, %iota3A_278 : vector<16xi32>
      tpu.vector_store_idx %arg6[%add3A_644], %select_n3A_640 : memref<256xf32, #tpu.memory_space<vmem>>[vector<16xi32>], vector<16xf32>,
      %broadcast_in_dim3A_645 = vector.broadcast %scan3A_353 : i32 to vector<16xi32>
      %eq3A_646 = arith.constant 0 : i32
      %eq3A_647 = vector.broadcast %eq3A_646 : i32 to vector<16xi32>
      %eq3A_648 = arith.cmpi eq, %iota3A_278, %eq3A_647 : vector<16xi32>
      tpu.vector_store_idx %arg7[%broadcast_in_dim3A_645], %max3A_380 masked %eq3A_648 : memref<64xf32, #tpu.memory_space<vmem>>[vector<16xi32>], vector<16xf32>, vector<16xi1>
      tpu.vector_store_idx %arg8[%broadcast_in_dim3A_645], %min3A_565 masked %eq3A_648 : memref<64xi32, #tpu.memory_space<vmem>>[vector<16xi32>], vector<16xi32>, vector<16xi1>
      %eq3A_649 = arith.cmpi eq, %iota3A_278, %min3A_409 : vector<16xi32>
      %iota3A_650 = tpu.iota {dimensions = array<i32: 0>} : vector<16xi32>
      %xor3A_651 = arith.constant 1 : i32
      %xor3A_652 = vector.broadcast %xor3A_651 : i32 to vector<16xi32>
      %xor3A_653 = arith.xori %iota3A_650, %xor3A_652 : vector<16xi32>
      %broadcast_in_dim3A_654 = vector.shape_cast %xor3A_653 : vector<16xi32> to vector<16x1xi32>
      %gather3A_655 = vector.shape_cast %broadcast_in_dim3A_654 : vector<16x1xi32> to vector<16xi32>
      %gather3A_656 = tpu.dynamic_gather %select_n3A_640[%gather3A_655] in [0] : vector<16xf32>, vector<16xi32> -> vector<16xf32>
      %max3A_657 = arith.maximumf %select_n3A_640, %gather3A_656 : vector<16xf32>
      %xor3A_658 = arith.constant 2 : i32
      %xor3A_659 = vector.broadcast %xor3A_658 : i32 to vector<16xi32>
      %xor3A_660 = arith.xori %iota3A_650, %xor3A_659 : vector<16xi32>
      %broadcast_in_dim3A_661 = vector.shape_cast %xor3A_660 : vector<16xi32> to vector<16x1xi32>
      %gather3A_662 = vector.shape_cast %broadcast_in_dim3A_661 : vector<16x1xi32> to vector<16xi32>
      %gather3A_663 = tpu.dynamic_gather %max3A_657[%gather3A_662] in [0] : vector<16xf32>, vector<16xi32> -> vector<16xf32>
      %max3A_664 = arith.maximumf %max3A_657, %gather3A_663 : vector<16xf32>
      %xor3A_665 = arith.constant 4 : i32
      %xor3A_666 = vector.broadcast %xor3A_665 : i32 to vector<16xi32>
      %xor3A_667 = arith.xori %iota3A_650, %xor3A_666 : vector<16xi32>
      %broadcast_in_dim3A_668 = vector.shape_cast %xor3A_667 : vector<16xi32> to vector<16x1xi32>
      %gather3A_669 = vector.shape_cast %broadcast_in_dim3A_668 : vector<16x1xi32> to vector<16xi32>
      %gather3A_670 = tpu.dynamic_gather %max3A_664[%gather3A_669] in [0] : vector<16xf32>, vector<16xi32> -> vector<16xf32>
      %max3A_671 = arith.maximumf %max3A_664, %gather3A_670 : vector<16xf32>
      %xor3A_672 = arith.constant 8 : i32
      %xor3A_673 = vector.broadcast %xor3A_672 : i32 to vector<16xi32>
      %xor3A_674 = arith.xori %iota3A_650, %xor3A_673 : vector<16xi32>
      %broadcast_in_dim3A_675 = vector.shape_cast %xor3A_674 : vector<16xi32> to vector<16x1xi32>
      %gather3A_676 = vector.shape_cast %broadcast_in_dim3A_675 : vector<16x1xi32> to vector<16xi32>
      %gather3A_677 = tpu.dynamic_gather %max3A_671[%gather3A_676] in [0] : vector<16xf32>, vector<16xi32> -> vector<16xf32>
      %max3A_678 = arith.maximumf %max3A_671, %gather3A_677 : vector<16xf32>
      %select_n3A_679 = arith.select %eq3A_649, %max3A_678, %scan3A_354 : vector<16xi1>, vector<16xf32>
      scf.yield %select_n3A_679 : vector<16xf32>
    }
    %scan3A_292 = arith.constant 64 : i32
    %get3A_293 = arith.constant 0 : index
    %get3A_294 = tpu.vector_load %arg8[%get3A_293] {strides = array<i32>} : memref<64xi32, #tpu.memory_space<vmem>>, vector<16xi32>,
    %get3A_295 = arith.constant 16 : index
    %get3A_296 = tpu.vector_load %arg8[%get3A_295] {strides = array<i32>} : memref<64xi32, #tpu.memory_space<vmem>>, vector<16xi32>,
    %get3A_297 = arith.constant 32 : index
    %get3A_298 = tpu.vector_load %arg8[%get3A_297] {strides = array<i32>} : memref<64xi32, #tpu.memory_space<vmem>>, vector<16xi32>,
    %get3A_299 = arith.constant 48 : index
    %get3A_300 = tpu.vector_load %arg8[%get3A_299] {strides = array<i32>} : memref<64xi32, #tpu.memory_space<vmem>>, vector<16xi32>,
    %slice3A_301 = vector.extract_strided_slice %get3A_294 {offsets = [0], sizes = [1], strides = [1]} : vector<16xi32> to vector<1xi32>
    %squeeze3A_302 = vector.extract %slice3A_301[0] : i32 from vector<1xi32>
    %sub3A_303 = vector.broadcast %squeeze3A_302 : i32 to vector<16xi32>
    %sub3A_304 = arith.subi %get3A_294, %sub3A_303 : vector<16xi32>
    %and3A_305 = arith.constant 32767 : i32
    %and3A_306 = vector.broadcast %and3A_305 : i32 to vector<16xi32>
    %and3A_307 = arith.andi %sub3A_304, %and3A_306 : vector<16xi32>
    %sub3A_308 = vector.broadcast %squeeze3A_302 : i32 to vector<16xi32>
    %sub3A_309 = arith.subi %get3A_296, %sub3A_308 : vector<16xi32>
    %and3A_310 = arith.constant 32767 : i32
    %and3A_311 = vector.broadcast %and3A_310 : i32 to vector<16xi32>
    %and3A_312 = arith.andi %sub3A_309, %and3A_311 : vector<16xi32>
    %sub3A_313 = vector.broadcast %squeeze3A_302 : i32 to vector<16xi32>
    %sub3A_314 = arith.subi %get3A_298, %sub3A_313 : vector<16xi32>
    %and3A_315 = arith.constant 32767 : i32
    %and3A_316 = vector.broadcast %and3A_315 : i32 to vector<16xi32>
    %and3A_317 = arith.andi %sub3A_314, %and3A_316 : vector<16xi32>
    %sub3A_318 = vector.broadcast %squeeze3A_302 : i32 to vector<16xi32>
    %sub3A_319 = arith.subi %get3A_300, %sub3A_318 : vector<16xi32>
    %and3A_320 = arith.constant 32767 : i32
    %and3A_321 = vector.broadcast %and3A_320 : i32 to vector<16xi32>
    %and3A_322 = arith.andi %sub3A_319, %and3A_321 : vector<16xi32>
    %get3A_323 = arith.constant 0 : index
    %get3A_324 = tpu.vector_load %arg7[%get3A_323] {strides = array<i32>} : memref<64xf32, #tpu.memory_space<vmem>>, vector<16xf32>,
    %get3A_325 = arith.constant 16 : index
    %get3A_326 = tpu.vector_load %arg7[%get3A_325] {strides = array<i32>} : memref<64xf32, #tpu.memory_space<vmem>>, vector<16xf32>,
    %get3A_327 = arith.constant 32 : index
    %get3A_328 = tpu.vector_load %arg7[%get3A_327] {strides = array<i32>} : memref<64xf32, #tpu.memory_space<vmem>>, vector<16xf32>,
    %get3A_329 = arith.constant 48 : index
    %get3A_330 = tpu.vector_load %arg7[%get3A_329] {strides = array<i32>} : memref<64xf32, #tpu.memory_space<vmem>>, vector<16xf32>,
    %add3A_331 = arith.constant 1 : i32
    %add3A_332 = vector.broadcast %add3A_331 : i32 to vector<16xi32>
    %add3A_333 = arith.addi %iota3A_278, %add3A_332 : vector<16xi32>
    %and3A_334 = arith.constant 15 : i32
    %and3A_335 = vector.broadcast %and3A_334 : i32 to vector<16xi32>
    %and3A_336 = arith.andi %add3A_333, %and3A_335 : vector<16xi32>
    %broadcast_in_dim3A_337 = arith.constant 0 : i32
    %broadcast_in_dim3A_338 = vector.broadcast %broadcast_in_dim3A_337 : i32 to vector<16xi32>
    %broadcast_in_dim3A_339 = arith.constant 0 : i32
    %broadcast_in_dim3A_340 = vector.broadcast %broadcast_in_dim3A_339 : i32 to vector<16xi32>
    %broadcast_in_dim3A_341 = arith.constant 0 : i32
    %broadcast_in_dim3A_342 = vector.broadcast %broadcast_in_dim3A_341 : i32 to vector<16xi32>
    %broadcast_in_dim3A_343 = arith.constant 0 : i32
    %broadcast_in_dim3A_344 = vector.broadcast %broadcast_in_dim3A_343 : i32 to vector<16xi32>
    %scan3A_345 = arith.constant 0 : i32
    %scan3A_346 = arith.constant 16 : i32
    %scan3A_347 = arith.addi %scan3A_345, %scan3A_346 : i32
    %scan3A_348 = arith.constant 1 : i32
    %scan3A_349:8 = scf.for %scan3A_353 = %scan3A_345 to %scan3A_347 step %scan3A_348 iter_args(%scan3A_354 = %broadcast_in_dim3A_338, %scan3A_355 = %broadcast_in_dim3A_340, %scan3A_356 = %broadcast_in_dim3A_342, %scan3A_357 = %broadcast_in_dim3A_344, %scan3A_358 = %and3A_307, %scan3A_359 = %and3A_312, %scan3A_360 = %and3A_317, %scan3A_361 = %and3A_322) -> (vector<16xi32>, vector<16xi32>, vector<16xi32>, vector<16xi32>, vector<16xi32>, vector<16xi32>, vector<16xi32>, vector<16xi32>)  : i32 {
      %lt3A = arith.cmpi slt, %scan3A_358, %and3A_307 : vector<16xi32>
      %convert_element_type3A = arith.extui %lt3A : vector<16xi1> to vector<16xi32>
      %add3A_362 = arith.constant 0 : i32
      %add3A_363 = vector.broadcast %add3A_362 : i32 to vector<16xi32>
      %add3A_364 = arith.addi %add3A_363, %convert_element_type3A : vector<16xi32>
      %lt3A_365 = arith.cmpi slt, %scan3A_359, %and3A_307 : vector<16xi32>
      %convert_element_type3A_366 = arith.extui %lt3A_365 : vector<16xi1> to vector<16xi32>
      %add3A_367 = arith.addi %add3A_364, %convert_element_type3A_366 : vector<16xi32>
      %lt3A_368 = arith.cmpi slt, %scan3A_360, %and3A_307 : vector<16xi32>
      %convert_element_type3A_369 = arith.extui %lt3A_368 : vector<16xi1> to vector<16xi32>
      %add3A_370 = arith.addi %add3A_367, %convert_element_type3A_369 : vector<16xi32>
      %lt3A_371 = arith.cmpi slt, %scan3A_361, %and3A_307 : vector<16xi32>
      %convert_element_type3A_372 = arith.extui %lt3A_371 : vector<16xi1> to vector<16xi32>
      %add3A_373 = arith.addi %add3A_370, %convert_element_type3A_372 : vector<16xi32>
      %add3A_374 = arith.addi %scan3A_354, %add3A_373 : vector<16xi32>
      %lt3A_375 = arith.cmpi slt, %scan3A_358, %and3A_312 : vector<16xi32>
      %convert_element_type3A_376 = arith.extui %lt3A_375 : vector<16xi1> to vector<16xi32>
      %add3A_377 = arith.constant 0 : i32
      %add3A_378 = vector.broadcast %add3A_377 : i32 to vector<16xi32>
      %add3A_379 = arith.addi %add3A_378, %convert_element_type3A_376 : vector<16xi32>
      %lt3A_380 = arith.cmpi slt, %scan3A_359, %and3A_312 : vector<16xi32>
      %convert_element_type3A_381 = arith.extui %lt3A_380 : vector<16xi1> to vector<16xi32>
      %add3A_382 = arith.addi %add3A_379, %convert_element_type3A_381 : vector<16xi32>
      %lt3A_383 = arith.cmpi slt, %scan3A_360, %and3A_312 : vector<16xi32>
      %convert_element_type3A_384 = arith.extui %lt3A_383 : vector<16xi1> to vector<16xi32>
      %add3A_385 = arith.addi %add3A_382, %convert_element_type3A_384 : vector<16xi32>
      %lt3A_386 = arith.cmpi slt, %scan3A_361, %and3A_312 : vector<16xi32>
      %convert_element_type3A_387 = arith.extui %lt3A_386 : vector<16xi1> to vector<16xi32>
      %add3A_388 = arith.addi %add3A_385, %convert_element_type3A_387 : vector<16xi32>
      %add3A_389 = arith.addi %scan3A_355, %add3A_388 : vector<16xi32>
      %lt3A_390 = arith.cmpi slt, %scan3A_358, %and3A_317 : vector<16xi32>
      %convert_element_type3A_391 = arith.extui %lt3A_390 : vector<16xi1> to vector<16xi32>
      %add3A_392 = arith.constant 0 : i32
      %add3A_393 = vector.broadcast %add3A_392 : i32 to vector<16xi32>
      %add3A_394 = arith.addi %add3A_393, %convert_element_type3A_391 : vector<16xi32>
      %lt3A_395 = arith.cmpi slt, %scan3A_359, %and3A_317 : vector<16xi32>
      %convert_element_type3A_396 = arith.extui %lt3A_395 : vector<16xi1> to vector<16xi32>
      %add3A_397 = arith.addi %add3A_394, %convert_element_type3A_396 : vector<16xi32>
      %lt3A_398 = arith.cmpi slt, %scan3A_360, %and3A_317 : vector<16xi32>
      %convert_element_type3A_399 = arith.extui %lt3A_398 : vector<16xi1> to vector<16xi32>
      %add3A_400 = arith.addi %add3A_397, %convert_element_type3A_399 : vector<16xi32>
      %lt3A_401 = arith.cmpi slt, %scan3A_361, %and3A_317 : vector<16xi32>
      %convert_element_type3A_402 = arith.extui %lt3A_401 : vector<16xi1> to vector<16xi32>
      %add3A_403 = arith.addi %add3A_400, %convert_element_type3A_402 : vector<16xi32>
      %add3A_404 = arith.addi %scan3A_356, %add3A_403 : vector<16xi32>
      %lt3A_405 = arith.cmpi slt, %scan3A_358, %and3A_322 : vector<16xi32>
      %convert_element_type3A_406 = arith.extui %lt3A_405 : vector<16xi1> to vector<16xi32>
      %add3A_407 = arith.constant 0 : i32
      %add3A_408 = vector.broadcast %add3A_407 : i32 to vector<16xi32>
      %add3A_409 = arith.addi %add3A_408, %convert_element_type3A_406 : vector<16xi32>
      %lt3A_410 = arith.cmpi slt, %scan3A_359, %and3A_322 : vector<16xi32>
      %convert_element_type3A_411 = arith.extui %lt3A_410 : vector<16xi1> to vector<16xi32>
      %add3A_412 = arith.addi %add3A_409, %convert_element_type3A_411 : vector<16xi32>
      %lt3A_413 = arith.cmpi slt, %scan3A_360, %and3A_322 : vector<16xi32>
      %convert_element_type3A_414 = arith.extui %lt3A_413 : vector<16xi1> to vector<16xi32>
      %add3A_415 = arith.addi %add3A_412, %convert_element_type3A_414 : vector<16xi32>
      %lt3A_416 = arith.cmpi slt, %scan3A_361, %and3A_322 : vector<16xi32>
      %convert_element_type3A_417 = arith.extui %lt3A_416 : vector<16xi1> to vector<16xi32>
      %add3A_418 = arith.addi %add3A_415, %convert_element_type3A_417 : vector<16xi32>
      %add3A_419 = arith.addi %scan3A_357, %add3A_418 : vector<16xi32>
      %broadcast_in_dim3A_420 = vector.shape_cast %and3A_336 : vector<16xi32> to vector<16x1xi32>
      %gather3A = vector.shape_cast %broadcast_in_dim3A_420 : vector<16x1xi32> to vector<16xi32>
      %gather3A_421 = tpu.dynamic_gather %scan3A_358[%gather3A] in [0] : vector<16xi32>, vector<16xi32> -> vector<16xi32>
      %broadcast_in_dim3A_422 = vector.shape_cast %and3A_336 : vector<16xi32> to vector<16x1xi32>
      %gather3A_423 = vector.shape_cast %broadcast_in_dim3A_422 : vector<16x1xi32> to vector<16xi32>
      %gather3A_424 = tpu.dynamic_gather %scan3A_359[%gather3A_423] in [0] : vector<16xi32>, vector<16xi32> -> vector<16xi32>
      %broadcast_in_dim3A_425 = vector.shape_cast %and3A_336 : vector<16xi32> to vector<16x1xi32>
      %gather3A_426 = vector.shape_cast %broadcast_in_dim3A_425 : vector<16x1xi32> to vector<16xi32>
      %gather3A_427 = tpu.dynamic_gather %scan3A_360[%gather3A_426] in [0] : vector<16xi32>, vector<16xi32> -> vector<16xi32>
      %broadcast_in_dim3A_428 = vector.shape_cast %and3A_336 : vector<16xi32> to vector<16x1xi32>
      %gather3A_429 = vector.shape_cast %broadcast_in_dim3A_428 : vector<16x1xi32> to vector<16xi32>
      %gather3A_430 = tpu.dynamic_gather %scan3A_361[%gather3A_429] in [0] : vector<16xi32>, vector<16xi32> -> vector<16xi32>
      scf.yield %add3A_374, %add3A_389, %add3A_404, %add3A_419, %gather3A_421, %gather3A_424, %gather3A_427, %gather3A_430 : vector<16xi32>, vector<16xi32>, vector<16xi32>, vector<16xi32>, vector<16xi32>, vector<16xi32>, vector<16xi32>, vector<16xi32>
    }
    %scan3A_350 = arith.constant 16 : i32
    tpu.vector_store_idx %arg9[%scan3A_349#0], %get3A_324 : memref<64xf32, #tpu.memory_space<vmem>>[vector<16xi32>], vector<16xf32>,
    tpu.vector_store_idx %arg9[%scan3A_349#1], %get3A_326 : memref<64xf32, #tpu.memory_space<vmem>>[vector<16xi32>], vector<16xf32>,
    tpu.vector_store_idx %arg9[%scan3A_349#2], %get3A_328 : memref<64xf32, #tpu.memory_space<vmem>>[vector<16xi32>], vector<16xf32>,
    tpu.vector_store_idx %arg9[%scan3A_349#3], %get3A_330 : memref<64xf32, #tpu.memory_space<vmem>>[vector<16xi32>], vector<16xf32>,
    %add3A_351 = arith.constant 3 : i32
    %add3A_352 = arith.addi %mul3A_2, %add3A_351 : i32
    "tpu.region"() ({
      %run_scoped3A = tpu.sem_alloc : memref<!tpu.dma_semaphore, #tpu.memory_space<semaphore_mem>>
      %dma_start3A_353 = arith.constant 0 : i32
      %dma_start3A_354 = tpu.memref_slice %arg3[%add3A_352, %dma_start3A_353] : memref<128x64xf32, #tpu.memory_space<hbm>> -> memref<1x64xf32, #tpu.memory_space<hbm>>
      %dma_start3A_355 = tpu.memref_squeeze %dma_start3A_354 : memref<1x64xf32, #tpu.memory_space<hbm>> -> memref<64xf32, #tpu.memory_space<hbm>>
      %dma_start3A_356 = arith.constant 0 : i32
      %dma_start3A_357 = tpu.memref_slice %arg3[%add3A_352, %dma_start3A_356] : memref<128x64xf32, #tpu.memory_space<hbm>> -> memref<1x64xf32, #tpu.memory_space<hbm>>
      %dma_start3A_358 = tpu.memref_squeeze %dma_start3A_357 : memref<1x64xf32, #tpu.memory_space<hbm>> -> memref<64xf32, #tpu.memory_space<hbm>>
      tpu.enqueue_dma source(%arg9 : memref<64xf32, #tpu.memory_space<vmem>>) target(%dma_start3A_358 : memref<64xf32, #tpu.memory_space<hbm>>) target_semaphore(%run_scoped3A : memref<!tpu.dma_semaphore, #tpu.memory_space<semaphore_mem>>)
      %dma_wait3A_359 = arith.constant 0 : i32
      %dma_wait3A_360 = tpu.memref_slice %arg3[%add3A_352, %dma_wait3A_359] : memref<128x64xf32, #tpu.memory_space<hbm>> -> memref<1x64xf32, #tpu.memory_space<hbm>>
      %dma_wait3A_361 = tpu.memref_squeeze %dma_wait3A_360 : memref<1x64xf32, #tpu.memory_space<hbm>> -> memref<64xf32, #tpu.memory_space<hbm>>
      %dma_wait3A_362 = arith.constant 0 : i32
      %dma_wait3A_363 = tpu.memref_slice %arg3[%add3A_352, %dma_wait3A_362] : memref<128x64xf32, #tpu.memory_space<hbm>> -> memref<1x64xf32, #tpu.memory_space<hbm>>
      %dma_wait3A_364 = tpu.memref_squeeze %dma_wait3A_363 : memref<1x64xf32, #tpu.memory_space<hbm>> -> memref<64xf32, #tpu.memory_space<hbm>>
      tpu.wait_dma2 semaphore(%run_scoped3A : memref<!tpu.dma_semaphore, #tpu.memory_space<semaphore_mem>>) src(%arg9 : memref<64xf32, #tpu.memory_space<vmem>>) dst(%dma_wait3A_364 : memref<64xf32, #tpu.memory_space<hbm>>)
      tpu.yield
    }) : () -> ()
    return
  }
}

</mosaic_0001>

<sc_bundles>
// kernel: kernel.3.cloned.1.call-start
scs
__scs_entry_jumppad:
0x0: {  	(pc) =	sbr.rel $0x88, $3  }
0x1: {  	(tag) =	ssettag $0x0;
	lr =	simm.s32 $0x1  }
0x2: {  	[smem:$0x3FA0] =	sst lr;
	_ =	strace $0xD0000000  }
0x3: {  	_ = 	snop  }
0x4: {  	_ = 	snop  }
0x5: {  	_ = 	snop  }
0x6: {  	_ = 	snop  }
0x7: {  	_ = 	snop  }
__scs_overlays_trampoline_lowered:
0x8: {  	[smem:$0x3FAF] =	sst s0  }
0x9: {  	[smem:$0x3FB0] =	sst s1  }
0xa: {  	[smem:$0x3FB1] =	sst s2  }
0xb: {  	[smem:$0x3FB2] =	sst s3  }
0xc: {  	[smem:$0x3FB3] =	sst s4  }
0xd: {  	[smem:$0x3FB4] =	sst s5  }
0xe: {  	[smem:$0x3FB5] =	sst s6  }
0xf: {  	[smem:$0x3FB6] =	sst s7  }
0x10: {  	[smem:$0x3FB7] =	sst s8  }
0x11: {  	[smem:$0x3FB8] =	sst s9;
	s0 =	simm.s32 @!p0 $0x0  }
0x12: {  	s1 =	sld [smem:$0x3F9E];
	s0 =	simm.s32 @p0 $0x1  }
0x13: {  	[smem:$0x3FB9] =	sst s0;
	s0 =	simm.s32 @!p1 $0x0  }
0x14: {  	s2 =	sld [smem:$0x3F9D];
	s0 =	simm.s32 @p1 $0x1  }
0x15: {  	[smem:$0x3FBA] =	sst s0;
	s0 =	simm.s32 @!p2 $0x0  }
0x16: {  	s3 =	sld [smem:$0x3FDB];
	s0 =	simm.s32 @p2 $0x1  }
0x17: {  	s4 =	simm.s32 $0x1BF5;
	[smem:$0x3FBC] =	sst s0  }
0x18: {  	s0 =	sld [smem:$0x3F9F];
	_ =	swait.ge [sflag:s4], $0x0  }
0x19: {  	s7 =	sld [smem:$0x3FA0]  }
0x1a: {  	s8 =	sadd.s32 $0xFFFFE003, lr  }
0x1b: {  	s9 =	sadd.s32 $0xFFFFFEF7, lr;
	s5 =	simm.s32 $0xFFFFFFFF;
	p2 =	slt.u32 s8, $0xFFFFF086  }
0x1c: {  	p1 =	slt.u32 s9, $0xF7A;
	s5 =	simm.s32 @!p2 $0x0  }
0x1d: {  	s5 =	simm.s32 @p1 $0x1;
	p0 =	seq.s32 s7, s2  }
0x1e: {  	s7 =	smul.u32 @!p0 $0xF7A, s2;
	p2 =	seq.s32 @!p0 s5, $0x0  }
0x1f: {  	s9 =	smul.u32 $0xF7A, s1;
	s8 =	simm.s32 @!p0 $0x1BF5;
	p2 =	por !p2, p0  }
0x20: {  	[sflag:s8] =	ssyncset.s32 @!p0 $0xFFFFF086;
	s6 =	sadd.s32 @!p0 s3, s7;
	s7 =	simm.s32 @!p0 $0x108  }
0x21: {  	s3 =	sadd.s32 s3, s9;
	s6 =	sadd.s32 @!p0 $0x88, s6;
	s7 =	simm.s32 @p2 $0x1082  }
0x22: {  	[simem:s7], [sflag:s8] =	dma.local @!p0 [hbm:s6], $0xF7A  }
0x23: {  	s9 =	sor.u32 $0xD0000000, s2;
	s6 =	simm.s32 $0x108;
	_ =	swait.ge @!p0 [sflag:s8], $0x0  }
0x24: {  	s3 =	sadd.s32 $0x88, s3;
	s6 =	simm.s32 @!p1 $0x1082;
	[sflag:s4] =	ssyncset.s32 $0xFFFFF086  }
0x25: {  	[simem:s6], [sflag:s4] =	dma.local [hbm:s3], $0xF7A  }
0x26: {  	[smem:$0x3FA0] =	sst s1;
	(tag) =	ssettag s2;
	_ =	strace s9  }
0x27: {  	s1 =	sld [smem:$0x3FB0]  }
0x28: {  	s2 =	sld [smem:$0x3FB1]  }
0x29: {  	s4 =	sld [smem:$0x3FB3]  }
0x2a: {  	p0 =	seq.s32 s5, $0x0;
	s5 =	sld [smem:$0x3FB4]  }
0x2b: {  	s6 =	sld [smem:$0x3FB5]  }
0x2c: {  	s7 =	sld [smem:$0x3FB6]  }
0x2d: {  	s3 =	simm.s32 $0x108;
	s8 =	sld [smem:$0x3FB7]  }
0x2e: {  	s3 =	simm.s32 @!p0 $0x1082;
	s9 =	sld [smem:$0x3FB8]  }
0x2f: {  	lr =	sadd.s32 s0, s3;
	s0 =	sld [smem:$0x3FAF]  }
0x30: {  	s3 =	sld [smem:$0x3FB2]  }
0x31: {  	[smem:$0x3FBB] =	sst s10  }
0x32: {  	s10 =	sld [smem:$0x3FB9];
	_ =	sdelay $0x3  }
0x33: {  	p0 =	seq.s32 s10, $0x1;
	s10 =	sld [smem:$0x3FBB];
	_ =	sdelay $0x3  }
0x34: {  	[smem:$0x3FBB] =	sst s10  }
0x35: {  	s10 =	sld [smem:$0x3FBA];
	_ =	sdelay $0x3  }
0x36: {  	p1 =	seq.s32 s10, $0x1;
	s10 =	sld [smem:$0x3FBB];
	_ =	sdelay $0x3  }
0x37: {  	[smem:$0x3FBB] =	sst s10  }
0x38: {  	s10 =	sld [smem:$0x3FBC]  }
0x39: {  	_ = 	snop;
	(pc) =	sbr.ind lr, $3  }
0x3a: {  	_ = 	snop  }
0x3b: {  	_ = 	snop  }
0x3c: {  	p2 =	seq.s32 s10, $0x1;
	s10 =	sld [smem:$0x3FBB]  }
0x3d: {  	_ =	shalt  }
0x3e: {  	_ =	shalt  }
0x3f: {  	_ =	shalt  }
0x40: {  	_ =	shalt  }
0x41: {  	_ =	shalt  }
0x42: {  	_ =	shalt  }
0x43: {  	_ =	shalt  }
0x44: {  	_ =	shalt  }
0x45: {  	_ =	shalt  }
0x46: {  	_ =	shalt  }
0x47: {  	_ =	shalt  }
0x48: {  	_ =	shalt  }
0x49: {  	_ =	shalt  }
0x4a: {  	_ =	shalt  }
0x4b: {  	_ =	shalt  }
0x4c: {  	_ =	shalt  }
0x4d: {  	_ =	shalt  }
0x4e: {  	_ =	shalt  }
0x4f: {  	_ =	shalt  }
0x50: {  	_ =	shalt  }
0x51: {  	_ =	shalt  }
0x52: {  	_ =	shalt  }
0x53: {  	_ =	shalt  }
0x54: {  	_ =	shalt  }
0x55: {  	_ =	shalt  }
0x56: {  	_ =	shalt  }
0x57: {  	_ =	shalt  }
0x58: {  	_ =	shalt  }
0x59: {  	_ =	shalt  }
0x5a: {  	_ =	shalt  }
0x5b: {  	_ =	shalt  }
0x5c: {  	_ =	shalt  }
0x5d: {  	_ =	shalt  }
0x5e: {  	_ =	shalt  }
0x5f: {  	_ =	shalt  }
0x60: {  	_ =	shalt  }
0x61: {  	_ =	shalt  }
0x62: {  	_ =	shalt  }
0x63: {  	_ =	shalt  }
0x64: {  	_ =	shalt  }
0x65: {  	_ =	shalt  }
0x66: {  	_ =	shalt  }
0x67: {  	_ =	shalt  }
0x68: {  	_ =	shalt  }
0x69: {  	_ =	shalt  }
0x6a: {  	_ =	shalt  }
0x6b: {  	_ =	shalt  }
0x6c: {  	_ =	shalt  }
0x6d: {  	_ =	shalt  }
0x6e: {  	_ =	shalt  }
0x6f: {  	_ =	shalt  }
0x70: {  	_ =	shalt  }
0x71: {  	_ =	shalt  }
0x72: {  	_ =	shalt  }
0x73: {  	_ =	shalt  }
0x74: {  	_ =	shalt  }
0x75: {  	_ =	shalt  }
0x76: {  	_ =	shalt  }
0x77: {  	_ =	shalt  }
0x78: {  	_ =	shalt  }
0x79: {  	_ =	shalt  }
0x7a: {  	_ =	shalt  }
0x7b: {  	_ =	shalt  }
0x7c: {  	_ =	shalt  }
0x7d: {  	_ =	shalt  }
0x7e: {  	_ =	shalt  }
0x7f: {  	_ =	shalt  }
0x80: {  	_ =	shalt  }
0x81: {  	_ =	shalt  }
0x82: {  	_ =	shalt  }
0x83: {  	_ =	shalt  }
0x84: {  	_ =	shalt  }
0x85: {  	_ =	shalt  }
0x86: {  	_ =	shalt  }
0x87: {  	_ =	shalt  }
.Lfunc_end0:
.L_simem_size_0:
called_computation_lowered:
.L_overlay_start_0:
0x88: {  	s2 =	sld [smem:$0x3FD9]  }
0x89: {  	s3 =	sld [smem:$0x3FFE];
	_ =	sdelay $0x1  }
0x8a: {  	s1 =	srdreg.scid  }
0x8b: {  	s0 =	sand.u32 $0x1, s1  }
0x8c: {  	s17 =	sshll.u32 s0, $0xA;
	s2 =	sadd.s32 s3, s2  }
0x8d: {  	s2 =	sadd.s32 s2, s17  }
0x8e: {  	[smem:$0x3FC7] =	sst s2  }
0x8f: {  	_ = 	snop  }
0x90: {  	s2 =	sld [smem:$0x3FC9];
	(tm) =	ssettm $0x1  }
0x91: {  	s18 =	sld [smem:$0x3FFB];
	_ =	sdelay $0x3  }
0x92: {  	_ =	strace s18  }
0x93: {  	s3 =	sld [smem:$0x3FFC];
	_ =	sdelay $0x3  }
0x94: {  	_ =	strace s3  }
0x95: {  	s3 =	sld [smem:$0x3FFD];
	_ =	sdelay $0x3  }
0x96: {  	_ =	strace s3  }
0x97: {  	_ =	strace $0x8FFFFFFF  }
0x98: {  	s19 =	sld [smem:$0x3FDB];
	_ =	sdelay $0x1  }
0x99: {  	s4 =	simm.s32 $_scs_section_size  }
0x9a: {  	s5 =	simm.s32 $_size__tile_overlayer_lowered;
	s6 =	simm.s32 $_tile_overlayer_lowered  }
0x9b: {  	s22 =	simm.s32 $0x1BFF;
	s21 =	sshll.u32 s6, $0x1;
	s3 =	sadd.s32 s4, s19  }
0x9c: {  	s7 =	simm.s32 $0x0;
	s20 =	sshll.u32 s5, $0x1;
	s5 =	sadd.s32 s21, s3  }
0x9d: {  	[timem:s7], [sflag:s22] =	dma.local [hbm:s5], s20  }
0x9e: {  	_ =	swait.ge [sflag:s22], s20  }
0x9f: {  	s4 =	ssub.s32 $0x0, s20;
	[sflag:s22] =	ssyncset.done $0x0  }
0xa0: {  	[sflag:s22] =	ssyncadd.s32 s4;
	_ =	sdelay $0x1  }
0xa1: {  	s23 =	simm.s32 $0x1B8B  }
0xa2: {  	_ =	swait.ge [sflag:s23], $0x1  }
0xa3: {  	[sflag:s23] =	ssyncset.done $0x0  }
0xa4: {  	s25 =	simm.s32 $0x1B8E;
	s24 =	sld [smem:$0x3FFE];
	[sflag:s23] =	ssyncadd.s32 $0xFFFFFFFF  }
0xa5: {  	s26 =	simm.s32 $execute0_lowered;
	[smem:$0x3FD2] =	sst s25  }
0xa6: {  	s5 =	sshll.u32 s26, $0x1;
	_ =	strace $0x80000046;
	[dreg:$0x1] =	wrdreg $0xFFFFFFFF  }
0xa7: {  	s28 =	simm.s32 $_size_execute0_lowered;
	s3 =	sadd.s32 s3, s5;
	[dreg:$0x0] =	wrdreg $0x0  }
0xa8: {  	s5 =	sshll.u32 s28, $0x1;
	[dreg:$0x2] =	wrdreg s3  }
0xa9: {  	[dreg:$0x3] =	wrdreg s5  }
0xaa: {  	[dreg:$0x4] =	wrdreg $0xC0  }
0xab: {  	_ =	task [dreg:s7], $0x5FFFF  }
0xac: {  	[dreg:$0x1] =	wrdreg $0xFFFFFFFF  }
0xad: {  	[dreg:$0x0] =	wrdreg $0x60  }
0xae: {  	[dreg:$0x2] =	wrdreg s2  }
0xaf: {  	[dreg:$0x3] =	wrdreg s24  }
0xb0: {  	[dreg:$0x4] =	wrdreg $0x9  }
0xb1: {  	_ =	task.clear_ibuf [dreg:s7], $0x5FFFF;
	_ =	strace $0x90000046  }
0xb2: {  	s29 =	simm.s32 $0x9;
	_ =	strace $0x80000048  }
0xb3: {  	_ =	swait.ge [sflag:s29], $0x1  }
0xb4: {  	[sflag:s29] =	ssyncadd.s32 $0xFFFFFFFF  }
0xb5: {  	_ =	strace $0x90000048  }
0xb6: {  	_ =	sfence  }
0xb7: {  	s30 =	sld [smem:$0x0];
	_ =	sdelay $0x2  }
0xb8: {  	s31 =	sshll.u32 s1, $0xD;
	s1 =	sshrl.u32 s1, $0x2  }
0xb9: {  	s3 =	sand.u32 $0x4000, s31;
	s1 =	sadd.s32 s1, s30  }
0xba: {  	s0 =	sor.u32 s3, s0;
	s1 =	sshll.u32 s1, $0x11  }
0xbb: {  	s0 =	sor.u32 s1, s0  }
0xbc: {  	s0 =	sadd.s32 $0x8F2B, s0  }
0xbd: {  	[sflag:s0] =	ssyncadd.remote.s32 $0x1  }
0xbe: {  	_ =	sfence.sel $0xFFFF  }
0xbf: {  	[dreg:$0x0] =	wrdreg $0xFFFFFFFF;
	(pc) =	sbr.abs _section_cstart, $3  }
0xc0: {  	[dreg:$0x1] =	wrdreg $0xFFFFFFFF  }
0xc1: {  	_ =	task.clear_ibuf [dreg:s7], $0x2FFFF;
	_ =	strace $0x9FFFFFFF  }
0xc2: {  	(tm) =	ssettm $0x7FFFFFFF  }
0xc3: {  	_ =	shalt  }
tec
execute0_lowered:
.L_overlay_start_1:
0x0: {  	(tag) =	ssettag $0x1  }
0x1: {  	s8 =	rddreg [dreg:$0x0]  }
0x2: {  	s2 =	rddreg [dreg:$0x1]  }
0x3: {  	s0 =	rddreg [dreg:$0x2];
	s1 =	simm.s32 $0x0;
	v0 =	vimm.s32 $0xEFCDAB89  }
0x4: {  	v1 =	vimm.s32 $0x67452301;
	s3 =	srdreg.scid;
	v2 =	vimm.s32 $0xDCFE98BA;
	s16 =	simm.s32 $0x10000;
	s17 =	simm.s32 $0x10100  }
0x5: {  	v3 =	vimm.s32 $0x54761032;
	v5 =	vimm.s32 $0x32107654;
	s18 =	simm.s32 $0x10180;
	s19 =	simm.s32 $0x10200;
	s20 =	simm.s32 $0x3  }
0x6: {  	v6 =	vimm.s32 $0x76543210;
	v7 =	vimm.s32 $0xFEDCBA9;
	s21 =	simm.s32 $0x2;
	s22 =	simm.s32 $0x0;
	[smem:$0x7FF] =	sst s1  }
0x7: {  	v8 =	vimm.s32 $0x87654321;
	v0 =	vunpack.c.l.s4.s8 v0;
	v1 =	vunpack.c.l.s4.s8 v1;
	s10 =	sadd.s32 $0x400, s2;
	s2 =	stileid.u32;
	s3 =	sand.u32 $0x1, s3  }
0x8: {  	v12 =	vimm.s32 $0x0;
	v2 =	vunpack.c.l.s4.s8 v2;
	v3 =	vunpack.c.l.s4.s8 v3;
	_ =	strace $0x80000047;
	s4 =	ssub.s32 $0x2, s3;
	s9 =	sshll.u32 s3, $0x9  }
0x9: {  	v5 =	vunpack.c.l.s4.s8 v5;
	s11 =	sshll.u32 s2, $0x12;
	s13 =	sshll.u32 s2, $0xA;
	v0 =	vunpack.c.0.s8.s32 v0;
	v1 =	vunpack.c.0.s8.s32 v1;
	s25 =	sshrl.u32 s4, $0x1  }
0xa: {  	v7 =	vunpack.c.l.s4.s8 v7;
	v8 =	vunpack.c.l.s4.s8 v8;
	s5 =	sor.u32 s9, s11;
	s6 =	sor.u32 $0x80, s9;
	v2 =	vunpack.c.0.s8.s32 v2;
	s29 =	sor.u32 s9, s13  }
0xb: {  	v3 =	vunpack.c.0.s8.s32 v3;
	s14 =	sor.u32 $0x100, s9;
	s9 =	sor.u32 $0x180, s9;
	s12 =	ssub.s32 s4, s25;
	v1 =	vcombine.low v1, v0;
	v0 =	vimm.s32 $0xBA98FEDC  }
0xc: {  	v9 =	vunpack.c.0.s8.s32 v7;
	v8 =	vunpack.c.0.s8.s32 v8;
	s26 =	sshrl.u32 s5, $0x3;
	s28 =	sor.u32 s11, s6;
	s5 =	sshrl.u32 s29, $0x3;
	v4 =	vunpack.c.l.s4.s8 v0  }
0xd: {  	v6 =	vunpack.c.l.s4.s8 v6;
	v5 =	vunpack.c.0.s8.s32 v5;
	s7 =	sor.u32 s11, s14;
	s6 =	sor.u32 s13, s6;
	s11 =	sor.u32 s11, s9;
	v2 =	vcombine.low v3, v2  }
0xe: {  	s14 =	sor.u32 s13, s14;
	s9 =	sor.u32 s13, s9;
	s13 =	simm.s32 $0x400;
	v13 =	vcombine.low v8, v9;
	v3 =	vunpack.c.0.s8.s32 v4;
	v4 =	vimm.s32 $0xFEDCBA98  }
0xf: {  	s3 =	sadd.s32 s8, s26;
	s4 =	sshrl.u32 s28, $0x3;
	s5 =	sadd.s32 s10, s5;
	v0 =	vlaneseq.u32;
	v1 =	vand.u32 $0xF, v1;
	v4 =	vunpack.c.l.s4.s8 v4  }
0x10: {  	s7 =	sshrl.u32 s7, $0x3;
	s15 =	sshrl.u32 s6, $0x3;
	s11 =	sshrl.u32 s11, $0x3;
	v2 =	vand.u32 $0xF, v2;
	v7 =	vor.u32 $0x30, v0;
	v8 =	vor.u32 $0x40, v0  }
0x11: {  	s30 =	sshrl.u32 s14, $0x3;
	s31 =	sshrl.u32 s9, $0x3;
	s14 =	simm.s32 $0x8000;
	v9 =	vor.u32 $0x50, v0;
	v10 =	vor.u32 $0x60, v0;
	v4 =	vunpack.c.0.s8.s32 v4  }
0x12: {  	s4 =	sadd.s32 s8, s4;
	s6 =	sadd.s32 s8, s7;
	s7 =	sadd.s32 s10, s15;
	v11 =	vor.u32 $0x70, v0;
	v3 =	vcombine.low v5, v3;
	v5 =	vunpack.c.0.s8.s32 v6  }
0x13: {  	s8 =	sadd.s32 s8, s11;
	s9 =	sadd.s32 s10, s30;
	s10 =	sadd.s32 s10, s31;
	v13 =	vand.u32 $0xF, v13;
	v6 =	vor.u32 $0x20, v0;
	v4 =	vand.u32 $0xF, v4  }
0x14: {  	s11 =	smax.u32 s12, $0x1;
	s12 =	simm.s32 $0x80;
	s15 =	simm.s32 $0x1;
	v3 =	vand.u32 $0xF, v3;
	v4 =	vcombine.low v4, v5;
	v5 =	vor.u32 $0x10, v0  }
.LBB2_1:
0x15: {  	[tilespmem:s1], [sflag:$0x1] =	stream.strided.gather [hbm4b:s3+s12], $0x8000, s13, s12, $0x38;
	[tilespmem:$0x10280] =	vst v63  }
0x16: {  	_ = 	snop  }
0x17: {  	[tilespmem:s14], [sflag:$0x2] =	stream.strided.gather [hbm4b:s4+s12], $0x8000, s13, s12, $0x38;
	[tilespmem:$0x10280] =	vst v63  }
0x18: {  	_ =	swait.ge [sflag:s15], $0x8000  }
0x19: {  	[sflag:s15] =	ssyncset.done $0x0  }
0x1a: {  	v14 =	vimm.f32 $-Inf;
	s23 =	simm.s32 $0x100;
	s24 =	simm.s32 $0x0;
	[sflag:s15] =	ssyncadd.s32 $0xFFFF8000  }
.LBB2_2:
0x1b: {  	v16 =	vld [tilespmem:s23+$0x70]  }
0x1c: {  	v20 =	vld [tilespmem:s23+$0xFFFFFFF0]  }
0x1d: {  	v15 =	vld [tilespmem:s23+$0x60]  }
0x1e: {  	v17 =	vld [tilespmem:s23+$0xFFFFFF70]  }
0x1f: {  	v19 =	vld [tilespmem:s23+$0xFFFFFFE0]  }
0x20: {  	v22 =	vld [tilespmem:s23+$0xC0]  }
0x21: {  	v21 =	vld [tilespmem:s23+$0xFFFFFF60]  }
0x22: {  	v23 =	vld [tilespmem:s23+$0xFFFFFFD0]  }
0x23: {  	v25 =	vld [tilespmem:s23+$0xB0]  }
0x24: {  	v24 =	vld [tilespmem:s23+$0xFFFFFF50]  }
0x25: {  	v26 =	vld [tilespmem:s23+$0x30]  }
0x26: {  	v28 =	vld [tilespmem:s23+$0xA0]  }
0x27: {  	v27 =	vld [tilespmem:s23+$0xFFFFFF40]  }
0x28: {  	v29 =	vld [tilespmem:s23+$0x20]  }
0x29: {  	v31 =	vld [tilespmem:s23+$0x80]  }
0x2a: {  	v33 =	vld [tilespmem:s23+$0x90]  }
0x2b: {  	v30 =	vld [tilespmem:s23+$0xFFFFFF30]  }
0x2c: {  	v32 =	vld [tilespmem:s23+$0x0]  }
0x2d: {  	v34 =	vld [tilespmem:s23+$0x10]  }
0x2e: {  	v35 =	vld [tilespmem:s23+$0xFFFFFF80]  }
0x2f: {  	v36 =	vld [tilespmem:s23+$0xFFFFFF90]  }
0x30: {  	v37 =	vld [tilespmem:s23+$0xFFFFFF00]  }
0x31: {  	s25 =	simm.s32 $0x0;
	v38 =	vld [tilespmem:s23+$0xFFFFFF10];
	s28 =	simm.s32 $0x4;
	s26 =	smov.u32 s23;
	v18 =	vimm.f32 $-Inf  }
.LBB2_3:
0x32: {  	p0 =	slt.u32 s28, $0xC;
	v39 =	vld [tilespmem:s26+$0xFFFFFF20]  }
0x33: {  	v40 =	vld [tilespmem:s26+$0xFFFFFFA0]  }
0x34: {  	v41 =	vld [tilespmem:s26+$0xFFFFFFB0]  }
0x35: {  	v31 =	vmax.f32 v31, v33;
	v42 =	vld [tilespmem:s26+$0xFFFFFFC0]  }
0x36: {  	v32 =	vmax.f32 v32, v34;
	v35 =	vmax.f32 v35, v36;
	v33 =	vmax.f32 v37, v38;
	v34 =	vld [tilespmem:s26+$0x40]  }
0x37: {  	v29 =	vmax.f32 v32, v29;
	v28 =	vmax.f32 v31, v28;
	v33 =	vmax.f32 v33, v39;
	v32 =	vld [tilespmem:s26+$0x50]  }
0x38: {  	v25 =	vmax.f32 v28, v25;
	v30 =	vmax.f32 v33, v30;
	v31 =	vmax.f32 v35, v40;
	v28 =	vld [tilespmem:s26+$0xD0]  }
0x39: {  	v26 =	vmax.f32 v29, v26;
	v27 =	vmax.f32 v30, v27;
	v30 =	vmax.f32 v31, v41;
	v29 =	vld [tilespmem:s26+$0xE0]  }
0x3a: {  	v22 =	vmax.f32 v25, v22;
	v24 =	vmax.f32 v27, v24;
	v27 =	vmax.f32 v30, v42;
	v25 =	vld [tilespmem:s26+$0xF0];
	s26 =	sadd.s32 $0x200, s26  }
0x3b: {  	v30 =	vld [tilespmem:s26+$0x70];
	v21 =	vmax.f32 v24, v21;
	v23 =	vmax.f32 v27, v23;
	v24 =	vmax.f32 v26, v34  }
0x3c: {  	v26 =	vld [tilespmem:s26+$0xFFFFFFF0];
	v17 =	vmax.f32 v21, v17;
	v19 =	vmax.f32 v23, v19;
	v21 =	vmax.f32 v24, v32  }
0x3d: {  	v19 =	vmax.f32 v19, v20;
	v20 =	vmax.f32 v21, v15;
	v15 =	vld [tilespmem:s26+$0x60];
	v21 =	vmax.f32 v22, v28;
	(xrf0) =	vmax.scan.msk.f32 $0xffff, v17  }
0x3e: {  	v17 =	vld [tilespmem:s26+$0xFFFFFF70];
	v23 =	vmax.f32 v20, v16;
	v20 =	vmax.f32 v21, v29;
	(xrf0) =	vmax.scan.msk.f32 $0xffff, v19  }
0x3f: {  	v19 =	vld [tilespmem:s26+$0xFFFFFFE0];
	v24 =	vmax.f32 v20, v25;
	(xrf0) =	vmax.scan.msk.f32 $0xffff, v23  }
0x40: {  	v22 =	vld [tilespmem:s26+$0xC0];
	(xrf0) =	vmax.scan.msk.f32 $0xffff, v24;
	v16 =	vmov v30  }
0x41: {  	v21 =	vld [tilespmem:s26+$0xFFFFFF60];
	v20 =	vmov v26  }
0x42: {  	v23 =	vld [tilespmem:s26+$0xFFFFFFD0]  }
0x43: {  	s29 =	sadd.s32 $0x2, s25;
	s30 =	sadd.s32 $0x3, s25;
	v27 =	vmov s25;
	v25 =	vld [tilespmem:s26+$0xB0];
	v26, _, _ =	vpop (xrf0)  }
0x44: {  	s31 =	sadd.s32 $0x1, s25;
	v31 =	vmov s30;
	s25 =	smov.u32 s28;
	v30 =	vmov s29;
	v24 =	vld [tilespmem:s26+$0xFFFFFF50];
	v34 =	vbroadcast v26, $0xF;
	v28, _, _ =	vpop (xrf0)  }
0x45: {  	vm0 =	veq.s32 v27, v0;
	v27 =	vmov s31;
	v26 =	vld [tilespmem:s26+$0x30];
	v32 =	vbroadcast v28, $0xF;
	v33, _, _ =	vpop (xrf0)  }
0x46: {  	v28 =	vld [tilespmem:s26+$0xA0];
	v18 =	vsel vm0, v34, v18;
	vm0 =	veq.s32 v27, v0;
	v33 =	vbroadcast v33, $0xF;
	v29, _, _ =	vpop (xrf0)  }
0x47: {  	v27 =	vld [tilespmem:s26+$0xFFFFFF40];
	v18 =	vsel vm0, v32, v18;
	vm0 =	veq.s32 v30, v0;
	v30 =	vbroadcast v29, $0xF  }
0x48: {  	v29 =	vld [tilespmem:s26+$0x20];
	v18 =	vsel vm0, v33, v18;
	vm0 =	veq.s32 v31, v0  }
0x49: {  	v31 =	vld [tilespmem:s26+$0x80];
	v18 =	vsel vm0, v30, v18  }
0x4a: {  	v33 =	vld [tilespmem:s26+$0x90]  }
0x4b: {  	v30 =	vld [tilespmem:s26+$0xFFFFFF30]  }
0x4c: {  	v32 =	vld [tilespmem:s26+$0x0]  }
.Ltmp0:
0x4d: {  	v34 =	vld [tilespmem:s26+$0x10];
	(pc) =	sbr.rel @p0 .LBB2_3-.Ltmp0, $4  }
0x4e: {  	v35 =	vld [tilespmem:s26+$0xFFFFFF80]  }
0x4f: {  	v36 =	vld [tilespmem:s26+$0xFFFFFF90]  }
0x50: {  	v37 =	vld [tilespmem:s26+$0xFFFFFF00]  }
0x51: {  	s28 =	sadd.s32 $0x4, s28;
	v38 =	vld [tilespmem:s26+$0xFFFFFF10]  }
0x52: {  	v39 =	vld [tilespmem:s26+$0xFFFFFF20]  }
0x53: {  	v40 =	vld [tilespmem:s26+$0xFFFFFFA0]  }
0x54: {  	v41 =	vld [tilespmem:s26+$0xFFFFFFB0]  }
0x55: {  	v42 =	vld [tilespmem:s26+$0xFFFFFFC0];
	v32 =	vmax.f32 v32, v34  }
0x56: {  	v31 =	vmax.f32 v31, v33;
	v43 =	vld [tilespmem:s26+$0x40];
	v29 =	vmax.f32 v32, v29;
	v38 =	vmax.f32 v37, v38  }
0x57: {  	v44 =	vld [tilespmem:s26+$0x50];
	v28 =	vmax.f32 v31, v28;
	v35 =	vmax.f32 v35, v36;
	v33 =	vmax.f32 v38, v39  }
0x58: {  	v46 =	vld [tilespmem:s26+$0xD0];
	v25 =	vmax.f32 v28, v25;
	v45 =	vmax.f32 v35, v40;
	v30 =	vmax.f32 v33, v30  }
0x59: {  	v48 =	vld [tilespmem:s26+$0xE0];
	v26 =	vmax.f32 v29, v26;
	v47 =	vmax.f32 v45, v41;
	v27 =	vmax.f32 v30, v27  }
0x5a: {  	v50 =	vld [tilespmem:s26+$0xF0];
	v22 =	vmax.f32 v25, v22;
	v49 =	vmax.f32 v47, v42;
	v24 =	vmax.f32 v27, v24  }
0x5b: {  	v51 =	vmax.f32 v26, v43;
	v23 =	vmax.f32 v49, v23;
	v21 =	vmax.f32 v24, v21  }
0x5c: {  	v52 =	vmax.f32 v51, v44;
	v19 =	vmax.f32 v23, v19;
	v17 =	vmax.f32 v21, v17  }
0x5d: {  	v53 =	vmax.f32 v22, v46;
	v15 =	vmax.f32 v52, v15;
	v19 =	vmax.f32 v19, v20;
	(xrf0) =	vmax.scan.msk.f32 $0xffff, v17  }
0x5e: {  	v54 =	vmax.f32 v53, v48;
	v15 =	vmax.f32 v15, v16;
	(xrf0) =	vmax.scan.msk.f32 $0xffff, v19  }
0x5f: {  	v16 =	vmax.f32 v54, v50;
	(xrf0) =	vmax.scan.msk.f32 $0xffff, v15  }
0x60: {  	(xrf0) =	vmax.scan.msk.f32 $0xffff, v16;
	_ =	sdelay $0x1  }
0x61: {  	s29 =	sadd.s32 $0x2, s25  }
0x62: {  	s28 =	sadd.s32 $0x3, s25;
	v56 =	vmov s29;
	v55, _, _ =	vpop (xrf0)  }
0x63: {  	s30 =	sadd.s32 $0x1, s25;
	v57 =	vmov s28;
	v15 =	vmov s25;
	v16 =	vbroadcast v55, $0xF;
	v58, _, _ =	vpop (xrf0)  }
0x64: {  	vm0 =	veq.s32 v15, v0;
	v15 =	vmov s30;
	v20 =	vbroadcast v58, $0xF;
	v59, _, _ =	vpop (xrf0)  }
0x65: {  	vm12 =	veq.s32 v15, v0;
	v16 =	vsel vm0, v16, v18;
	v15 =	vbroadcast v59, $0xF;
	v60, _, _ =	vpop (xrf0)  }
0x66: {  	vm13 =	veq.s32 v56, v0;
	v16 =	vsel vm12, v20, v16;
	v61 =	vbroadcast v60, $0xF  }
0x67: {  	vm14 =	veq.s32 v57, v0;
	v15 =	vsel vm13, v15, v16  }
0x68: {  	v15 =	vsel vm14, v61, v15  }
0x69: {  	(xrf0) =	vmax.scan.msk.f32 $0xffff, v15;
	_ =	sdelay $0x2  }
0x6a: {  	s31 =	sshll.u32 s24, $0x4;
	v62 =	vmov s24;
	s24 =	sadd.s32 $0x1, s24  }
0x6b: {  	p0 =	sne.s32 s24, $0x10  }
.Ltmp1:
0x6c: {  	_ = 	snop;
	(pc) =	sbr.rel @p0 .LBB2_2-.Ltmp1, $4  }
0x6d: {  	v63, _, _ =	vpop (xrf0)  }
0x6e: {  	v17 =	vbroadcast v63, $0xF  }
0x6f: {  	vm15 =	veq.s32 v62, v0;
	s25 =	sand.u32 $0x3FFFFFF0, s31  }
0x70: {  	s23 =	sadd.s32 $0x800, s23;
	[tilespmem:s25+$0x10000] =	vst v15;
	v14 =	vsel vm15, v17, v14  }
0x71: {  	s23 =	simm.s32 $0x0  }
.LBB2_6:
0x72: {  	v15 =	vperm.xlane v14, v1;
	_ =	sdelay $0x1  }
0x73: {  	v15 =	vmax.f32 v14, v15  }
0x74: {  	v16 =	vperm.xlane v15, v2;
	_ =	sdelay $0x1  }
0x75: {  	v15 =	vmax.f32 v15, v16  }
0x76: {  	v16 =	vperm.xlane v15, v3;
	_ =	sdelay $0x1  }
0x77: {  	v15 =	vmax.f32 v15, v16  }
0x78: {  	v16 =	vperm.xlane v15, v4;
	_ =	sdelay $0x1  }
0x79: {  	v15 =	vmax.f32 v15, v16  }
0x7a: {  	vm0 =	veq.f32 v14, v15  }
0x7b: {  	v51 =	vnsel vm0, $0x40000000, v0  }
0x7c: {  	v17 =	vperm.xlane v51, v1;
	_ =	sdelay $0x1  }
0x7d: {  	vm0 =	vlt.s32 v51, v17  }
0x7e: {  	v16 =	vsel vm0, v51, v17  }
0x7f: {  	v17 =	vperm.xlane v16, v2;
	_ =	sdelay $0x1  }
0x80: {  	vm0 =	vlt.s32 v16, v17  }
0x81: {  	v16 =	vsel vm0, v16, v17  }
0x82: {  	v17 =	vperm.xlane v16, v3;
	_ =	sdelay $0x1  }
0x83: {  	vm0 =	vlt.s32 v16, v17  }
0x84: {  	v16 =	vsel vm0, v16, v17  }
0x85: {  	v17 =	vperm.xlane v16, v4;
	_ =	sdelay $0x1  }
0x86: {  	vm0 =	vlt.s32 v16, v17  }
0x87: {  	v16 =	vsel vm0, v16, v17  }
0x88: {  	v17 =	vshll.u32 v16, $0x4  }
0x89: {  	v17 =	vor.u32 v0, v17;
	_ =	sdelay $0x4  }
0x8a: {  	v18 =	vld.idx.msk [tilespmem:v17+s16+$0x0], $0xffff;
	_ =	sdelay $0x4  }
0x8b: {  	vm9 =	veq.f32 v18, v15  }
0x8c: {  	v19 =	vnsel vm9, $0x40000000, v17  }
0x8d: {  	v20 =	vperm.xlane v19, v1;
	_ =	sdelay $0x1  }
0x8e: {  	vm0 =	vlt.s32 v19, v20  }
0x8f: {  	v19 =	vsel vm0, v19, v20  }
0x90: {  	v20 =	vperm.xlane v19, v2;
	_ =	sdelay $0x1  }
0x91: {  	vm0 =	vlt.s32 v19, v20  }
0x92: {  	v19 =	vsel vm0, v19, v20  }
0x93: {  	v20 =	vperm.xlane v19, v3;
	_ =	sdelay $0x1  }
0x94: {  	vm0 =	vlt.s32 v19, v20  }
0x95: {  	v19 =	vsel vm0, v19, v20  }
0x96: {  	v20 =	vperm.xlane v19, v4;
	_ =	sdelay $0x1  }
0x97: {  	vm0 =	vlt.s32 v19, v20  }
0x98: {  	v19 =	vsel vm0, v19, v20  }
0x99: {  	v20 =	vshll.u32 v19, $0x7  }
0x9a: {  	v21 =	vor.u32 v0, v20;
	_ =	sdelay $0x1  }
0x9b: {  	v22 =	vor.u32 v5, v20  }
0x9c: {  	v23 =	vor.u32 v6, v20;
	_ =	sdelay $0x1  }
0x9d: {  	v24 =	vor.u32 v7, v20;
	v25 =	vld.idx.msk [tilespmem:v21+s1+$0x0], $0xffff;
	_ =	sdelay $0x1  }
0x9e: {  	v26 =	vor.u32 v8, v20;
	v27 =	vld.idx.msk [tilespmem:v22+s1+$0x0], $0xffff  }
0x9f: {  	v28 =	vld.idx.msk [tilespmem:v23+s1+$0x0], $0xffff  }
0xa0: {  	v29 =	vor.u32 v9, v20;
	vm10 =	vlt.s32 v21, $0x40000000  }
0xa1: {  	v31 =	vnsel vm10, $0x40000000, v21;
	v30 =	vld.idx.msk [tilespmem:v24+s1+$0x0], $0xffff;
	vm1 =	veq.f32 v25, v15  }
0xa2: {  	v32 =	vor.u32 v10, v20;
	v31 =	vnsel vm1, $0x40000000, v31  }
0xa3: {  	v20 =	vor.u32 v11, v20;
	v33 =	vld.idx.msk [tilespmem:v26+s1+$0x0], $0xffff;
	vm11 =	vlt.s32 v31, v22  }
0xa4: {  	vm12 =	veq.f32 v27, v15;
	vm13 =	veq.f32 v28, v15;
	v34 =	vsel vm11, v31, v22  }
0xa5: {  	v35 =	vld.idx.msk [tilespmem:v29+s1+$0x0], $0xffff;
	v52 =	vnsel vm13, $0x40000000, v23;
	v31 =	vsel vm12, v34, v31  }
0xa6: {  	vm14 =	veq.f32 v30, v15;
	vm0 =	vlt.s32 v31, v52  }
0xa7: {  	v36 =	vld.idx.msk [tilespmem:v32+s1+$0x0], $0xffff;
	v53 =	vnsel vm14, $0x40000000, v24;
	v31 =	vsel vm0, v31, v52  }
0xa8: {  	vm15 =	veq.f32 v33, v15;
	vm0 =	vlt.s32 v31, v53  }
0xa9: {  	v37 =	vld.idx.msk [tilespmem:v20+s1+$0x0], $0xffff;
	v54 =	vnsel vm15, $0x40000000, v26;
	v31 =	vsel vm0, v31, v53  }
0xaa: {  	vm4 =	veq.f32 v35, v15;
	vm0 =	vlt.s32 v31, v54  }
0xab: {  	v55 =	vnsel vm4, $0x40000000, v29;
	v31 =	vsel vm0, v31, v54  }
0xac: {  	vm5 =	veq.f32 v36, v15;
	vm0 =	vlt.s32 v31, v55  }
0xad: {  	v56 =	vnsel vm5, $0x40000000, v32;
	v31 =	vsel vm0, v31, v55  }
0xae: {  	vm6 =	veq.f32 v37, v15;
	vm0 =	vlt.s32 v31, v56  }
0xaf: {  	v57 =	vnsel vm6, $0x40000000, v20;
	v31 =	vsel vm0, v31, v56  }
0xb0: {  	vm0 =	vlt.s32 v31, v57  }
0xb1: {  	v31 =	vsel vm0, v31, v57  }
0xb2: {  	v34 =	vperm.xlane v31, v1;
	_ =	sdelay $0x1  }
0xb3: {  	vm0 =	vlt.s32 v31, v34  }
0xb4: {  	v31 =	vsel vm0, v31, v34  }
0xb5: {  	v34 =	vperm.xlane v31, v2;
	_ =	sdelay $0x1  }
0xb6: {  	vm0 =	vlt.s32 v31, v34  }
0xb7: {  	v31 =	vsel vm0, v31, v34  }
0xb8: {  	v34 =	vperm.xlane v31, v3;
	_ =	sdelay $0x1  }
0xb9: {  	vm0 =	vlt.s32 v31, v34  }
0xba: {  	v31 =	vsel vm0, v31, v34  }
0xbb: {  	v34 =	vperm.xlane v31, v4;
	_ =	sdelay $0x1  }
0xbc: {  	vm0 =	vlt.s32 v31, v34  }
0xbd: {  	v31 =	vsel vm0, v31, v34  }
0xbe: {  	vm0 =	veq.s32 v21, v31;
	vm7 =	veq.s32 v22, v31  }
0xbf: {  	vm8 =	veq.s32 v23, v31;
	v25 =	vsel vm0, $0xFF800000, v25;
	v27 =	vsel vm7, $0xFF800000, v27  }
0xc0: {  	vm9 =	veq.s32 v24, v31;
	v28 =	vsel vm8, $0xFF800000, v28;
	v58 =	vmax.f32 v25, v27  }
0xc1: {  	vm10 =	veq.s32 v26, v31;
	v30 =	vsel vm9, $0xFF800000, v30;
	v34 =	vmax.f32 v58, v28  }
0xc2: {  	vm11 =	veq.s32 v29, v31;
	v33 =	vsel vm10, $0xFF800000, v33;
	v34 =	vmax.f32 v34, v30  }
0xc3: {  	vm12 =	veq.s32 v32, v31;
	v35 =	vsel vm11, $0xFF800000, v35;
	v34 =	vmax.f32 v34, v33  }
0xc4: {  	vm13 =	veq.s32 v20, v31;
	v36 =	vsel vm12, $0xFF800000, v36;
	v34 =	vmax.f32 v34, v35  }
0xc5: {  	v37 =	vsel vm13, $0xFF800000, v37;
	v34 =	vmax.f32 v34, v36  }
0xc6: {  	v34 =	vmax.f32 v34, v37  }
0xc7: {  	v38 =	vperm.xlane v34, v1;
	_ =	sdelay $0x1  }
0xc8: {  	v34 =	vmax.f32 v34, v38  }
0xc9: {  	v38 =	vperm.xlane v34, v2;
	_ =	sdelay $0x1  }
0xca: {  	v34 =	vmax.f32 v34, v38  }
0xcb: {  	v38 =	vperm.xlane v34, v3;
	_ =	sdelay $0x1  }
0xcc: {  	v34 =	vmax.f32 v34, v38  }
0xcd: {  	v38 =	vperm.xlane v34, v4;
	_ =	sdelay $0x1  }
0xce: {  	vm14 =	veq.s32 v17, v19;
	v59 =	vmax.f32 v34, v38  }
0xcf: {  	v18 =	vsel vm14, v59, v18  }
0xd0: {  	v19 =	vperm.xlane v18, v1;
	_ =	sdelay $0x1  }
0xd1: {  	[tilespmem:v21+s1+$0x0] =	vst.idx.msk $0xffff, v25;
	v19 =	vmax.f32 v18, v19  }
0xd2: {  	[tilespmem:v22+s1+$0x0] =	vst.idx.msk $0xffff, v27;
	v60 =	vperm.xlane v19, v2  }
0xd3: {  	[tilespmem:v23+s1+$0x0] =	vst.idx.msk $0xffff, v28  }
0xd4: {  	[tilespmem:v24+s1+$0x0] =	vst.idx.msk $0xffff, v30;
	v19 =	vmax.f32 v19, v60  }
0xd5: {  	v61 =	vmov s23;
	[tilespmem:v26+s1+$0x0] =	vst.idx.msk $0xffff, v33;
	v62 =	vperm.xlane v19, v3  }
0xd6: {  	p0 =	sne.s32 s23, $0x3F;
	[tilespmem:v29+s1+$0x0] =	vst.idx.msk $0xffff, v35  }
.Ltmp2:
0xd7: {  	[tilespmem:v32+s1+$0x0] =	vst.idx.msk $0xffff, v36;
	v19 =	vmax.f32 v19, v62;
	(pc) =	sbr.rel @p0 .LBB2_6-.Ltmp2, $4  }
0xd8: {  	[tilespmem:v20+s1+$0x0] =	vst.idx.msk $0xffff, v37;
	v63 =	vperm.xlane v19, v4  }
0xd9: {  	[tilespmem:v17+s16+$0x0] =	vst.idx.msk $0xffff, v18  }
0xda: {  	vm15 =	veq.s32 v16, v0;
	[tilespmem:v61+s17+$0x0] =	vst.idx.msk $0x1, v15;
	v15 =	vmax.f32 v19, v63  }
0xdb: {  	s23 =	sadd.s32 $0x1, s23;
	[tilespmem:v61+s18+$0x0] =	vst.idx.msk $0x1, v31;
	v14 =	vsel vm15, v15, v14  }
0xdc: {  	v14 =	vld [tilespmem:$0x10180]  }
0xdd: {  	v15 =	vld [tilespmem:$0x10190]  }
0xde: {  	v16 =	vld [tilespmem:$0x101A0]  }
0xdf: {  	v17 =	vld [tilespmem:$0x101B0];
	_ =	sdelay $0x1  }
0xe0: {  	v18 =	vbroadcast v14, $0x0  }
0xe1: {  	v19 =	vimm.s32 $0x0;
	v31 =	vimm.s32 $0x0  }
0xe2: {  	v30 =	vimm.s32 $0x0;
	v14 =	vsub.s32 v14, v18;
	v15 =	vsub.s32 v15, v18  }
0xe3: {  	v16 =	vsub.s32 v16, v18;
	v17 =	vsub.s32 v17, v18;
	v14 =	vand.u32 $0x7FFF, v14  }
0xe4: {  	v15 =	vand.u32 $0x7FFF, v15;
	v16 =	vand.u32 $0x7FFF, v16;
	v17 =	vand.u32 $0x7FFF, v17  }
0xe5: {  	vm1 =	vlt.s32 v17, v14;
	vm2 =	vlt.s32 v17, v15;
	vm3 =	vlt.s32 v17, v16  }
0xe6: {  	vm4 =	vlt.s32 v16, v14;
	vm5 =	vlt.s32 v16, v15;
	vm6 =	vlt.s32 v17, v17  }
0xe7: {  	vm7 =	vlt.s32 v15, v14;
	vm8 =	vlt.s32 v16, v16;
	vm9 =	vlt.s32 v16, v17  }
0xe8: {  	vm10 =	vlt.s32 v15, v15;
	vm11 =	vlt.s32 v15, v16;
	vm12 =	vlt.s32 v15, v17  }
0xe9: {  	vm13 =	vlt.s32 v14, v14;
	vm14 =	vlt.s32 v14, v15;
	vm0 =	vlt.s32 v14, v16  }
0xea: {  	v34 =	vsel vm1, $0x1, v12;
	v23 =	vsel vm2, $0x1, v12;
	v20 =	vsel vm13, $0x1, v12  }
0xeb: {  	vm1 =	vlt.s32 v14, v17;
	v21 =	vsel vm7, $0x1, v12;
	v26 =	vadd.s32 v20, v19  }
0xec: {  	v18 =	vld [tilespmem:$0x10100];
	v22 =	vsel vm4, $0x1, v12;
	v24 =	vsel vm3, $0x1, v12;
	v26 =	vadd.s32 v21, v26  }
0xed: {  	v25 =	vsel vm6, $0x1, v12;
	v32 =	vsel vm5, $0x1, v12;
	v33 =	vsel vm8, $0x1, v12;
	v20 =	vld [tilespmem:$0x10110]  }
0xee: {  	v27 =	vmovc v17;
	v28 =	vmovc v15;
	v35 =	vsel vm9, $0x1, v12;
	v36 =	vsel vm10, $0x1, v12;
	v37 =	vsel vm11, $0x1, v12;
	v21 =	vld [tilespmem:$0x10120]  }
0xef: {  	s23 =	simm.s32 $0xF;
	v29 =	vmovc v16;
	v39 =	vsel vm14, $0x1, v12;
	v38 =	vsel vm12, $0x1, v12;
	v40 =	vadd.s32 v22, v26;
	v22 =	vld [tilespmem:$0x10130];
	v26 =	vmovc v14  }
.LBB2_8:
0xf0: {  	p0 =	sne.s32 s23, $0x1;
	v40 =	vadd.s32 v34, v40;
	v34 =	vsel vm0, $0x1, v12;
	v41 =	vsel vm1, $0x1, v12  }
0xf1: {  	v19 =	vadd.s32 v39, v19;
	v31 =	vadd.s32 v34, v31;
	v30 =	vadd.s32 v41, v30  }
0xf2: {  	v19 =	vadd.s32 v36, v19;
	v31 =	vadd.s32 v37, v31;
	v30 =	vadd.s32 v38, v30  }
0xf3: {  	v19 =	vadd.s32 v32, v19;
	v31 =	vadd.s32 v33, v31;
	v30 =	vadd.s32 v35, v30  }
0xf4: {  	v19 =	vadd.s32 v23, v19;
	v31 =	vadd.s32 v24, v31;
	v30 =	vadd.s32 v25, v30  }
0xf5: {  	v26 =	vperm.xlane v26, v13;
	v27 =	vperm.xlane v27, v13  }
0xf6: {  	v28 =	vperm.xlane v28, v13;
	v29 =	vperm.xlane v29, v13  }
0xf7: {  	vm1 =	vlt.s32 v27, v14;
	vm2 =	vlt.s32 v27, v15;
	vm3 =	vlt.s32 v27, v16  }
0xf8: {  	vm4 =	vlt.s32 v29, v14;
	vm5 =	vlt.s32 v29, v15;
	vm6 =	vlt.s32 v27, v17  }
0xf9: {  	vm7 =	vlt.s32 v28, v14;
	vm8 =	vlt.s32 v29, v16;
	vm9 =	vlt.s32 v29, v17  }
0xfa: {  	vm10 =	vlt.s32 v28, v15;
	vm11 =	vlt.s32 v28, v16;
	vm12 =	vlt.s32 v28, v17  }
0xfb: {  	vm13 =	vlt.s32 v26, v14;
	vm14 =	vlt.s32 v26, v15;
	vm0 =	vlt.s32 v26, v16  }
0xfc: {  	v34 =	vsel vm1, $0x1, v12;
	v23 =	vsel vm2, $0x1, v12;
	vm1 =	vlt.s32 v26, v17  }
.Ltmp3:
0xfd: {  	v38 =	vsel vm4, $0x1, v12;
	v24 =	vsel vm3, $0x1, v12;
	v25 =	vsel vm6, $0x1, v12;
	(pc) =	sbr.rel @p0 .LBB2_8-.Ltmp3, $4  }
0xfe: {  	v35 =	vsel vm13, $0x1, v12;
	v32 =	vsel vm5, $0x1, v12;
	v33 =	vsel vm8, $0x1, v12  }
0xff: {  	v36 =	vsel vm7, $0x1, v12;
	v37 =	vadd.s32 v35, v40;
	v35 =	vsel vm9, $0x1, v12  }
0x100: {  	v39 =	vadd.s32 v36, v37;
	v36 =	vsel vm10, $0x1, v12;
	v37 =	vsel vm11, $0x1, v12  }
0x101: {  	s23 =	sadd.s32 $0xFFFFFFFF, s23;
	v40 =	vadd.s32 v38, v39;
	v39 =	vsel vm14, $0x1, v12;
	v38 =	vsel vm12, $0x1, v12  }
0x102: {  	v14 =	vadd.s32 v34, v40;
	v15 =	vsel vm0, $0x1, v12;
	v16 =	vadd.s32 v39, v19  }
0x103: {  	v17 =	vsel vm1, $0x1, v12;
	v15 =	vadd.s32 v15, v31;
	v16 =	vadd.s32 v36, v16  }
0x104: {  	v17 =	vadd.s32 v17, v30;
	v15 =	vadd.s32 v37, v15;
	v16 =	vadd.s32 v32, v16  }
0x105: {  	v17 =	vadd.s32 v38, v17;
	v15 =	vadd.s32 v33, v15;
	v16 =	vadd.s32 v23, v16  }
0x106: {  	v17 =	vadd.s32 v35, v17;
	v15 =	vadd.s32 v24, v15  }
0x107: {  	v17 =	vadd.s32 v25, v17;
	_ =	sdelay $0x1  }
0x108: {  	[tilespmem:v14+s19+$0x0] =	vst.idx.msk $0xffff, v18  }
0x109: {  	[tilespmem:v16+s19+$0x0] =	vst.idx.msk $0xffff, v20  }
0x10a: {  	[tilespmem:v15+s19+$0x0] =	vst.idx.msk $0xffff, v21  }
0x10b: {  	s23 =	simm.s32 $0x0;
	[tilespmem:v17+s19+$0x0] =	vst.idx.msk $0xffff, v22  }
0x10c: {  	[hbm4b:s5+s23] =	stream.linear.scatter [tilespmem:s19], [sflag:$0x3], $0x80, $0x38;
	[tilespmem:$0x10280] =	vst v63  }
0x10d: {  	_ =	swait.ge [sflag:s20], $0x80  }
0x10e: {  	[sflag:s20] =	ssyncset.done $0x0  }
0x10f: {  	[sflag:s20] =	ssyncadd.s32 $0xFFFFFF80  }
0x110: {  	[tilespmem:s23], [sflag:$0x1] =	stream.strided.gather [hbm4b:s6+s12], $0x8000, s13, s12, $0x38;
	[tilespmem:$0x10280] =	vst v63  }
0x111: {  	_ =	swait.ge [sflag:s21], $0x8000  }
0x112: {  	[sflag:s21] =	ssyncset.done $0x0  }
0x113: {  	s24 =	simm.s32 $0x8100;
	v14 =	vimm.f32 $-Inf;
	[sflag:s21] =	ssyncadd.s32 $0xFFFF8000  }
.LBB2_10:
0x114: {  	v16 =	vld [tilespmem:s24+$0x70]  }
0x115: {  	v20 =	vld [tilespmem:s24+$0xFFFFFFF0]  }
0x116: {  	v15 =	vld [tilespmem:s24+$0x60]  }
0x117: {  	v17 =	vld [tilespmem:s24+$0xFFFFFF70]  }
0x118: {  	v19 =	vld [tilespmem:s24+$0xFFFFFFE0]  }
0x119: {  	v22 =	vld [tilespmem:s24+$0xC0]  }
0x11a: {  	v21 =	vld [tilespmem:s24+$0xFFFFFF60]  }
0x11b: {  	v23 =	vld [tilespmem:s24+$0xFFFFFFD0]  }
0x11c: {  	v25 =	vld [tilespmem:s24+$0xB0]  }
0x11d: {  	v24 =	vld [tilespmem:s24+$0xFFFFFF50]  }
0x11e: {  	v26 =	vld [tilespmem:s24+$0x30]  }
0x11f: {  	v28 =	vld [tilespmem:s24+$0xA0]  }
0x120: {  	v27 =	vld [tilespmem:s24+$0xFFFFFF40]  }
0x121: {  	v29 =	vld [tilespmem:s24+$0x20]  }
0x122: {  	v31 =	vld [tilespmem:s24+$0x80]  }
0x123: {  	v33 =	vld [tilespmem:s24+$0x90]  }
0x124: {  	v30 =	vld [tilespmem:s24+$0xFFFFFF30]  }
0x125: {  	v32 =	vld [tilespmem:s24+$0x0]  }
0x126: {  	v34 =	vld [tilespmem:s24+$0x10]  }
0x127: {  	v35 =	vld [tilespmem:s24+$0xFFFFFF80]  }
0x128: {  	v36 =	vld [tilespmem:s24+$0xFFFFFF90]  }
0x129: {  	v37 =	vld [tilespmem:s24+$0xFFFFFF00]  }
0x12a: {  	v38 =	vld [tilespmem:s24+$0xFFFFFF10];
	s28 =	simm.s32 $0x4;
	s26 =	smov.u32 s24;
	s25 =	simm.s32 $0x0;
	v18 =	vimm.f32 $-Inf  }
.LBB2_11:
0x12b: {  	p0 =	slt.u32 s28, $0xC;
	v39 =	vld [tilespmem:s26+$0xFFFFFF20]  }
0x12c: {  	v40 =	vld [tilespmem:s26+$0xFFFFFFA0]  }
0x12d: {  	v41 =	vld [tilespmem:s26+$0xFFFFFFB0]  }
0x12e: {  	v31 =	vmax.f32 v31, v33;
	v42 =	vld [tilespmem:s26+$0xFFFFFFC0]  }
0x12f: {  	v32 =	vmax.f32 v32, v34;
	v35 =	vmax.f32 v35, v36;
	v33 =	vmax.f32 v37, v38;
	v34 =	vld [tilespmem:s26+$0x40]  }
0x130: {  	v29 =	vmax.f32 v32, v29;
	v28 =	vmax.f32 v31, v28;
	v33 =	vmax.f32 v33, v39;
	v32 =	vld [tilespmem:s26+$0x50]  }
0x131: {  	v25 =	vmax.f32 v28, v25;
	v30 =	vmax.f32 v33, v30;
	v31 =	vmax.f32 v35, v40;
	v28 =	vld [tilespmem:s26+$0xD0]  }
0x132: {  	v26 =	vmax.f32 v29, v26;
	v27 =	vmax.f32 v30, v27;
	v30 =	vmax.f32 v31, v41;
	v29 =	vld [tilespmem:s26+$0xE0]  }
0x133: {  	v22 =	vmax.f32 v25, v22;
	v24 =	vmax.f32 v27, v24;
	v27 =	vmax.f32 v30, v42;
	v25 =	vld [tilespmem:s26+$0xF0];
	s26 =	sadd.s32 $0x200, s26  }
0x134: {  	v30 =	vld [tilespmem:s26+$0x70];
	v21 =	vmax.f32 v24, v21;
	v23 =	vmax.f32 v27, v23;
	v24 =	vmax.f32 v26, v34  }
0x135: {  	v26 =	vld [tilespmem:s26+$0xFFFFFFF0];
	v17 =	vmax.f32 v21, v17;
	v19 =	vmax.f32 v23, v19;
	v21 =	vmax.f32 v24, v32  }
0x136: {  	v19 =	vmax.f32 v19, v20;
	v20 =	vmax.f32 v21, v15;
	v15 =	vld [tilespmem:s26+$0x60];
	v21 =	vmax.f32 v22, v28;
	(xrf0) =	vmax.scan.msk.f32 $0xffff, v17  }
0x137: {  	v17 =	vld [tilespmem:s26+$0xFFFFFF70];
	v23 =	vmax.f32 v20, v16;
	v20 =	vmax.f32 v21, v29;
	(xrf0) =	vmax.scan.msk.f32 $0xffff, v19  }
0x138: {  	v19 =	vld [tilespmem:s26+$0xFFFFFFE0];
	v24 =	vmax.f32 v20, v25;
	(xrf0) =	vmax.scan.msk.f32 $0xffff, v23  }
0x139: {  	v22 =	vld [tilespmem:s26+$0xC0];
	(xrf0) =	vmax.scan.msk.f32 $0xffff, v24;
	v16 =	vmov v30  }
0x13a: {  	v21 =	vld [tilespmem:s26+$0xFFFFFF60];
	v20 =	vmov v26  }
0x13b: {  	v23 =	vld [tilespmem:s26+$0xFFFFFFD0]  }
0x13c: {  	s29 =	sadd.s32 $0x2, s25;
	s30 =	sadd.s32 $0x3, s25;
	v27 =	vmov s25;
	v25 =	vld [tilespmem:s26+$0xB0];
	v26, _, _ =	vpop (xrf0)  }
0x13d: {  	s31 =	sadd.s32 $0x1, s25;
	v31 =	vmov s30;
	s25 =	smov.u32 s28;
	v30 =	vmov s29;
	v24 =	vld [tilespmem:s26+$0xFFFFFF50];
	v34 =	vbroadcast v26, $0xF;
	v28, _, _ =	vpop (xrf0)  }
0x13e: {  	vm0 =	veq.s32 v27, v0;
	v27 =	vmov s31;
	v26 =	vld [tilespmem:s26+$0x30];
	v32 =	vbroadcast v28, $0xF;
	v33, _, _ =	vpop (xrf0)  }
0x13f: {  	v28 =	vld [tilespmem:s26+$0xA0];
	v18 =	vsel vm0, v34, v18;
	vm0 =	veq.s32 v27, v0;
	v33 =	vbroadcast v33, $0xF;
	v29, _, _ =	vpop (xrf0)  }
0x140: {  	v27 =	vld [tilespmem:s26+$0xFFFFFF40];
	v18 =	vsel vm0, v32, v18;
	vm0 =	veq.s32 v30, v0;
	v30 =	vbroadcast v29, $0xF  }
0x141: {  	v29 =	vld [tilespmem:s26+$0x20];
	v18 =	vsel vm0, v33, v18;
	vm0 =	veq.s32 v31, v0  }
0x142: {  	v31 =	vld [tilespmem:s26+$0x80];
	v18 =	vsel vm0, v30, v18  }
0x143: {  	v33 =	vld [tilespmem:s26+$0x90]  }
0x144: {  	v30 =	vld [tilespmem:s26+$0xFFFFFF30]  }
0x145: {  	v32 =	vld [tilespmem:s26+$0x0]  }
.Ltmp4:
0x146: {  	v34 =	vld [tilespmem:s26+$0x10];
	(pc) =	sbr.rel @p0 .LBB2_11-.Ltmp4, $4  }
0x147: {  	v35 =	vld [tilespmem:s26+$0xFFFFFF80]  }
0x148: {  	v36 =	vld [tilespmem:s26+$0xFFFFFF90]  }
0x149: {  	v37 =	vld [tilespmem:s26+$0xFFFFFF00]  }
0x14a: {  	s28 =	sadd.s32 $0x4, s28;
	v38 =	vld [tilespmem:s26+$0xFFFFFF10]  }
0x14b: {  	v39 =	vld [tilespmem:s26+$0xFFFFFF20]  }
0x14c: {  	v40 =	vld [tilespmem:s26+$0xFFFFFFA0]  }
0x14d: {  	v41 =	vld [tilespmem:s26+$0xFFFFFFB0]  }
0x14e: {  	v42 =	vld [tilespmem:s26+$0xFFFFFFC0];
	v32 =	vmax.f32 v32, v34  }
0x14f: {  	v31 =	vmax.f32 v31, v33;
	v43 =	vld [tilespmem:s26+$0x40];
	v29 =	vmax.f32 v32, v29;
	v38 =	vmax.f32 v37, v38  }
0x150: {  	v44 =	vld [tilespmem:s26+$0x50];
	v28 =	vmax.f32 v31, v28;
	v35 =	vmax.f32 v35, v36;
	v33 =	vmax.f32 v38, v39  }
0x151: {  	v46 =	vld [tilespmem:s26+$0xD0];
	v25 =	vmax.f32 v28, v25;
	v45 =	vmax.f32 v35, v40;
	v30 =	vmax.f32 v33, v30  }
0x152: {  	v48 =	vld [tilespmem:s26+$0xE0];
	v26 =	vmax.f32 v29, v26;
	v47 =	vmax.f32 v45, v41;
	v27 =	vmax.f32 v30, v27  }
0x153: {  	v50 =	vld [tilespmem:s26+$0xF0];
	v22 =	vmax.f32 v25, v22;
	v49 =	vmax.f32 v47, v42;
	v24 =	vmax.f32 v27, v24  }
0x154: {  	v51 =	vmax.f32 v26, v43;
	v23 =	vmax.f32 v49, v23;
	v21 =	vmax.f32 v24, v21  }
0x155: {  	v52 =	vmax.f32 v51, v44;
	v19 =	vmax.f32 v23, v19;
	v17 =	vmax.f32 v21, v17  }
0x156: {  	v53 =	vmax.f32 v22, v46;
	v15 =	vmax.f32 v52, v15;
	v19 =	vmax.f32 v19, v20;
	(xrf0) =	vmax.scan.msk.f32 $0xffff, v17  }
0x157: {  	v54 =	vmax.f32 v53, v48;
	v15 =	vmax.f32 v15, v16;
	(xrf0) =	vmax.scan.msk.f32 $0xffff, v19  }
0x158: {  	v16 =	vmax.f32 v54, v50;
	(xrf0) =	vmax.scan.msk.f32 $0xffff, v15  }
0x159: {  	(xrf0) =	vmax.scan.msk.f32 $0xffff, v16;
	_ =	sdelay $0x1  }
0x15a: {  	s29 =	sadd.s32 $0x2, s25  }
0x15b: {  	s28 =	sadd.s32 $0x3, s25;
	v56 =	vmov s29;
	v55, _, _ =	vpop (xrf0)  }
0x15c: {  	s30 =	sadd.s32 $0x1, s25;
	v57 =	vmov s28;
	v15 =	vmov s25;
	v16 =	vbroadcast v55, $0xF;
	v58, _, _ =	vpop (xrf0)  }
0x15d: {  	vm0 =	veq.s32 v15, v0;
	v15 =	vmov s30;
	v20 =	vbroadcast v58, $0xF;
	v59, _, _ =	vpop (xrf0)  }
0x15e: {  	vm12 =	veq.s32 v15, v0;
	v16 =	vsel vm0, v16, v18;
	v15 =	vbroadcast v59, $0xF;
	v60, _, _ =	vpop (xrf0)  }
0x15f: {  	vm13 =	veq.s32 v56, v0;
	v16 =	vsel vm12, v20, v16;
	v61 =	vbroadcast v60, $0xF  }
0x160: {  	vm14 =	veq.s32 v57, v0;
	v15 =	vsel vm13, v15, v16  }
0x161: {  	v15 =	vsel vm14, v61, v15  }
0x162: {  	(xrf0) =	vmax.scan.msk.f32 $0xffff, v15;
	_ =	sdelay $0x2  }
0x163: {  	s31 =	sshll.u32 s23, $0x4;
	v62 =	vmov s23;
	s23 =	sadd.s32 $0x1, s23  }
0x164: {  	p0 =	sne.s32 s23, $0x10  }
.Ltmp5:
0x165: {  	_ = 	snop;
	(pc) =	sbr.rel @p0 .LBB2_10-.Ltmp5, $4  }
0x166: {  	v63, _, _ =	vpop (xrf0)  }
0x167: {  	v17 =	vbroadcast v63, $0xF  }
0x168: {  	vm15 =	veq.s32 v62, v0;
	s25 =	sand.u32 $0x3FFFFFF0, s31  }
0x169: {  	s24 =	sadd.s32 $0x800, s24;
	[tilespmem:s25+$0x10000] =	vst v15;
	v14 =	vsel vm15, v17, v14  }
0x16a: {  	s23 =	simm.s32 $0x0  }
.LBB2_14:
0x16b: {  	v15 =	vperm.xlane v14, v1;
	_ =	sdelay $0x1  }
0x16c: {  	v15 =	vmax.f32 v14, v15  }
0x16d: {  	v16 =	vperm.xlane v15, v2;
	_ =	sdelay $0x1  }
0x16e: {  	v15 =	vmax.f32 v15, v16  }
0x16f: {  	v16 =	vperm.xlane v15, v3;
	_ =	sdelay $0x1  }
0x170: {  	v15 =	vmax.f32 v15, v16  }
0x171: {  	v16 =	vperm.xlane v15, v4;
	_ =	sdelay $0x1  }
0x172: {  	v15 =	vmax.f32 v15, v16  }
0x173: {  	vm0 =	veq.f32 v14, v15  }
0x174: {  	v51 =	vnsel vm0, $0x40000000, v0  }
0x175: {  	v17 =	vperm.xlane v51, v1;
	_ =	sdelay $0x1  }
0x176: {  	vm0 =	vlt.s32 v51, v17  }
0x177: {  	v16 =	vsel vm0, v51, v17  }
0x178: {  	v17 =	vperm.xlane v16, v2;
	_ =	sdelay $0x1  }
0x179: {  	vm0 =	vlt.s32 v16, v17  }
0x17a: {  	v16 =	vsel vm0, v16, v17  }
0x17b: {  	v17 =	vperm.xlane v16, v3;
	_ =	sdelay $0x1  }
0x17c: {  	vm0 =	vlt.s32 v16, v17  }
0x17d: {  	v16 =	vsel vm0, v16, v17  }
0x17e: {  	v17 =	vperm.xlane v16, v4;
	_ =	sdelay $0x1  }
0x17f: {  	vm0 =	vlt.s32 v16, v17  }
0x180: {  	v16 =	vsel vm0, v16, v17  }
0x181: {  	v17 =	vshll.u32 v16, $0x4  }
0x182: {  	v17 =	vor.u32 v0, v17;
	_ =	sdelay $0x4  }
0x183: {  	v18 =	vld.idx.msk [tilespmem:v17+s16+$0x0], $0xffff;
	_ =	sdelay $0x4  }
0x184: {  	vm9 =	veq.f32 v18, v15  }
0x185: {  	v19 =	vnsel vm9, $0x40000000, v17  }
0x186: {  	v20 =	vperm.xlane v19, v1;
	_ =	sdelay $0x1  }
0x187: {  	vm0 =	vlt.s32 v19, v20  }
0x188: {  	v19 =	vsel vm0, v19, v20  }
0x189: {  	v20 =	vperm.xlane v19, v2;
	_ =	sdelay $0x1  }
0x18a: {  	vm0 =	vlt.s32 v19, v20  }
0x18b: {  	v19 =	vsel vm0, v19, v20  }
0x18c: {  	v20 =	vperm.xlane v19, v3;
	_ =	sdelay $0x1  }
0x18d: {  	vm0 =	vlt.s32 v19, v20  }
0x18e: {  	v19 =	vsel vm0, v19, v20  }
0x18f: {  	v20 =	vperm.xlane v19, v4;
	_ =	sdelay $0x1  }
0x190: {  	vm0 =	vlt.s32 v19, v20  }
0x191: {  	v19 =	vsel vm0, v19, v20  }
0x192: {  	v20 =	vshll.u32 v19, $0x7  }
0x193: {  	v21 =	vor.u32 v0, v20;
	_ =	sdelay $0x1  }
0x194: {  	v22 =	vor.u32 v5, v20  }
0x195: {  	v23 =	vor.u32 v6, v20;
	_ =	sdelay $0x1  }
0x196: {  	v24 =	vor.u32 v7, v20;
	v25 =	vld.idx.msk [tilespmem:v21+s14+$0x0], $0xffff;
	_ =	sdelay $0x1  }
0x197: {  	v26 =	vor.u32 v8, v20;
	v27 =	vld.idx.msk [tilespmem:v22+s14+$0x0], $0xffff  }
0x198: {  	v28 =	vld.idx.msk [tilespmem:v23+s14+$0x0], $0xffff  }
0x199: {  	v29 =	vor.u32 v9, v20;
	vm10 =	vlt.s32 v21, $0x40000000  }
0x19a: {  	v31 =	vnsel vm10, $0x40000000, v21;
	v30 =	vld.idx.msk [tilespmem:v24+s14+$0x0], $0xffff;
	vm1 =	veq.f32 v25, v15  }
0x19b: {  	v32 =	vor.u32 v10, v20;
	v31 =	vnsel vm1, $0x40000000, v31  }
0x19c: {  	v20 =	vor.u32 v11, v20;
	v33 =	vld.idx.msk [tilespmem:v26+s14+$0x0], $0xffff;
	vm11 =	vlt.s32 v31, v22  }
0x19d: {  	vm12 =	veq.f32 v27, v15;
	vm13 =	veq.f32 v28, v15;
	v34 =	vsel vm11, v31, v22  }
0x19e: {  	v35 =	vld.idx.msk [tilespmem:v29+s14+$0x0], $0xffff;
	v52 =	vnsel vm13, $0x40000000, v23;
	v31 =	vsel vm12, v34, v31  }
0x19f: {  	vm14 =	veq.f32 v30, v15;
	vm0 =	vlt.s32 v31, v52  }
0x1a0: {  	v36 =	vld.idx.msk [tilespmem:v32+s14+$0x0], $0xffff;
	v53 =	vnsel vm14, $0x40000000, v24;
	v31 =	vsel vm0, v31, v52  }
0x1a1: {  	vm15 =	veq.f32 v33, v15;
	vm0 =	vlt.s32 v31, v53  }
0x1a2: {  	v37 =	vld.idx.msk [tilespmem:v20+s14+$0x0], $0xffff;
	v54 =	vnsel vm15, $0x40000000, v26;
	v31 =	vsel vm0, v31, v53  }
0x1a3: {  	vm4 =	veq.f32 v35, v15;
	vm0 =	vlt.s32 v31, v54  }
0x1a4: {  	v55 =	vnsel vm4, $0x40000000, v29;
	v31 =	vsel vm0, v31, v54  }
0x1a5: {  	vm5 =	veq.f32 v36, v15;
	vm0 =	vlt.s32 v31, v55  }
0x1a6: {  	v56 =	vnsel vm5, $0x40000000, v32;
	v31 =	vsel vm0, v31, v55  }
0x1a7: {  	vm6 =	veq.f32 v37, v15;
	vm0 =	vlt.s32 v31, v56  }
0x1a8: {  	v57 =	vnsel vm6, $0x40000000, v20;
	v31 =	vsel vm0, v31, v56  }
0x1a9: {  	vm0 =	vlt.s32 v31, v57  }
0x1aa: {  	v31 =	vsel vm0, v31, v57  }
0x1ab: {  	v34 =	vperm.xlane v31, v1;
	_ =	sdelay $0x1  }
0x1ac: {  	vm0 =	vlt.s32 v31, v34  }
0x1ad: {  	v31 =	vsel vm0, v31, v34  }
0x1ae: {  	v34 =	vperm.xlane v31, v2;
	_ =	sdelay $0x1  }
0x1af: {  	vm0 =	vlt.s32 v31, v34  }
0x1b0: {  	v31 =	vsel vm0, v31, v34  }
0x1b1: {  	v34 =	vperm.xlane v31, v3;
	_ =	sdelay $0x1  }
0x1b2: {  	vm0 =	vlt.s32 v31, v34  }
0x1b3: {  	v31 =	vsel vm0, v31, v34  }
0x1b4: {  	v34 =	vperm.xlane v31, v4;
	_ =	sdelay $0x1  }
0x1b5: {  	vm0 =	vlt.s32 v31, v34  }
0x1b6: {  	v31 =	vsel vm0, v31, v34  }
0x1b7: {  	vm0 =	veq.s32 v21, v31;
	vm7 =	veq.s32 v22, v31  }
0x1b8: {  	vm8 =	veq.s32 v23, v31;
	v25 =	vsel vm0, $0xFF800000, v25;
	v27 =	vsel vm7, $0xFF800000, v27  }
0x1b9: {  	vm9 =	veq.s32 v24, v31;
	v28 =	vsel vm8, $0xFF800000, v28;
	v58 =	vmax.f32 v25, v27  }
0x1ba: {  	vm10 =	veq.s32 v26, v31;
	v30 =	vsel vm9, $0xFF800000, v30;
	v34 =	vmax.f32 v58, v28  }
0x1bb: {  	vm11 =	veq.s32 v29, v31;
	v33 =	vsel vm10, $0xFF800000, v33;
	v34 =	vmax.f32 v34, v30  }
0x1bc: {  	vm12 =	veq.s32 v32, v31;
	v35 =	vsel vm11, $0xFF800000, v35;
	v34 =	vmax.f32 v34, v33  }
0x1bd: {  	vm13 =	veq.s32 v20, v31;
	v36 =	vsel vm12, $0xFF800000, v36;
	v34 =	vmax.f32 v34, v35  }
0x1be: {  	v37 =	vsel vm13, $0xFF800000, v37;
	v34 =	vmax.f32 v34, v36  }
0x1bf: {  	v34 =	vmax.f32 v34, v37  }
0x1c0: {  	v38 =	vperm.xlane v34, v1;
	_ =	sdelay $0x1  }
0x1c1: {  	v34 =	vmax.f32 v34, v38  }
0x1c2: {  	v38 =	vperm.xlane v34, v2;
	_ =	sdelay $0x1  }
0x1c3: {  	v34 =	vmax.f32 v34, v38  }
0x1c4: {  	v38 =	vperm.xlane v34, v3;
	_ =	sdelay $0x1  }
0x1c5: {  	v34 =	vmax.f32 v34, v38  }
0x1c6: {  	v38 =	vperm.xlane v34, v4;
	_ =	sdelay $0x1  }
0x1c7: {  	vm14 =	veq.s32 v17, v19;
	v59 =	vmax.f32 v34, v38  }
0x1c8: {  	v18 =	vsel vm14, v59, v18  }
0x1c9: {  	v19 =	vperm.xlane v18, v1;
	_ =	sdelay $0x1  }
0x1ca: {  	[tilespmem:v21+s14+$0x0] =	vst.idx.msk $0xffff, v25;
	v19 =	vmax.f32 v18, v19  }
0x1cb: {  	[tilespmem:v22+s14+$0x0] =	vst.idx.msk $0xffff, v27;
	v60 =	vperm.xlane v19, v2  }
0x1cc: {  	[tilespmem:v23+s14+$0x0] =	vst.idx.msk $0xffff, v28  }
0x1cd: {  	[tilespmem:v24+s14+$0x0] =	vst.idx.msk $0xffff, v30;
	v19 =	vmax.f32 v19, v60  }
0x1ce: {  	v61 =	vmov s23;
	[tilespmem:v26+s14+$0x0] =	vst.idx.msk $0xffff, v33;
	v62 =	vperm.xlane v19, v3  }
0x1cf: {  	p0 =	sne.s32 s23, $0x3F;
	[tilespmem:v29+s14+$0x0] =	vst.idx.msk $0xffff, v35  }
.Ltmp6:
0x1d0: {  	[tilespmem:v32+s14+$0x0] =	vst.idx.msk $0xffff, v36;
	v19 =	vmax.f32 v19, v62;
	(pc) =	sbr.rel @p0 .LBB2_14-.Ltmp6, $4  }
0x1d1: {  	[tilespmem:v20+s14+$0x0] =	vst.idx.msk $0xffff, v37;
	v63 =	vperm.xlane v19, v4  }
0x1d2: {  	[tilespmem:v17+s16+$0x0] =	vst.idx.msk $0xffff, v18  }
0x1d3: {  	vm15 =	veq.s32 v16, v0;
	[tilespmem:v61+s17+$0x0] =	vst.idx.msk $0x1, v15;
	v15 =	vmax.f32 v19, v63  }
0x1d4: {  	s23 =	sadd.s32 $0x1, s23;
	[tilespmem:v61+s18+$0x0] =	vst.idx.msk $0x1, v31;
	v14 =	vsel vm15, v15, v14  }
0x1d5: {  	v14 =	vld [tilespmem:$0x10180]  }
0x1d6: {  	v15 =	vld [tilespmem:$0x10190]  }
0x1d7: {  	v16 =	vld [tilespmem:$0x101A0]  }
0x1d8: {  	v17 =	vld [tilespmem:$0x101B0];
	_ =	sdelay $0x1  }
0x1d9: {  	v18 =	vbroadcast v14, $0x0  }
0x1da: {  	v19 =	vimm.s32 $0x0;
	v31 =	vimm.s32 $0x0  }
0x1db: {  	v30 =	vimm.s32 $0x0;
	v14 =	vsub.s32 v14, v18;
	v15 =	vsub.s32 v15, v18  }
0x1dc: {  	v16 =	vsub.s32 v16, v18;
	v17 =	vsub.s32 v17, v18;
	v14 =	vand.u32 $0x7FFF, v14  }
0x1dd: {  	v15 =	vand.u32 $0x7FFF, v15;
	v16 =	vand.u32 $0x7FFF, v16;
	v17 =	vand.u32 $0x7FFF, v17  }
0x1de: {  	vm1 =	vlt.s32 v17, v14;
	vm2 =	vlt.s32 v17, v15;
	vm3 =	vlt.s32 v17, v16  }
0x1df: {  	vm4 =	vlt.s32 v16, v14;
	vm5 =	vlt.s32 v16, v15;
	vm6 =	vlt.s32 v17, v17  }
0x1e0: {  	vm7 =	vlt.s32 v15, v14;
	vm8 =	vlt.s32 v16, v16;
	vm9 =	vlt.s32 v16, v17  }
0x1e1: {  	vm10 =	vlt.s32 v15, v15;
	vm11 =	vlt.s32 v15, v16;
	vm12 =	vlt.s32 v15, v17  }
0x1e2: {  	vm13 =	vlt.s32 v14, v14;
	vm14 =	vlt.s32 v14, v15;
	vm0 =	vlt.s32 v14, v16  }
0x1e3: {  	v34 =	vsel vm1, $0x1, v12;
	v23 =	vsel vm2, $0x1, v12;
	v20 =	vsel vm13, $0x1, v12  }
0x1e4: {  	vm1 =	vlt.s32 v14, v17;
	v21 =	vsel vm7, $0x1, v12;
	v26 =	vadd.s32 v20, v19  }
0x1e5: {  	v18 =	vld [tilespmem:$0x10100];
	v22 =	vsel vm4, $0x1, v12;
	v24 =	vsel vm3, $0x1, v12;
	v26 =	vadd.s32 v21, v26  }
0x1e6: {  	v25 =	vsel vm6, $0x1, v12;
	v32 =	vsel vm5, $0x1, v12;
	v33 =	vsel vm8, $0x1, v12;
	v20 =	vld [tilespmem:$0x10110]  }
0x1e7: {  	v27 =	vmovc v17;
	v28 =	vmovc v15;
	v35 =	vsel vm9, $0x1, v12;
	v36 =	vsel vm10, $0x1, v12;
	v37 =	vsel vm11, $0x1, v12;
	v21 =	vld [tilespmem:$0x10120]  }
0x1e8: {  	s23 =	simm.s32 $0xF;
	v29 =	vmovc v16;
	v39 =	vsel vm14, $0x1, v12;
	v38 =	vsel vm12, $0x1, v12;
	v40 =	vadd.s32 v22, v26;
	v22 =	vld [tilespmem:$0x10130];
	v26 =	vmovc v14  }
.LBB2_16:
0x1e9: {  	p0 =	sne.s32 s23, $0x1;
	v40 =	vadd.s32 v34, v40;
	v34 =	vsel vm0, $0x1, v12;
	v41 =	vsel vm1, $0x1, v12  }
0x1ea: {  	v19 =	vadd.s32 v39, v19;
	v31 =	vadd.s32 v34, v31;
	v30 =	vadd.s32 v41, v30  }
0x1eb: {  	v19 =	vadd.s32 v36, v19;
	v31 =	vadd.s32 v37, v31;
	v30 =	vadd.s32 v38, v30  }
0x1ec: {  	v19 =	vadd.s32 v32, v19;
	v31 =	vadd.s32 v33, v31;
	v30 =	vadd.s32 v35, v30  }
0x1ed: {  	v19 =	vadd.s32 v23, v19;
	v31 =	vadd.s32 v24, v31;
	v30 =	vadd.s32 v25, v30  }
0x1ee: {  	v26 =	vperm.xlane v26, v13;
	v27 =	vperm.xlane v27, v13  }
0x1ef: {  	v28 =	vperm.xlane v28, v13;
	v29 =	vperm.xlane v29, v13  }
0x1f0: {  	vm1 =	vlt.s32 v27, v14;
	vm2 =	vlt.s32 v27, v15;
	vm3 =	vlt.s32 v27, v16  }
0x1f1: {  	vm4 =	vlt.s32 v29, v14;
	vm5 =	vlt.s32 v29, v15;
	vm6 =	vlt.s32 v27, v17  }
0x1f2: {  	vm7 =	vlt.s32 v28, v14;
	vm8 =	vlt.s32 v29, v16;
	vm9 =	vlt.s32 v29, v17  }
0x1f3: {  	vm10 =	vlt.s32 v28, v15;
	vm11 =	vlt.s32 v28, v16;
	vm12 =	vlt.s32 v28, v17  }
0x1f4: {  	vm13 =	vlt.s32 v26, v14;
	vm14 =	vlt.s32 v26, v15;
	vm0 =	vlt.s32 v26, v16  }
0x1f5: {  	v34 =	vsel vm1, $0x1, v12;
	v23 =	vsel vm2, $0x1, v12;
	vm1 =	vlt.s32 v26, v17  }
.Ltmp7:
0x1f6: {  	v38 =	vsel vm4, $0x1, v12;
	v24 =	vsel vm3, $0x1, v12;
	v25 =	vsel vm6, $0x1, v12;
	(pc) =	sbr.rel @p0 .LBB2_16-.Ltmp7, $4  }
0x1f7: {  	v35 =	vsel vm13, $0x1, v12;
	v32 =	vsel vm5, $0x1, v12;
	v33 =	vsel vm8, $0x1, v12  }
0x1f8: {  	v36 =	vsel vm7, $0x1, v12;
	v37 =	vadd.s32 v35, v40;
	v35 =	vsel vm9, $0x1, v12  }
0x1f9: {  	v39 =	vadd.s32 v36, v37;
	v36 =	vsel vm10, $0x1, v12;
	v37 =	vsel vm11, $0x1, v12  }
0x1fa: {  	s23 =	sadd.s32 $0xFFFFFFFF, s23;
	v40 =	vadd.s32 v38, v39;
	v39 =	vsel vm14, $0x1, v12;
	v38 =	vsel vm12, $0x1, v12  }
0x1fb: {  	v14 =	vadd.s32 v34, v40;
	v15 =	vsel vm0, $0x1, v12;
	v16 =	vadd.s32 v39, v19  }
0x1fc: {  	v17 =	vsel vm1, $0x1, v12;
	v15 =	vadd.s32 v15, v31;
	v16 =	vadd.s32 v36, v16  }
0x1fd: {  	v17 =	vadd.s32 v17, v30;
	v15 =	vadd.s32 v37, v15;
	v16 =	vadd.s32 v32, v16  }
0x1fe: {  	v17 =	vadd.s32 v38, v17;
	v15 =	vadd.s32 v33, v15;
	v16 =	vadd.s32 v23, v16  }
0x1ff: {  	v17 =	vadd.s32 v35, v17;
	v15 =	vadd.s32 v24, v15  }
0x200: {  	v17 =	vadd.s32 v25, v17;
	_ =	sdelay $0x1  }
0x201: {  	[tilespmem:v14+s19+$0x0] =	vst.idx.msk $0xffff, v18  }
0x202: {  	[tilespmem:v16+s19+$0x0] =	vst.idx.msk $0xffff, v20  }
0x203: {  	[tilespmem:v15+s19+$0x0] =	vst.idx.msk $0xffff, v21  }
0x204: {  	s23 =	simm.s32 $0x0;
	[tilespmem:v17+s19+$0x0] =	vst.idx.msk $0xffff, v22  }
0x205: {  	[hbm4b:s7+s23] =	stream.linear.scatter [tilespmem:s19], [sflag:$0x3], $0x80, $0x38;
	[tilespmem:$0x10280] =	vst v63  }
0x206: {  	_ =	swait.ge [sflag:s20], $0x80  }
0x207: {  	[sflag:s20] =	ssyncset.done $0x0  }
0x208: {  	[sflag:s20] =	ssyncadd.s32 $0xFFFFFF80  }
0x209: {  	[tilespmem:s14], [sflag:$0x2] =	stream.strided.gather [hbm4b:s8+s12], $0x8000, s13, s12, $0x38;
	[tilespmem:$0x10280] =	vst v63  }
0x20a: {  	_ =	swait.ge [sflag:s15], $0x8000  }
0x20b: {  	[sflag:s15] =	ssyncset.done $0x0  }
0x20c: {  	s24 =	simm.s32 $0x100;
	v14 =	vimm.f32 $-Inf;
	[sflag:s15] =	ssyncadd.s32 $0xFFFF8000  }
.LBB2_18:
0x20d: {  	v16 =	vld [tilespmem:s24+$0x70]  }
0x20e: {  	v20 =	vld [tilespmem:s24+$0xFFFFFFF0]  }
0x20f: {  	v15 =	vld [tilespmem:s24+$0x60]  }
0x210: {  	v17 =	vld [tilespmem:s24+$0xFFFFFF70]  }
0x211: {  	v19 =	vld [tilespmem:s24+$0xFFFFFFE0]  }
0x212: {  	v22 =	vld [tilespmem:s24+$0xC0]  }
0x213: {  	v21 =	vld [tilespmem:s24+$0xFFFFFF60]  }
0x214: {  	v23 =	vld [tilespmem:s24+$0xFFFFFFD0]  }
0x215: {  	v25 =	vld [tilespmem:s24+$0xB0]  }
0x216: {  	v24 =	vld [tilespmem:s24+$0xFFFFFF50]  }
0x217: {  	v26 =	vld [tilespmem:s24+$0x30]  }
0x218: {  	v28 =	vld [tilespmem:s24+$0xA0]  }
0x219: {  	v27 =	vld [tilespmem:s24+$0xFFFFFF40]  }
0x21a: {  	v29 =	vld [tilespmem:s24+$0x20]  }
0x21b: {  	v31 =	vld [tilespmem:s24+$0x80]  }
0x21c: {  	v33 =	vld [tilespmem:s24+$0x90]  }
0x21d: {  	v30 =	vld [tilespmem:s24+$0xFFFFFF30]  }
0x21e: {  	v32 =	vld [tilespmem:s24+$0x0]  }
0x21f: {  	v34 =	vld [tilespmem:s24+$0x10]  }
0x220: {  	v35 =	vld [tilespmem:s24+$0xFFFFFF80]  }
0x221: {  	v36 =	vld [tilespmem:s24+$0xFFFFFF90]  }
0x222: {  	v37 =	vld [tilespmem:s24+$0xFFFFFF00]  }
0x223: {  	v38 =	vld [tilespmem:s24+$0xFFFFFF10];
	s28 =	simm.s32 $0x4;
	s26 =	smov.u32 s24;
	s25 =	simm.s32 $0x0;
	v18 =	vimm.f32 $-Inf  }
.LBB2_19:
0x224: {  	p0 =	slt.u32 s28, $0xC;
	v39 =	vld [tilespmem:s26+$0xFFFFFF20]  }
0x225: {  	v40 =	vld [tilespmem:s26+$0xFFFFFFA0]  }
0x226: {  	v41 =	vld [tilespmem:s26+$0xFFFFFFB0]  }
0x227: {  	v31 =	vmax.f32 v31, v33;
	v42 =	vld [tilespmem:s26+$0xFFFFFFC0]  }
0x228: {  	v32 =	vmax.f32 v32, v34;
	v35 =	vmax.f32 v35, v36;
	v33 =	vmax.f32 v37, v38;
	v34 =	vld [tilespmem:s26+$0x40]  }
0x229: {  	v29 =	vmax.f32 v32, v29;
	v28 =	vmax.f32 v31, v28;
	v33 =	vmax.f32 v33, v39;
	v32 =	vld [tilespmem:s26+$0x50]  }
0x22a: {  	v25 =	vmax.f32 v28, v25;
	v30 =	vmax.f32 v33, v30;
	v31 =	vmax.f32 v35, v40;
	v28 =	vld [tilespmem:s26+$0xD0]  }
0x22b: {  	v26 =	vmax.f32 v29, v26;
	v27 =	vmax.f32 v30, v27;
	v30 =	vmax.f32 v31, v41;
	v29 =	vld [tilespmem:s26+$0xE0]  }
0x22c: {  	v22 =	vmax.f32 v25, v22;
	v24 =	vmax.f32 v27, v24;
	v27 =	vmax.f32 v30, v42;
	v25 =	vld [tilespmem:s26+$0xF0];
	s26 =	sadd.s32 $0x200, s26  }
0x22d: {  	v30 =	vld [tilespmem:s26+$0x70];
	v21 =	vmax.f32 v24, v21;
	v23 =	vmax.f32 v27, v23;
	v24 =	vmax.f32 v26, v34  }
0x22e: {  	v26 =	vld [tilespmem:s26+$0xFFFFFFF0];
	v17 =	vmax.f32 v21, v17;
	v19 =	vmax.f32 v23, v19;
	v21 =	vmax.f32 v24, v32  }
0x22f: {  	v19 =	vmax.f32 v19, v20;
	v20 =	vmax.f32 v21, v15;
	v15 =	vld [tilespmem:s26+$0x60];
	v21 =	vmax.f32 v22, v28;
	(xrf0) =	vmax.scan.msk.f32 $0xffff, v17  }
0x230: {  	v17 =	vld [tilespmem:s26+$0xFFFFFF70];
	v23 =	vmax.f32 v20, v16;
	v20 =	vmax.f32 v21, v29;
	(xrf0) =	vmax.scan.msk.f32 $0xffff, v19  }
0x231: {  	v19 =	vld [tilespmem:s26+$0xFFFFFFE0];
	v24 =	vmax.f32 v20, v25;
	(xrf0) =	vmax.scan.msk.f32 $0xffff, v23  }
0x232: {  	v22 =	vld [tilespmem:s26+$0xC0];
	(xrf0) =	vmax.scan.msk.f32 $0xffff, v24;
	v16 =	vmov v30  }
0x233: {  	v21 =	vld [tilespmem:s26+$0xFFFFFF60];
	v20 =	vmov v26  }
0x234: {  	v23 =	vld [tilespmem:s26+$0xFFFFFFD0]  }
0x235: {  	s29 =	sadd.s32 $0x2, s25;
	s30 =	sadd.s32 $0x3, s25;
	v27 =	vmov s25;
	v25 =	vld [tilespmem:s26+$0xB0];
	v26, _, _ =	vpop (xrf0)  }
0x236: {  	s31 =	sadd.s32 $0x1, s25;
	v31 =	vmov s30;
	s25 =	smov.u32 s28;
	v30 =	vmov s29;
	v24 =	vld [tilespmem:s26+$0xFFFFFF50];
	v34 =	vbroadcast v26, $0xF;
	v28, _, _ =	vpop (xrf0)  }
0x237: {  	vm0 =	veq.s32 v27, v0;
	v27 =	vmov s31;
	v26 =	vld [tilespmem:s26+$0x30];
	v32 =	vbroadcast v28, $0xF;
	v33, _, _ =	vpop (xrf0)  }
0x238: {  	v28 =	vld [tilespmem:s26+$0xA0];
	v18 =	vsel vm0, v34, v18;
	vm0 =	veq.s32 v27, v0;
	v33 =	vbroadcast v33, $0xF;
	v29, _, _ =	vpop (xrf0)  }
0x239: {  	v27 =	vld [tilespmem:s26+$0xFFFFFF40];
	v18 =	vsel vm0, v32, v18;
	vm0 =	veq.s32 v30, v0;
	v30 =	vbroadcast v29, $0xF  }
0x23a: {  	v29 =	vld [tilespmem:s26+$0x20];
	v18 =	vsel vm0, v33, v18;
	vm0 =	veq.s32 v31, v0  }
0x23b: {  	v31 =	vld [tilespmem:s26+$0x80];
	v18 =	vsel vm0, v30, v18  }
0x23c: {  	v33 =	vld [tilespmem:s26+$0x90]  }
0x23d: {  	v30 =	vld [tilespmem:s26+$0xFFFFFF30]  }
0x23e: {  	v32 =	vld [tilespmem:s26+$0x0]  }
.Ltmp8:
0x23f: {  	v34 =	vld [tilespmem:s26+$0x10];
	(pc) =	sbr.rel @p0 .LBB2_19-.Ltmp8, $4  }
0x240: {  	v35 =	vld [tilespmem:s26+$0xFFFFFF80]  }
0x241: {  	v36 =	vld [tilespmem:s26+$0xFFFFFF90]  }
0x242: {  	v37 =	vld [tilespmem:s26+$0xFFFFFF00]  }
0x243: {  	s28 =	sadd.s32 $0x4, s28;
	v38 =	vld [tilespmem:s26+$0xFFFFFF10]  }
0x244: {  	v39 =	vld [tilespmem:s26+$0xFFFFFF20]  }
0x245: {  	v40 =	vld [tilespmem:s26+$0xFFFFFFA0]  }
0x246: {  	v41 =	vld [tilespmem:s26+$0xFFFFFFB0]  }
0x247: {  	v42 =	vld [tilespmem:s26+$0xFFFFFFC0];
	v32 =	vmax.f32 v32, v34  }
0x248: {  	v31 =	vmax.f32 v31, v33;
	v43 =	vld [tilespmem:s26+$0x40];
	v29 =	vmax.f32 v32, v29;
	v38 =	vmax.f32 v37, v38  }
0x249: {  	v44 =	vld [tilespmem:s26+$0x50];
	v28 =	vmax.f32 v31, v28;
	v35 =	vmax.f32 v35, v36;
	v33 =	vmax.f32 v38, v39  }
0x24a: {  	v46 =	vld [tilespmem:s26+$0xD0];
	v25 =	vmax.f32 v28, v25;
	v45 =	vmax.f32 v35, v40;
	v30 =	vmax.f32 v33, v30  }
0x24b: {  	v48 =	vld [tilespmem:s26+$0xE0];
	v26 =	vmax.f32 v29, v26;
	v47 =	vmax.f32 v45, v41;
	v27 =	vmax.f32 v30, v27  }
0x24c: {  	v50 =	vld [tilespmem:s26+$0xF0];
	v22 =	vmax.f32 v25, v22;
	v49 =	vmax.f32 v47, v42;
	v24 =	vmax.f32 v27, v24  }
0x24d: {  	v51 =	vmax.f32 v26, v43;
	v23 =	vmax.f32 v49, v23;
	v21 =	vmax.f32 v24, v21  }
0x24e: {  	v52 =	vmax.f32 v51, v44;
	v19 =	vmax.f32 v23, v19;
	v17 =	vmax.f32 v21, v17  }
0x24f: {  	v53 =	vmax.f32 v22, v46;
	v15 =	vmax.f32 v52, v15;
	v19 =	vmax.f32 v19, v20;
	(xrf0) =	vmax.scan.msk.f32 $0xffff, v17  }
0x250: {  	v54 =	vmax.f32 v53, v48;
	v15 =	vmax.f32 v15, v16;
	(xrf0) =	vmax.scan.msk.f32 $0xffff, v19  }
0x251: {  	v16 =	vmax.f32 v54, v50;
	(xrf0) =	vmax.scan.msk.f32 $0xffff, v15  }
0x252: {  	(xrf0) =	vmax.scan.msk.f32 $0xffff, v16;
	_ =	sdelay $0x1  }
0x253: {  	s29 =	sadd.s32 $0x2, s25  }
0x254: {  	s28 =	sadd.s32 $0x3, s25;
	v56 =	vmov s29;
	v55, _, _ =	vpop (xrf0)  }
0x255: {  	s30 =	sadd.s32 $0x1, s25;
	v57 =	vmov s28;
	v15 =	vmov s25;
	v16 =	vbroadcast v55, $0xF;
	v58, _, _ =	vpop (xrf0)  }
0x256: {  	vm0 =	veq.s32 v15, v0;
	v15 =	vmov s30;
	v20 =	vbroadcast v58, $0xF;
	v59, _, _ =	vpop (xrf0)  }
0x257: {  	vm12 =	veq.s32 v15, v0;
	v16 =	vsel vm0, v16, v18;
	v15 =	vbroadcast v59, $0xF;
	v60, _, _ =	vpop (xrf0)  }
0x258: {  	vm13 =	veq.s32 v56, v0;
	v16 =	vsel vm12, v20, v16;
	v61 =	vbroadcast v60, $0xF  }
0x259: {  	vm14 =	veq.s32 v57, v0;
	v15 =	vsel vm13, v15, v16  }
0x25a: {  	v15 =	vsel vm14, v61, v15  }
0x25b: {  	(xrf0) =	vmax.scan.msk.f32 $0xffff, v15;
	_ =	sdelay $0x2  }
0x25c: {  	s31 =	sshll.u32 s23, $0x4;
	v62 =	vmov s23;
	s23 =	sadd.s32 $0x1, s23  }
0x25d: {  	p0 =	sne.s32 s23, $0x10  }
.Ltmp9:
0x25e: {  	_ = 	snop;
	(pc) =	sbr.rel @p0 .LBB2_18-.Ltmp9, $4  }
0x25f: {  	v63, _, _ =	vpop (xrf0)  }
0x260: {  	v17 =	vbroadcast v63, $0xF  }
0x261: {  	vm15 =	veq.s32 v62, v0;
	s25 =	sand.u32 $0x3FFFFFF0, s31  }
0x262: {  	s24 =	sadd.s32 $0x800, s24;
	[tilespmem:s25+$0x10000] =	vst v15;
	v14 =	vsel vm15, v17, v14  }
0x263: {  	s23 =	simm.s32 $0x0  }
.LBB2_22:
0x264: {  	v15 =	vperm.xlane v14, v1;
	_ =	sdelay $0x1  }
0x265: {  	v15 =	vmax.f32 v14, v15  }
0x266: {  	v16 =	vperm.xlane v15, v2;
	_ =	sdelay $0x1  }
0x267: {  	v15 =	vmax.f32 v15, v16  }
0x268: {  	v16 =	vperm.xlane v15, v3;
	_ =	sdelay $0x1  }
0x269: {  	v15 =	vmax.f32 v15, v16  }
0x26a: {  	v16 =	vperm.xlane v15, v4;
	_ =	sdelay $0x1  }
0x26b: {  	v15 =	vmax.f32 v15, v16  }
0x26c: {  	vm0 =	veq.f32 v14, v15  }
0x26d: {  	v51 =	vnsel vm0, $0x40000000, v0  }
0x26e: {  	v17 =	vperm.xlane v51, v1;
	_ =	sdelay $0x1  }
0x26f: {  	vm0 =	vlt.s32 v51, v17  }
0x270: {  	v16 =	vsel vm0, v51, v17  }
0x271: {  	v17 =	vperm.xlane v16, v2;
	_ =	sdelay $0x1  }
0x272: {  	vm0 =	vlt.s32 v16, v17  }
0x273: {  	v16 =	vsel vm0, v16, v17  }
0x274: {  	v17 =	vperm.xlane v16, v3;
	_ =	sdelay $0x1  }
0x275: {  	vm0 =	vlt.s32 v16, v17  }
0x276: {  	v16 =	vsel vm0, v16, v17  }
0x277: {  	v17 =	vperm.xlane v16, v4;
	_ =	sdelay $0x1  }
0x278: {  	vm0 =	vlt.s32 v16, v17  }
0x279: {  	v16 =	vsel vm0, v16, v17  }
0x27a: {  	v17 =	vshll.u32 v16, $0x4  }
0x27b: {  	v17 =	vor.u32 v0, v17;
	_ =	sdelay $0x4  }
0x27c: {  	v18 =	vld.idx.msk [tilespmem:v17+s16+$0x0], $0xffff;
	_ =	sdelay $0x4  }
0x27d: {  	vm9 =	veq.f32 v18, v15  }
0x27e: {  	v19 =	vnsel vm9, $0x40000000, v17  }
0x27f: {  	v20 =	vperm.xlane v19, v1;
	_ =	sdelay $0x1  }
0x280: {  	vm0 =	vlt.s32 v19, v20  }
0x281: {  	v19 =	vsel vm0, v19, v20  }
0x282: {  	v20 =	vperm.xlane v19, v2;
	_ =	sdelay $0x1  }
0x283: {  	vm0 =	vlt.s32 v19, v20  }
0x284: {  	v19 =	vsel vm0, v19, v20  }
0x285: {  	v20 =	vperm.xlane v19, v3;
	_ =	sdelay $0x1  }
0x286: {  	vm0 =	vlt.s32 v19, v20  }
0x287: {  	v19 =	vsel vm0, v19, v20  }
0x288: {  	v20 =	vperm.xlane v19, v4;
	_ =	sdelay $0x1  }
0x289: {  	vm0 =	vlt.s32 v19, v20  }
0x28a: {  	v19 =	vsel vm0, v19, v20  }
0x28b: {  	v20 =	vshll.u32 v19, $0x7  }
0x28c: {  	v21 =	vor.u32 v0, v20;
	_ =	sdelay $0x1  }
0x28d: {  	v22 =	vor.u32 v5, v20  }
0x28e: {  	v23 =	vor.u32 v6, v20;
	_ =	sdelay $0x1  }
0x28f: {  	v24 =	vor.u32 v7, v20;
	v25 =	vld.idx.msk [tilespmem:v21+s1+$0x0], $0xffff;
	_ =	sdelay $0x1  }
0x290: {  	v26 =	vor.u32 v8, v20;
	v27 =	vld.idx.msk [tilespmem:v22+s1+$0x0], $0xffff  }
0x291: {  	v28 =	vld.idx.msk [tilespmem:v23+s1+$0x0], $0xffff  }
0x292: {  	v29 =	vor.u32 v9, v20;
	vm10 =	vlt.s32 v21, $0x40000000  }
0x293: {  	v31 =	vnsel vm10, $0x40000000, v21;
	v30 =	vld.idx.msk [tilespmem:v24+s1+$0x0], $0xffff;
	vm1 =	veq.f32 v25, v15  }
0x294: {  	v32 =	vor.u32 v10, v20;
	v31 =	vnsel vm1, $0x40000000, v31  }
0x295: {  	v20 =	vor.u32 v11, v20;
	v33 =	vld.idx.msk [tilespmem:v26+s1+$0x0], $0xffff;
	vm11 =	vlt.s32 v31, v22  }
0x296: {  	vm12 =	veq.f32 v27, v15;
	vm13 =	veq.f32 v28, v15;
	v34 =	vsel vm11, v31, v22  }
0x297: {  	v35 =	vld.idx.msk [tilespmem:v29+s1+$0x0], $0xffff;
	v52 =	vnsel vm13, $0x40000000, v23;
	v31 =	vsel vm12, v34, v31  }
0x298: {  	vm14 =	veq.f32 v30, v15;
	vm0 =	vlt.s32 v31, v52  }
0x299: {  	v36 =	vld.idx.msk [tilespmem:v32+s1+$0x0], $0xffff;
	v53 =	vnsel vm14, $0x40000000, v24;
	v31 =	vsel vm0, v31, v52  }
0x29a: {  	vm15 =	veq.f32 v33, v15;
	vm0 =	vlt.s32 v31, v53  }
0x29b: {  	v37 =	vld.idx.msk [tilespmem:v20+s1+$0x0], $0xffff;
	v54 =	vnsel vm15, $0x40000000, v26;
	v31 =	vsel vm0, v31, v53  }
0x29c: {  	vm4 =	veq.f32 v35, v15;
	vm0 =	vlt.s32 v31, v54  }
0x29d: {  	v55 =	vnsel vm4, $0x40000000, v29;
	v31 =	vsel vm0, v31, v54  }
0x29e: {  	vm5 =	veq.f32 v36, v15;
	vm0 =	vlt.s32 v31, v55  }
0x29f: {  	v56 =	vnsel vm5, $0x40000000, v32;
	v31 =	vsel vm0, v31, v55  }
0x2a0: {  	vm6 =	veq.f32 v37, v15;
	vm0 =	vlt.s32 v31, v56  }
0x2a1: {  	v57 =	vnsel vm6, $0x40000000, v20;
	v31 =	vsel vm0, v31, v56  }
0x2a2: {  	vm0 =	vlt.s32 v31, v57  }
0x2a3: {  	v31 =	vsel vm0, v31, v57  }
0x2a4: {  	v34 =	vperm.xlane v31, v1;
	_ =	sdelay $0x1  }
0x2a5: {  	vm0 =	vlt.s32 v31, v34  }
0x2a6: {  	v31 =	vsel vm0, v31, v34  }
0x2a7: {  	v34 =	vperm.xlane v31, v2;
	_ =	sdelay $0x1  }
0x2a8: {  	vm0 =	vlt.s32 v31, v34  }
0x2a9: {  	v31 =	vsel vm0, v31, v34  }
0x2aa: {  	v34 =	vperm.xlane v31, v3;
	_ =	sdelay $0x1  }
0x2ab: {  	vm0 =	vlt.s32 v31, v34  }
0x2ac: {  	v31 =	vsel vm0, v31, v34  }
0x2ad: {  	v34 =	vperm.xlane v31, v4;
	_ =	sdelay $0x1  }
0x2ae: {  	vm0 =	vlt.s32 v31, v34  }
0x2af: {  	v31 =	vsel vm0, v31, v34  }
0x2b0: {  	vm0 =	veq.s32 v21, v31;
	vm7 =	veq.s32 v22, v31  }
0x2b1: {  	vm8 =	veq.s32 v23, v31;
	v25 =	vsel vm0, $0xFF800000, v25;
	v27 =	vsel vm7, $0xFF800000, v27  }
0x2b2: {  	vm9 =	veq.s32 v24, v31;
	v28 =	vsel vm8, $0xFF800000, v28;
	v58 =	vmax.f32 v25, v27  }
0x2b3: {  	vm10 =	veq.s32 v26, v31;
	v30 =	vsel vm9, $0xFF800000, v30;
	v34 =	vmax.f32 v58, v28  }
0x2b4: {  	vm11 =	veq.s32 v29, v31;
	v33 =	vsel vm10, $0xFF800000, v33;
	v34 =	vmax.f32 v34, v30  }
0x2b5: {  	vm12 =	veq.s32 v32, v31;
	v35 =	vsel vm11, $0xFF800000, v35;
	v34 =	vmax.f32 v34, v33  }
0x2b6: {  	vm13 =	veq.s32 v20, v31;
	v36 =	vsel vm12, $0xFF800000, v36;
	v34 =	vmax.f32 v34, v35  }
0x2b7: {  	v37 =	vsel vm13, $0xFF800000, v37;
	v34 =	vmax.f32 v34, v36  }
0x2b8: {  	v34 =	vmax.f32 v34, v37  }
0x2b9: {  	v38 =	vperm.xlane v34, v1;
	_ =	sdelay $0x1  }
0x2ba: {  	v34 =	vmax.f32 v34, v38  }
0x2bb: {  	v38 =	vperm.xlane v34, v2;
	_ =	sdelay $0x1  }
0x2bc: {  	v34 =	vmax.f32 v34, v38  }
0x2bd: {  	v38 =	vperm.xlane v34, v3;
	_ =	sdelay $0x1  }
0x2be: {  	v34 =	vmax.f32 v34, v38  }
0x2bf: {  	v38 =	vperm.xlane v34, v4;
	_ =	sdelay $0x1  }
0x2c0: {  	vm14 =	veq.s32 v17, v19;
	v59 =	vmax.f32 v34, v38  }
0x2c1: {  	v18 =	vsel vm14, v59, v18  }
0x2c2: {  	v19 =	vperm.xlane v18, v1;
	_ =	sdelay $0x1  }
0x2c3: {  	[tilespmem:v21+s1+$0x0] =	vst.idx.msk $0xffff, v25;
	v19 =	vmax.f32 v18, v19  }
0x2c4: {  	[tilespmem:v22+s1+$0x0] =	vst.idx.msk $0xffff, v27;
	v60 =	vperm.xlane v19, v2  }
0x2c5: {  	[tilespmem:v23+s1+$0x0] =	vst.idx.msk $0xffff, v28  }
0x2c6: {  	[tilespmem:v24+s1+$0x0] =	vst.idx.msk $0xffff, v30;
	v19 =	vmax.f32 v19, v60  }
0x2c7: {  	v61 =	vmov s23;
	[tilespmem:v26+s1+$0x0] =	vst.idx.msk $0xffff, v33;
	v62 =	vperm.xlane v19, v3  }
0x2c8: {  	p0 =	sne.s32 s23, $0x3F;
	[tilespmem:v29+s1+$0x0] =	vst.idx.msk $0xffff, v35  }
.Ltmp10:
0x2c9: {  	[tilespmem:v32+s1+$0x0] =	vst.idx.msk $0xffff, v36;
	v19 =	vmax.f32 v19, v62;
	(pc) =	sbr.rel @p0 .LBB2_22-.Ltmp10, $4  }
0x2ca: {  	[tilespmem:v20+s1+$0x0] =	vst.idx.msk $0xffff, v37;
	v63 =	vperm.xlane v19, v4  }
0x2cb: {  	[tilespmem:v17+s16+$0x0] =	vst.idx.msk $0xffff, v18  }
0x2cc: {  	vm15 =	veq.s32 v16, v0;
	[tilespmem:v61+s17+$0x0] =	vst.idx.msk $0x1, v15;
	v15 =	vmax.f32 v19, v63  }
0x2cd: {  	s23 =	sadd.s32 $0x1, s23;
	[tilespmem:v61+s18+$0x0] =	vst.idx.msk $0x1, v31;
	v14 =	vsel vm15, v15, v14  }
0x2ce: {  	v14 =	vld [tilespmem:$0x10180]  }
0x2cf: {  	v15 =	vld [tilespmem:$0x10190]  }
0x2d0: {  	v16 =	vld [tilespmem:$0x101A0]  }
0x2d1: {  	v17 =	vld [tilespmem:$0x101B0];
	_ =	sdelay $0x1  }
0x2d2: {  	v18 =	vbroadcast v14, $0x0  }
0x2d3: {  	v19 =	vimm.s32 $0x0;
	v31 =	vimm.s32 $0x0  }
0x2d4: {  	v30 =	vimm.s32 $0x0;
	v14 =	vsub.s32 v14, v18;
	v15 =	vsub.s32 v15, v18  }
0x2d5: {  	v16 =	vsub.s32 v16, v18;
	v17 =	vsub.s32 v17, v18;
	v14 =	vand.u32 $0x7FFF, v14  }
0x2d6: {  	v15 =	vand.u32 $0x7FFF, v15;
	v16 =	vand.u32 $0x7FFF, v16;
	v17 =	vand.u32 $0x7FFF, v17  }
0x2d7: {  	vm1 =	vlt.s32 v17, v14;
	vm2 =	vlt.s32 v17, v15;
	vm3 =	vlt.s32 v17, v16  }
0x2d8: {  	vm4 =	vlt.s32 v16, v14;
	vm5 =	vlt.s32 v16, v15;
	vm6 =	vlt.s32 v17, v17  }
0x2d9: {  	vm7 =	vlt.s32 v15, v14;
	vm8 =	vlt.s32 v16, v16;
	vm9 =	vlt.s32 v16, v17  }
0x2da: {  	vm10 =	vlt.s32 v15, v15;
	vm11 =	vlt.s32 v15, v16;
	vm12 =	vlt.s32 v15, v17  }
0x2db: {  	vm13 =	vlt.s32 v14, v14;
	vm14 =	vlt.s32 v14, v15;
	vm0 =	vlt.s32 v14, v16  }
0x2dc: {  	v34 =	vsel vm1, $0x1, v12;
	v23 =	vsel vm2, $0x1, v12;
	v20 =	vsel vm13, $0x1, v12  }
0x2dd: {  	vm1 =	vlt.s32 v14, v17;
	v21 =	vsel vm7, $0x1, v12;
	v26 =	vadd.s32 v20, v19  }
0x2de: {  	v18 =	vld [tilespmem:$0x10100];
	v22 =	vsel vm4, $0x1, v12;
	v24 =	vsel vm3, $0x1, v12;
	v26 =	vadd.s32 v21, v26  }
0x2df: {  	v25 =	vsel vm6, $0x1, v12;
	v32 =	vsel vm5, $0x1, v12;
	v33 =	vsel vm8, $0x1, v12;
	v20 =	vld [tilespmem:$0x10110]  }
0x2e0: {  	v27 =	vmovc v17;
	v28 =	vmovc v15;
	v35 =	vsel vm9, $0x1, v12;
	v36 =	vsel vm10, $0x1, v12;
	v37 =	vsel vm11, $0x1, v12;
	v21 =	vld [tilespmem:$0x10120]  }
0x2e1: {  	s23 =	simm.s32 $0xF;
	v29 =	vmovc v16;
	v39 =	vsel vm14, $0x1, v12;
	v38 =	vsel vm12, $0x1, v12;
	v40 =	vadd.s32 v22, v26;
	v22 =	vld [tilespmem:$0x10130];
	v26 =	vmovc v14  }
.LBB2_24:
0x2e2: {  	p0 =	sne.s32 s23, $0x1;
	v40 =	vadd.s32 v34, v40;
	v34 =	vsel vm0, $0x1, v12;
	v41 =	vsel vm1, $0x1, v12  }
0x2e3: {  	v19 =	vadd.s32 v39, v19;
	v31 =	vadd.s32 v34, v31;
	v30 =	vadd.s32 v41, v30  }
0x2e4: {  	v19 =	vadd.s32 v36, v19;
	v31 =	vadd.s32 v37, v31;
	v30 =	vadd.s32 v38, v30  }
0x2e5: {  	v19 =	vadd.s32 v32, v19;
	v31 =	vadd.s32 v33, v31;
	v30 =	vadd.s32 v35, v30  }
0x2e6: {  	v19 =	vadd.s32 v23, v19;
	v31 =	vadd.s32 v24, v31;
	v30 =	vadd.s32 v25, v30  }
0x2e7: {  	v26 =	vperm.xlane v26, v13;
	v27 =	vperm.xlane v27, v13  }
0x2e8: {  	v28 =	vperm.xlane v28, v13;
	v29 =	vperm.xlane v29, v13  }
0x2e9: {  	vm1 =	vlt.s32 v27, v14;
	vm2 =	vlt.s32 v27, v15;
	vm3 =	vlt.s32 v27, v16  }
0x2ea: {  	vm4 =	vlt.s32 v29, v14;
	vm5 =	vlt.s32 v29, v15;
	vm6 =	vlt.s32 v27, v17  }
0x2eb: {  	vm7 =	vlt.s32 v28, v14;
	vm8 =	vlt.s32 v29, v16;
	vm9 =	vlt.s32 v29, v17  }
0x2ec: {  	vm10 =	vlt.s32 v28, v15;
	vm11 =	vlt.s32 v28, v16;
	vm12 =	vlt.s32 v28, v17  }
0x2ed: {  	vm13 =	vlt.s32 v26, v14;
	vm14 =	vlt.s32 v26, v15;
	vm0 =	vlt.s32 v26, v16  }
0x2ee: {  	v34 =	vsel vm1, $0x1, v12;
	v23 =	vsel vm2, $0x1, v12;
	vm1 =	vlt.s32 v26, v17  }
.Ltmp11:
0x2ef: {  	v38 =	vsel vm4, $0x1, v12;
	v24 =	vsel vm3, $0x1, v12;
	v25 =	vsel vm6, $0x1, v12;
	(pc) =	sbr.rel @p0 .LBB2_24-.Ltmp11, $4  }
0x2f0: {  	v35 =	vsel vm13, $0x1, v12;
	v32 =	vsel vm5, $0x1, v12;
	v33 =	vsel vm8, $0x1, v12  }
0x2f1: {  	v36 =	vsel vm7, $0x1, v12;
	v37 =	vadd.s32 v35, v40;
	v35 =	vsel vm9, $0x1, v12  }
0x2f2: {  	v39 =	vadd.s32 v36, v37;
	v36 =	vsel vm10, $0x1, v12;
	v37 =	vsel vm11, $0x1, v12  }
0x2f3: {  	s23 =	sadd.s32 $0xFFFFFFFF, s23;
	v40 =	vadd.s32 v38, v39;
	v39 =	vsel vm14, $0x1, v12;
	v38 =	vsel vm12, $0x1, v12  }
0x2f4: {  	v14 =	vadd.s32 v34, v40;
	v15 =	vsel vm0, $0x1, v12;
	v16 =	vadd.s32 v39, v19  }
0x2f5: {  	v17 =	vsel vm1, $0x1, v12;
	v15 =	vadd.s32 v15, v31;
	v16 =	vadd.s32 v36, v16  }
0x2f6: {  	v17 =	vadd.s32 v17, v30;
	v15 =	vadd.s32 v37, v15;
	v16 =	vadd.s32 v32, v16  }
0x2f7: {  	v17 =	vadd.s32 v38, v17;
	v15 =	vadd.s32 v33, v15;
	v16 =	vadd.s32 v23, v16  }
0x2f8: {  	v17 =	vadd.s32 v35, v17;
	v15 =	vadd.s32 v24, v15  }
0x2f9: {  	v17 =	vadd.s32 v25, v17;
	_ =	sdelay $0x1  }
0x2fa: {  	[tilespmem:v14+s19+$0x0] =	vst.idx.msk $0xffff, v18  }
0x2fb: {  	[tilespmem:v16+s19+$0x0] =	vst.idx.msk $0xffff, v20  }
0x2fc: {  	[tilespmem:v15+s19+$0x0] =	vst.idx.msk $0xffff, v21  }
0x2fd: {  	s23 =	simm.s32 $0x0;
	[tilespmem:v17+s19+$0x0] =	vst.idx.msk $0xffff, v22  }
0x2fe: {  	[hbm4b:s9+s23] =	stream.linear.scatter [tilespmem:s19], [sflag:$0x3], $0x80, $0x38;
	[tilespmem:$0x10280] =	vst v63  }
0x2ff: {  	_ =	swait.ge [sflag:s20], $0x80  }
0x300: {  	[sflag:s20] =	ssyncset.done $0x0  }
0x301: {  	[sflag:s20] =	ssyncadd.s32 $0xFFFFFF80  }
0x302: {  	_ =	swait.ge [sflag:s21], $0x8000  }
0x303: {  	[sflag:s21] =	ssyncset.done $0x0  }
0x304: {  	s24 =	simm.s32 $0x8100;
	v14 =	vimm.f32 $-Inf;
	[sflag:s21] =	ssyncadd.s32 $0xFFFF8000  }
.LBB2_26:
0x305: {  	v16 =	vld [tilespmem:s24+$0x70]  }
0x306: {  	v20 =	vld [tilespmem:s24+$0xFFFFFFF0]  }
0x307: {  	v15 =	vld [tilespmem:s24+$0x60]  }
0x308: {  	v17 =	vld [tilespmem:s24+$0xFFFFFF70]  }
0x309: {  	v19 =	vld [tilespmem:s24+$0xFFFFFFE0]  }
0x30a: {  	v22 =	vld [tilespmem:s24+$0xC0]  }
0x30b: {  	v21 =	vld [tilespmem:s24+$0xFFFFFF60]  }
0x30c: {  	v23 =	vld [tilespmem:s24+$0xFFFFFFD0]  }
0x30d: {  	v25 =	vld [tilespmem:s24+$0xB0]  }
0x30e: {  	v24 =	vld [tilespmem:s24+$0xFFFFFF50]  }
0x30f: {  	v26 =	vld [tilespmem:s24+$0x30]  }
0x310: {  	v28 =	vld [tilespmem:s24+$0xA0]  }
0x311: {  	v27 =	vld [tilespmem:s24+$0xFFFFFF40]  }
0x312: {  	v29 =	vld [tilespmem:s24+$0x20]  }
0x313: {  	v31 =	vld [tilespmem:s24+$0x80]  }
0x314: {  	v33 =	vld [tilespmem:s24+$0x90]  }
0x315: {  	v30 =	vld [tilespmem:s24+$0xFFFFFF30]  }
0x316: {  	v32 =	vld [tilespmem:s24+$0x0]  }
0x317: {  	v34 =	vld [tilespmem:s24+$0x10]  }
0x318: {  	v35 =	vld [tilespmem:s24+$0xFFFFFF80]  }
0x319: {  	v36 =	vld [tilespmem:s24+$0xFFFFFF90]  }
0x31a: {  	v37 =	vld [tilespmem:s24+$0xFFFFFF00]  }
0x31b: {  	v38 =	vld [tilespmem:s24+$0xFFFFFF10];
	s28 =	simm.s32 $0x4;
	s26 =	smov.u32 s24;
	s25 =	simm.s32 $0x0;
	v18 =	vimm.f32 $-Inf  }
.LBB2_27:
0x31c: {  	p0 =	slt.u32 s28, $0xC;
	v39 =	vld [tilespmem:s26+$0xFFFFFF20]  }
0x31d: {  	v40 =	vld [tilespmem:s26+$0xFFFFFFA0]  }
0x31e: {  	v41 =	vld [tilespmem:s26+$0xFFFFFFB0]  }
0x31f: {  	v31 =	vmax.f32 v31, v33;
	v42 =	vld [tilespmem:s26+$0xFFFFFFC0]  }
0x320: {  	v32 =	vmax.f32 v32, v34;
	v35 =	vmax.f32 v35, v36;
	v33 =	vmax.f32 v37, v38;
	v34 =	vld [tilespmem:s26+$0x40]  }
0x321: {  	v29 =	vmax.f32 v32, v29;
	v28 =	vmax.f32 v31, v28;
	v33 =	vmax.f32 v33, v39;
	v32 =	vld [tilespmem:s26+$0x50]  }
0x322: {  	v25 =	vmax.f32 v28, v25;
	v30 =	vmax.f32 v33, v30;
	v31 =	vmax.f32 v35, v40;
	v28 =	vld [tilespmem:s26+$0xD0]  }
0x323: {  	v26 =	vmax.f32 v29, v26;
	v27 =	vmax.f32 v30, v27;
	v30 =	vmax.f32 v31, v41;
	v29 =	vld [tilespmem:s26+$0xE0]  }
0x324: {  	v22 =	vmax.f32 v25, v22;
	v24 =	vmax.f32 v27, v24;
	v27 =	vmax.f32 v30, v42;
	v25 =	vld [tilespmem:s26+$0xF0];
	s26 =	sadd.s32 $0x200, s26  }
0x325: {  	v30 =	vld [tilespmem:s26+$0x70];
	v21 =	vmax.f32 v24, v21;
	v23 =	vmax.f32 v27, v23;
	v24 =	vmax.f32 v26, v34  }
0x326: {  	v26 =	vld [tilespmem:s26+$0xFFFFFFF0];
	v17 =	vmax.f32 v21, v17;
	v19 =	vmax.f32 v23, v19;
	v21 =	vmax.f32 v24, v32  }
0x327: {  	v19 =	vmax.f32 v19, v20;
	v20 =	vmax.f32 v21, v15;
	v15 =	vld [tilespmem:s26+$0x60];
	v21 =	vmax.f32 v22, v28;
	(xrf0) =	vmax.scan.msk.f32 $0xffff, v17  }
0x328: {  	v17 =	vld [tilespmem:s26+$0xFFFFFF70];
	v23 =	vmax.f32 v20, v16;
	v20 =	vmax.f32 v21, v29;
	(xrf0) =	vmax.scan.msk.f32 $0xffff, v19  }
0x329: {  	v19 =	vld [tilespmem:s26+$0xFFFFFFE0];
	v24 =	vmax.f32 v20, v25;
	(xrf0) =	vmax.scan.msk.f32 $0xffff, v23  }
0x32a: {  	v22 =	vld [tilespmem:s26+$0xC0];
	(xrf0) =	vmax.scan.msk.f32 $0xffff, v24;
	v16 =	vmov v30  }
0x32b: {  	v21 =	vld [tilespmem:s26+$0xFFFFFF60];
	v20 =	vmov v26  }
0x32c: {  	v23 =	vld [tilespmem:s26+$0xFFFFFFD0]  }
0x32d: {  	s29 =	sadd.s32 $0x2, s25;
	s30 =	sadd.s32 $0x3, s25;
	v27 =	vmov s25;
	v25 =	vld [tilespmem:s26+$0xB0];
	v26, _, _ =	vpop (xrf0)  }
0x32e: {  	s31 =	sadd.s32 $0x1, s25;
	v31 =	vmov s30;
	s25 =	smov.u32 s28;
	v30 =	vmov s29;
	v24 =	vld [tilespmem:s26+$0xFFFFFF50];
	v34 =	vbroadcast v26, $0xF;
	v28, _, _ =	vpop (xrf0)  }
0x32f: {  	vm0 =	veq.s32 v27, v0;
	v27 =	vmov s31;
	v26 =	vld [tilespmem:s26+$0x30];
	v32 =	vbroadcast v28, $0xF;
	v33, _, _ =	vpop (xrf0)  }
0x330: {  	v28 =	vld [tilespmem:s26+$0xA0];
	v18 =	vsel vm0, v34, v18;
	vm0 =	veq.s32 v27, v0;
	v33 =	vbroadcast v33, $0xF;
	v29, _, _ =	vpop (xrf0)  }
0x331: {  	v27 =	vld [tilespmem:s26+$0xFFFFFF40];
	v18 =	vsel vm0, v32, v18;
	vm0 =	veq.s32 v30, v0;
	v30 =	vbroadcast v29, $0xF  }
0x332: {  	v29 =	vld [tilespmem:s26+$0x20];
	v18 =	vsel vm0, v33, v18;
	vm0 =	veq.s32 v31, v0  }
0x333: {  	v31 =	vld [tilespmem:s26+$0x80];
	v18 =	vsel vm0, v30, v18  }
0x334: {  	v33 =	vld [tilespmem:s26+$0x90]  }
0x335: {  	v30 =	vld [tilespmem:s26+$0xFFFFFF30]  }
0x336: {  	v32 =	vld [tilespmem:s26+$0x0]  }
.Ltmp12:
0x337: {  	v34 =	vld [tilespmem:s26+$0x10];
	(pc) =	sbr.rel @p0 .LBB2_27-.Ltmp12, $4  }
0x338: {  	v35 =	vld [tilespmem:s26+$0xFFFFFF80]  }
0x339: {  	v36 =	vld [tilespmem:s26+$0xFFFFFF90]  }
0x33a: {  	v37 =	vld [tilespmem:s26+$0xFFFFFF00]  }
0x33b: {  	s28 =	sadd.s32 $0x4, s28;
	v38 =	vld [tilespmem:s26+$0xFFFFFF10]  }
0x33c: {  	v39 =	vld [tilespmem:s26+$0xFFFFFF20]  }
0x33d: {  	v40 =	vld [tilespmem:s26+$0xFFFFFFA0]  }
0x33e: {  	v41 =	vld [tilespmem:s26+$0xFFFFFFB0]  }
0x33f: {  	v42 =	vld [tilespmem:s26+$0xFFFFFFC0];
	v32 =	vmax.f32 v32, v34  }
0x340: {  	v31 =	vmax.f32 v31, v33;
	v43 =	vld [tilespmem:s26+$0x40];
	v29 =	vmax.f32 v32, v29;
	v38 =	vmax.f32 v37, v38  }
0x341: {  	v44 =	vld [tilespmem:s26+$0x50];
	v28 =	vmax.f32 v31, v28;
	v35 =	vmax.f32 v35, v36;
	v33 =	vmax.f32 v38, v39  }
0x342: {  	v46 =	vld [tilespmem:s26+$0xD0];
	v25 =	vmax.f32 v28, v25;
	v45 =	vmax.f32 v35, v40;
	v30 =	vmax.f32 v33, v30  }
0x343: {  	v48 =	vld [tilespmem:s26+$0xE0];
	v26 =	vmax.f32 v29, v26;
	v47 =	vmax.f32 v45, v41;
	v27 =	vmax.f32 v30, v27  }
0x344: {  	v50 =	vld [tilespmem:s26+$0xF0];
	v22 =	vmax.f32 v25, v22;
	v49 =	vmax.f32 v47, v42;
	v24 =	vmax.f32 v27, v24  }
0x345: {  	v51 =	vmax.f32 v26, v43;
	v23 =	vmax.f32 v49, v23;
	v21 =	vmax.f32 v24, v21  }
0x346: {  	v52 =	vmax.f32 v51, v44;
	v19 =	vmax.f32 v23, v19;
	v17 =	vmax.f32 v21, v17  }
0x347: {  	v53 =	vmax.f32 v22, v46;
	v15 =	vmax.f32 v52, v15;
	v19 =	vmax.f32 v19, v20;
	(xrf0) =	vmax.scan.msk.f32 $0xffff, v17  }
0x348: {  	v54 =	vmax.f32 v53, v48;
	v15 =	vmax.f32 v15, v16;
	(xrf0) =	vmax.scan.msk.f32 $0xffff, v19  }
0x349: {  	v16 =	vmax.f32 v54, v50;
	(xrf0) =	vmax.scan.msk.f32 $0xffff, v15  }
0x34a: {  	(xrf0) =	vmax.scan.msk.f32 $0xffff, v16;
	_ =	sdelay $0x1  }
0x34b: {  	s29 =	sadd.s32 $0x2, s25  }
0x34c: {  	s28 =	sadd.s32 $0x3, s25;
	v56 =	vmov s29;
	v55, _, _ =	vpop (xrf0)  }
0x34d: {  	s30 =	sadd.s32 $0x1, s25;
	v57 =	vmov s28;
	v15 =	vmov s25;
	v16 =	vbroadcast v55, $0xF;
	v58, _, _ =	vpop (xrf0)  }
0x34e: {  	vm0 =	veq.s32 v15, v0;
	v15 =	vmov s30;
	v20 =	vbroadcast v58, $0xF;
	v59, _, _ =	vpop (xrf0)  }
0x34f: {  	vm12 =	veq.s32 v15, v0;
	v16 =	vsel vm0, v16, v18;
	v15 =	vbroadcast v59, $0xF;
	v60, _, _ =	vpop (xrf0)  }
0x350: {  	vm13 =	veq.s32 v56, v0;
	v16 =	vsel vm12, v20, v16;
	v61 =	vbroadcast v60, $0xF  }
0x351: {  	vm14 =	veq.s32 v57, v0;
	v15 =	vsel vm13, v15, v16  }
0x352: {  	v15 =	vsel vm14, v61, v15  }
0x353: {  	(xrf0) =	vmax.scan.msk.f32 $0xffff, v15;
	_ =	sdelay $0x2  }
0x354: {  	s31 =	sshll.u32 s23, $0x4;
	v62 =	vmov s23;
	s23 =	sadd.s32 $0x1, s23  }
0x355: {  	p0 =	sne.s32 s23, $0x10  }
.Ltmp13:
0x356: {  	_ = 	snop;
	(pc) =	sbr.rel @p0 .LBB2_26-.Ltmp13, $4  }
0x357: {  	v63, _, _ =	vpop (xrf0)  }
0x358: {  	v17 =	vbroadcast v63, $0xF  }
0x359: {  	vm15 =	veq.s32 v62, v0;
	s25 =	sand.u32 $0x3FFFFFF0, s31  }
0x35a: {  	s24 =	sadd.s32 $0x800, s24;
	[tilespmem:s25+$0x10000] =	vst v15;
	v14 =	vsel vm15, v17, v14  }
0x35b: {  	s23 =	simm.s32 $0x0  }
.LBB2_30:
0x35c: {  	v15 =	vperm.xlane v14, v1;
	_ =	sdelay $0x1  }
0x35d: {  	v15 =	vmax.f32 v14, v15  }
0x35e: {  	v16 =	vperm.xlane v15, v2;
	_ =	sdelay $0x1  }
0x35f: {  	v15 =	vmax.f32 v15, v16  }
0x360: {  	v16 =	vperm.xlane v15, v3;
	_ =	sdelay $0x1  }
0x361: {  	v15 =	vmax.f32 v15, v16  }
0x362: {  	v16 =	vperm.xlane v15, v4;
	_ =	sdelay $0x1  }
0x363: {  	v15 =	vmax.f32 v15, v16  }
0x364: {  	vm0 =	veq.f32 v14, v15  }
0x365: {  	v51 =	vnsel vm0, $0x40000000, v0  }
0x366: {  	v17 =	vperm.xlane v51, v1;
	_ =	sdelay $0x1  }
0x367: {  	vm0 =	vlt.s32 v51, v17  }
0x368: {  	v16 =	vsel vm0, v51, v17  }
0x369: {  	v17 =	vperm.xlane v16, v2;
	_ =	sdelay $0x1  }
0x36a: {  	vm0 =	vlt.s32 v16, v17  }
0x36b: {  	v16 =	vsel vm0, v16, v17  }
0x36c: {  	v17 =	vperm.xlane v16, v3;
	_ =	sdelay $0x1  }
0x36d: {  	vm0 =	vlt.s32 v16, v17  }
0x36e: {  	v16 =	vsel vm0, v16, v17  }
0x36f: {  	v17 =	vperm.xlane v16, v4;
	_ =	sdelay $0x1  }
0x370: {  	vm0 =	vlt.s32 v16, v17  }
0x371: {  	v16 =	vsel vm0, v16, v17  }
0x372: {  	v17 =	vshll.u32 v16, $0x4  }
0x373: {  	v17 =	vor.u32 v0, v17;
	_ =	sdelay $0x4  }
0x374: {  	v18 =	vld.idx.msk [tilespmem:v17+s16+$0x0], $0xffff;
	_ =	sdelay $0x4  }
0x375: {  	vm9 =	veq.f32 v18, v15  }
0x376: {  	v19 =	vnsel vm9, $0x40000000, v17  }
0x377: {  	v20 =	vperm.xlane v19, v1;
	_ =	sdelay $0x1  }
0x378: {  	vm0 =	vlt.s32 v19, v20  }
0x379: {  	v19 =	vsel vm0, v19, v20  }
0x37a: {  	v20 =	vperm.xlane v19, v2;
	_ =	sdelay $0x1  }
0x37b: {  	vm0 =	vlt.s32 v19, v20  }
0x37c: {  	v19 =	vsel vm0, v19, v20  }
0x37d: {  	v20 =	vperm.xlane v19, v3;
	_ =	sdelay $0x1  }
0x37e: {  	vm0 =	vlt.s32 v19, v20  }
0x37f: {  	v19 =	vsel vm0, v19, v20  }
0x380: {  	v20 =	vperm.xlane v19, v4;
	_ =	sdelay $0x1  }
0x381: {  	vm0 =	vlt.s32 v19, v20  }
0x382: {  	v19 =	vsel vm0, v19, v20  }
0x383: {  	v20 =	vshll.u32 v19, $0x7  }
0x384: {  	v21 =	vor.u32 v0, v20;
	_ =	sdelay $0x1  }
0x385: {  	v22 =	vor.u32 v5, v20  }
0x386: {  	v23 =	vor.u32 v6, v20;
	_ =	sdelay $0x1  }
0x387: {  	v24 =	vor.u32 v7, v20;
	v25 =	vld.idx.msk [tilespmem:v21+s14+$0x0], $0xffff;
	_ =	sdelay $0x1  }
0x388: {  	v26 =	vor.u32 v8, v20;
	v27 =	vld.idx.msk [tilespmem:v22+s14+$0x0], $0xffff  }
0x389: {  	v28 =	vld.idx.msk [tilespmem:v23+s14+$0x0], $0xffff  }
0x38a: {  	v29 =	vor.u32 v9, v20;
	vm10 =	vlt.s32 v21, $0x40000000  }
0x38b: {  	v31 =	vnsel vm10, $0x40000000, v21;
	v30 =	vld.idx.msk [tilespmem:v24+s14+$0x0], $0xffff;
	vm1 =	veq.f32 v25, v15  }
0x38c: {  	v32 =	vor.u32 v10, v20;
	v31 =	vnsel vm1, $0x40000000, v31  }
0x38d: {  	v20 =	vor.u32 v11, v20;
	v33 =	vld.idx.msk [tilespmem:v26+s14+$0x0], $0xffff;
	vm11 =	vlt.s32 v31, v22  }
0x38e: {  	vm12 =	veq.f32 v27, v15;
	vm13 =	veq.f32 v28, v15;
	v34 =	vsel vm11, v31, v22  }
0x38f: {  	v35 =	vld.idx.msk [tilespmem:v29+s14+$0x0], $0xffff;
	v52 =	vnsel vm13, $0x40000000, v23;
	v31 =	vsel vm12, v34, v31  }
0x390: {  	vm14 =	veq.f32 v30, v15;
	vm0 =	vlt.s32 v31, v52  }
0x391: {  	v36 =	vld.idx.msk [tilespmem:v32+s14+$0x0], $0xffff;
	v53 =	vnsel vm14, $0x40000000, v24;
	v31 =	vsel vm0, v31, v52  }
0x392: {  	vm15 =	veq.f32 v33, v15;
	vm0 =	vlt.s32 v31, v53  }
0x393: {  	v37 =	vld.idx.msk [tilespmem:v20+s14+$0x0], $0xffff;
	v54 =	vnsel vm15, $0x40000000, v26;
	v31 =	vsel vm0, v31, v53  }
0x394: {  	vm4 =	veq.f32 v35, v15;
	vm0 =	vlt.s32 v31, v54  }
0x395: {  	v55 =	vnsel vm4, $0x40000000, v29;
	v31 =	vsel vm0, v31, v54  }
0x396: {  	vm5 =	veq.f32 v36, v15;
	vm0 =	vlt.s32 v31, v55  }
0x397: {  	v56 =	vnsel vm5, $0x40000000, v32;
	v31 =	vsel vm0, v31, v55  }
0x398: {  	vm6 =	veq.f32 v37, v15;
	vm0 =	vlt.s32 v31, v56  }
0x399: {  	v57 =	vnsel vm6, $0x40000000, v20;
	v31 =	vsel vm0, v31, v56  }
0x39a: {  	vm0 =	vlt.s32 v31, v57  }
0x39b: {  	v31 =	vsel vm0, v31, v57  }
0x39c: {  	v34 =	vperm.xlane v31, v1;
	_ =	sdelay $0x1  }
0x39d: {  	vm0 =	vlt.s32 v31, v34  }
0x39e: {  	v31 =	vsel vm0, v31, v34  }
0x39f: {  	v34 =	vperm.xlane v31, v2;
	_ =	sdelay $0x1  }
0x3a0: {  	vm0 =	vlt.s32 v31, v34  }
0x3a1: {  	v31 =	vsel vm0, v31, v34  }
0x3a2: {  	v34 =	vperm.xlane v31, v3;
	_ =	sdelay $0x1  }
0x3a3: {  	vm0 =	vlt.s32 v31, v34  }
0x3a4: {  	v31 =	vsel vm0, v31, v34  }
0x3a5: {  	v34 =	vperm.xlane v31, v4;
	_ =	sdelay $0x1  }
0x3a6: {  	vm0 =	vlt.s32 v31, v34  }
0x3a7: {  	v31 =	vsel vm0, v31, v34  }
0x3a8: {  	vm0 =	veq.s32 v21, v31;
	vm7 =	veq.s32 v22, v31  }
0x3a9: {  	vm8 =	veq.s32 v23, v31;
	v25 =	vsel vm0, $0xFF800000, v25;
	v27 =	vsel vm7, $0xFF800000, v27  }
0x3aa: {  	vm9 =	veq.s32 v24, v31;
	v28 =	vsel vm8, $0xFF800000, v28;
	v58 =	vmax.f32 v25, v27  }
0x3ab: {  	vm10 =	veq.s32 v26, v31;
	v30 =	vsel vm9, $0xFF800000, v30;
	v34 =	vmax.f32 v58, v28  }
0x3ac: {  	vm11 =	veq.s32 v29, v31;
	v33 =	vsel vm10, $0xFF800000, v33;
	v34 =	vmax.f32 v34, v30  }
0x3ad: {  	vm12 =	veq.s32 v32, v31;
	v35 =	vsel vm11, $0xFF800000, v35;
	v34 =	vmax.f32 v34, v33  }
0x3ae: {  	vm13 =	veq.s32 v20, v31;
	v36 =	vsel vm12, $0xFF800000, v36;
	v34 =	vmax.f32 v34, v35  }
0x3af: {  	v37 =	vsel vm13, $0xFF800000, v37;
	v34 =	vmax.f32 v34, v36  }
0x3b0: {  	v34 =	vmax.f32 v34, v37  }
0x3b1: {  	v38 =	vperm.xlane v34, v1;
	_ =	sdelay $0x1  }
0x3b2: {  	v34 =	vmax.f32 v34, v38  }
0x3b3: {  	v38 =	vperm.xlane v34, v2;
	_ =	sdelay $0x1  }
0x3b4: {  	v34 =	vmax.f32 v34, v38  }
0x3b5: {  	v38 =	vperm.xlane v34, v3;
	_ =	sdelay $0x1  }
0x3b6: {  	v34 =	vmax.f32 v34, v38  }
0x3b7: {  	v38 =	vperm.xlane v34, v4;
	_ =	sdelay $0x1  }
0x3b8: {  	vm14 =	veq.s32 v17, v19;
	v59 =	vmax.f32 v34, v38  }
0x3b9: {  	v18 =	vsel vm14, v59, v18  }
0x3ba: {  	v19 =	vperm.xlane v18, v1;
	_ =	sdelay $0x1  }
0x3bb: {  	[tilespmem:v21+s14+$0x0] =	vst.idx.msk $0xffff, v25;
	v19 =	vmax.f32 v18, v19  }
0x3bc: {  	[tilespmem:v22+s14+$0x0] =	vst.idx.msk $0xffff, v27;
	v60 =	vperm.xlane v19, v2  }
0x3bd: {  	[tilespmem:v23+s14+$0x0] =	vst.idx.msk $0xffff, v28  }
0x3be: {  	[tilespmem:v24+s14+$0x0] =	vst.idx.msk $0xffff, v30;
	v19 =	vmax.f32 v19, v60  }
0x3bf: {  	v61 =	vmov s23;
	[tilespmem:v26+s14+$0x0] =	vst.idx.msk $0xffff, v33;
	v62 =	vperm.xlane v19, v3  }
0x3c0: {  	p0 =	sne.s32 s23, $0x3F;
	[tilespmem:v29+s14+$0x0] =	vst.idx.msk $0xffff, v35  }
.Ltmp14:
0x3c1: {  	[tilespmem:v32+s14+$0x0] =	vst.idx.msk $0xffff, v36;
	v19 =	vmax.f32 v19, v62;
	(pc) =	sbr.rel @p0 .LBB2_30-.Ltmp14, $4  }
0x3c2: {  	[tilespmem:v20+s14+$0x0] =	vst.idx.msk $0xffff, v37;
	v63 =	vperm.xlane v19, v4  }
0x3c3: {  	[tilespmem:v17+s16+$0x0] =	vst.idx.msk $0xffff, v18  }
0x3c4: {  	vm15 =	veq.s32 v16, v0;
	[tilespmem:v61+s17+$0x0] =	vst.idx.msk $0x1, v15;
	v15 =	vmax.f32 v19, v63  }
0x3c5: {  	s23 =	sadd.s32 $0x1, s23;
	[tilespmem:v61+s18+$0x0] =	vst.idx.msk $0x1, v31;
	v14 =	vsel vm15, v15, v14  }
0x3c6: {  	v14 =	vld [tilespmem:$0x10180]  }
0x3c7: {  	v15 =	vld [tilespmem:$0x10190]  }
0x3c8: {  	v16 =	vld [tilespmem:$0x101A0]  }
0x3c9: {  	v17 =	vld [tilespmem:$0x101B0];
	_ =	sdelay $0x1  }
0x3ca: {  	v18 =	vbroadcast v14, $0x0  }
0x3cb: {  	v19 =	vimm.s32 $0x0;
	v31 =	vimm.s32 $0x0  }
0x3cc: {  	v30 =	vimm.s32 $0x0;
	v14 =	vsub.s32 v14, v18;
	v15 =	vsub.s32 v15, v18  }
0x3cd: {  	v16 =	vsub.s32 v16, v18;
	v17 =	vsub.s32 v17, v18;
	v14 =	vand.u32 $0x7FFF, v14  }
0x3ce: {  	v15 =	vand.u32 $0x7FFF, v15;
	v16 =	vand.u32 $0x7FFF, v16;
	v17 =	vand.u32 $0x7FFF, v17  }
0x3cf: {  	vm1 =	vlt.s32 v17, v14;
	vm2 =	vlt.s32 v17, v15;
	vm3 =	vlt.s32 v17, v16  }
0x3d0: {  	vm4 =	vlt.s32 v16, v14;
	vm5 =	vlt.s32 v16, v15;
	vm6 =	vlt.s32 v17, v17  }
0x3d1: {  	vm7 =	vlt.s32 v15, v14;
	vm8 =	vlt.s32 v16, v16;
	vm9 =	vlt.s32 v16, v17  }
0x3d2: {  	vm10 =	vlt.s32 v15, v15;
	vm11 =	vlt.s32 v15, v16;
	vm12 =	vlt.s32 v15, v17  }
0x3d3: {  	vm13 =	vlt.s32 v14, v14;
	vm14 =	vlt.s32 v14, v15;
	vm0 =	vlt.s32 v14, v16  }
0x3d4: {  	v34 =	vsel vm1, $0x1, v12;
	v23 =	vsel vm2, $0x1, v12;
	v20 =	vsel vm13, $0x1, v12  }
0x3d5: {  	vm1 =	vlt.s32 v14, v17;
	v21 =	vsel vm7, $0x1, v12;
	v26 =	vadd.s32 v20, v19  }
0x3d6: {  	v18 =	vld [tilespmem:$0x10100];
	v22 =	vsel vm4, $0x1, v12;
	v24 =	vsel vm3, $0x1, v12;
	v26 =	vadd.s32 v21, v26  }
0x3d7: {  	v25 =	vsel vm6, $0x1, v12;
	v32 =	vsel vm5, $0x1, v12;
	v33 =	vsel vm8, $0x1, v12;
	v20 =	vld [tilespmem:$0x10110]  }
0x3d8: {  	v27 =	vmovc v17;
	v28 =	vmovc v15;
	v35 =	vsel vm9, $0x1, v12;
	v36 =	vsel vm10, $0x1, v12;
	v37 =	vsel vm11, $0x1, v12;
	v21 =	vld [tilespmem:$0x10120]  }
0x3d9: {  	s23 =	simm.s32 $0xF;
	v29 =	vmovc v16;
	v39 =	vsel vm14, $0x1, v12;
	v38 =	vsel vm12, $0x1, v12;
	v40 =	vadd.s32 v22, v26;
	v22 =	vld [tilespmem:$0x10130];
	v26 =	vmovc v14  }
.LBB2_32:
0x3da: {  	p0 =	sne.s32 s23, $0x1;
	v40 =	vadd.s32 v34, v40;
	v34 =	vsel vm0, $0x1, v12;
	v41 =	vsel vm1, $0x1, v12  }
0x3db: {  	v19 =	vadd.s32 v39, v19;
	v31 =	vadd.s32 v34, v31;
	v30 =	vadd.s32 v41, v30  }
0x3dc: {  	v19 =	vadd.s32 v36, v19;
	v31 =	vadd.s32 v37, v31;
	v30 =	vadd.s32 v38, v30  }
0x3dd: {  	v19 =	vadd.s32 v32, v19;
	v31 =	vadd.s32 v33, v31;
	v30 =	vadd.s32 v35, v30  }
0x3de: {  	v19 =	vadd.s32 v23, v19;
	v31 =	vadd.s32 v24, v31;
	v30 =	vadd.s32 v25, v30  }
0x3df: {  	v26 =	vperm.xlane v26, v13;
	v27 =	vperm.xlane v27, v13  }
0x3e0: {  	v28 =	vperm.xlane v28, v13;
	v29 =	vperm.xlane v29, v13  }
0x3e1: {  	vm1 =	vlt.s32 v27, v14;
	vm2 =	vlt.s32 v27, v15;
	vm3 =	vlt.s32 v27, v16  }
0x3e2: {  	vm4 =	vlt.s32 v29, v14;
	vm5 =	vlt.s32 v29, v15;
	vm6 =	vlt.s32 v27, v17  }
0x3e3: {  	vm7 =	vlt.s32 v28, v14;
	vm8 =	vlt.s32 v29, v16;
	vm9 =	vlt.s32 v29, v17  }
0x3e4: {  	vm10 =	vlt.s32 v28, v15;
	vm11 =	vlt.s32 v28, v16;
	vm12 =	vlt.s32 v28, v17  }
0x3e5: {  	vm13 =	vlt.s32 v26, v14;
	vm14 =	vlt.s32 v26, v15;
	vm0 =	vlt.s32 v26, v16  }
0x3e6: {  	v34 =	vsel vm1, $0x1, v12;
	v23 =	vsel vm2, $0x1, v12;
	vm1 =	vlt.s32 v26, v17  }
.Ltmp15:
0x3e7: {  	v38 =	vsel vm4, $0x1, v12;
	v24 =	vsel vm3, $0x1, v12;
	v25 =	vsel vm6, $0x1, v12;
	(pc) =	sbr.rel @p0 .LBB2_32-.Ltmp15, $4  }
0x3e8: {  	v35 =	vsel vm13, $0x1, v12;
	v32 =	vsel vm5, $0x1, v12;
	v33 =	vsel vm8, $0x1, v12  }
0x3e9: {  	v36 =	vsel vm7, $0x1, v12;
	v37 =	vadd.s32 v35, v40;
	v35 =	vsel vm9, $0x1, v12  }
0x3ea: {  	v39 =	vadd.s32 v36, v37;
	v36 =	vsel vm10, $0x1, v12;
	v37 =	vsel vm11, $0x1, v12  }
0x3eb: {  	s23 =	sadd.s32 $0xFFFFFFFF, s23;
	v40 =	vadd.s32 v38, v39;
	v39 =	vsel vm14, $0x1, v12;
	v38 =	vsel vm12, $0x1, v12  }
0x3ec: {  	v14 =	vadd.s32 v34, v40;
	v15 =	vsel vm0, $0x1, v12;
	v16 =	vadd.s32 v39, v19  }
0x3ed: {  	v17 =	vsel vm1, $0x1, v12;
	v15 =	vadd.s32 v15, v31;
	v16 =	vadd.s32 v36, v16  }
0x3ee: {  	v17 =	vadd.s32 v17, v30;
	v15 =	vadd.s32 v37, v15;
	v16 =	vadd.s32 v32, v16  }
0x3ef: {  	v17 =	vadd.s32 v38, v17;
	v15 =	vadd.s32 v33, v15;
	v16 =	vadd.s32 v23, v16  }
0x3f0: {  	v17 =	vadd.s32 v35, v17;
	v15 =	vadd.s32 v24, v15  }
0x3f1: {  	v17 =	vadd.s32 v25, v17;
	_ =	sdelay $0x1  }
0x3f2: {  	[tilespmem:v14+s19+$0x0] =	vst.idx.msk $0xffff, v18  }
0x3f3: {  	s22 =	sadd.s32 $0x1, s22;
	[tilespmem:v16+s19+$0x0] =	vst.idx.msk $0xffff, v20  }
0x3f4: {  	p0 =	sne.s32 s22, s11;
	[tilespmem:v15+s19+$0x0] =	vst.idx.msk $0xffff, v21  }
.Ltmp16:
0x3f5: {  	[tilespmem:v17+s19+$0x0] =	vst.idx.msk $0xffff, v22;
	(pc) =	sbr.rel @p0 .LBB2_1-.Ltmp16, $4  }
0x3f6: {  	[hbm4b:s10+s1] =	stream.linear.scatter [tilespmem:s19], [sflag:$0x3], $0x80, $0x38;
	[tilespmem:$0x10280] =	vst v63  }
0x3f7: {  	_ =	swait.ge [sflag:s20], $0x80  }
0x3f8: {  	[sflag:s20] =	ssyncset.done $0x0  }
0x3f9: {  	[sflag:s20] =	ssyncadd.s32 $0xFFFFFF80  }
0x3fa: {  	_ =	sfence.sel $0x180000  }
0x3fb: {  	[bflag:$0x0] =	sbarrier.arrive $0xFFFF  }
0x3fc: {  	p0 =	sne.s32 s2, $0x0;
	_ =	strace $0x90000047  }
0x3fd: {  	s0 =	sadd.s32 @!p0 $0x100000, s0;
	[bflag:$0x2] =	sbarrier.arrive $0xFFFF  }
0x3fe: {  	[sflag:s0] =	ssyncadd.tile.s32 @!p0 $0x1;
	_ =	shalt  }
.Lfunc_end2:
_tile_overlayer_lowered:
.L_overlay_start_2:
0x3ff: {  	(tag) =	ssettag $0x2  }
0x400: {  	s0 =	rddreg [dreg:$0x0];
	s2 =	stileid.u32  }
0x401: {  	s1 =	rddreg [dreg:$0x1];
	p0 =	sne.s32 s2, $0x0  }
0x402: {  	s3 =	rddreg [dreg:$0x2];
	[bflag:$0x3] =	sbarrier.arrive $0xFFFF;
	s2 =	simm.s32 @!p0 $0x1C03  }
0x403: {  	[timem:s3], [sflag:s2] =	dma.local @!p0 [hbm:s0], s1  }
0x404: {  	s0 =	simm.s32 @!p0 $0x3  }
0x405: {  	_ =	swait.ge @!p0 [sflag:s0], s1  }
0x406: {  	s1 =	ssub.s32 @!p0 $0x0, s1;
	[sflag:s0] =	ssyncset.done @!p0 $0x0  }
0x407: {  	[sflag:s0] =	ssyncadd.s32 @!p0 s1  }
0x408: {  	[bflag:$0x3] =	sbarrier.arrive $0xFFFF  }
0x409: {  	_ =	shalt  }

</sc_bundles>
